<compile_context>
chip_gen: v7x
topology: tpu7x:2x2x1
jax: 0.10.2.dev20260603
libtpu: 0.0.44.dev20260713+nightly
codegen_flags: <defaults>
</compile_context>

<pallas_src>
import functools

import jax
import jax.numpy as jnp
from jax import lax
from jax.experimental import pallas as pl
from jax.experimental.pallas import tpu as pltpu
from jax.experimental.pallas import tpu_sc as plsc

N = 10000
NP = 10240
E = 160000
D = 300
DP = 320
NCH = 4
HC = DP // NCH
NT = 16
EPT = E // NT
K = 128
NB = 80
EPAD = NB * K - EPT
NSLOT = 4
RPT = NP // NT
BM = 640
BMF = 400


def _mm_first_body(x_ref, w_ref, o_ref):
    y = jnp.dot(x_ref[...], w_ref[...], preferred_element_type=jnp.float32)
    o_ref[0] = y[:, :HC]
    o_ref[1] = y[:, HC:]


def _mm_midA_body(a_ref, b_ref, w_ref, o_ref):
    h = jnp.concatenate(
        [jnp.maximum(a_ref[0] + b_ref[0, 0:HC], 0.0),
         jnp.maximum(a_ref[1] + b_ref[0, 2 * HC:3 * HC], 0.0)], axis=-1)
    o_ref[...] = jnp.dot(h, w_ref[...], preferred_element_type=jnp.float32)


def _mm_midB_body(a_ref, p_ref, b_ref, w_ref, oA_ref, oB_ref):
    h = jnp.concatenate(
        [jnp.maximum(a_ref[0] + b_ref[0, HC:2 * HC], 0.0),
         jnp.maximum(a_ref[1] + b_ref[0, 3 * HC:], 0.0)], axis=-1)
    y = p_ref[...] + jnp.dot(h, w_ref[...],
                             preferred_element_type=jnp.float32)
    oA_ref[0] = y[:, 0:HC]
    oA_ref[1] = y[:, 2 * HC:3 * HC]
    oB_ref[0] = y[:, HC:2 * HC]
    oB_ref[1] = y[:, 3 * HC:]


def _final_body(aA_ref, aB_ref, b_ref, o_ref):
    h = jnp.concatenate(
        [aA_ref[0], aB_ref[0], aA_ref[1], aB_ref[1]], axis=-1)
    o_ref[...] = jnp.maximum(h + b_ref[...], 0.0)[:, :D]


def _mm_first(x, w):
    return pl.pallas_call(
        _mm_first_body,
        grid=(N // BMF,),
        in_specs=[
            pl.BlockSpec((BMF, D), lambda i: (i, 0)),
            pl.BlockSpec((D, 2 * HC), lambda i: (0, 0)),
        ],
        out_specs=pl.BlockSpec((2, BMF, HC), lambda i: (0, i, 0)),
        out_shape=jax.ShapeDtypeStruct((2, NP, HC), jnp.float32),
    )(x, w)


def _mm_midA(a, b, w):
    return pl.pallas_call(
        _mm_midA_body,
        grid=(NP // BM,),
        in_specs=[
            pl.BlockSpec((2, BM, HC), lambda i: (0, i, 0)),
            pl.BlockSpec((1, DP), lambda i: (0, 0)),
            pl.BlockSpec((2 * HC, DP), lambda i: (0, 0)),
        ],
        out_specs=pl.BlockSpec((BM, DP), lambda i: (i, 0)),
        out_shape=jax.ShapeDtypeStruct((NP, DP), jnp.float32),
    )(a, b, w)


def _mm_midB(a, p, b, w):
    return pl.pallas_call(
        _mm_midB_body,
        grid=(NP // BM,),
        in_specs=[
            pl.BlockSpec((2, BM, HC), lambda i: (0, i, 0)),
            pl.BlockSpec((BM, DP), lambda i: (i, 0)),
            pl.BlockSpec((1, DP), lambda i: (0, 0)),
            pl.BlockSpec((2 * HC, DP), lambda i: (0, 0)),
        ],
        out_specs=[
            pl.BlockSpec((2, BM, HC), lambda i: (0, i, 0)),
            pl.BlockSpec((2, BM, HC), lambda i: (0, i, 0)),
        ],
        out_shape=[
            jax.ShapeDtypeStruct((2, NP, HC), jnp.float32),
            jax.ShapeDtypeStruct((2, NP, HC), jnp.float32),
        ],
    )(a, p, b, w)


def _final(aA, aB, b):
    return pl.pallas_call(
        _final_body,
        grid=(N // BMF,),
        in_specs=[
            pl.BlockSpec((2, BMF, HC), lambda i: (0, i, 0)),
            pl.BlockSpec((2, BMF, HC), lambda i: (0, i, 0)),
            pl.BlockSpec((1, DP), lambda i: (0, 0)),
        ],
        out_specs=pl.BlockSpec((BMF, D), lambda i: (i, 0)),
        out_shape=jax.ShapeDtypeStruct((N, D), jnp.float32),
    )(aA, aB, b)


def _agg_body(table_hbm, src_hbm, dst_hbm, out_hbm,
              src_v, dst_v, stage_v, acc_sh, *sems):
    gsem = sems[:NSLOT]
    ssem = sems[NSLOT:]
    c = lax.axis_index("c")
    t = lax.axis_index("s")
    tbl = table_hbm.at[c]

    pltpu.sync_copy(src_hbm.at[t], src_v)
    pltpu.sync_copy(dst_hbm.at[t], dst_v)

    nck = RPT // K
    for chunk in range(min(NSLOT, nck)):
        off = t * RPT + chunk * K
        pltpu.async_copy(tbl.at[pl.ds(off, K)], stage_v.at[chunk],
                         gsem[chunk])
    for chunk in range(nck):
        s = chunk % NSLOT
        off = t * RPT + chunk * K
        pltpu.make_async_copy(tbl.at[pl.ds(off, K)], stage_v.at[s],
                              gsem[s]).wait()
        pltpu.async_copy(stage_v.at[s], acc_sh.at[pl.ds(off, K)], ssem[s])
        nxt = chunk + NSLOT
        if nxt < nck:
            noff = t * RPT + nxt * K
            pltpu.make_async_copy(stage_v.at[s], acc_sh.at[pl.ds(off, K)],
                                  ssem[s]).wait()
            pltpu.async_copy(tbl.at[pl.ds(noff, K)], stage_v.at[s],
                             gsem[s])
    for chunk in range(max(0, nck - NSLOT), nck):
        s = chunk % NSLOT
        off = t * RPT + chunk * K
        pltpu.make_async_copy(stage_v.at[s], acc_sh.at[pl.ds(off, K)],
                              ssem[s]).wait()
    plsc.subcore_barrier()

    def g_start(b, s):
        pltpu.async_copy(tbl.at[src_v.at[b]], stage_v.at[s], gsem[s])

    def g_wait(s):
        pltpu.make_async_copy(
            tbl.at[src_v.at[0]], stage_v.at[s], gsem[s]).wait()

    def s_start(b, s):
        pltpu.async_copy(stage_v.at[s], acc_sh.at[dst_v.at[b]],
                         ssem[s], add=True)

    def s_wait(s):
        pltpu.make_async_copy(
            stage_v.at[s], acc_sh.at[dst_v.at[0]], ssem[s]).wait()

    for s in range(NSLOT):
        g_start(s, s)

    def body(i, carry):
        b = i * NSLOT
        for s in range(NSLOT):
            g_wait(s)
            s_start(b + s, s)

        @pl.when(b + NSLOT < NB)
        def _():
            for s in range(NSLOT):
                s_wait(s)
                g_start(b + NSLOT + s, s)

        return carry

    lax.fori_loop(0, NB // NSLOT, body, 0)
    for s in range(NSLOT):
        s_wait(s)
    plsc.subcore_barrier()

    pltpu.sync_copy(acc_sh.at[pl.ds(t * RPT, RPT)],
                    out_hbm.at[c].at[pl.ds(t * RPT, RPT)])


_agg = functools.partial(
    pl.kernel,
    out_type=jax.ShapeDtypeStruct((2, NP, HC), jnp.float32),
    mesh=plsc.VectorSubcoreMesh(core_axis_name="c", subcore_axis_name="s"),
    scratch_types=[
        pltpu.VMEM((NB, K), jnp.int32),
        pltpu.VMEM((NB, K), jnp.int32),
        pltpu.VMEM((NSLOT, K, HC), jnp.float32),
        pltpu.VMEM_SHARED((NP, HC), jnp.float32),
    ] + [pltpu.SemaphoreType.DMA] * (2 * NSLOT),
    compiler_params=pltpu.CompilerParams(use_tc_tiling_on_sc=False),
)(_agg_body)


def _cols(w, j0, j1):
    return jnp.concatenate(
        [w[:, j0 * HC:(j0 + 1) * HC], w[:, j1 * HC:(j1 + 1) * HC]], axis=1)


def _rows(w, j0, j1):
    return jnp.concatenate(
        [w[j0 * HC:(j0 + 1) * HC], w[j1 * HC:(j1 + 1) * HC]], axis=0)


def kernel(features, edge_index, W1, b1, W2, b2):
    src = edge_index[0].astype(jnp.int32).reshape(NT, EPT)
    dst = edge_index[1].astype(jnp.int32).reshape(NT, EPT)
    pad_src = jnp.broadcast_to(
        jnp.arange(EPAD, dtype=jnp.int32)[None, :], (NT, EPAD))
    pad_dst = jnp.broadcast_to(
        (N + (jnp.arange(EPAD, dtype=jnp.int32) % (NP - N)))[None, :],
        (NT, EPAD))
    srcp = jnp.concatenate([src, pad_src], axis=1).reshape(NT, NB, K)
    dstp = jnp.concatenate([dst, pad_dst], axis=1).reshape(NT, NB, K)

    w1p = jnp.pad(W1.T, ((0, 0), (0, DP - D)))
    b1p = jnp.pad(b1, (0, DP - D)).reshape(1, DP)
    w2p = jnp.pad(W2.T, ((0, DP - D), (0, DP - D)))
    b2p = jnp.pad(b2, (0, DP - D)).reshape(1, DP)

    xwA = _mm_first(features, _cols(w1p, 0, 2))
    xwB = _mm_first(features, _cols(w1p, 1, 3))
    agA = _agg(xwA, srcp, dstp)
    agB = _agg(xwB, srcp, dstp)
    yP = _mm_midA(agA, b1p, _rows(w2p, 0, 2))
    xw2A, xw2B = _mm_midB(agB, yP, b1p, _rows(w2p, 1, 3))
    ag2A = _agg(xw2A, srcp, dstp)
    ag2B = _agg(xw2B, srcp, dstp)
    return _final(ag2A, ag2B, b2p)

# --- scband reference (transcript-rebuilt; emitter-appended) ---
"""Pipeline reference for scband-gcnnet-23330262352264 (READ-ONLY COPY).

The authoritative reference and input builder live on the scoring server;
editing this copy changes nothing except your own understanding.
"""

import jax, jax.numpy as jnp
import numpy as np

N_NODES = 10000
N_EDGES = 160000
D = 300

def setup_inputs(seed: int = 0) -> dict:
    key = jax.random.key(seed)
    k1, k2, k3, k4, k5, k6 = jax.random.split(key, 6)
    features = jax.random.normal(k1, (N_NODES, D), dtype=jnp.float32)
    edge_index = jax.random.randint(k2, (2, N_EDGES), 0, N_NODES, dtype=jnp.int64)
    bound = 1.0 / np.sqrt(D)
    W1 = jax.random.uniform(k3, (D, D), minval=-bound, maxval=bound, dtype=jnp.float32)
    b1 = jax.random.uniform(k4, (D,), minval=-bound, maxval=bound, dtype=jnp.float32)
    W2 = jax.random.uniform(k5, (D, D), minval=-bound, maxval=bound, dtype=jnp.float32)
    b2 = jax.random.uniform(k6, (D,), minval=-bound, maxval=bound, dtype=jnp.float32)
    return {"features": features, "edge_index": edge_index, "W1": W1, "b1": b1, "W2": W2, "b2": b2}

def reference(features, edge_index, W1, b1, W2, b2):
    N = features.shape[0]
    # DGLGraph with self-loops added: g.add_edges(g.nodes(), g.nodes())
    self_loop = jnp.arange(N, dtype=edge_index.dtype)
    src = jnp.concatenate([edge_index[0], self_loop])
    dst = jnp.concatenate([edge_index[1], self_loop])

    # Layer 1: copy_src message -> sum reduce -> linear -> relu
    msg = jnp.take(features, src, axis=0)
    h = jax.ops.segment_sum(msg, dst, num_segments=N)
    h = jax.nn.relu(h @ W1.T + b1)

    # Layer 2
    msg2 = jnp.take(h, src, axis=0)
    h2 = jax.ops.segment_sum(msg2, dst, num_segments=N)
    h2 = jax.nn.relu(h2 @ W2.T + b2)
    return h2

if __name__ == "__main__":
    import jax
    _d = setup_inputs()
    print(jax.jit(kernel)(*tuple(_d.values())))

</pallas_src>

<mosaic_0001>
#map = affine_map<(d0, d1) -> (0, 0, 0)>
module attributes {stable_mosaic.version = 14 : i64} {
  func.func @_agg_body(%arg0: i32, %arg1: i32, %arg2: memref<2x10240x80xf32, #tpu.memory_space<hbm>>, %arg3: memref<16x80x128xi32, #tpu.memory_space<hbm>>, %arg4: memref<16x80x128xi32, #tpu.memory_space<hbm>>, %arg5: memref<2x10240x80xf32, #tpu.memory_space<hbm>>, %arg6: memref<80x128xi32, #tpu.memory_space<vmem>>, %arg7: memref<80x128xi32, #tpu.memory_space<vmem>>, %arg8: memref<4x128x80xf32, #tpu.memory_space<vmem>>, %arg9: memref<10240x80xf32, #tpu.memory_space<vmem_shared>>, %arg10: memref<!tpu.dma_semaphore, #tpu.memory_space<semaphore_mem>>, %arg11: memref<!tpu.dma_semaphore, #tpu.memory_space<semaphore_mem>>, %arg12: memref<!tpu.dma_semaphore, #tpu.memory_space<semaphore_mem>>, %arg13: memref<!tpu.dma_semaphore, #tpu.memory_space<semaphore_mem>>, %arg14: memref<!tpu.dma_semaphore, #tpu.memory_space<semaphore_mem>>, %arg15: memref<!tpu.dma_semaphore, #tpu.memory_space<semaphore_mem>>, %arg16: memref<!tpu.dma_semaphore, #tpu.memory_space<semaphore_mem>>, %arg17: memref<!tpu.dma_semaphore, #tpu.memory_space<semaphore_mem>>) attributes {dimension_semantics = [#tpu.dimension_semantics<core_parallel>, #tpu.dimension_semantics<subcore_parallel>], iteration_bounds = array<i64: 2, 16>, scalar_prefetch = 0 : i64, scratch_operands = 12 : i64, tpu.core_type = #tpu.core_type<sc_vector_subcore>, window_params = [{transform_indices = #map}, {transform_indices = #map}, {transform_indices = #map}, {transform_indices = #map}]} {
    "tpu.region"() ({
      %run_scoped3A = tpu.sem_alloc : memref<!tpu.dma_semaphore, #tpu.memory_space<semaphore_mem>>
      %dma_start3A_514 = arith.constant 0 : i32
      %dma_start3A_515 = arith.constant 0 : i32
      %dma_start3A_516 = tpu.memref_slice %arg3[%arg1, %dma_start3A_514, %dma_start3A_515] : memref<16x80x128xi32, #tpu.memory_space<hbm>> -> memref<1x80x128xi32, #tpu.memory_space<hbm>>
      %dma_start3A_517 = tpu.memref_squeeze %dma_start3A_516 : memref<1x80x128xi32, #tpu.memory_space<hbm>> -> memref<80x128xi32, #tpu.memory_space<hbm>>
      %dma_start3A_518 = arith.constant 0 : i32
      %dma_start3A_519 = arith.constant 0 : i32
      %dma_start3A_520 = tpu.memref_slice %arg3[%arg1, %dma_start3A_518, %dma_start3A_519] : memref<16x80x128xi32, #tpu.memory_space<hbm>> -> memref<1x80x128xi32, #tpu.memory_space<hbm>>
      %dma_start3A_521 = tpu.memref_squeeze %dma_start3A_520 : memref<1x80x128xi32, #tpu.memory_space<hbm>> -> memref<80x128xi32, #tpu.memory_space<hbm>>
      tpu.enqueue_dma source(%dma_start3A_521 : memref<80x128xi32, #tpu.memory_space<hbm>>) target(%arg6 : memref<80x128xi32, #tpu.memory_space<vmem>>) target_semaphore(%run_scoped3A : memref<!tpu.dma_semaphore, #tpu.memory_space<semaphore_mem>>)
      %dma_wait3A_522 = arith.constant 0 : i32
      %dma_wait3A_523 = arith.constant 0 : i32
      %dma_wait3A_524 = tpu.memref_slice %arg3[%arg1, %dma_wait3A_522, %dma_wait3A_523] : memref<16x80x128xi32, #tpu.memory_space<hbm>> -> memref<1x80x128xi32, #tpu.memory_space<hbm>>
      %dma_wait3A_525 = tpu.memref_squeeze %dma_wait3A_524 : memref<1x80x128xi32, #tpu.memory_space<hbm>> -> memref<80x128xi32, #tpu.memory_space<hbm>>
      %dma_wait3A_526 = arith.constant 0 : i32
      %dma_wait3A_527 = arith.constant 0 : i32
      %dma_wait3A_528 = tpu.memref_slice %arg3[%arg1, %dma_wait3A_526, %dma_wait3A_527] : memref<16x80x128xi32, #tpu.memory_space<hbm>> -> memref<1x80x128xi32, #tpu.memory_space<hbm>>
      %dma_wait3A_529 = tpu.memref_squeeze %dma_wait3A_528 : memref<1x80x128xi32, #tpu.memory_space<hbm>> -> memref<80x128xi32, #tpu.memory_space<hbm>>
      tpu.wait_dma2 semaphore(%run_scoped3A : memref<!tpu.dma_semaphore, #tpu.memory_space<semaphore_mem>>) src(%dma_wait3A_529 : memref<80x128xi32, #tpu.memory_space<hbm>>) dst(%arg6 : memref<80x128xi32, #tpu.memory_space<vmem>>)
      tpu.yield
    }) : () -> ()
    "tpu.region"() ({
      %run_scoped3A = tpu.sem_alloc : memref<!tpu.dma_semaphore, #tpu.memory_space<semaphore_mem>>
      %dma_start3A_514 = arith.constant 0 : i32
      %dma_start3A_515 = arith.constant 0 : i32
      %dma_start3A_516 = tpu.memref_slice %arg4[%arg1, %dma_start3A_514, %dma_start3A_515] : memref<16x80x128xi32, #tpu.memory_space<hbm>> -> memref<1x80x128xi32, #tpu.memory_space<hbm>>
      %dma_start3A_517 = tpu.memref_squeeze %dma_start3A_516 : memref<1x80x128xi32, #tpu.memory_space<hbm>> -> memref<80x128xi32, #tpu.memory_space<hbm>>
      %dma_start3A_518 = arith.constant 0 : i32
      %dma_start3A_519 = arith.constant 0 : i32
      %dma_start3A_520 = tpu.memref_slice %arg4[%arg1, %dma_start3A_518, %dma_start3A_519] : memref<16x80x128xi32, #tpu.memory_space<hbm>> -> memref<1x80x128xi32, #tpu.memory_space<hbm>>
      %dma_start3A_521 = tpu.memref_squeeze %dma_start3A_520 : memref<1x80x128xi32, #tpu.memory_space<hbm>> -> memref<80x128xi32, #tpu.memory_space<hbm>>
      tpu.enqueue_dma source(%dma_start3A_521 : memref<80x128xi32, #tpu.memory_space<hbm>>) target(%arg7 : memref<80x128xi32, #tpu.memory_space<vmem>>) target_semaphore(%run_scoped3A : memref<!tpu.dma_semaphore, #tpu.memory_space<semaphore_mem>>)
      %dma_wait3A_522 = arith.constant 0 : i32
      %dma_wait3A_523 = arith.constant 0 : i32
      %dma_wait3A_524 = tpu.memref_slice %arg4[%arg1, %dma_wait3A_522, %dma_wait3A_523] : memref<16x80x128xi32, #tpu.memory_space<hbm>> -> memref<1x80x128xi32, #tpu.memory_space<hbm>>
      %dma_wait3A_525 = tpu.memref_squeeze %dma_wait3A_524 : memref<1x80x128xi32, #tpu.memory_space<hbm>> -> memref<80x128xi32, #tpu.memory_space<hbm>>
      %dma_wait3A_526 = arith.constant 0 : i32
      %dma_wait3A_527 = arith.constant 0 : i32
      %dma_wait3A_528 = tpu.memref_slice %arg4[%arg1, %dma_wait3A_526, %dma_wait3A_527] : memref<16x80x128xi32, #tpu.memory_space<hbm>> -> memref<1x80x128xi32, #tpu.memory_space<hbm>>
      %dma_wait3A_529 = tpu.memref_squeeze %dma_wait3A_528 : memref<1x80x128xi32, #tpu.memory_space<hbm>> -> memref<80x128xi32, #tpu.memory_space<hbm>>
      tpu.wait_dma2 semaphore(%run_scoped3A : memref<!tpu.dma_semaphore, #tpu.memory_space<semaphore_mem>>) src(%dma_wait3A_529 : memref<80x128xi32, #tpu.memory_space<hbm>>) dst(%arg7 : memref<80x128xi32, #tpu.memory_space<vmem>>)
      tpu.yield
    }) : () -> ()
    %mul3A = arith.constant 640 : i32
    %mul3A_0 = arith.muli %arg1, %mul3A : i32
    %add3A = arith.constant 0 : i32
    %add3A_1 = arith.addi %mul3A_0, %add3A : i32
    %dma_start3A = arith.constant 0 : i32
    %dma_start3A_2 = arith.constant 0 : i32
    %dma_start3A_3 = arith.constant 0 : i32
    %dma_start3A_4 = tpu.memref_slice %arg8[%dma_start3A, %dma_start3A_2, %dma_start3A_3] : memref<4x128x80xf32, #tpu.memory_space<vmem>> -> memref<1x128x80xf32, #tpu.memory_space<vmem>>
    %dma_start3A_5 = tpu.memref_squeeze %dma_start3A_4 : memref<1x128x80xf32, #tpu.memory_space<vmem>> -> memref<128x80xf32, #tpu.memory_space<vmem>>
    %dma_start3A_6 = arith.constant 0 : i32
    %dma_start3A_7 = arith.constant 0 : i32
    %dma_start3A_8 = tpu.memref_slice %arg2[%arg0, %dma_start3A_6, %dma_start3A_7] : memref<2x10240x80xf32, #tpu.memory_space<hbm>> -> memref<1x10240x80xf32, #tpu.memory_space<hbm>>
    %dma_start3A_9 = tpu.memref_squeeze %dma_start3A_8 : memref<1x10240x80xf32, #tpu.memory_space<hbm>> -> memref<10240x80xf32, #tpu.memory_space<hbm>>
    %dma_start3A_10 = arith.constant 0 : i32
    %dma_start3A_11 = tpu.memref_slice %dma_start3A_9[%add3A_1, %dma_start3A_10] : memref<10240x80xf32, #tpu.memory_space<hbm>> -> memref<128x80xf32, #tpu.memory_space<hbm>>
    %dma_start3A_12 = arith.constant 0 : i32
    %dma_start3A_13 = arith.constant 0 : i32
    %dma_start3A_14 = tpu.memref_slice %arg8[%dma_start3A, %dma_start3A_12, %dma_start3A_13] : memref<4x128x80xf32, #tpu.memory_space<vmem>> -> memref<1x128x80xf32, #tpu.memory_space<vmem>>
    %dma_start3A_15 = tpu.memref_squeeze %dma_start3A_14 : memref<1x128x80xf32, #tpu.memory_space<vmem>> -> memref<128x80xf32, #tpu.memory_space<vmem>>
    %dma_start3A_16 = arith.constant 0 : i32
    %dma_start3A_17 = arith.constant 0 : i32
    %dma_start3A_18 = tpu.memref_slice %arg2[%arg0, %dma_start3A_16, %dma_start3A_17] : memref<2x10240x80xf32, #tpu.memory_space<hbm>> -> memref<1x10240x80xf32, #tpu.memory_space<hbm>>
    %dma_start3A_19 = tpu.memref_squeeze %dma_start3A_18 : memref<1x10240x80xf32, #tpu.memory_space<hbm>> -> memref<10240x80xf32, #tpu.memory_space<hbm>>
    %dma_start3A_20 = arith.constant 0 : i32
    %dma_start3A_21 = tpu.memref_slice %dma_start3A_19[%add3A_1, %dma_start3A_20] : memref<10240x80xf32, #tpu.memory_space<hbm>> -> memref<128x80xf32, #tpu.memory_space<hbm>>
    tpu.enqueue_dma source(%dma_start3A_21 : memref<128x80xf32, #tpu.memory_space<hbm>>) target(%dma_start3A_15 : memref<128x80xf32, #tpu.memory_space<vmem>>) target_semaphore(%arg10 : memref<!tpu.dma_semaphore, #tpu.memory_space<semaphore_mem>>)
    %mul3A_22 = arith.constant 640 : i32
    %mul3A_23 = arith.muli %arg1, %mul3A_22 : i32
    %add3A_24 = arith.constant 128 : i32
    %add3A_25 = arith.addi %mul3A_23, %add3A_24 : i32
    %dma_start3A_26 = arith.constant 1 : i32
    %dma_start3A_27 = arith.constant 0 : i32
    %dma_start3A_28 = arith.constant 0 : i32
    %dma_start3A_29 = tpu.memref_slice %arg8[%dma_start3A_26, %dma_start3A_27, %dma_start3A_28] : memref<4x128x80xf32, #tpu.memory_space<vmem>> -> memref<1x128x80xf32, #tpu.memory_space<vmem>>
    %dma_start3A_30 = tpu.memref_squeeze %dma_start3A_29 : memref<1x128x80xf32, #tpu.memory_space<vmem>> -> memref<128x80xf32, #tpu.memory_space<vmem>>
    %dma_start3A_31 = arith.constant 0 : i32
    %dma_start3A_32 = arith.constant 0 : i32
    %dma_start3A_33 = tpu.memref_slice %arg2[%arg0, %dma_start3A_31, %dma_start3A_32] : memref<2x10240x80xf32, #tpu.memory_space<hbm>> -> memref<1x10240x80xf32, #tpu.memory_space<hbm>>
    %dma_start3A_34 = tpu.memref_squeeze %dma_start3A_33 : memref<1x10240x80xf32, #tpu.memory_space<hbm>> -> memref<10240x80xf32, #tpu.memory_space<hbm>>
    %dma_start3A_35 = arith.constant 0 : i32
    %dma_start3A_36 = tpu.memref_slice %dma_start3A_34[%add3A_25, %dma_start3A_35] : memref<10240x80xf32, #tpu.memory_space<hbm>> -> memref<128x80xf32, #tpu.memory_space<hbm>>
    %dma_start3A_37 = arith.constant 0 : i32
    %dma_start3A_38 = arith.constant 0 : i32
    %dma_start3A_39 = tpu.memref_slice %arg8[%dma_start3A_26, %dma_start3A_37, %dma_start3A_38] : memref<4x128x80xf32, #tpu.memory_space<vmem>> -> memref<1x128x80xf32, #tpu.memory_space<vmem>>
    %dma_start3A_40 = tpu.memref_squeeze %dma_start3A_39 : memref<1x128x80xf32, #tpu.memory_space<vmem>> -> memref<128x80xf32, #tpu.memory_space<vmem>>
    %dma_start3A_41 = arith.constant 0 : i32
    %dma_start3A_42 = arith.constant 0 : i32
    %dma_start3A_43 = tpu.memref_slice %arg2[%arg0, %dma_start3A_41, %dma_start3A_42] : memref<2x10240x80xf32, #tpu.memory_space<hbm>> -> memref<1x10240x80xf32, #tpu.memory_space<hbm>>
    %dma_start3A_44 = tpu.memref_squeeze %dma_start3A_43 : memref<1x10240x80xf32, #tpu.memory_space<hbm>> -> memref<10240x80xf32, #tpu.memory_space<hbm>>
    %dma_start3A_45 = arith.constant 0 : i32
    %dma_start3A_46 = tpu.memref_slice %dma_start3A_44[%add3A_25, %dma_start3A_45] : memref<10240x80xf32, #tpu.memory_space<hbm>> -> memref<128x80xf32, #tpu.memory_space<hbm>>
    tpu.enqueue_dma source(%dma_start3A_46 : memref<128x80xf32, #tpu.memory_space<hbm>>) target(%dma_start3A_40 : memref<128x80xf32, #tpu.memory_space<vmem>>) target_semaphore(%arg11 : memref<!tpu.dma_semaphore, #tpu.memory_space<semaphore_mem>>)
    %mul3A_47 = arith.constant 640 : i32
    %mul3A_48 = arith.muli %arg1, %mul3A_47 : i32
    %add3A_49 = arith.constant 256 : i32
    %add3A_50 = arith.addi %mul3A_48, %add3A_49 : i32
    %dma_start3A_51 = arith.constant 2 : i32
    %dma_start3A_52 = arith.constant 0 : i32
    %dma_start3A_53 = arith.constant 0 : i32
    %dma_start3A_54 = tpu.memref_slice %arg8[%dma_start3A_51, %dma_start3A_52, %dma_start3A_53] : memref<4x128x80xf32, #tpu.memory_space<vmem>> -> memref<1x128x80xf32, #tpu.memory_space<vmem>>
    %dma_start3A_55 = tpu.memref_squeeze %dma_start3A_54 : memref<1x128x80xf32, #tpu.memory_space<vmem>> -> memref<128x80xf32, #tpu.memory_space<vmem>>
    %dma_start3A_56 = arith.constant 0 : i32
    %dma_start3A_57 = arith.constant 0 : i32
    %dma_start3A_58 = tpu.memref_slice %arg2[%arg0, %dma_start3A_56, %dma_start3A_57] : memref<2x10240x80xf32, #tpu.memory_space<hbm>> -> memref<1x10240x80xf32, #tpu.memory_space<hbm>>
    %dma_start3A_59 = tpu.memref_squeeze %dma_start3A_58 : memref<1x10240x80xf32, #tpu.memory_space<hbm>> -> memref<10240x80xf32, #tpu.memory_space<hbm>>
    %dma_start3A_60 = arith.constant 0 : i32
    %dma_start3A_61 = tpu.memref_slice %dma_start3A_59[%add3A_50, %dma_start3A_60] : memref<10240x80xf32, #tpu.memory_space<hbm>> -> memref<128x80xf32, #tpu.memory_space<hbm>>
    %dma_start3A_62 = arith.constant 0 : i32
    %dma_start3A_63 = arith.constant 0 : i32
    %dma_start3A_64 = tpu.memref_slice %arg8[%dma_start3A_51, %dma_start3A_62, %dma_start3A_63] : memref<4x128x80xf32, #tpu.memory_space<vmem>> -> memref<1x128x80xf32, #tpu.memory_space<vmem>>
    %dma_start3A_65 = tpu.memref_squeeze %dma_start3A_64 : memref<1x128x80xf32, #tpu.memory_space<vmem>> -> memref<128x80xf32, #tpu.memory_space<vmem>>
    %dma_start3A_66 = arith.constant 0 : i32
    %dma_start3A_67 = arith.constant 0 : i32
    %dma_start3A_68 = tpu.memref_slice %arg2[%arg0, %dma_start3A_66, %dma_start3A_67] : memref<2x10240x80xf32, #tpu.memory_space<hbm>> -> memref<1x10240x80xf32, #tpu.memory_space<hbm>>
    %dma_start3A_69 = tpu.memref_squeeze %dma_start3A_68 : memref<1x10240x80xf32, #tpu.memory_space<hbm>> -> memref<10240x80xf32, #tpu.memory_space<hbm>>
    %dma_start3A_70 = arith.constant 0 : i32
    %dma_start3A_71 = tpu.memref_slice %dma_start3A_69[%add3A_50, %dma_start3A_70] : memref<10240x80xf32, #tpu.memory_space<hbm>> -> memref<128x80xf32, #tpu.memory_space<hbm>>
    tpu.enqueue_dma source(%dma_start3A_71 : memref<128x80xf32, #tpu.memory_space<hbm>>) target(%dma_start3A_65 : memref<128x80xf32, #tpu.memory_space<vmem>>) target_semaphore(%arg12 : memref<!tpu.dma_semaphore, #tpu.memory_space<semaphore_mem>>)
    %mul3A_72 = arith.constant 640 : i32
    %mul3A_73 = arith.muli %arg1, %mul3A_72 : i32
    %add3A_74 = arith.constant 384 : i32
    %add3A_75 = arith.addi %mul3A_73, %add3A_74 : i32
    %dma_start3A_76 = arith.constant 3 : i32
    %dma_start3A_77 = arith.constant 0 : i32
    %dma_start3A_78 = arith.constant 0 : i32
    %dma_start3A_79 = tpu.memref_slice %arg8[%dma_start3A_76, %dma_start3A_77, %dma_start3A_78] : memref<4x128x80xf32, #tpu.memory_space<vmem>> -> memref<1x128x80xf32, #tpu.memory_space<vmem>>
    %dma_start3A_80 = tpu.memref_squeeze %dma_start3A_79 : memref<1x128x80xf32, #tpu.memory_space<vmem>> -> memref<128x80xf32, #tpu.memory_space<vmem>>
    %dma_start3A_81 = arith.constant 0 : i32
    %dma_start3A_82 = arith.constant 0 : i32
    %dma_start3A_83 = tpu.memref_slice %arg2[%arg0, %dma_start3A_81, %dma_start3A_82] : memref<2x10240x80xf32, #tpu.memory_space<hbm>> -> memref<1x10240x80xf32, #tpu.memory_space<hbm>>
    %dma_start3A_84 = tpu.memref_squeeze %dma_start3A_83 : memref<1x10240x80xf32, #tpu.memory_space<hbm>> -> memref<10240x80xf32, #tpu.memory_space<hbm>>
    %dma_start3A_85 = arith.constant 0 : i32
    %dma_start3A_86 = tpu.memref_slice %dma_start3A_84[%add3A_75, %dma_start3A_85] : memref<10240x80xf32, #tpu.memory_space<hbm>> -> memref<128x80xf32, #tpu.memory_space<hbm>>
    %dma_start3A_87 = arith.constant 0 : i32
    %dma_start3A_88 = arith.constant 0 : i32
    %dma_start3A_89 = tpu.memref_slice %arg8[%dma_start3A_76, %dma_start3A_87, %dma_start3A_88] : memref<4x128x80xf32, #tpu.memory_space<vmem>> -> memref<1x128x80xf32, #tpu.memory_space<vmem>>
    %dma_start3A_90 = tpu.memref_squeeze %dma_start3A_89 : memref<1x128x80xf32, #tpu.memory_space<vmem>> -> memref<128x80xf32, #tpu.memory_space<vmem>>
    %dma_start3A_91 = arith.constant 0 : i32
    %dma_start3A_92 = arith.constant 0 : i32
    %dma_start3A_93 = tpu.memref_slice %arg2[%arg0, %dma_start3A_91, %dma_start3A_92] : memref<2x10240x80xf32, #tpu.memory_space<hbm>> -> memref<1x10240x80xf32, #tpu.memory_space<hbm>>
    %dma_start3A_94 = tpu.memref_squeeze %dma_start3A_93 : memref<1x10240x80xf32, #tpu.memory_space<hbm>> -> memref<10240x80xf32, #tpu.memory_space<hbm>>
    %dma_start3A_95 = arith.constant 0 : i32
    %dma_start3A_96 = tpu.memref_slice %dma_start3A_94[%add3A_75, %dma_start3A_95] : memref<10240x80xf32, #tpu.memory_space<hbm>> -> memref<128x80xf32, #tpu.memory_space<hbm>>
    tpu.enqueue_dma source(%dma_start3A_96 : memref<128x80xf32, #tpu.memory_space<hbm>>) target(%dma_start3A_90 : memref<128x80xf32, #tpu.memory_space<vmem>>) target_semaphore(%arg13 : memref<!tpu.dma_semaphore, #tpu.memory_space<semaphore_mem>>)
    %mul3A_97 = arith.constant 640 : i32
    %mul3A_98 = arith.muli %arg1, %mul3A_97 : i32
    %add3A_99 = arith.constant 0 : i32
    %add3A_100 = arith.addi %mul3A_98, %add3A_99 : i32
    %dma_wait3A = arith.constant 0 : i32
    %dma_wait3A_101 = arith.constant 0 : i32
    %dma_wait3A_102 = arith.constant 0 : i32
    %dma_wait3A_103 = tpu.memref_slice %arg8[%dma_wait3A, %dma_wait3A_101, %dma_wait3A_102] : memref<4x128x80xf32, #tpu.memory_space<vmem>> -> memref<1x128x80xf32, #tpu.memory_space<vmem>>
    %dma_wait3A_104 = tpu.memref_squeeze %dma_wait3A_103 : memref<1x128x80xf32, #tpu.memory_space<vmem>> -> memref<128x80xf32, #tpu.memory_space<vmem>>
    %dma_wait3A_105 = arith.constant 0 : i32
    %dma_wait3A_106 = arith.constant 0 : i32
    %dma_wait3A_107 = tpu.memref_slice %arg2[%arg0, %dma_wait3A_105, %dma_wait3A_106] : memref<2x10240x80xf32, #tpu.memory_space<hbm>> -> memref<1x10240x80xf32, #tpu.memory_space<hbm>>
    %dma_wait3A_108 = tpu.memref_squeeze %dma_wait3A_107 : memref<1x10240x80xf32, #tpu.memory_space<hbm>> -> memref<10240x80xf32, #tpu.memory_space<hbm>>
    %dma_wait3A_109 = arith.constant 0 : i32
    %dma_wait3A_110 = tpu.memref_slice %dma_wait3A_108[%add3A_100, %dma_wait3A_109] : memref<10240x80xf32, #tpu.memory_space<hbm>> -> memref<128x80xf32, #tpu.memory_space<hbm>>
    %dma_wait3A_111 = arith.constant 0 : i32
    %dma_wait3A_112 = arith.constant 0 : i32
    %dma_wait3A_113 = tpu.memref_slice %arg8[%dma_wait3A, %dma_wait3A_111, %dma_wait3A_112] : memref<4x128x80xf32, #tpu.memory_space<vmem>> -> memref<1x128x80xf32, #tpu.memory_space<vmem>>
    %dma_wait3A_114 = tpu.memref_squeeze %dma_wait3A_113 : memref<1x128x80xf32, #tpu.memory_space<vmem>> -> memref<128x80xf32, #tpu.memory_space<vmem>>
    %dma_wait3A_115 = arith.constant 0 : i32
    %dma_wait3A_116 = arith.constant 0 : i32
    %dma_wait3A_117 = tpu.memref_slice %arg2[%arg0, %dma_wait3A_115, %dma_wait3A_116] : memref<2x10240x80xf32, #tpu.memory_space<hbm>> -> memref<1x10240x80xf32, #tpu.memory_space<hbm>>
    %dma_wait3A_118 = tpu.memref_squeeze %dma_wait3A_117 : memref<1x10240x80xf32, #tpu.memory_space<hbm>> -> memref<10240x80xf32, #tpu.memory_space<hbm>>
    %dma_wait3A_119 = arith.constant 0 : i32
    %dma_wait3A_120 = tpu.memref_slice %dma_wait3A_118[%add3A_100, %dma_wait3A_119] : memref<10240x80xf32, #tpu.memory_space<hbm>> -> memref<128x80xf32, #tpu.memory_space<hbm>>
    tpu.wait_dma2 semaphore(%arg10 : memref<!tpu.dma_semaphore, #tpu.memory_space<semaphore_mem>>) src(%dma_wait3A_120 : memref<128x80xf32, #tpu.memory_space<hbm>>) dst(%dma_wait3A_114 : memref<128x80xf32, #tpu.memory_space<vmem>>)
    %dma_start3A_121 = arith.constant 0 : i32
    %dma_start3A_122 = arith.constant 0 : i32
    %dma_start3A_123 = arith.constant 0 : i32
    %dma_start3A_124 = tpu.memref_slice %arg8[%dma_start3A_121, %dma_start3A_122, %dma_start3A_123] : memref<4x128x80xf32, #tpu.memory_space<vmem>> -> memref<1x128x80xf32, #tpu.memory_space<vmem>>
    %dma_start3A_125 = tpu.memref_squeeze %dma_start3A_124 : memref<1x128x80xf32, #tpu.memory_space<vmem>> -> memref<128x80xf32, #tpu.memory_space<vmem>>
    %dma_start3A_126 = arith.constant 0 : i32
    %dma_start3A_127 = tpu.memref_slice %arg9[%add3A_100, %dma_start3A_126] : memref<10240x80xf32, #tpu.memory_space<vmem_shared>> -> memref<128x80xf32, #tpu.memory_space<vmem_shared>>
    %dma_start3A_128 = arith.constant 0 : i32
    %dma_start3A_129 = tpu.memref_slice %arg9[%add3A_100, %dma_start3A_128] : memref<10240x80xf32, #tpu.memory_space<vmem_shared>> -> memref<128x80xf32, #tpu.memory_space<vmem_shared>>
    %dma_start3A_130 = arith.constant 0 : i32
    %dma_start3A_131 = arith.constant 0 : i32
    %dma_start3A_132 = tpu.memref_slice %arg8[%dma_start3A_121, %dma_start3A_130, %dma_start3A_131] : memref<4x128x80xf32, #tpu.memory_space<vmem>> -> memref<1x128x80xf32, #tpu.memory_space<vmem>>
    %dma_start3A_133 = tpu.memref_squeeze %dma_start3A_132 : memref<1x128x80xf32, #tpu.memory_space<vmem>> -> memref<128x80xf32, #tpu.memory_space<vmem>>
    tpu.enqueue_dma source(%dma_start3A_133 : memref<128x80xf32, #tpu.memory_space<vmem>>) target(%dma_start3A_129 : memref<128x80xf32, #tpu.memory_space<vmem_shared>>) target_semaphore(%arg14 : memref<!tpu.dma_semaphore, #tpu.memory_space<semaphore_mem>>)
    %mul3A_134 = arith.constant 640 : i32
    %mul3A_135 = arith.muli %arg1, %mul3A_134 : i32
    %add3A_136 = arith.constant 512 : i32
    %add3A_137 = arith.addi %mul3A_135, %add3A_136 : i32
    %dma_wait3A_138 = arith.constant 0 : i32
    %dma_wait3A_139 = arith.constant 0 : i32
    %dma_wait3A_140 = arith.constant 0 : i32
    %dma_wait3A_141 = tpu.memref_slice %arg8[%dma_wait3A_138, %dma_wait3A_139, %dma_wait3A_140] : memref<4x128x80xf32, #tpu.memory_space<vmem>> -> memref<1x128x80xf32, #tpu.memory_space<vmem>>
    %dma_wait3A_142 = tpu.memref_squeeze %dma_wait3A_141 : memref<1x128x80xf32, #tpu.memory_space<vmem>> -> memref<128x80xf32, #tpu.memory_space<vmem>>
    %dma_wait3A_143 = arith.constant 0 : i32
    %dma_wait3A_144 = tpu.memref_slice %arg9[%add3A_100, %dma_wait3A_143] : memref<10240x80xf32, #tpu.memory_space<vmem_shared>> -> memref<128x80xf32, #tpu.memory_space<vmem_shared>>
    %dma_wait3A_145 = arith.constant 0 : i32
    %dma_wait3A_146 = tpu.memref_slice %arg9[%add3A_100, %dma_wait3A_145] : memref<10240x80xf32, #tpu.memory_space<vmem_shared>> -> memref<128x80xf32, #tpu.memory_space<vmem_shared>>
    %dma_wait3A_147 = arith.constant 0 : i32
    %dma_wait3A_148 = arith.constant 0 : i32
    %dma_wait3A_149 = tpu.memref_slice %arg8[%dma_wait3A_138, %dma_wait3A_147, %dma_wait3A_148] : memref<4x128x80xf32, #tpu.memory_space<vmem>> -> memref<1x128x80xf32, #tpu.memory_space<vmem>>
    %dma_wait3A_150 = tpu.memref_squeeze %dma_wait3A_149 : memref<1x128x80xf32, #tpu.memory_space<vmem>> -> memref<128x80xf32, #tpu.memory_space<vmem>>
    tpu.wait_dma2 semaphore(%arg14 : memref<!tpu.dma_semaphore, #tpu.memory_space<semaphore_mem>>) src(%dma_wait3A_150 : memref<128x80xf32, #tpu.memory_space<vmem>>) dst(%dma_wait3A_146 : memref<128x80xf32, #tpu.memory_space<vmem_shared>>)
    %dma_start3A_151 = arith.constant 0 : i32
    %dma_start3A_152 = arith.constant 0 : i32
    %dma_start3A_153 = arith.constant 0 : i32
    %dma_start3A_154 = tpu.memref_slice %arg8[%dma_start3A_151, %dma_start3A_152, %dma_start3A_153] : memref<4x128x80xf32, #tpu.memory_space<vmem>> -> memref<1x128x80xf32, #tpu.memory_space<vmem>>
    %dma_start3A_155 = tpu.memref_squeeze %dma_start3A_154 : memref<1x128x80xf32, #tpu.memory_space<vmem>> -> memref<128x80xf32, #tpu.memory_space<vmem>>
    %dma_start3A_156 = arith.constant 0 : i32
    %dma_start3A_157 = arith.constant 0 : i32
    %dma_start3A_158 = tpu.memref_slice %arg2[%arg0, %dma_start3A_156, %dma_start3A_157] : memref<2x10240x80xf32, #tpu.memory_space<hbm>> -> memref<1x10240x80xf32, #tpu.memory_space<hbm>>
    %dma_start3A_159 = tpu.memref_squeeze %dma_start3A_158 : memref<1x10240x80xf32, #tpu.memory_space<hbm>> -> memref<10240x80xf32, #tpu.memory_space<hbm>>
    %dma_start3A_160 = arith.constant 0 : i32
    %dma_start3A_161 = tpu.memref_slice %dma_start3A_159[%add3A_137, %dma_start3A_160] : memref<10240x80xf32, #tpu.memory_space<hbm>> -> memref<128x80xf32, #tpu.memory_space<hbm>>
    %dma_start3A_162 = arith.constant 0 : i32
    %dma_start3A_163 = arith.constant 0 : i32
    %dma_start3A_164 = tpu.memref_slice %arg8[%dma_start3A_151, %dma_start3A_162, %dma_start3A_163] : memref<4x128x80xf32, #tpu.memory_space<vmem>> -> memref<1x128x80xf32, #tpu.memory_space<vmem>>
    %dma_start3A_165 = tpu.memref_squeeze %dma_start3A_164 : memref<1x128x80xf32, #tpu.memory_space<vmem>> -> memref<128x80xf32, #tpu.memory_space<vmem>>
    %dma_start3A_166 = arith.constant 0 : i32
    %dma_start3A_167 = arith.constant 0 : i32
    %dma_start3A_168 = tpu.memref_slice %arg2[%arg0, %dma_start3A_166, %dma_start3A_167] : memref<2x10240x80xf32, #tpu.memory_space<hbm>> -> memref<1x10240x80xf32, #tpu.memory_space<hbm>>
    %dma_start3A_169 = tpu.memref_squeeze %dma_start3A_168 : memref<1x10240x80xf32, #tpu.memory_space<hbm>> -> memref<10240x80xf32, #tpu.memory_space<hbm>>
    %dma_start3A_170 = arith.constant 0 : i32
    %dma_start3A_171 = tpu.memref_slice %dma_start3A_169[%add3A_137, %dma_start3A_170] : memref<10240x80xf32, #tpu.memory_space<hbm>> -> memref<128x80xf32, #tpu.memory_space<hbm>>
    tpu.enqueue_dma source(%dma_start3A_171 : memref<128x80xf32, #tpu.memory_space<hbm>>) target(%dma_start3A_165 : memref<128x80xf32, #tpu.memory_space<vmem>>) target_semaphore(%arg10 : memref<!tpu.dma_semaphore, #tpu.memory_space<semaphore_mem>>)
    %mul3A_172 = arith.constant 640 : i32
    %mul3A_173 = arith.muli %arg1, %mul3A_172 : i32
    %add3A_174 = arith.constant 128 : i32
    %add3A_175 = arith.addi %mul3A_173, %add3A_174 : i32
    %dma_wait3A_176 = arith.constant 1 : i32
    %dma_wait3A_177 = arith.constant 0 : i32
    %dma_wait3A_178 = arith.constant 0 : i32
    %dma_wait3A_179 = tpu.memref_slice %arg8[%dma_wait3A_176, %dma_wait3A_177, %dma_wait3A_178] : memref<4x128x80xf32, #tpu.memory_space<vmem>> -> memref<1x128x80xf32, #tpu.memory_space<vmem>>
    %dma_wait3A_180 = tpu.memref_squeeze %dma_wait3A_179 : memref<1x128x80xf32, #tpu.memory_space<vmem>> -> memref<128x80xf32, #tpu.memory_space<vmem>>
    %dma_wait3A_181 = arith.constant 0 : i32
    %dma_wait3A_182 = arith.constant 0 : i32
    %dma_wait3A_183 = tpu.memref_slice %arg2[%arg0, %dma_wait3A_181, %dma_wait3A_182] : memref<2x10240x80xf32, #tpu.memory_space<hbm>> -> memref<1x10240x80xf32, #tpu.memory_space<hbm>>
    %dma_wait3A_184 = tpu.memref_squeeze %dma_wait3A_183 : memref<1x10240x80xf32, #tpu.memory_space<hbm>> -> memref<10240x80xf32, #tpu.memory_space<hbm>>
    %dma_wait3A_185 = arith.constant 0 : i32
    %dma_wait3A_186 = tpu.memref_slice %dma_wait3A_184[%add3A_175, %dma_wait3A_185] : memref<10240x80xf32, #tpu.memory_space<hbm>> -> memref<128x80xf32, #tpu.memory_space<hbm>>
    %dma_wait3A_187 = arith.constant 0 : i32
    %dma_wait3A_188 = arith.constant 0 : i32
    %dma_wait3A_189 = tpu.memref_slice %arg8[%dma_wait3A_176, %dma_wait3A_187, %dma_wait3A_188] : memref<4x128x80xf32, #tpu.memory_space<vmem>> -> memref<1x128x80xf32, #tpu.memory_space<vmem>>
    %dma_wait3A_190 = tpu.memref_squeeze %dma_wait3A_189 : memref<1x128x80xf32, #tpu.memory_space<vmem>> -> memref<128x80xf32, #tpu.memory_space<vmem>>
    %dma_wait3A_191 = arith.constant 0 : i32
    %dma_wait3A_192 = arith.constant 0 : i32
    %dma_wait3A_193 = tpu.memref_slice %arg2[%arg0, %dma_wait3A_191, %dma_wait3A_192] : memref<2x10240x80xf32, #tpu.memory_space<hbm>> -> memref<1x10240x80xf32, #tpu.memory_space<hbm>>
    %dma_wait3A_194 = tpu.memref_squeeze %dma_wait3A_193 : memref<1x10240x80xf32, #tpu.memory_space<hbm>> -> memref<10240x80xf32, #tpu.memory_space<hbm>>
    %dma_wait3A_195 = arith.constant 0 : i32
    %dma_wait3A_196 = tpu.memref_slice %dma_wait3A_194[%add3A_175, %dma_wait3A_195] : memref<10240x80xf32, #tpu.memory_space<hbm>> -> memref<128x80xf32, #tpu.memory_space<hbm>>
    tpu.wait_dma2 semaphore(%arg11 : memref<!tpu.dma_semaphore, #tpu.memory_space<semaphore_mem>>) src(%dma_wait3A_196 : memref<128x80xf32, #tpu.memory_space<hbm>>) dst(%dma_wait3A_190 : memref<128x80xf32, #tpu.memory_space<vmem>>)
    %dma_start3A_197 = arith.constant 1 : i32
    %dma_start3A_198 = arith.constant 0 : i32
    %dma_start3A_199 = arith.constant 0 : i32
    %dma_start3A_200 = tpu.memref_slice %arg8[%dma_start3A_197, %dma_start3A_198, %dma_start3A_199] : memref<4x128x80xf32, #tpu.memory_space<vmem>> -> memref<1x128x80xf32, #tpu.memory_space<vmem>>
    %dma_start3A_201 = tpu.memref_squeeze %dma_start3A_200 : memref<1x128x80xf32, #tpu.memory_space<vmem>> -> memref<128x80xf32, #tpu.memory_space<vmem>>
    %dma_start3A_202 = arith.constant 0 : i32
    %dma_start3A_203 = tpu.memref_slice %arg9[%add3A_175, %dma_start3A_202] : memref<10240x80xf32, #tpu.memory_space<vmem_shared>> -> memref<128x80xf32, #tpu.memory_space<vmem_shared>>
    %dma_start3A_204 = arith.constant 0 : i32
    %dma_start3A_205 = tpu.memref_slice %arg9[%add3A_175, %dma_start3A_204] : memref<10240x80xf32, #tpu.memory_space<vmem_shared>> -> memref<128x80xf32, #tpu.memory_space<vmem_shared>>
    %dma_start3A_206 = arith.constant 0 : i32
    %dma_start3A_207 = arith.constant 0 : i32
    %dma_start3A_208 = tpu.memref_slice %arg8[%dma_start3A_197, %dma_start3A_206, %dma_start3A_207] : memref<4x128x80xf32, #tpu.memory_space<vmem>> -> memref<1x128x80xf32, #tpu.memory_space<vmem>>
    %dma_start3A_209 = tpu.memref_squeeze %dma_start3A_208 : memref<1x128x80xf32, #tpu.memory_space<vmem>> -> memref<128x80xf32, #tpu.memory_space<vmem>>
    tpu.enqueue_dma source(%dma_start3A_209 : memref<128x80xf32, #tpu.memory_space<vmem>>) target(%dma_start3A_205 : memref<128x80xf32, #tpu.memory_space<vmem_shared>>) target_semaphore(%arg15 : memref<!tpu.dma_semaphore, #tpu.memory_space<semaphore_mem>>)
    %mul3A_210 = arith.constant 640 : i32
    %mul3A_211 = arith.muli %arg1, %mul3A_210 : i32
    %add3A_212 = arith.constant 256 : i32
    %add3A_213 = arith.addi %mul3A_211, %add3A_212 : i32
    %dma_wait3A_214 = arith.constant 2 : i32
    %dma_wait3A_215 = arith.constant 0 : i32
    %dma_wait3A_216 = arith.constant 0 : i32
    %dma_wait3A_217 = tpu.memref_slice %arg8[%dma_wait3A_214, %dma_wait3A_215, %dma_wait3A_216] : memref<4x128x80xf32, #tpu.memory_space<vmem>> -> memref<1x128x80xf32, #tpu.memory_space<vmem>>
    %dma_wait3A_218 = tpu.memref_squeeze %dma_wait3A_217 : memref<1x128x80xf32, #tpu.memory_space<vmem>> -> memref<128x80xf32, #tpu.memory_space<vmem>>
    %dma_wait3A_219 = arith.constant 0 : i32
    %dma_wait3A_220 = arith.constant 0 : i32
    %dma_wait3A_221 = tpu.memref_slice %arg2[%arg0, %dma_wait3A_219, %dma_wait3A_220] : memref<2x10240x80xf32, #tpu.memory_space<hbm>> -> memref<1x10240x80xf32, #tpu.memory_space<hbm>>
    %dma_wait3A_222 = tpu.memref_squeeze %dma_wait3A_221 : memref<1x10240x80xf32, #tpu.memory_space<hbm>> -> memref<10240x80xf32, #tpu.memory_space<hbm>>
    %dma_wait3A_223 = arith.constant 0 : i32
    %dma_wait3A_224 = tpu.memref_slice %dma_wait3A_222[%add3A_213, %dma_wait3A_223] : memref<10240x80xf32, #tpu.memory_space<hbm>> -> memref<128x80xf32, #tpu.memory_space<hbm>>
    %dma_wait3A_225 = arith.constant 0 : i32
    %dma_wait3A_226 = arith.constant 0 : i32
    %dma_wait3A_227 = tpu.memref_slice %arg8[%dma_wait3A_214, %dma_wait3A_225, %dma_wait3A_226] : memref<4x128x80xf32, #tpu.memory_space<vmem>> -> memref<1x128x80xf32, #tpu.memory_space<vmem>>
    %dma_wait3A_228 = tpu.memref_squeeze %dma_wait3A_227 : memref<1x128x80xf32, #tpu.memory_space<vmem>> -> memref<128x80xf32, #tpu.memory_space<vmem>>
    %dma_wait3A_229 = arith.constant 0 : i32
    %dma_wait3A_230 = arith.constant 0 : i32
    %dma_wait3A_231 = tpu.memref_slice %arg2[%arg0, %dma_wait3A_229, %dma_wait3A_230] : memref<2x10240x80xf32, #tpu.memory_space<hbm>> -> memref<1x10240x80xf32, #tpu.memory_space<hbm>>
    %dma_wait3A_232 = tpu.memref_squeeze %dma_wait3A_231 : memref<1x10240x80xf32, #tpu.memory_space<hbm>> -> memref<10240x80xf32, #tpu.memory_space<hbm>>
    %dma_wait3A_233 = arith.constant 0 : i32
    %dma_wait3A_234 = tpu.memref_slice %dma_wait3A_232[%add3A_213, %dma_wait3A_233] : memref<10240x80xf32, #tpu.memory_space<hbm>> -> memref<128x80xf32, #tpu.memory_space<hbm>>
    tpu.wait_dma2 semaphore(%arg12 : memref<!tpu.dma_semaphore, #tpu.memory_space<semaphore_mem>>) src(%dma_wait3A_234 : memref<128x80xf32, #tpu.memory_space<hbm>>) dst(%dma_wait3A_228 : memref<128x80xf32, #tpu.memory_space<vmem>>)
    %dma_start3A_235 = arith.constant 2 : i32
    %dma_start3A_236 = arith.constant 0 : i32
    %dma_start3A_237 = arith.constant 0 : i32
    %dma_start3A_238 = tpu.memref_slice %arg8[%dma_start3A_235, %dma_start3A_236, %dma_start3A_237] : memref<4x128x80xf32, #tpu.memory_space<vmem>> -> memref<1x128x80xf32, #tpu.memory_space<vmem>>
    %dma_start3A_239 = tpu.memref_squeeze %dma_start3A_238 : memref<1x128x80xf32, #tpu.memory_space<vmem>> -> memref<128x80xf32, #tpu.memory_space<vmem>>
    %dma_start3A_240 = arith.constant 0 : i32
    %dma_start3A_241 = tpu.memref_slice %arg9[%add3A_213, %dma_start3A_240] : memref<10240x80xf32, #tpu.memory_space<vmem_shared>> -> memref<128x80xf32, #tpu.memory_space<vmem_shared>>
    %dma_start3A_242 = arith.constant 0 : i32
    %dma_start3A_243 = tpu.memref_slice %arg9[%add3A_213, %dma_start3A_242] : memref<10240x80xf32, #tpu.memory_space<vmem_shared>> -> memref<128x80xf32, #tpu.memory_space<vmem_shared>>
    %dma_start3A_244 = arith.constant 0 : i32
    %dma_start3A_245 = arith.constant 0 : i32
    %dma_start3A_246 = tpu.memref_slice %arg8[%dma_start3A_235, %dma_start3A_244, %dma_start3A_245] : memref<4x128x80xf32, #tpu.memory_space<vmem>> -> memref<1x128x80xf32, #tpu.memory_space<vmem>>
    %dma_start3A_247 = tpu.memref_squeeze %dma_start3A_246 : memref<1x128x80xf32, #tpu.memory_space<vmem>> -> memref<128x80xf32, #tpu.memory_space<vmem>>
    tpu.enqueue_dma source(%dma_start3A_247 : memref<128x80xf32, #tpu.memory_space<vmem>>) target(%dma_start3A_243 : memref<128x80xf32, #tpu.memory_space<vmem_shared>>) target_semaphore(%arg16 : memref<!tpu.dma_semaphore, #tpu.memory_space<semaphore_mem>>)
    %mul3A_248 = arith.constant 640 : i32
    %mul3A_249 = arith.muli %arg1, %mul3A_248 : i32
    %add3A_250 = arith.constant 384 : i32
    %add3A_251 = arith.addi %mul3A_249, %add3A_250 : i32
    %dma_wait3A_252 = arith.constant 3 : i32
    %dma_wait3A_253 = arith.constant 0 : i32
    %dma_wait3A_254 = arith.constant 0 : i32
    %dma_wait3A_255 = tpu.memref_slice %arg8[%dma_wait3A_252, %dma_wait3A_253, %dma_wait3A_254] : memref<4x128x80xf32, #tpu.memory_space<vmem>> -> memref<1x128x80xf32, #tpu.memory_space<vmem>>
    %dma_wait3A_256 = tpu.memref_squeeze %dma_wait3A_255 : memref<1x128x80xf32, #tpu.memory_space<vmem>> -> memref<128x80xf32, #tpu.memory_space<vmem>>
    %dma_wait3A_257 = arith.constant 0 : i32
    %dma_wait3A_258 = arith.constant 0 : i32
    %dma_wait3A_259 = tpu.memref_slice %arg2[%arg0, %dma_wait3A_257, %dma_wait3A_258] : memref<2x10240x80xf32, #tpu.memory_space<hbm>> -> memref<1x10240x80xf32, #tpu.memory_space<hbm>>
    %dma_wait3A_260 = tpu.memref_squeeze %dma_wait3A_259 : memref<1x10240x80xf32, #tpu.memory_space<hbm>> -> memref<10240x80xf32, #tpu.memory_space<hbm>>
    %dma_wait3A_261 = arith.constant 0 : i32
    %dma_wait3A_262 = tpu.memref_slice %dma_wait3A_260[%add3A_251, %dma_wait3A_261] : memref<10240x80xf32, #tpu.memory_space<hbm>> -> memref<128x80xf32, #tpu.memory_space<hbm>>
    %dma_wait3A_263 = arith.constant 0 : i32
    %dma_wait3A_264 = arith.constant 0 : i32
    %dma_wait3A_265 = tpu.memref_slice %arg8[%dma_wait3A_252, %dma_wait3A_263, %dma_wait3A_264] : memref<4x128x80xf32, #tpu.memory_space<vmem>> -> memref<1x128x80xf32, #tpu.memory_space<vmem>>
    %dma_wait3A_266 = tpu.memref_squeeze %dma_wait3A_265 : memref<1x128x80xf32, #tpu.memory_space<vmem>> -> memref<128x80xf32, #tpu.memory_space<vmem>>
    %dma_wait3A_267 = arith.constant 0 : i32
    %dma_wait3A_268 = arith.constant 0 : i32
    %dma_wait3A_269 = tpu.memref_slice %arg2[%arg0, %dma_wait3A_267, %dma_wait3A_268] : memref<2x10240x80xf32, #tpu.memory_space<hbm>> -> memref<1x10240x80xf32, #tpu.memory_space<hbm>>
    %dma_wait3A_270 = tpu.memref_squeeze %dma_wait3A_269 : memref<1x10240x80xf32, #tpu.memory_space<hbm>> -> memref<10240x80xf32, #tpu.memory_space<hbm>>
    %dma_wait3A_271 = arith.constant 0 : i32
    %dma_wait3A_272 = tpu.memref_slice %dma_wait3A_270[%add3A_251, %dma_wait3A_271] : memref<10240x80xf32, #tpu.memory_space<hbm>> -> memref<128x80xf32, #tpu.memory_space<hbm>>
    tpu.wait_dma2 semaphore(%arg13 : memref<!tpu.dma_semaphore, #tpu.memory_space<semaphore_mem>>) src(%dma_wait3A_272 : memref<128x80xf32, #tpu.memory_space<hbm>>) dst(%dma_wait3A_266 : memref<128x80xf32, #tpu.memory_space<vmem>>)
    %dma_start3A_273 = arith.constant 3 : i32
    %dma_start3A_274 = arith.constant 0 : i32
    %dma_start3A_275 = arith.constant 0 : i32
    %dma_start3A_276 = tpu.memref_slice %arg8[%dma_start3A_273, %dma_start3A_274, %dma_start3A_275] : memref<4x128x80xf32, #tpu.memory_space<vmem>> -> memref<1x128x80xf32, #tpu.memory_space<vmem>>
    %dma_start3A_277 = tpu.memref_squeeze %dma_start3A_276 : memref<1x128x80xf32, #tpu.memory_space<vmem>> -> memref<128x80xf32, #tpu.memory_space<vmem>>
    %dma_start3A_278 = arith.constant 0 : i32
    %dma_start3A_279 = tpu.memref_slice %arg9[%add3A_251, %dma_start3A_278] : memref<10240x80xf32, #tpu.memory_space<vmem_shared>> -> memref<128x80xf32, #tpu.memory_space<vmem_shared>>
    %dma_start3A_280 = arith.constant 0 : i32
    %dma_start3A_281 = tpu.memref_slice %arg9[%add3A_251, %dma_start3A_280] : memref<10240x80xf32, #tpu.memory_space<vmem_shared>> -> memref<128x80xf32, #tpu.memory_space<vmem_shared>>
    %dma_start3A_282 = arith.constant 0 : i32
    %dma_start3A_283 = arith.constant 0 : i32
    %dma_start3A_284 = tpu.memref_slice %arg8[%dma_start3A_273, %dma_start3A_282, %dma_start3A_283] : memref<4x128x80xf32, #tpu.memory_space<vmem>> -> memref<1x128x80xf32, #tpu.memory_space<vmem>>
    %dma_start3A_285 = tpu.memref_squeeze %dma_start3A_284 : memref<1x128x80xf32, #tpu.memory_space<vmem>> -> memref<128x80xf32, #tpu.memory_space<vmem>>
    tpu.enqueue_dma source(%dma_start3A_285 : memref<128x80xf32, #tpu.memory_space<vmem>>) target(%dma_start3A_281 : memref<128x80xf32, #tpu.memory_space<vmem_shared>>) target_semaphore(%arg17 : memref<!tpu.dma_semaphore, #tpu.memory_space<semaphore_mem>>)
    %mul3A_286 = arith.constant 640 : i32
    %mul3A_287 = arith.muli %arg1, %mul3A_286 : i32
    %add3A_288 = arith.constant 512 : i32
    %add3A_289 = arith.addi %mul3A_287, %add3A_288 : i32
    %dma_wait3A_290 = arith.constant 0 : i32
    %dma_wait3A_291 = arith.constant 0 : i32
    %dma_wait3A_292 = arith.constant 0 : i32
    %dma_wait3A_293 = tpu.memref_slice %arg8[%dma_wait3A_290, %dma_wait3A_291, %dma_wait3A_292] : memref<4x128x80xf32, #tpu.memory_space<vmem>> -> memref<1x128x80xf32, #tpu.memory_space<vmem>>
    %dma_wait3A_294 = tpu.memref_squeeze %dma_wait3A_293 : memref<1x128x80xf32, #tpu.memory_space<vmem>> -> memref<128x80xf32, #tpu.memory_space<vmem>>
    %dma_wait3A_295 = arith.constant 0 : i32
    %dma_wait3A_296 = arith.constant 0 : i32
    %dma_wait3A_297 = tpu.memref_slice %arg2[%arg0, %dma_wait3A_295, %dma_wait3A_296] : memref<2x10240x80xf32, #tpu.memory_space<hbm>> -> memref<1x10240x80xf32, #tpu.memory_space<hbm>>
    %dma_wait3A_298 = tpu.memref_squeeze %dma_wait3A_297 : memref<1x10240x80xf32, #tpu.memory_space<hbm>> -> memref<10240x80xf32, #tpu.memory_space<hbm>>
    %dma_wait3A_299 = arith.constant 0 : i32
    %dma_wait3A_300 = tpu.memref_slice %dma_wait3A_298[%add3A_289, %dma_wait3A_299] : memref<10240x80xf32, #tpu.memory_space<hbm>> -> memref<128x80xf32, #tpu.memory_space<hbm>>
    %dma_wait3A_301 = arith.constant 0 : i32
    %dma_wait3A_302 = arith.constant 0 : i32
    %dma_wait3A_303 = tpu.memref_slice %arg8[%dma_wait3A_290, %dma_wait3A_301, %dma_wait3A_302] : memref<4x128x80xf32, #tpu.memory_space<vmem>> -> memref<1x128x80xf32, #tpu.memory_space<vmem>>
    %dma_wait3A_304 = tpu.memref_squeeze %dma_wait3A_303 : memref<1x128x80xf32, #tpu.memory_space<vmem>> -> memref<128x80xf32, #tpu.memory_space<vmem>>
    %dma_wait3A_305 = arith.constant 0 : i32
    %dma_wait3A_306 = arith.constant 0 : i32
    %dma_wait3A_307 = tpu.memref_slice %arg2[%arg0, %dma_wait3A_305, %dma_wait3A_306] : memref<2x10240x80xf32, #tpu.memory_space<hbm>> -> memref<1x10240x80xf32, #tpu.memory_space<hbm>>
    %dma_wait3A_308 = tpu.memref_squeeze %dma_wait3A_307 : memref<1x10240x80xf32, #tpu.memory_space<hbm>> -> memref<10240x80xf32, #tpu.memory_space<hbm>>
    %dma_wait3A_309 = arith.constant 0 : i32
    %dma_wait3A_310 = tpu.memref_slice %dma_wait3A_308[%add3A_289, %dma_wait3A_309] : memref<10240x80xf32, #tpu.memory_space<hbm>> -> memref<128x80xf32, #tpu.memory_space<hbm>>
    tpu.wait_dma2 semaphore(%arg10 : memref<!tpu.dma_semaphore, #tpu.memory_space<semaphore_mem>>) src(%dma_wait3A_310 : memref<128x80xf32, #tpu.memory_space<hbm>>) dst(%dma_wait3A_304 : memref<128x80xf32, #tpu.memory_space<vmem>>)
    %dma_start3A_311 = arith.constant 0 : i32
    %dma_start3A_312 = arith.constant 0 : i32
    %dma_start3A_313 = arith.constant 0 : i32
    %dma_start3A_314 = tpu.memref_slice %arg8[%dma_start3A_311, %dma_start3A_312, %dma_start3A_313] : memref<4x128x80xf32, #tpu.memory_space<vmem>> -> memref<1x128x80xf32, #tpu.memory_space<vmem>>
    %dma_start3A_315 = tpu.memref_squeeze %dma_start3A_314 : memref<1x128x80xf32, #tpu.memory_space<vmem>> -> memref<128x80xf32, #tpu.memory_space<vmem>>
    %dma_start3A_316 = arith.constant 0 : i32
    %dma_start3A_317 = tpu.memref_slice %arg9[%add3A_289, %dma_start3A_316] : memref<10240x80xf32, #tpu.memory_space<vmem_shared>> -> memref<128x80xf32, #tpu.memory_space<vmem_shared>>
    %dma_start3A_318 = arith.constant 0 : i32
    %dma_start3A_319 = tpu.memref_slice %arg9[%add3A_289, %dma_start3A_318] : memref<10240x80xf32, #tpu.memory_space<vmem_shared>> -> memref<128x80xf32, #tpu.memory_space<vmem_shared>>
    %dma_start3A_320 = arith.constant 0 : i32
    %dma_start3A_321 = arith.constant 0 : i32
    %dma_start3A_322 = tpu.memref_slice %arg8[%dma_start3A_311, %dma_start3A_320, %dma_start3A_321] : memref<4x128x80xf32, #tpu.memory_space<vmem>> -> memref<1x128x80xf32, #tpu.memory_space<vmem>>
    %dma_start3A_323 = tpu.memref_squeeze %dma_start3A_322 : memref<1x128x80xf32, #tpu.memory_space<vmem>> -> memref<128x80xf32, #tpu.memory_space<vmem>>
    tpu.enqueue_dma source(%dma_start3A_323 : memref<128x80xf32, #tpu.memory_space<vmem>>) target(%dma_start3A_319 : memref<128x80xf32, #tpu.memory_space<vmem_shared>>) target_semaphore(%arg14 : memref<!tpu.dma_semaphore, #tpu.memory_space<semaphore_mem>>)
    %mul3A_324 = arith.constant 640 : i32
    %mul3A_325 = arith.muli %arg1, %mul3A_324 : i32
    %add3A_326 = arith.constant 128 : i32
    %add3A_327 = arith.addi %mul3A_325, %add3A_326 : i32
    %dma_wait3A_328 = arith.constant 1 : i32
    %dma_wait3A_329 = arith.constant 0 : i32
    %dma_wait3A_330 = arith.constant 0 : i32
    %dma_wait3A_331 = tpu.memref_slice %arg8[%dma_wait3A_328, %dma_wait3A_329, %dma_wait3A_330] : memref<4x128x80xf32, #tpu.memory_space<vmem>> -> memref<1x128x80xf32, #tpu.memory_space<vmem>>
    %dma_wait3A_332 = tpu.memref_squeeze %dma_wait3A_331 : memref<1x128x80xf32, #tpu.memory_space<vmem>> -> memref<128x80xf32, #tpu.memory_space<vmem>>
    %dma_wait3A_333 = arith.constant 0 : i32
    %dma_wait3A_334 = tpu.memref_slice %arg9[%add3A_327, %dma_wait3A_333] : memref<10240x80xf32, #tpu.memory_space<vmem_shared>> -> memref<128x80xf32, #tpu.memory_space<vmem_shared>>
    %dma_wait3A_335 = arith.constant 0 : i32
    %dma_wait3A_336 = tpu.memref_slice %arg9[%add3A_327, %dma_wait3A_335] : memref<10240x80xf32, #tpu.memory_space<vmem_shared>> -> memref<128x80xf32, #tpu.memory_space<vmem_shared>>
    %dma_wait3A_337 = arith.constant 0 : i32
    %dma_wait3A_338 = arith.constant 0 : i32
    %dma_wait3A_339 = tpu.memref_slice %arg8[%dma_wait3A_328, %dma_wait3A_337, %dma_wait3A_338] : memref<4x128x80xf32, #tpu.memory_space<vmem>> -> memref<1x128x80xf32, #tpu.memory_space<vmem>>
    %dma_wait3A_340 = tpu.memref_squeeze %dma_wait3A_339 : memref<1x128x80xf32, #tpu.memory_space<vmem>> -> memref<128x80xf32, #tpu.memory_space<vmem>>
    tpu.wait_dma2 semaphore(%arg15 : memref<!tpu.dma_semaphore, #tpu.memory_space<semaphore_mem>>) src(%dma_wait3A_340 : memref<128x80xf32, #tpu.memory_space<vmem>>) dst(%dma_wait3A_336 : memref<128x80xf32, #tpu.memory_space<vmem_shared>>)
    %mul3A_341 = arith.constant 640 : i32
    %mul3A_342 = arith.muli %arg1, %mul3A_341 : i32
    %add3A_343 = arith.constant 256 : i32
    %add3A_344 = arith.addi %mul3A_342, %add3A_343 : i32
    %dma_wait3A_345 = arith.constant 2 : i32
    %dma_wait3A_346 = arith.constant 0 : i32
    %dma_wait3A_347 = arith.constant 0 : i32
    %dma_wait3A_348 = tpu.memref_slice %arg8[%dma_wait3A_345, %dma_wait3A_346, %dma_wait3A_347] : memref<4x128x80xf32, #tpu.memory_space<vmem>> -> memref<1x128x80xf32, #tpu.memory_space<vmem>>
    %dma_wait3A_349 = tpu.memref_squeeze %dma_wait3A_348 : memref<1x128x80xf32, #tpu.memory_space<vmem>> -> memref<128x80xf32, #tpu.memory_space<vmem>>
    %dma_wait3A_350 = arith.constant 0 : i32
    %dma_wait3A_351 = tpu.memref_slice %arg9[%add3A_344, %dma_wait3A_350] : memref<10240x80xf32, #tpu.memory_space<vmem_shared>> -> memref<128x80xf32, #tpu.memory_space<vmem_shared>>
    %dma_wait3A_352 = arith.constant 0 : i32
    %dma_wait3A_353 = tpu.memref_slice %arg9[%add3A_344, %dma_wait3A_352] : memref<10240x80xf32, #tpu.memory_space<vmem_shared>> -> memref<128x80xf32, #tpu.memory_space<vmem_shared>>
    %dma_wait3A_354 = arith.constant 0 : i32
    %dma_wait3A_355 = arith.constant 0 : i32
    %dma_wait3A_356 = tpu.memref_slice %arg8[%dma_wait3A_345, %dma_wait3A_354, %dma_wait3A_355] : memref<4x128x80xf32, #tpu.memory_space<vmem>> -> memref<1x128x80xf32, #tpu.memory_space<vmem>>
    %dma_wait3A_357 = tpu.memref_squeeze %dma_wait3A_356 : memref<1x128x80xf32, #tpu.memory_space<vmem>> -> memref<128x80xf32, #tpu.memory_space<vmem>>
    tpu.wait_dma2 semaphore(%arg16 : memref<!tpu.dma_semaphore, #tpu.memory_space<semaphore_mem>>) src(%dma_wait3A_357 : memref<128x80xf32, #tpu.memory_space<vmem>>) dst(%dma_wait3A_353 : memref<128x80xf32, #tpu.memory_space<vmem_shared>>)
    %mul3A_358 = arith.constant 640 : i32
    %mul3A_359 = arith.muli %arg1, %mul3A_358 : i32
    %add3A_360 = arith.constant 384 : i32
    %add3A_361 = arith.addi %mul3A_359, %add3A_360 : i32
    %dma_wait3A_362 = arith.constant 3 : i32
    %dma_wait3A_363 = arith.constant 0 : i32
    %dma_wait3A_364 = arith.constant 0 : i32
    %dma_wait3A_365 = tpu.memref_slice %arg8[%dma_wait3A_362, %dma_wait3A_363, %dma_wait3A_364] : memref<4x128x80xf32, #tpu.memory_space<vmem>> -> memref<1x128x80xf32, #tpu.memory_space<vmem>>
    %dma_wait3A_366 = tpu.memref_squeeze %dma_wait3A_365 : memref<1x128x80xf32, #tpu.memory_space<vmem>> -> memref<128x80xf32, #tpu.memory_space<vmem>>
    %dma_wait3A_367 = arith.constant 0 : i32
    %dma_wait3A_368 = tpu.memref_slice %arg9[%add3A_361, %dma_wait3A_367] : memref<10240x80xf32, #tpu.memory_space<vmem_shared>> -> memref<128x80xf32, #tpu.memory_space<vmem_shared>>
    %dma_wait3A_369 = arith.constant 0 : i32
    %dma_wait3A_370 = tpu.memref_slice %arg9[%add3A_361, %dma_wait3A_369] : memref<10240x80xf32, #tpu.memory_space<vmem_shared>> -> memref<128x80xf32, #tpu.memory_space<vmem_shared>>
    %dma_wait3A_371 = arith.constant 0 : i32
    %dma_wait3A_372 = arith.constant 0 : i32
    %dma_wait3A_373 = tpu.memref_slice %arg8[%dma_wait3A_362, %dma_wait3A_371, %dma_wait3A_372] : memref<4x128x80xf32, #tpu.memory_space<vmem>> -> memref<1x128x80xf32, #tpu.memory_space<vmem>>
    %dma_wait3A_374 = tpu.memref_squeeze %dma_wait3A_373 : memref<1x128x80xf32, #tpu.memory_space<vmem>> -> memref<128x80xf32, #tpu.memory_space<vmem>>
    tpu.wait_dma2 semaphore(%arg17 : memref<!tpu.dma_semaphore, #tpu.memory_space<semaphore_mem>>) src(%dma_wait3A_374 : memref<128x80xf32, #tpu.memory_space<vmem>>) dst(%dma_wait3A_370 : memref<128x80xf32, #tpu.memory_space<vmem_shared>>)
    %mul3A_375 = arith.constant 640 : i32
    %mul3A_376 = arith.muli %arg1, %mul3A_375 : i32
    %add3A_377 = arith.constant 512 : i32
    %add3A_378 = arith.addi %mul3A_376, %add3A_377 : i32
    %dma_wait3A_379 = arith.constant 0 : i32
    %dma_wait3A_380 = arith.constant 0 : i32
    %dma_wait3A_381 = arith.constant 0 : i32
    %dma_wait3A_382 = tpu.memref_slice %arg8[%dma_wait3A_379, %dma_wait3A_380, %dma_wait3A_381] : memref<4x128x80xf32, #tpu.memory_space<vmem>> -> memref<1x128x80xf32, #tpu.memory_space<vmem>>
    %dma_wait3A_383 = tpu.memref_squeeze %dma_wait3A_382 : memref<1x128x80xf32, #tpu.memory_space<vmem>> -> memref<128x80xf32, #tpu.memory_space<vmem>>
    %dma_wait3A_384 = arith.constant 0 : i32
    %dma_wait3A_385 = tpu.memref_slice %arg9[%add3A_378, %dma_wait3A_384] : memref<10240x80xf32, #tpu.memory_space<vmem_shared>> -> memref<128x80xf32, #tpu.memory_space<vmem_shared>>
    %dma_wait3A_386 = arith.constant 0 : i32
    %dma_wait3A_387 = tpu.memref_slice %arg9[%add3A_378, %dma_wait3A_386] : memref<10240x80xf32, #tpu.memory_space<vmem_shared>> -> memref<128x80xf32, #tpu.memory_space<vmem_shared>>
    %dma_wait3A_388 = arith.constant 0 : i32
    %dma_wait3A_389 = arith.constant 0 : i32
    %dma_wait3A_390 = tpu.memref_slice %arg8[%dma_wait3A_379, %dma_wait3A_388, %dma_wait3A_389] : memref<4x128x80xf32, #tpu.memory_space<vmem>> -> memref<1x128x80xf32, #tpu.memory_space<vmem>>
    %dma_wait3A_391 = tpu.memref_squeeze %dma_wait3A_390 : memref<1x128x80xf32, #tpu.memory_space<vmem>> -> memref<128x80xf32, #tpu.memory_space<vmem>>
    tpu.wait_dma2 semaphore(%arg14 : memref<!tpu.dma_semaphore, #tpu.memory_space<semaphore_mem>>) src(%dma_wait3A_391 : memref<128x80xf32, #tpu.memory_space<vmem>>) dst(%dma_wait3A_387 : memref<128x80xf32, #tpu.memory_space<vmem_shared>>)
    %barrier3A = arith.constant 0 : index
    tpu.barrier barrier_id(%barrier3A)
    %dma_start3A_392 = arith.constant 0 : i32
    %dma_start3A_393 = arith.constant 0 : i32
    %dma_start3A_394 = arith.constant 0 : i32
    %dma_start3A_395 = arith.constant 0 : i32
    %dma_start3A_396 = tpu.memref_slice %arg8[%dma_start3A_393, %dma_start3A_394, %dma_start3A_395] : memref<4x128x80xf32, #tpu.memory_space<vmem>> -> memref<1x128x80xf32, #tpu.memory_space<vmem>>
    %dma_start3A_397 = tpu.memref_squeeze %dma_start3A_396 : memref<1x128x80xf32, #tpu.memory_space<vmem>> -> memref<128x80xf32, #tpu.memory_space<vmem>>
    %dma_start3A_398 = arith.constant 0 : i32
    %dma_start3A_399 = tpu.memref_slice %arg6[%dma_start3A_392, %dma_start3A_398] : memref<80x128xi32, #tpu.memory_space<vmem>> -> memref<1x128xi32, #tpu.memory_space<vmem>>
    %dma_start3A_400 = tpu.memref_squeeze %dma_start3A_399 : memref<1x128xi32, #tpu.memory_space<vmem>> -> memref<128xi32, #tpu.memory_space<vmem>>
    %dma_start3A_401 = arith.constant 0 : i32
    %dma_start3A_402 = arith.constant 0 : i32
    %dma_start3A_403 = tpu.memref_slice %arg2[%arg0, %dma_start3A_401, %dma_start3A_402] : memref<2x10240x80xf32, #tpu.memory_space<hbm>> -> memref<1x10240x80xf32, #tpu.memory_space<hbm>>
    %dma_start3A_404 = tpu.memref_squeeze %dma_start3A_403 : memref<1x10240x80xf32, #tpu.memory_space<hbm>> -> memref<10240x80xf32, #tpu.memory_space<hbm>>
    %dma_start3A_405 = arith.constant 0 : i32
    %dma_start3A_406 = arith.constant 0 : i32
    %dma_start3A_407 = tpu.memref_slice %dma_start3A_404[%dma_start3A_405, %dma_start3A_406] : memref<10240x80xf32, #tpu.memory_space<hbm>> -> memref<10240x80xf32, #tpu.memory_space<hbm>>
    tpu.enqueue_indirect_dma source(%dma_start3A_407 : memref<10240x80xf32, #tpu.memory_space<hbm>>) target(%dma_start3A_397 : memref<128x80xf32, #tpu.memory_space<vmem>>) offsets(%dma_start3A_400 : memref<128xi32, #tpu.memory_space<vmem>>) semaphore(%arg10 : memref<!tpu.dma_semaphore, #tpu.memory_space<semaphore_mem>>)
    %dma_start3A_408 = arith.constant 1 : i32
    %dma_start3A_409 = arith.constant 1 : i32
    %dma_start3A_410 = arith.constant 0 : i32
    %dma_start3A_411 = arith.constant 0 : i32
    %dma_start3A_412 = tpu.memref_slice %arg8[%dma_start3A_409, %dma_start3A_410, %dma_start3A_411] : memref<4x128x80xf32, #tpu.memory_space<vmem>> -> memref<1x128x80xf32, #tpu.memory_space<vmem>>
    %dma_start3A_413 = tpu.memref_squeeze %dma_start3A_412 : memref<1x128x80xf32, #tpu.memory_space<vmem>> -> memref<128x80xf32, #tpu.memory_space<vmem>>
    %dma_start3A_414 = arith.constant 0 : i32
    %dma_start3A_415 = tpu.memref_slice %arg6[%dma_start3A_408, %dma_start3A_414] : memref<80x128xi32, #tpu.memory_space<vmem>> -> memref<1x128xi32, #tpu.memory_space<vmem>>
    %dma_start3A_416 = tpu.memref_squeeze %dma_start3A_415 : memref<1x128xi32, #tpu.memory_space<vmem>> -> memref<128xi32, #tpu.memory_space<vmem>>
    %dma_start3A_417 = arith.constant 0 : i32
    %dma_start3A_418 = arith.constant 0 : i32
    %dma_start3A_419 = tpu.memref_slice %arg2[%arg0, %dma_start3A_417, %dma_start3A_418] : memref<2x10240x80xf32, #tpu.memory_space<hbm>> -> memref<1x10240x80xf32, #tpu.memory_space<hbm>>
    %dma_start3A_420 = tpu.memref_squeeze %dma_start3A_419 : memref<1x10240x80xf32, #tpu.memory_space<hbm>> -> memref<10240x80xf32, #tpu.memory_space<hbm>>
    %dma_start3A_421 = arith.constant 0 : i32
    %dma_start3A_422 = arith.constant 0 : i32
    %dma_start3A_423 = tpu.memref_slice %dma_start3A_420[%dma_start3A_421, %dma_start3A_422] : memref<10240x80xf32, #tpu.memory_space<hbm>> -> memref<10240x80xf32, #tpu.memory_space<hbm>>
    tpu.enqueue_indirect_dma source(%dma_start3A_423 : memref<10240x80xf32, #tpu.memory_space<hbm>>) target(%dma_start3A_413 : memref<128x80xf32, #tpu.memory_space<vmem>>) offsets(%dma_start3A_416 : memref<128xi32, #tpu.memory_space<vmem>>) semaphore(%arg11 : memref<!tpu.dma_semaphore, #tpu.memory_space<semaphore_mem>>)
    %dma_start3A_424 = arith.constant 2 : i32
    %dma_start3A_425 = arith.constant 2 : i32
    %dma_start3A_426 = arith.constant 0 : i32
    %dma_start3A_427 = arith.constant 0 : i32
    %dma_start3A_428 = tpu.memref_slice %arg8[%dma_start3A_425, %dma_start3A_426, %dma_start3A_427] : memref<4x128x80xf32, #tpu.memory_space<vmem>> -> memref<1x128x80xf32, #tpu.memory_space<vmem>>
    %dma_start3A_429 = tpu.memref_squeeze %dma_start3A_428 : memref<1x128x80xf32, #tpu.memory_space<vmem>> -> memref<128x80xf32, #tpu.memory_space<vmem>>
    %dma_start3A_430 = arith.constant 0 : i32
    %dma_start3A_431 = tpu.memref_slice %arg6[%dma_start3A_424, %dma_start3A_430] : memref<80x128xi32, #tpu.memory_space<vmem>> -> memref<1x128xi32, #tpu.memory_space<vmem>>
    %dma_start3A_432 = tpu.memref_squeeze %dma_start3A_431 : memref<1x128xi32, #tpu.memory_space<vmem>> -> memref<128xi32, #tpu.memory_space<vmem>>
    %dma_start3A_433 = arith.constant 0 : i32
    %dma_start3A_434 = arith.constant 0 : i32
    %dma_start3A_435 = tpu.memref_slice %arg2[%arg0, %dma_start3A_433, %dma_start3A_434] : memref<2x10240x80xf32, #tpu.memory_space<hbm>> -> memref<1x10240x80xf32, #tpu.memory_space<hbm>>
    %dma_start3A_436 = tpu.memref_squeeze %dma_start3A_435 : memref<1x10240x80xf32, #tpu.memory_space<hbm>> -> memref<10240x80xf32, #tpu.memory_space<hbm>>
    %dma_start3A_437 = arith.constant 0 : i32
    %dma_start3A_438 = arith.constant 0 : i32
    %dma_start3A_439 = tpu.memref_slice %dma_start3A_436[%dma_start3A_437, %dma_start3A_438] : memref<10240x80xf32, #tpu.memory_space<hbm>> -> memref<10240x80xf32, #tpu.memory_space<hbm>>
    tpu.enqueue_indirect_dma source(%dma_start3A_439 : memref<10240x80xf32, #tpu.memory_space<hbm>>) target(%dma_start3A_429 : memref<128x80xf32, #tpu.memory_space<vmem>>) offsets(%dma_start3A_432 : memref<128xi32, #tpu.memory_space<vmem>>) semaphore(%arg12 : memref<!tpu.dma_semaphore, #tpu.memory_space<semaphore_mem>>)
    %dma_start3A_440 = arith.constant 3 : i32
    %dma_start3A_441 = arith.constant 3 : i32
    %dma_start3A_442 = arith.constant 0 : i32
    %dma_start3A_443 = arith.constant 0 : i32
    %dma_start3A_444 = tpu.memref_slice %arg8[%dma_start3A_441, %dma_start3A_442, %dma_start3A_443] : memref<4x128x80xf32, #tpu.memory_space<vmem>> -> memref<1x128x80xf32, #tpu.memory_space<vmem>>
    %dma_start3A_445 = tpu.memref_squeeze %dma_start3A_444 : memref<1x128x80xf32, #tpu.memory_space<vmem>> -> memref<128x80xf32, #tpu.memory_space<vmem>>
    %dma_start3A_446 = arith.constant 0 : i32
    %dma_start3A_447 = tpu.memref_slice %arg6[%dma_start3A_440, %dma_start3A_446] : memref<80x128xi32, #tpu.memory_space<vmem>> -> memref<1x128xi32, #tpu.memory_space<vmem>>
    %dma_start3A_448 = tpu.memref_squeeze %dma_start3A_447 : memref<1x128xi32, #tpu.memory_space<vmem>> -> memref<128xi32, #tpu.memory_space<vmem>>
    %dma_start3A_449 = arith.constant 0 : i32
    %dma_start3A_450 = arith.constant 0 : i32
    %dma_start3A_451 = tpu.memref_slice %arg2[%arg0, %dma_start3A_449, %dma_start3A_450] : memref<2x10240x80xf32, #tpu.memory_space<hbm>> -> memref<1x10240x80xf32, #tpu.memory_space<hbm>>
    %dma_start3A_452 = tpu.memref_squeeze %dma_start3A_451 : memref<1x10240x80xf32, #tpu.memory_space<hbm>> -> memref<10240x80xf32, #tpu.memory_space<hbm>>
    %dma_start3A_453 = arith.constant 0 : i32
    %dma_start3A_454 = arith.constant 0 : i32
    %dma_start3A_455 = tpu.memref_slice %dma_start3A_452[%dma_start3A_453, %dma_start3A_454] : memref<10240x80xf32, #tpu.memory_space<hbm>> -> memref<10240x80xf32, #tpu.memory_space<hbm>>
    tpu.enqueue_indirect_dma source(%dma_start3A_455 : memref<10240x80xf32, #tpu.memory_space<hbm>>) target(%dma_start3A_445 : memref<128x80xf32, #tpu.memory_space<vmem>>) offsets(%dma_start3A_448 : memref<128xi32, #tpu.memory_space<vmem>>) semaphore(%arg13 : memref<!tpu.dma_semaphore, #tpu.memory_space<semaphore_mem>>)
    %scan3A = arith.constant 0 : i32
    %scan3A_456 = arith.constant 0 : i32
    %scan3A_457 = arith.constant 20 : i32
    %scan3A_458 = arith.addi %scan3A_456, %scan3A_457 : i32
    %scan3A_459 = arith.constant 1 : i32
    scf.for %scan3A_514 = %scan3A_456 to %scan3A_458 step %scan3A_459  : i32 {
      %mul3A_515 = arith.constant 4 : i32
      %mul3A_516 = arith.muli %scan3A_514, %mul3A_515 : i32
      %dma_wait3A_517 = arith.constant 0 : i32
      %dma_wait3A_518 = arith.constant 0 : i32
      %dma_wait3A_519 = arith.constant 0 : i32
      %dma_wait3A_520 = arith.constant 0 : i32
      %dma_wait3A_521 = tpu.memref_slice %arg8[%dma_wait3A_518, %dma_wait3A_519, %dma_wait3A_520] : memref<4x128x80xf32, #tpu.memory_space<vmem>> -> memref<1x128x80xf32, #tpu.memory_space<vmem>>
      %dma_wait3A_522 = tpu.memref_squeeze %dma_wait3A_521 : memref<1x128x80xf32, #tpu.memory_space<vmem>> -> memref<128x80xf32, #tpu.memory_space<vmem>>
      %dma_wait3A_523 = arith.constant 0 : i32
      %dma_wait3A_524 = tpu.memref_slice %arg6[%dma_wait3A_517, %dma_wait3A_523] : memref<80x128xi32, #tpu.memory_space<vmem>> -> memref<1x128xi32, #tpu.memory_space<vmem>>
      %dma_wait3A_525 = tpu.memref_squeeze %dma_wait3A_524 : memref<1x128xi32, #tpu.memory_space<vmem>> -> memref<128xi32, #tpu.memory_space<vmem>>
      %dma_wait3A_526 = arith.constant 0 : i32
      %dma_wait3A_527 = arith.constant 0 : i32
      %dma_wait3A_528 = tpu.memref_slice %arg2[%arg0, %dma_wait3A_526, %dma_wait3A_527] : memref<2x10240x80xf32, #tpu.memory_space<hbm>> -> memref<1x10240x80xf32, #tpu.memory_space<hbm>>
      %dma_wait3A_529 = tpu.memref_squeeze %dma_wait3A_528 : memref<1x10240x80xf32, #tpu.memory_space<hbm>> -> memref<10240x80xf32, #tpu.memory_space<hbm>>
      %dma_wait3A_530 = arith.constant 0 : i32
      %dma_wait3A_531 = arith.constant 0 : i32
      %dma_wait3A_532 = tpu.memref_slice %dma_wait3A_529[%dma_wait3A_530, %dma_wait3A_531] : memref<10240x80xf32, #tpu.memory_space<hbm>> -> memref<10240x80xf32, #tpu.memory_space<hbm>>
      tpu.wait_indirect_dma semaphore(%arg10 : memref<!tpu.dma_semaphore, #tpu.memory_space<semaphore_mem>>) src(%dma_wait3A_532 : memref<10240x80xf32, #tpu.memory_space<hbm>>) dst(%dma_wait3A_522 : memref<128x80xf32, #tpu.memory_space<vmem>>)
      %add3A_533 = arith.constant 0 : i32
      %add3A_534 = arith.addi %mul3A_516, %add3A_533 : i32
      %dma_start3A_535 = arith.constant 0 : i32
      %dma_start3A_536 = arith.constant 0 : i32
      %dma_start3A_537 = arith.constant 0 : i32
      %dma_start3A_538 = tpu.memref_slice %arg8[%dma_start3A_535, %dma_start3A_536, %dma_start3A_537] : memref<4x128x80xf32, #tpu.memory_space<vmem>> -> memref<1x128x80xf32, #tpu.memory_space<vmem>>
      %dma_start3A_539 = tpu.memref_squeeze %dma_start3A_538 : memref<1x128x80xf32, #tpu.memory_space<vmem>> -> memref<128x80xf32, #tpu.memory_space<vmem>>
      %dma_start3A_540 = arith.constant 0 : i32
      %dma_start3A_541 = tpu.memref_slice %arg7[%add3A_534, %dma_start3A_540] : memref<80x128xi32, #tpu.memory_space<vmem>> -> memref<1x128xi32, #tpu.memory_space<vmem>>
      %dma_start3A_542 = tpu.memref_squeeze %dma_start3A_541 : memref<1x128xi32, #tpu.memory_space<vmem>> -> memref<128xi32, #tpu.memory_space<vmem>>
      %dma_start3A_543 = arith.constant 0 : i32
      %dma_start3A_544 = arith.constant 0 : i32
      %dma_start3A_545 = tpu.memref_slice %arg9[%dma_start3A_543, %dma_start3A_544] : memref<10240x80xf32, #tpu.memory_space<vmem_shared>> -> memref<10240x80xf32, #tpu.memory_space<vmem_shared>>
      tpu.enqueue_indirect_dma source(%dma_start3A_539 : memref<128x80xf32, #tpu.memory_space<vmem>>) target(%dma_start3A_545 : memref<10240x80xf32, #tpu.memory_space<vmem_shared>>) offsets(%dma_start3A_542 : memref<128xi32, #tpu.memory_space<vmem>>) semaphore(%arg14 : memref<!tpu.dma_semaphore, #tpu.memory_space<semaphore_mem>>) {add = true}
      %dma_wait3A_546 = arith.constant 0 : i32
      %dma_wait3A_547 = arith.constant 1 : i32
      %dma_wait3A_548 = arith.constant 0 : i32
      %dma_wait3A_549 = arith.constant 0 : i32
      %dma_wait3A_550 = tpu.memref_slice %arg8[%dma_wait3A_547, %dma_wait3A_548, %dma_wait3A_549] : memref<4x128x80xf32, #tpu.memory_space<vmem>> -> memref<1x128x80xf32, #tpu.memory_space<vmem>>
      %dma_wait3A_551 = tpu.memref_squeeze %dma_wait3A_550 : memref<1x128x80xf32, #tpu.memory_space<vmem>> -> memref<128x80xf32, #tpu.memory_space<vmem>>
      %dma_wait3A_552 = arith.constant 0 : i32
      %dma_wait3A_553 = tpu.memref_slice %arg6[%dma_wait3A_546, %dma_wait3A_552] : memref<80x128xi32, #tpu.memory_space<vmem>> -> memref<1x128xi32, #tpu.memory_space<vmem>>
      %dma_wait3A_554 = tpu.memref_squeeze %dma_wait3A_553 : memref<1x128xi32, #tpu.memory_space<vmem>> -> memref<128xi32, #tpu.memory_space<vmem>>
      %dma_wait3A_555 = arith.constant 0 : i32
      %dma_wait3A_556 = arith.constant 0 : i32
      %dma_wait3A_557 = tpu.memref_slice %arg2[%arg0, %dma_wait3A_555, %dma_wait3A_556] : memref<2x10240x80xf32, #tpu.memory_space<hbm>> -> memref<1x10240x80xf32, #tpu.memory_space<hbm>>
      %dma_wait3A_558 = tpu.memref_squeeze %dma_wait3A_557 : memref<1x10240x80xf32, #tpu.memory_space<hbm>> -> memref<10240x80xf32, #tpu.memory_space<hbm>>
      %dma_wait3A_559 = arith.constant 0 : i32
      %dma_wait3A_560 = arith.constant 0 : i32
      %dma_wait3A_561 = tpu.memref_slice %dma_wait3A_558[%dma_wait3A_559, %dma_wait3A_560] : memref<10240x80xf32, #tpu.memory_space<hbm>> -> memref<10240x80xf32, #tpu.memory_space<hbm>>
      tpu.wait_indirect_dma semaphore(%arg11 : memref<!tpu.dma_semaphore, #tpu.memory_space<semaphore_mem>>) src(%dma_wait3A_561 : memref<10240x80xf32, #tpu.memory_space<hbm>>) dst(%dma_wait3A_551 : memref<128x80xf32, #tpu.memory_space<vmem>>)
      %add3A_562 = arith.constant 1 : i32
      %add3A_563 = arith.addi %mul3A_516, %add3A_562 : i32
      %dma_start3A_564 = arith.constant 1 : i32
      %dma_start3A_565 = arith.constant 0 : i32
      %dma_start3A_566 = arith.constant 0 : i32
      %dma_start3A_567 = tpu.memref_slice %arg8[%dma_start3A_564, %dma_start3A_565, %dma_start3A_566] : memref<4x128x80xf32, #tpu.memory_space<vmem>> -> memref<1x128x80xf32, #tpu.memory_space<vmem>>
      %dma_start3A_568 = tpu.memref_squeeze %dma_start3A_567 : memref<1x128x80xf32, #tpu.memory_space<vmem>> -> memref<128x80xf32, #tpu.memory_space<vmem>>
      %dma_start3A_569 = arith.constant 0 : i32
      %dma_start3A_570 = tpu.memref_slice %arg7[%add3A_563, %dma_start3A_569] : memref<80x128xi32, #tpu.memory_space<vmem>> -> memref<1x128xi32, #tpu.memory_space<vmem>>
      %dma_start3A_571 = tpu.memref_squeeze %dma_start3A_570 : memref<1x128xi32, #tpu.memory_space<vmem>> -> memref<128xi32, #tpu.memory_space<vmem>>
      %dma_start3A_572 = arith.constant 0 : i32
      %dma_start3A_573 = arith.constant 0 : i32
      %dma_start3A_574 = tpu.memref_slice %arg9[%dma_start3A_572, %dma_start3A_573] : memref<10240x80xf32, #tpu.memory_space<vmem_shared>> -> memref<10240x80xf32, #tpu.memory_space<vmem_shared>>
      tpu.enqueue_indirect_dma source(%dma_start3A_568 : memref<128x80xf32, #tpu.memory_space<vmem>>) target(%dma_start3A_574 : memref<10240x80xf32, #tpu.memory_space<vmem_shared>>) offsets(%dma_start3A_571 : memref<128xi32, #tpu.memory_space<vmem>>) semaphore(%arg15 : memref<!tpu.dma_semaphore, #tpu.memory_space<semaphore_mem>>) {add = true}
      %dma_wait3A_575 = arith.constant 0 : i32
      %dma_wait3A_576 = arith.constant 2 : i32
      %dma_wait3A_577 = arith.constant 0 : i32
      %dma_wait3A_578 = arith.constant 0 : i32
      %dma_wait3A_579 = tpu.memref_slice %arg8[%dma_wait3A_576, %dma_wait3A_577, %dma_wait3A_578] : memref<4x128x80xf32, #tpu.memory_space<vmem>> -> memref<1x128x80xf32, #tpu.memory_space<vmem>>
      %dma_wait3A_580 = tpu.memref_squeeze %dma_wait3A_579 : memref<1x128x80xf32, #tpu.memory_space<vmem>> -> memref<128x80xf32, #tpu.memory_space<vmem>>
      %dma_wait3A_581 = arith.constant 0 : i32
      %dma_wait3A_582 = tpu.memref_slice %arg6[%dma_wait3A_575, %dma_wait3A_581] : memref<80x128xi32, #tpu.memory_space<vmem>> -> memref<1x128xi32, #tpu.memory_space<vmem>>
      %dma_wait3A_583 = tpu.memref_squeeze %dma_wait3A_582 : memref<1x128xi32, #tpu.memory_space<vmem>> -> memref<128xi32, #tpu.memory_space<vmem>>
      %dma_wait3A_584 = arith.constant 0 : i32
      %dma_wait3A_585 = arith.constant 0 : i32
      %dma_wait3A_586 = tpu.memref_slice %arg2[%arg0, %dma_wait3A_584, %dma_wait3A_585] : memref<2x10240x80xf32, #tpu.memory_space<hbm>> -> memref<1x10240x80xf32, #tpu.memory_space<hbm>>
      %dma_wait3A_587 = tpu.memref_squeeze %dma_wait3A_586 : memref<1x10240x80xf32, #tpu.memory_space<hbm>> -> memref<10240x80xf32, #tpu.memory_space<hbm>>
      %dma_wait3A_588 = arith.constant 0 : i32
      %dma_wait3A_589 = arith.constant 0 : i32
      %dma_wait3A_590 = tpu.memref_slice %dma_wait3A_587[%dma_wait3A_588, %dma_wait3A_589] : memref<10240x80xf32, #tpu.memory_space<hbm>> -> memref<10240x80xf32, #tpu.memory_space<hbm>>
      tpu.wait_indirect_dma semaphore(%arg12 : memref<!tpu.dma_semaphore, #tpu.memory_space<semaphore_mem>>) src(%dma_wait3A_590 : memref<10240x80xf32, #tpu.memory_space<hbm>>) dst(%dma_wait3A_580 : memref<128x80xf32, #tpu.memory_space<vmem>>)
      %add3A_591 = arith.constant 2 : i32
      %add3A_592 = arith.addi %mul3A_516, %add3A_591 : i32
      %dma_start3A_593 = arith.constant 2 : i32
      %dma_start3A_594 = arith.constant 0 : i32
      %dma_start3A_595 = arith.constant 0 : i32
      %dma_start3A_596 = tpu.memref_slice %arg8[%dma_start3A_593, %dma_start3A_594, %dma_start3A_595] : memref<4x128x80xf32, #tpu.memory_space<vmem>> -> memref<1x128x80xf32, #tpu.memory_space<vmem>>
      %dma_start3A_597 = tpu.memref_squeeze %dma_start3A_596 : memref<1x128x80xf32, #tpu.memory_space<vmem>> -> memref<128x80xf32, #tpu.memory_space<vmem>>
      %dma_start3A_598 = arith.constant 0 : i32
      %dma_start3A_599 = tpu.memref_slice %arg7[%add3A_592, %dma_start3A_598] : memref<80x128xi32, #tpu.memory_space<vmem>> -> memref<1x128xi32, #tpu.memory_space<vmem>>
      %dma_start3A_600 = tpu.memref_squeeze %dma_start3A_599 : memref<1x128xi32, #tpu.memory_space<vmem>> -> memref<128xi32, #tpu.memory_space<vmem>>
      %dma_start3A_601 = arith.constant 0 : i32
      %dma_start3A_602 = arith.constant 0 : i32
      %dma_start3A_603 = tpu.memref_slice %arg9[%dma_start3A_601, %dma_start3A_602] : memref<10240x80xf32, #tpu.memory_space<vmem_shared>> -> memref<10240x80xf32, #tpu.memory_space<vmem_shared>>
      tpu.enqueue_indirect_dma source(%dma_start3A_597 : memref<128x80xf32, #tpu.memory_space<vmem>>) target(%dma_start3A_603 : memref<10240x80xf32, #tpu.memory_space<vmem_shared>>) offsets(%dma_start3A_600 : memref<128xi32, #tpu.memory_space<vmem>>) semaphore(%arg16 : memref<!tpu.dma_semaphore, #tpu.memory_space<semaphore_mem>>) {add = true}
      %dma_wait3A_604 = arith.constant 0 : i32
      %dma_wait3A_605 = arith.constant 3 : i32
      %dma_wait3A_606 = arith.constant 0 : i32
      %dma_wait3A_607 = arith.constant 0 : i32
      %dma_wait3A_608 = tpu.memref_slice %arg8[%dma_wait3A_605, %dma_wait3A_606, %dma_wait3A_607] : memref<4x128x80xf32, #tpu.memory_space<vmem>> -> memref<1x128x80xf32, #tpu.memory_space<vmem>>
      %dma_wait3A_609 = tpu.memref_squeeze %dma_wait3A_608 : memref<1x128x80xf32, #tpu.memory_space<vmem>> -> memref<128x80xf32, #tpu.memory_space<vmem>>
      %dma_wait3A_610 = arith.constant 0 : i32
      %dma_wait3A_611 = tpu.memref_slice %arg6[%dma_wait3A_604, %dma_wait3A_610] : memref<80x128xi32, #tpu.memory_space<vmem>> -> memref<1x128xi32, #tpu.memory_space<vmem>>
      %dma_wait3A_612 = tpu.memref_squeeze %dma_wait3A_611 : memref<1x128xi32, #tpu.memory_space<vmem>> -> memref<128xi32, #tpu.memory_space<vmem>>
      %dma_wait3A_613 = arith.constant 0 : i32
      %dma_wait3A_614 = arith.constant 0 : i32
      %dma_wait3A_615 = tpu.memref_slice %arg2[%arg0, %dma_wait3A_613, %dma_wait3A_614] : memref<2x10240x80xf32, #tpu.memory_space<hbm>> -> memref<1x10240x80xf32, #tpu.memory_space<hbm>>
      %dma_wait3A_616 = tpu.memref_squeeze %dma_wait3A_615 : memref<1x10240x80xf32, #tpu.memory_space<hbm>> -> memref<10240x80xf32, #tpu.memory_space<hbm>>
      %dma_wait3A_617 = arith.constant 0 : i32
      %dma_wait3A_618 = arith.constant 0 : i32
      %dma_wait3A_619 = tpu.memref_slice %dma_wait3A_616[%dma_wait3A_617, %dma_wait3A_618] : memref<10240x80xf32, #tpu.memory_space<hbm>> -> memref<10240x80xf32, #tpu.memory_space<hbm>>
      tpu.wait_indirect_dma semaphore(%arg13 : memref<!tpu.dma_semaphore, #tpu.memory_space<semaphore_mem>>) src(%dma_wait3A_619 : memref<10240x80xf32, #tpu.memory_space<hbm>>) dst(%dma_wait3A_609 : memref<128x80xf32, #tpu.memory_space<vmem>>)
      %add3A_620 = arith.constant 3 : i32
      %add3A_621 = arith.addi %mul3A_516, %add3A_620 : i32
      %dma_start3A_622 = arith.constant 3 : i32
      %dma_start3A_623 = arith.constant 0 : i32
      %dma_start3A_624 = arith.constant 0 : i32
      %dma_start3A_625 = tpu.memref_slice %arg8[%dma_start3A_622, %dma_start3A_623, %dma_start3A_624] : memref<4x128x80xf32, #tpu.memory_space<vmem>> -> memref<1x128x80xf32, #tpu.memory_space<vmem>>
      %dma_start3A_626 = tpu.memref_squeeze %dma_start3A_625 : memref<1x128x80xf32, #tpu.memory_space<vmem>> -> memref<128x80xf32, #tpu.memory_space<vmem>>
      %dma_start3A_627 = arith.constant 0 : i32
      %dma_start3A_628 = tpu.memref_slice %arg7[%add3A_621, %dma_start3A_627] : memref<80x128xi32, #tpu.memory_space<vmem>> -> memref<1x128xi32, #tpu.memory_space<vmem>>
      %dma_start3A_629 = tpu.memref_squeeze %dma_start3A_628 : memref<1x128xi32, #tpu.memory_space<vmem>> -> memref<128xi32, #tpu.memory_space<vmem>>
      %dma_start3A_630 = arith.constant 0 : i32
      %dma_start3A_631 = arith.constant 0 : i32
      %dma_start3A_632 = tpu.memref_slice %arg9[%dma_start3A_630, %dma_start3A_631] : memref<10240x80xf32, #tpu.memory_space<vmem_shared>> -> memref<10240x80xf32, #tpu.memory_space<vmem_shared>>
      tpu.enqueue_indirect_dma source(%dma_start3A_626 : memref<128x80xf32, #tpu.memory_space<vmem>>) target(%dma_start3A_632 : memref<10240x80xf32, #tpu.memory_space<vmem_shared>>) offsets(%dma_start3A_629 : memref<128xi32, #tpu.memory_space<vmem>>) semaphore(%arg17 : memref<!tpu.dma_semaphore, #tpu.memory_space<semaphore_mem>>) {add = true}
      %add3A_633 = arith.constant 4 : i32
      %add3A_634 = arith.addi %mul3A_516, %add3A_633 : i32
      %lt3A = arith.constant 80 : i32
      %lt3A_635 = arith.cmpi slt, %add3A_634, %lt3A : i32
      %convert_element_type3A = arith.extui %lt3A_635 : i1 to i32
      %cond3A = arith.constant 0 : i32
      %cond3A_636 = arith.cmpi ne, %convert_element_type3A, %cond3A : i32
      scf.if %cond3A_636 {
        %dma_wait3A_637 = arith.constant 0 : i32
        %dma_wait3A_638 = arith.constant 0 : i32
        %dma_wait3A_639 = arith.constant 0 : i32
        %dma_wait3A_640 = arith.constant 0 : i32
        %dma_wait3A_641 = tpu.memref_slice %arg8[%dma_wait3A_637, %dma_wait3A_639, %dma_wait3A_640] : memref<4x128x80xf32, #tpu.memory_space<vmem>> -> memref<1x128x80xf32, #tpu.memory_space<vmem>>
        %dma_wait3A_642 = tpu.memref_squeeze %dma_wait3A_641 : memref<1x128x80xf32, #tpu.memory_space<vmem>> -> memref<128x80xf32, #tpu.memory_space<vmem>>
        %dma_wait3A_643 = arith.constant 0 : i32
        %dma_wait3A_644 = tpu.memref_slice %arg7[%dma_wait3A_638, %dma_wait3A_643] : memref<80x128xi32, #tpu.memory_space<vmem>> -> memref<1x128xi32, #tpu.memory_space<vmem>>
        %dma_wait3A_645 = tpu.memref_squeeze %dma_wait3A_644 : memref<1x128xi32, #tpu.memory_space<vmem>> -> memref<128xi32, #tpu.memory_space<vmem>>
        %dma_wait3A_646 = arith.constant 0 : i32
        %dma_wait3A_647 = arith.constant 0 : i32
        %dma_wait3A_648 = tpu.memref_slice %arg9[%dma_wait3A_646, %dma_wait3A_647] : memref<10240x80xf32, #tpu.memory_space<vmem_shared>> -> memref<10240x80xf32, #tpu.memory_space<vmem_shared>>
        tpu.wait_indirect_dma semaphore(%arg14 : memref<!tpu.dma_semaphore, #tpu.memory_space<semaphore_mem>>) src(%dma_wait3A_642 : memref<128x80xf32, #tpu.memory_space<vmem>>) dst(%dma_wait3A_648 : memref<10240x80xf32, #tpu.memory_space<vmem_shared>>)
        %add3A_649 = arith.constant 4 : i32
        %add3A_650 = arith.addi %mul3A_516, %add3A_649 : i32
        %add3A_651 = arith.constant 0 : i32
        %add3A_652 = arith.addi %add3A_650, %add3A_651 : i32
        %dma_start3A_653 = arith.constant 0 : i32
        %dma_start3A_654 = arith.constant 0 : i32
        %dma_start3A_655 = arith.constant 0 : i32
        %dma_start3A_656 = tpu.memref_slice %arg8[%dma_start3A_653, %dma_start3A_654, %dma_start3A_655] : memref<4x128x80xf32, #tpu.memory_space<vmem>> -> memref<1x128x80xf32, #tpu.memory_space<vmem>>
        %dma_start3A_657 = tpu.memref_squeeze %dma_start3A_656 : memref<1x128x80xf32, #tpu.memory_space<vmem>> -> memref<128x80xf32, #tpu.memory_space<vmem>>
        %dma_start3A_658 = arith.constant 0 : i32
        %dma_start3A_659 = tpu.memref_slice %arg6[%add3A_652, %dma_start3A_658] : memref<80x128xi32, #tpu.memory_space<vmem>> -> memref<1x128xi32, #tpu.memory_space<vmem>>
        %dma_start3A_660 = tpu.memref_squeeze %dma_start3A_659 : memref<1x128xi32, #tpu.memory_space<vmem>> -> memref<128xi32, #tpu.memory_space<vmem>>
        %dma_start3A_661 = arith.constant 0 : i32
        %dma_start3A_662 = arith.constant 0 : i32
        %dma_start3A_663 = tpu.memref_slice %arg2[%arg0, %dma_start3A_661, %dma_start3A_662] : memref<2x10240x80xf32, #tpu.memory_space<hbm>> -> memref<1x10240x80xf32, #tpu.memory_space<hbm>>
        %dma_start3A_664 = tpu.memref_squeeze %dma_start3A_663 : memref<1x10240x80xf32, #tpu.memory_space<hbm>> -> memref<10240x80xf32, #tpu.memory_space<hbm>>
        %dma_start3A_665 = arith.constant 0 : i32
        %dma_start3A_666 = arith.constant 0 : i32
        %dma_start3A_667 = tpu.memref_slice %dma_start3A_664[%dma_start3A_665, %dma_start3A_666] : memref<10240x80xf32, #tpu.memory_space<hbm>> -> memref<10240x80xf32, #tpu.memory_space<hbm>>
        tpu.enqueue_indirect_dma source(%dma_start3A_667 : memref<10240x80xf32, #tpu.memory_space<hbm>>) target(%dma_start3A_657 : memref<128x80xf32, #tpu.memory_space<vmem>>) offsets(%dma_start3A_660 : memref<128xi32, #tpu.memory_space<vmem>>) semaphore(%arg10 : memref<!tpu.dma_semaphore, #tpu.memory_space<semaphore_mem>>)
        %dma_wait3A_668 = arith.constant 1 : i32
        %dma_wait3A_669 = arith.constant 0 : i32
        %dma_wait3A_670 = arith.constant 0 : i32
        %dma_wait3A_671 = arith.constant 0 : i32
        %dma_wait3A_672 = tpu.memref_slice %arg8[%dma_wait3A_668, %dma_wait3A_670, %dma_wait3A_671] : memref<4x128x80xf32, #tpu.memory_space<vmem>> -> memref<1x128x80xf32, #tpu.memory_space<vmem>>
        %dma_wait3A_673 = tpu.memref_squeeze %dma_wait3A_672 : memref<1x128x80xf32, #tpu.memory_space<vmem>> -> memref<128x80xf32, #tpu.memory_space<vmem>>
        %dma_wait3A_674 = arith.constant 0 : i32
        %dma_wait3A_675 = tpu.memref_slice %arg7[%dma_wait3A_669, %dma_wait3A_674] : memref<80x128xi32, #tpu.memory_space<vmem>> -> memref<1x128xi32, #tpu.memory_space<vmem>>
        %dma_wait3A_676 = tpu.memref_squeeze %dma_wait3A_675 : memref<1x128xi32, #tpu.memory_space<vmem>> -> memref<128xi32, #tpu.memory_space<vmem>>
        %dma_wait3A_677 = arith.constant 0 : i32
        %dma_wait3A_678 = arith.constant 0 : i32
        %dma_wait3A_679 = tpu.memref_slice %arg9[%dma_wait3A_677, %dma_wait3A_678] : memref<10240x80xf32, #tpu.memory_space<vmem_shared>> -> memref<10240x80xf32, #tpu.memory_space<vmem_shared>>
        tpu.wait_indirect_dma semaphore(%arg15 : memref<!tpu.dma_semaphore, #tpu.memory_space<semaphore_mem>>) src(%dma_wait3A_673 : memref<128x80xf32, #tpu.memory_space<vmem>>) dst(%dma_wait3A_679 : memref<10240x80xf32, #tpu.memory_space<vmem_shared>>)
        %add3A_680 = arith.constant 4 : i32
        %add3A_681 = arith.addi %mul3A_516, %add3A_680 : i32
        %add3A_682 = arith.constant 1 : i32
        %add3A_683 = arith.addi %add3A_681, %add3A_682 : i32
        %dma_start3A_684 = arith.constant 1 : i32
        %dma_start3A_685 = arith.constant 0 : i32
        %dma_start3A_686 = arith.constant 0 : i32
        %dma_start3A_687 = tpu.memref_slice %arg8[%dma_start3A_684, %dma_start3A_685, %dma_start3A_686] : memref<4x128x80xf32, #tpu.memory_space<vmem>> -> memref<1x128x80xf32, #tpu.memory_space<vmem>>
        %dma_start3A_688 = tpu.memref_squeeze %dma_start3A_687 : memref<1x128x80xf32, #tpu.memory_space<vmem>> -> memref<128x80xf32, #tpu.memory_space<vmem>>
        %dma_start3A_689 = arith.constant 0 : i32
        %dma_start3A_690 = tpu.memref_slice %arg6[%add3A_683, %dma_start3A_689] : memref<80x128xi32, #tpu.memory_space<vmem>> -> memref<1x128xi32, #tpu.memory_space<vmem>>
        %dma_start3A_691 = tpu.memref_squeeze %dma_start3A_690 : memref<1x128xi32, #tpu.memory_space<vmem>> -> memref<128xi32, #tpu.memory_space<vmem>>
        %dma_start3A_692 = arith.constant 0 : i32
        %dma_start3A_693 = arith.constant 0 : i32
        %dma_start3A_694 = tpu.memref_slice %arg2[%arg0, %dma_start3A_692, %dma_start3A_693] : memref<2x10240x80xf32, #tpu.memory_space<hbm>> -> memref<1x10240x80xf32, #tpu.memory_space<hbm>>
        %dma_start3A_695 = tpu.memref_squeeze %dma_start3A_694 : memref<1x10240x80xf32, #tpu.memory_space<hbm>> -> memref<10240x80xf32, #tpu.memory_space<hbm>>
        %dma_start3A_696 = arith.constant 0 : i32
        %dma_start3A_697 = arith.constant 0 : i32
        %dma_start3A_698 = tpu.memref_slice %dma_start3A_695[%dma_start3A_696, %dma_start3A_697] : memref<10240x80xf32, #tpu.memory_space<hbm>> -> memref<10240x80xf32, #tpu.memory_space<hbm>>
        tpu.enqueue_indirect_dma source(%dma_start3A_698 : memref<10240x80xf32, #tpu.memory_space<hbm>>) target(%dma_start3A_688 : memref<128x80xf32, #tpu.memory_space<vmem>>) offsets(%dma_start3A_691 : memref<128xi32, #tpu.memory_space<vmem>>) semaphore(%arg11 : memref<!tpu.dma_semaphore, #tpu.memory_space<semaphore_mem>>)
        %dma_wait3A_699 = arith.constant 2 : i32
        %dma_wait3A_700 = arith.constant 0 : i32
        %dma_wait3A_701 = arith.constant 0 : i32
        %dma_wait3A_702 = arith.constant 0 : i32
        %dma_wait3A_703 = tpu.memref_slice %arg8[%dma_wait3A_699, %dma_wait3A_701, %dma_wait3A_702] : memref<4x128x80xf32, #tpu.memory_space<vmem>> -> memref<1x128x80xf32, #tpu.memory_space<vmem>>
        %dma_wait3A_704 = tpu.memref_squeeze %dma_wait3A_703 : memref<1x128x80xf32, #tpu.memory_space<vmem>> -> memref<128x80xf32, #tpu.memory_space<vmem>>
        %dma_wait3A_705 = arith.constant 0 : i32
        %dma_wait3A_706 = tpu.memref_slice %arg7[%dma_wait3A_700, %dma_wait3A_705] : memref<80x128xi32, #tpu.memory_space<vmem>> -> memref<1x128xi32, #tpu.memory_space<vmem>>
        %dma_wait3A_707 = tpu.memref_squeeze %dma_wait3A_706 : memref<1x128xi32, #tpu.memory_space<vmem>> -> memref<128xi32, #tpu.memory_space<vmem>>
        %dma_wait3A_708 = arith.constant 0 : i32
        %dma_wait3A_709 = arith.constant 0 : i32
        %dma_wait3A_710 = tpu.memref_slice %arg9[%dma_wait3A_708, %dma_wait3A_709] : memref<10240x80xf32, #tpu.memory_space<vmem_shared>> -> memref<10240x80xf32, #tpu.memory_space<vmem_shared>>
        tpu.wait_indirect_dma semaphore(%arg16 : memref<!tpu.dma_semaphore, #tpu.memory_space<semaphore_mem>>) src(%dma_wait3A_704 : memref<128x80xf32, #tpu.memory_space<vmem>>) dst(%dma_wait3A_710 : memref<10240x80xf32, #tpu.memory_space<vmem_shared>>)
        %add3A_711 = arith.constant 4 : i32
        %add3A_712 = arith.addi %mul3A_516, %add3A_711 : i32
        %add3A_713 = arith.constant 2 : i32
        %add3A_714 = arith.addi %add3A_712, %add3A_713 : i32
        %dma_start3A_715 = arith.constant 2 : i32
        %dma_start3A_716 = arith.constant 0 : i32
        %dma_start3A_717 = arith.constant 0 : i32
        %dma_start3A_718 = tpu.memref_slice %arg8[%dma_start3A_715, %dma_start3A_716, %dma_start3A_717] : memref<4x128x80xf32, #tpu.memory_space<vmem>> -> memref<1x128x80xf32, #tpu.memory_space<vmem>>
        %dma_start3A_719 = tpu.memref_squeeze %dma_start3A_718 : memref<1x128x80xf32, #tpu.memory_space<vmem>> -> memref<128x80xf32, #tpu.memory_space<vmem>>
        %dma_start3A_720 = arith.constant 0 : i32
        %dma_start3A_721 = tpu.memref_slice %arg6[%add3A_714, %dma_start3A_720] : memref<80x128xi32, #tpu.memory_space<vmem>> -> memref<1x128xi32, #tpu.memory_space<vmem>>
        %dma_start3A_722 = tpu.memref_squeeze %dma_start3A_721 : memref<1x128xi32, #tpu.memory_space<vmem>> -> memref<128xi32, #tpu.memory_space<vmem>>
        %dma_start3A_723 = arith.constant 0 : i32
        %dma_start3A_724 = arith.constant 0 : i32
        %dma_start3A_725 = tpu.memref_slice %arg2[%arg0, %dma_start3A_723, %dma_start3A_724] : memref<2x10240x80xf32, #tpu.memory_space<hbm>> -> memref<1x10240x80xf32, #tpu.memory_space<hbm>>
        %dma_start3A_726 = tpu.memref_squeeze %dma_start3A_725 : memref<1x10240x80xf32, #tpu.memory_space<hbm>> -> memref<10240x80xf32, #tpu.memory_space<hbm>>
        %dma_start3A_727 = arith.constant 0 : i32
        %dma_start3A_728 = arith.constant 0 : i32
        %dma_start3A_729 = tpu.memref_slice %dma_start3A_726[%dma_start3A_727, %dma_start3A_728] : memref<10240x80xf32, #tpu.memory_space<hbm>> -> memref<10240x80xf32, #tpu.memory_space<hbm>>
        tpu.enqueue_indirect_dma source(%dma_start3A_729 : memref<10240x80xf32, #tpu.memory_space<hbm>>) target(%dma_start3A_719 : memref<128x80xf32, #tpu.memory_space<vmem>>) offsets(%dma_start3A_722 : memref<128xi32, #tpu.memory_space<vmem>>) semaphore(%arg12 : memref<!tpu.dma_semaphore, #tpu.memory_space<semaphore_mem>>)
        %dma_wait3A_730 = arith.constant 3 : i32
        %dma_wait3A_731 = arith.constant 0 : i32
        %dma_wait3A_732 = arith.constant 0 : i32
        %dma_wait3A_733 = arith.constant 0 : i32
        %dma_wait3A_734 = tpu.memref_slice %arg8[%dma_wait3A_730, %dma_wait3A_732, %dma_wait3A_733] : memref<4x128x80xf32, #tpu.memory_space<vmem>> -> memref<1x128x80xf32, #tpu.memory_space<vmem>>
        %dma_wait3A_735 = tpu.memref_squeeze %dma_wait3A_734 : memref<1x128x80xf32, #tpu.memory_space<vmem>> -> memref<128x80xf32, #tpu.memory_space<vmem>>
        %dma_wait3A_736 = arith.constant 0 : i32
        %dma_wait3A_737 = tpu.memref_slice %arg7[%dma_wait3A_731, %dma_wait3A_736] : memref<80x128xi32, #tpu.memory_space<vmem>> -> memref<1x128xi32, #tpu.memory_space<vmem>>
        %dma_wait3A_738 = tpu.memref_squeeze %dma_wait3A_737 : memref<1x128xi32, #tpu.memory_space<vmem>> -> memref<128xi32, #tpu.memory_space<vmem>>
        %dma_wait3A_739 = arith.constant 0 : i32
        %dma_wait3A_740 = arith.constant 0 : i32
        %dma_wait3A_741 = tpu.memref_slice %arg9[%dma_wait3A_739, %dma_wait3A_740] : memref<10240x80xf32, #tpu.memory_space<vmem_shared>> -> memref<10240x80xf32, #tpu.memory_space<vmem_shared>>
        tpu.wait_indirect_dma semaphore(%arg17 : memref<!tpu.dma_semaphore, #tpu.memory_space<semaphore_mem>>) src(%dma_wait3A_735 : memref<128x80xf32, #tpu.memory_space<vmem>>) dst(%dma_wait3A_741 : memref<10240x80xf32, #tpu.memory_space<vmem_shared>>)
        %add3A_742 = arith.constant 4 : i32
        %add3A_743 = arith.addi %mul3A_516, %add3A_742 : i32
        %add3A_744 = arith.constant 3 : i32
        %add3A_745 = arith.addi %add3A_743, %add3A_744 : i32
        %dma_start3A_746 = arith.constant 3 : i32
        %dma_start3A_747 = arith.constant 0 : i32
        %dma_start3A_748 = arith.constant 0 : i32
        %dma_start3A_749 = tpu.memref_slice %arg8[%dma_start3A_746, %dma_start3A_747, %dma_start3A_748] : memref<4x128x80xf32, #tpu.memory_space<vmem>> -> memref<1x128x80xf32, #tpu.memory_space<vmem>>
        %dma_start3A_750 = tpu.memref_squeeze %dma_start3A_749 : memref<1x128x80xf32, #tpu.memory_space<vmem>> -> memref<128x80xf32, #tpu.memory_space<vmem>>
        %dma_start3A_751 = arith.constant 0 : i32
        %dma_start3A_752 = tpu.memref_slice %arg6[%add3A_745, %dma_start3A_751] : memref<80x128xi32, #tpu.memory_space<vmem>> -> memref<1x128xi32, #tpu.memory_space<vmem>>
        %dma_start3A_753 = tpu.memref_squeeze %dma_start3A_752 : memref<1x128xi32, #tpu.memory_space<vmem>> -> memref<128xi32, #tpu.memory_space<vmem>>
        %dma_start3A_754 = arith.constant 0 : i32
        %dma_start3A_755 = arith.constant 0 : i32
        %dma_start3A_756 = tpu.memref_slice %arg2[%arg0, %dma_start3A_754, %dma_start3A_755] : memref<2x10240x80xf32, #tpu.memory_space<hbm>> -> memref<1x10240x80xf32, #tpu.memory_space<hbm>>
        %dma_start3A_757 = tpu.memref_squeeze %dma_start3A_756 : memref<1x10240x80xf32, #tpu.memory_space<hbm>> -> memref<10240x80xf32, #tpu.memory_space<hbm>>
        %dma_start3A_758 = arith.constant 0 : i32
        %dma_start3A_759 = arith.constant 0 : i32
        %dma_start3A_760 = tpu.memref_slice %dma_start3A_757[%dma_start3A_758, %dma_start3A_759] : memref<10240x80xf32, #tpu.memory_space<hbm>> -> memref<10240x80xf32, #tpu.memory_space<hbm>>
        tpu.enqueue_indirect_dma source(%dma_start3A_760 : memref<10240x80xf32, #tpu.memory_space<hbm>>) target(%dma_start3A_750 : memref<128x80xf32, #tpu.memory_space<vmem>>) offsets(%dma_start3A_753 : memref<128xi32, #tpu.memory_space<vmem>>) semaphore(%arg13 : memref<!tpu.dma_semaphore, #tpu.memory_space<semaphore_mem>>)
      } else {
      }
    }
    %scan3A_460 = arith.constant 20 : i32
    %dma_wait3A_461 = arith.constant 0 : i32
    %dma_wait3A_462 = arith.constant 0 : i32
    %dma_wait3A_463 = arith.constant 0 : i32
    %dma_wait3A_464 = arith.constant 0 : i32
    %dma_wait3A_465 = tpu.memref_slice %arg8[%dma_wait3A_461, %dma_wait3A_463, %dma_wait3A_464] : memref<4x128x80xf32, #tpu.memory_space<vmem>> -> memref<1x128x80xf32, #tpu.memory_space<vmem>>
    %dma_wait3A_466 = tpu.memref_squeeze %dma_wait3A_465 : memref<1x128x80xf32, #tpu.memory_space<vmem>> -> memref<128x80xf32, #tpu.memory_space<vmem>>
    %dma_wait3A_467 = arith.constant 0 : i32
    %dma_wait3A_468 = tpu.memref_slice %arg7[%dma_wait3A_462, %dma_wait3A_467] : memref<80x128xi32, #tpu.memory_space<vmem>> -> memref<1x128xi32, #tpu.memory_space<vmem>>
    %dma_wait3A_469 = tpu.memref_squeeze %dma_wait3A_468 : memref<1x128xi32, #tpu.memory_space<vmem>> -> memref<128xi32, #tpu.memory_space<vmem>>
    %dma_wait3A_470 = arith.constant 0 : i32
    %dma_wait3A_471 = arith.constant 0 : i32
    %dma_wait3A_472 = tpu.memref_slice %arg9[%dma_wait3A_470, %dma_wait3A_471] : memref<10240x80xf32, #tpu.memory_space<vmem_shared>> -> memref<10240x80xf32, #tpu.memory_space<vmem_shared>>
    tpu.wait_indirect_dma semaphore(%arg14 : memref<!tpu.dma_semaphore, #tpu.memory_space<semaphore_mem>>) src(%dma_wait3A_466 : memref<128x80xf32, #tpu.memory_space<vmem>>) dst(%dma_wait3A_472 : memref<10240x80xf32, #tpu.memory_space<vmem_shared>>)
    %dma_wait3A_473 = arith.constant 1 : i32
    %dma_wait3A_474 = arith.constant 0 : i32
    %dma_wait3A_475 = arith.constant 0 : i32
    %dma_wait3A_476 = arith.constant 0 : i32
    %dma_wait3A_477 = tpu.memref_slice %arg8[%dma_wait3A_473, %dma_wait3A_475, %dma_wait3A_476] : memref<4x128x80xf32, #tpu.memory_space<vmem>> -> memref<1x128x80xf32, #tpu.memory_space<vmem>>
    %dma_wait3A_478 = tpu.memref_squeeze %dma_wait3A_477 : memref<1x128x80xf32, #tpu.memory_space<vmem>> -> memref<128x80xf32, #tpu.memory_space<vmem>>
    %dma_wait3A_479 = arith.constant 0 : i32
    %dma_wait3A_480 = tpu.memref_slice %arg7[%dma_wait3A_474, %dma_wait3A_479] : memref<80x128xi32, #tpu.memory_space<vmem>> -> memref<1x128xi32, #tpu.memory_space<vmem>>
    %dma_wait3A_481 = tpu.memref_squeeze %dma_wait3A_480 : memref<1x128xi32, #tpu.memory_space<vmem>> -> memref<128xi32, #tpu.memory_space<vmem>>
    %dma_wait3A_482 = arith.constant 0 : i32
    %dma_wait3A_483 = arith.constant 0 : i32
    %dma_wait3A_484 = tpu.memref_slice %arg9[%dma_wait3A_482, %dma_wait3A_483] : memref<10240x80xf32, #tpu.memory_space<vmem_shared>> -> memref<10240x80xf32, #tpu.memory_space<vmem_shared>>
    tpu.wait_indirect_dma semaphore(%arg15 : memref<!tpu.dma_semaphore, #tpu.memory_space<semaphore_mem>>) src(%dma_wait3A_478 : memref<128x80xf32, #tpu.memory_space<vmem>>) dst(%dma_wait3A_484 : memref<10240x80xf32, #tpu.memory_space<vmem_shared>>)
    %dma_wait3A_485 = arith.constant 2 : i32
    %dma_wait3A_486 = arith.constant 0 : i32
    %dma_wait3A_487 = arith.constant 0 : i32
    %dma_wait3A_488 = arith.constant 0 : i32
    %dma_wait3A_489 = tpu.memref_slice %arg8[%dma_wait3A_485, %dma_wait3A_487, %dma_wait3A_488] : memref<4x128x80xf32, #tpu.memory_space<vmem>> -> memref<1x128x80xf32, #tpu.memory_space<vmem>>
    %dma_wait3A_490 = tpu.memref_squeeze %dma_wait3A_489 : memref<1x128x80xf32, #tpu.memory_space<vmem>> -> memref<128x80xf32, #tpu.memory_space<vmem>>
    %dma_wait3A_491 = arith.constant 0 : i32
    %dma_wait3A_492 = tpu.memref_slice %arg7[%dma_wait3A_486, %dma_wait3A_491] : memref<80x128xi32, #tpu.memory_space<vmem>> -> memref<1x128xi32, #tpu.memory_space<vmem>>
    %dma_wait3A_493 = tpu.memref_squeeze %dma_wait3A_492 : memref<1x128xi32, #tpu.memory_space<vmem>> -> memref<128xi32, #tpu.memory_space<vmem>>
    %dma_wait3A_494 = arith.constant 0 : i32
    %dma_wait3A_495 = arith.constant 0 : i32
    %dma_wait3A_496 = tpu.memref_slice %arg9[%dma_wait3A_494, %dma_wait3A_495] : memref<10240x80xf32, #tpu.memory_space<vmem_shared>> -> memref<10240x80xf32, #tpu.memory_space<vmem_shared>>
    tpu.wait_indirect_dma semaphore(%arg16 : memref<!tpu.dma_semaphore, #tpu.memory_space<semaphore_mem>>) src(%dma_wait3A_490 : memref<128x80xf32, #tpu.memory_space<vmem>>) dst(%dma_wait3A_496 : memref<10240x80xf32, #tpu.memory_space<vmem_shared>>)
    %dma_wait3A_497 = arith.constant 3 : i32
    %dma_wait3A_498 = arith.constant 0 : i32
    %dma_wait3A_499 = arith.constant 0 : i32
    %dma_wait3A_500 = arith.constant 0 : i32
    %dma_wait3A_501 = tpu.memref_slice %arg8[%dma_wait3A_497, %dma_wait3A_499, %dma_wait3A_500] : memref<4x128x80xf32, #tpu.memory_space<vmem>> -> memref<1x128x80xf32, #tpu.memory_space<vmem>>
    %dma_wait3A_502 = tpu.memref_squeeze %dma_wait3A_501 : memref<1x128x80xf32, #tpu.memory_space<vmem>> -> memref<128x80xf32, #tpu.memory_space<vmem>>
    %dma_wait3A_503 = arith.constant 0 : i32
    %dma_wait3A_504 = tpu.memref_slice %arg7[%dma_wait3A_498, %dma_wait3A_503] : memref<80x128xi32, #tpu.memory_space<vmem>> -> memref<1x128xi32, #tpu.memory_space<vmem>>
    %dma_wait3A_505 = tpu.memref_squeeze %dma_wait3A_504 : memref<1x128xi32, #tpu.memory_space<vmem>> -> memref<128xi32, #tpu.memory_space<vmem>>
    %dma_wait3A_506 = arith.constant 0 : i32
    %dma_wait3A_507 = arith.constant 0 : i32
    %dma_wait3A_508 = tpu.memref_slice %arg9[%dma_wait3A_506, %dma_wait3A_507] : memref<10240x80xf32, #tpu.memory_space<vmem_shared>> -> memref<10240x80xf32, #tpu.memory_space<vmem_shared>>
    tpu.wait_indirect_dma semaphore(%arg17 : memref<!tpu.dma_semaphore, #tpu.memory_space<semaphore_mem>>) src(%dma_wait3A_502 : memref<128x80xf32, #tpu.memory_space<vmem>>) dst(%dma_wait3A_508 : memref<10240x80xf32, #tpu.memory_space<vmem_shared>>)
    %barrier3A_509 = arith.constant 0 : index
    tpu.barrier barrier_id(%barrier3A_509)
    %mul3A_510 = arith.constant 640 : i32
    %mul3A_511 = arith.muli %arg1, %mul3A_510 : i32
    %mul3A_512 = arith.constant 640 : i32
    %mul3A_513 = arith.muli %arg1, %mul3A_512 : i32
    "tpu.region"() ({
      %run_scoped3A = tpu.sem_alloc : memref<!tpu.dma_semaphore, #tpu.memory_space<semaphore_mem>>
      %dma_start3A_514 = arith.constant 0 : i32
      %dma_start3A_515 = arith.constant 0 : i32
      %dma_start3A_516 = tpu.memref_slice %arg5[%arg0, %dma_start3A_514, %dma_start3A_515] : memref<2x10240x80xf32, #tpu.memory_space<hbm>> -> memref<1x10240x80xf32, #tpu.memory_space<hbm>>
      %dma_start3A_517 = tpu.memref_squeeze %dma_start3A_516 : memref<1x10240x80xf32, #tpu.memory_space<hbm>> -> memref<10240x80xf32, #tpu.memory_space<hbm>>
      %dma_start3A_518 = arith.constant 0 : i32
      %dma_start3A_519 = tpu.memref_slice %dma_start3A_517[%mul3A_513, %dma_start3A_518] : memref<10240x80xf32, #tpu.memory_space<hbm>> -> memref<640x80xf32, #tpu.memory_space<hbm>>
      %dma_start3A_520 = arith.constant 0 : i32
      %dma_start3A_521 = tpu.memref_slice %arg9[%mul3A_511, %dma_start3A_520] : memref<10240x80xf32, #tpu.memory_space<vmem_shared>> -> memref<640x80xf32, #tpu.memory_space<vmem_shared>>
      tpu.enqueue_dma source(%dma_start3A_521 : memref<640x80xf32, #tpu.memory_space<vmem_shared>>) target(%dma_start3A_519 : memref<640x80xf32, #tpu.memory_space<hbm>>) target_semaphore(%run_scoped3A : memref<!tpu.dma_semaphore, #tpu.memory_space<semaphore_mem>>)
      %dma_wait3A_522 = arith.constant 0 : i32
      %dma_wait3A_523 = arith.constant 0 : i32
      %dma_wait3A_524 = tpu.memref_slice %arg5[%arg0, %dma_wait3A_522, %dma_wait3A_523] : memref<2x10240x80xf32, #tpu.memory_space<hbm>> -> memref<1x10240x80xf32, #tpu.memory_space<hbm>>
      %dma_wait3A_525 = tpu.memref_squeeze %dma_wait3A_524 : memref<1x10240x80xf32, #tpu.memory_space<hbm>> -> memref<10240x80xf32, #tpu.memory_space<hbm>>
      %dma_wait3A_526 = arith.constant 0 : i32
      %dma_wait3A_527 = tpu.memref_slice %dma_wait3A_525[%mul3A_513, %dma_wait3A_526] : memref<10240x80xf32, #tpu.memory_space<hbm>> -> memref<640x80xf32, #tpu.memory_space<hbm>>
      %dma_wait3A_528 = arith.constant 0 : i32
      %dma_wait3A_529 = tpu.memref_slice %arg9[%mul3A_511, %dma_wait3A_528] : memref<10240x80xf32, #tpu.memory_space<vmem_shared>> -> memref<640x80xf32, #tpu.memory_space<vmem_shared>>
      tpu.wait_dma2 semaphore(%run_scoped3A : memref<!tpu.dma_semaphore, #tpu.memory_space<semaphore_mem>>) src(%dma_wait3A_529 : memref<640x80xf32, #tpu.memory_space<vmem_shared>>) dst(%dma_wait3A_527 : memref<640x80xf32, #tpu.memory_space<hbm>>)
      tpu.yield
    }) : () -> ()
    return
  }
}

#map = affine_map<(d0, d1) -> (0, 0, 0)>
module attributes {stable_mosaic.version = 14 : i64} {
  func.func @_agg_body(%arg0: i32, %arg1: i32, %arg2: memref<2x10240x80xf32, #tpu.memory_space<hbm>>, %arg3: memref<16x80x128xi32, #tpu.memory_space<hbm>>, %arg4: memref<16x80x128xi32, #tpu.memory_space<hbm>>, %arg5: memref<2x10240x80xf32, #tpu.memory_space<hbm>>, %arg6: memref<80x128xi32, #tpu.memory_space<vmem>>, %arg7: memref<80x128xi32, #tpu.memory_space<vmem>>, %arg8: memref<4x128x80xf32, #tpu.memory_space<vmem>>, %arg9: memref<10240x80xf32, #tpu.memory_space<vmem_shared>>, %arg10: memref<!tpu.dma_semaphore, #tpu.memory_space<semaphore_mem>>, %arg11: memref<!tpu.dma_semaphore, #tpu.memory_space<semaphore_mem>>, %arg12: memref<!tpu.dma_semaphore, #tpu.memory_space<semaphore_mem>>, %arg13: memref<!tpu.dma_semaphore, #tpu.memory_space<semaphore_mem>>, %arg14: memref<!tpu.dma_semaphore, #tpu.memory_space<semaphore_mem>>, %arg15: memref<!tpu.dma_semaphore, #tpu.memory_space<semaphore_mem>>, %arg16: memref<!tpu.dma_semaphore, #tpu.memory_space<semaphore_mem>>, %arg17: memref<!tpu.dma_semaphore, #tpu.memory_space<semaphore_mem>>) attributes {dimension_semantics = [#tpu.dimension_semantics<core_parallel>, #tpu.dimension_semantics<subcore_parallel>], iteration_bounds = array<i64: 2, 16>, scalar_prefetch = 0 : i64, scratch_operands = 12 : i64, tpu.core_type = #tpu.core_type<sc_vector_subcore>, window_params = [{transform_indices = #map}, {transform_indices = #map}, {transform_indices = #map}, {transform_indices = #map}]} {
    "tpu.region"() ({
      %run_scoped3A = tpu.sem_alloc : memref<!tpu.dma_semaphore, #tpu.memory_space<semaphore_mem>>
      %dma_start3A_514 = arith.constant 0 : i32
      %dma_start3A_515 = arith.constant 0 : i32
      %dma_start3A_516 = tpu.memref_slice %arg3[%arg1, %dma_start3A_514, %dma_start3A_515] : memref<16x80x128xi32, #tpu.memory_space<hbm>> -> memref<1x80x128xi32, #tpu.memory_space<hbm>>
      %dma_start3A_517 = tpu.memref_squeeze %dma_start3A_516 : memref<1x80x128xi32, #tpu.memory_space<hbm>> -> memref<80x128xi32, #tpu.memory_space<hbm>>
      %dma_start3A_518 = arith.constant 0 : i32
      %dma_start3A_519 = arith.constant 0 : i32
      %dma_start3A_520 = tpu.memref_slice %arg3[%arg1, %dma_start3A_518, %dma_start3A_519] : memref<16x80x128xi32, #tpu.memory_space<hbm>> -> memref<1x80x128xi32, #tpu.memory_space<hbm>>
      %dma_start3A_521 = tpu.memref_squeeze %dma_start3A_520 : memref<1x80x128xi32, #tpu.memory_space<hbm>> -> memref<80x128xi32, #tpu.memory_space<hbm>>
      tpu.enqueue_dma source(%dma_start3A_521 : memref<80x128xi32, #tpu.memory_space<hbm>>) target(%arg6 : memref<80x128xi32, #tpu.memory_space<vmem>>) target_semaphore(%run_scoped3A : memref<!tpu.dma_semaphore, #tpu.memory_space<semaphore_mem>>)
      %dma_wait3A_522 = arith.constant 0 : i32
      %dma_wait3A_523 = arith.constant 0 : i32
      %dma_wait3A_524 = tpu.memref_slice %arg3[%arg1, %dma_wait3A_522, %dma_wait3A_523] : memref<16x80x128xi32, #tpu.memory_space<hbm>> -> memref<1x80x128xi32, #tpu.memory_space<hbm>>
      %dma_wait3A_525 = tpu.memref_squeeze %dma_wait3A_524 : memref<1x80x128xi32, #tpu.memory_space<hbm>> -> memref<80x128xi32, #tpu.memory_space<hbm>>
      %dma_wait3A_526 = arith.constant 0 : i32
      %dma_wait3A_527 = arith.constant 0 : i32
      %dma_wait3A_528 = tpu.memref_slice %arg3[%arg1, %dma_wait3A_526, %dma_wait3A_527] : memref<16x80x128xi32, #tpu.memory_space<hbm>> -> memref<1x80x128xi32, #tpu.memory_space<hbm>>
      %dma_wait3A_529 = tpu.memref_squeeze %dma_wait3A_528 : memref<1x80x128xi32, #tpu.memory_space<hbm>> -> memref<80x128xi32, #tpu.memory_space<hbm>>
      tpu.wait_dma2 semaphore(%run_scoped3A : memref<!tpu.dma_semaphore, #tpu.memory_space<semaphore_mem>>) src(%dma_wait3A_529 : memref<80x128xi32, #tpu.memory_space<hbm>>) dst(%arg6 : memref<80x128xi32, #tpu.memory_space<vmem>>)
      tpu.yield
    }) : () -> ()
    "tpu.region"() ({
      %run_scoped3A = tpu.sem_alloc : memref<!tpu.dma_semaphore, #tpu.memory_space<semaphore_mem>>
      %dma_start3A_514 = arith.constant 0 : i32
      %dma_start3A_515 = arith.constant 0 : i32
      %dma_start3A_516 = tpu.memref_slice %arg4[%arg1, %dma_start3A_514, %dma_start3A_515] : memref<16x80x128xi32, #tpu.memory_space<hbm>> -> memref<1x80x128xi32, #tpu.memory_space<hbm>>
      %dma_start3A_517 = tpu.memref_squeeze %dma_start3A_516 : memref<1x80x128xi32, #tpu.memory_space<hbm>> -> memref<80x128xi32, #tpu.memory_space<hbm>>
      %dma_start3A_518 = arith.constant 0 : i32
      %dma_start3A_519 = arith.constant 0 : i32
      %dma_start3A_520 = tpu.memref_slice %arg4[%arg1, %dma_start3A_518, %dma_start3A_519] : memref<16x80x128xi32, #tpu.memory_space<hbm>> -> memref<1x80x128xi32, #tpu.memory_space<hbm>>
      %dma_start3A_521 = tpu.memref_squeeze %dma_start3A_520 : memref<1x80x128xi32, #tpu.memory_space<hbm>> -> memref<80x128xi32, #tpu.memory_space<hbm>>
      tpu.enqueue_dma source(%dma_start3A_521 : memref<80x128xi32, #tpu.memory_space<hbm>>) target(%arg7 : memref<80x128xi32, #tpu.memory_space<vmem>>) target_semaphore(%run_scoped3A : memref<!tpu.dma_semaphore, #tpu.memory_space<semaphore_mem>>)
      %dma_wait3A_522 = arith.constant 0 : i32
      %dma_wait3A_523 = arith.constant 0 : i32
      %dma_wait3A_524 = tpu.memref_slice %arg4[%arg1, %dma_wait3A_522, %dma_wait3A_523] : memref<16x80x128xi32, #tpu.memory_space<hbm>> -> memref<1x80x128xi32, #tpu.memory_space<hbm>>
      %dma_wait3A_525 = tpu.memref_squeeze %dma_wait3A_524 : memref<1x80x128xi32, #tpu.memory_space<hbm>> -> memref<80x128xi32, #tpu.memory_space<hbm>>
      %dma_wait3A_526 = arith.constant 0 : i32
      %dma_wait3A_527 = arith.constant 0 : i32
      %dma_wait3A_528 = tpu.memref_slice %arg4[%arg1, %dma_wait3A_526, %dma_wait3A_527] : memref<16x80x128xi32, #tpu.memory_space<hbm>> -> memref<1x80x128xi32, #tpu.memory_space<hbm>>
      %dma_wait3A_529 = tpu.memref_squeeze %dma_wait3A_528 : memref<1x80x128xi32, #tpu.memory_space<hbm>> -> memref<80x128xi32, #tpu.memory_space<hbm>>
      tpu.wait_dma2 semaphore(%run_scoped3A : memref<!tpu.dma_semaphore, #tpu.memory_space<semaphore_mem>>) src(%dma_wait3A_529 : memref<80x128xi32, #tpu.memory_space<hbm>>) dst(%arg7 : memref<80x128xi32, #tpu.memory_space<vmem>>)
      tpu.yield
    }) : () -> ()
    %mul3A = arith.constant 640 : i32
    %mul3A_0 = arith.muli %arg1, %mul3A : i32
    %add3A = arith.constant 0 : i32
    %add3A_1 = arith.addi %mul3A_0, %add3A : i32
    %dma_start3A = arith.constant 0 : i32
    %dma_start3A_2 = arith.constant 0 : i32
    %dma_start3A_3 = arith.constant 0 : i32
    %dma_start3A_4 = tpu.memref_slice %arg8[%dma_start3A, %dma_start3A_2, %dma_start3A_3] : memref<4x128x80xf32, #tpu.memory_space<vmem>> -> memref<1x128x80xf32, #tpu.memory_space<vmem>>
    %dma_start3A_5 = tpu.memref_squeeze %dma_start3A_4 : memref<1x128x80xf32, #tpu.memory_space<vmem>> -> memref<128x80xf32, #tpu.memory_space<vmem>>
    %dma_start3A_6 = arith.constant 0 : i32
    %dma_start3A_7 = arith.constant 0 : i32
    %dma_start3A_8 = tpu.memref_slice %arg2[%arg0, %dma_start3A_6, %dma_start3A_7] : memref<2x10240x80xf32, #tpu.memory_space<hbm>> -> memref<1x10240x80xf32, #tpu.memory_space<hbm>>
    %dma_start3A_9 = tpu.memref_squeeze %dma_start3A_8 : memref<1x10240x80xf32, #tpu.memory_space<hbm>> -> memref<10240x80xf32, #tpu.memory_space<hbm>>
    %dma_start3A_10 = arith.constant 0 : i32
    %dma_start3A_11 = tpu.memref_slice %dma_start3A_9[%add3A_1, %dma_start3A_10] : memref<10240x80xf32, #tpu.memory_space<hbm>> -> memref<128x80xf32, #tpu.memory_space<hbm>>
    %dma_start3A_12 = arith.constant 0 : i32
    %dma_start3A_13 = arith.constant 0 : i32
    %dma_start3A_14 = tpu.memref_slice %arg8[%dma_start3A, %dma_start3A_12, %dma_start3A_13] : memref<4x128x80xf32, #tpu.memory_space<vmem>> -> memref<1x128x80xf32, #tpu.memory_space<vmem>>
    %dma_start3A_15 = tpu.memref_squeeze %dma_start3A_14 : memref<1x128x80xf32, #tpu.memory_space<vmem>> -> memref<128x80xf32, #tpu.memory_space<vmem>>
    %dma_start3A_16 = arith.constant 0 : i32
    %dma_start3A_17 = arith.constant 0 : i32
    %dma_start3A_18 = tpu.memref_slice %arg2[%arg0, %dma_start3A_16, %dma_start3A_17] : memref<2x10240x80xf32, #tpu.memory_space<hbm>> -> memref<1x10240x80xf32, #tpu.memory_space<hbm>>
    %dma_start3A_19 = tpu.memref_squeeze %dma_start3A_18 : memref<1x10240x80xf32, #tpu.memory_space<hbm>> -> memref<10240x80xf32, #tpu.memory_space<hbm>>
    %dma_start3A_20 = arith.constant 0 : i32
    %dma_start3A_21 = tpu.memref_slice %dma_start3A_19[%add3A_1, %dma_start3A_20] : memref<10240x80xf32, #tpu.memory_space<hbm>> -> memref<128x80xf32, #tpu.memory_space<hbm>>
    tpu.enqueue_dma source(%dma_start3A_21 : memref<128x80xf32, #tpu.memory_space<hbm>>) target(%dma_start3A_15 : memref<128x80xf32, #tpu.memory_space<vmem>>) target_semaphore(%arg10 : memref<!tpu.dma_semaphore, #tpu.memory_space<semaphore_mem>>)
    %mul3A_22 = arith.constant 640 : i32
    %mul3A_23 = arith.muli %arg1, %mul3A_22 : i32
    %add3A_24 = arith.constant 128 : i32
    %add3A_25 = arith.addi %mul3A_23, %add3A_24 : i32
    %dma_start3A_26 = arith.constant 1 : i32
    %dma_start3A_27 = arith.constant 0 : i32
    %dma_start3A_28 = arith.constant 0 : i32
    %dma_start3A_29 = tpu.memref_slice %arg8[%dma_start3A_26, %dma_start3A_27, %dma_start3A_28] : memref<4x128x80xf32, #tpu.memory_space<vmem>> -> memref<1x128x80xf32, #tpu.memory_space<vmem>>
    %dma_start3A_30 = tpu.memref_squeeze %dma_start3A_29 : memref<1x128x80xf32, #tpu.memory_space<vmem>> -> memref<128x80xf32, #tpu.memory_space<vmem>>
    %dma_start3A_31 = arith.constant 0 : i32
    %dma_start3A_32 = arith.constant 0 : i32
    %dma_start3A_33 = tpu.memref_slice %arg2[%arg0, %dma_start3A_31, %dma_start3A_32] : memref<2x10240x80xf32, #tpu.memory_space<hbm>> -> memref<1x10240x80xf32, #tpu.memory_space<hbm>>
    %dma_start3A_34 = tpu.memref_squeeze %dma_start3A_33 : memref<1x10240x80xf32, #tpu.memory_space<hbm>> -> memref<10240x80xf32, #tpu.memory_space<hbm>>
    %dma_start3A_35 = arith.constant 0 : i32
    %dma_start3A_36 = tpu.memref_slice %dma_start3A_34[%add3A_25, %dma_start3A_35] : memref<10240x80xf32, #tpu.memory_space<hbm>> -> memref<128x80xf32, #tpu.memory_space<hbm>>
    %dma_start3A_37 = arith.constant 0 : i32
    %dma_start3A_38 = arith.constant 0 : i32
    %dma_start3A_39 = tpu.memref_slice %arg8[%dma_start3A_26, %dma_start3A_37, %dma_start3A_38] : memref<4x128x80xf32, #tpu.memory_space<vmem>> -> memref<1x128x80xf32, #tpu.memory_space<vmem>>
    %dma_start3A_40 = tpu.memref_squeeze %dma_start3A_39 : memref<1x128x80xf32, #tpu.memory_space<vmem>> -> memref<128x80xf32, #tpu.memory_space<vmem>>
    %dma_start3A_41 = arith.constant 0 : i32
    %dma_start3A_42 = arith.constant 0 : i32
    %dma_start3A_43 = tpu.memref_slice %arg2[%arg0, %dma_start3A_41, %dma_start3A_42] : memref<2x10240x80xf32, #tpu.memory_space<hbm>> -> memref<1x10240x80xf32, #tpu.memory_space<hbm>>
    %dma_start3A_44 = tpu.memref_squeeze %dma_start3A_43 : memref<1x10240x80xf32, #tpu.memory_space<hbm>> -> memref<10240x80xf32, #tpu.memory_space<hbm>>
    %dma_start3A_45 = arith.constant 0 : i32
    %dma_start3A_46 = tpu.memref_slice %dma_start3A_44[%add3A_25, %dma_start3A_45] : memref<10240x80xf32, #tpu.memory_space<hbm>> -> memref<128x80xf32, #tpu.memory_space<hbm>>
    tpu.enqueue_dma source(%dma_start3A_46 : memref<128x80xf32, #tpu.memory_space<hbm>>) target(%dma_start3A_40 : memref<128x80xf32, #tpu.memory_space<vmem>>) target_semaphore(%arg11 : memref<!tpu.dma_semaphore, #tpu.memory_space<semaphore_mem>>)
    %mul3A_47 = arith.constant 640 : i32
    %mul3A_48 = arith.muli %arg1, %mul3A_47 : i32
    %add3A_49 = arith.constant 256 : i32
    %add3A_50 = arith.addi %mul3A_48, %add3A_49 : i32
    %dma_start3A_51 = arith.constant 2 : i32
    %dma_start3A_52 = arith.constant 0 : i32
    %dma_start3A_53 = arith.constant 0 : i32
    %dma_start3A_54 = tpu.memref_slice %arg8[%dma_start3A_51, %dma_start3A_52, %dma_start3A_53] : memref<4x128x80xf32, #tpu.memory_space<vmem>> -> memref<1x128x80xf32, #tpu.memory_space<vmem>>
    %dma_start3A_55 = tpu.memref_squeeze %dma_start3A_54 : memref<1x128x80xf32, #tpu.memory_space<vmem>> -> memref<128x80xf32, #tpu.memory_space<vmem>>
    %dma_start3A_56 = arith.constant 0 : i32
    %dma_start3A_57 = arith.constant 0 : i32
    %dma_start3A_58 = tpu.memref_slice %arg2[%arg0, %dma_start3A_56, %dma_start3A_57] : memref<2x10240x80xf32, #tpu.memory_space<hbm>> -> memref<1x10240x80xf32, #tpu.memory_space<hbm>>
    %dma_start3A_59 = tpu.memref_squeeze %dma_start3A_58 : memref<1x10240x80xf32, #tpu.memory_space<hbm>> -> memref<10240x80xf32, #tpu.memory_space<hbm>>
    %dma_start3A_60 = arith.constant 0 : i32
    %dma_start3A_61 = tpu.memref_slice %dma_start3A_59[%add3A_50, %dma_start3A_60] : memref<10240x80xf32, #tpu.memory_space<hbm>> -> memref<128x80xf32, #tpu.memory_space<hbm>>
    %dma_start3A_62 = arith.constant 0 : i32
    %dma_start3A_63 = arith.constant 0 : i32
    %dma_start3A_64 = tpu.memref_slice %arg8[%dma_start3A_51, %dma_start3A_62, %dma_start3A_63] : memref<4x128x80xf32, #tpu.memory_space<vmem>> -> memref<1x128x80xf32, #tpu.memory_space<vmem>>
    %dma_start3A_65 = tpu.memref_squeeze %dma_start3A_64 : memref<1x128x80xf32, #tpu.memory_space<vmem>> -> memref<128x80xf32, #tpu.memory_space<vmem>>
    %dma_start3A_66 = arith.constant 0 : i32
    %dma_start3A_67 = arith.constant 0 : i32
    %dma_start3A_68 = tpu.memref_slice %arg2[%arg0, %dma_start3A_66, %dma_start3A_67] : memref<2x10240x80xf32, #tpu.memory_space<hbm>> -> memref<1x10240x80xf32, #tpu.memory_space<hbm>>
    %dma_start3A_69 = tpu.memref_squeeze %dma_start3A_68 : memref<1x10240x80xf32, #tpu.memory_space<hbm>> -> memref<10240x80xf32, #tpu.memory_space<hbm>>
    %dma_start3A_70 = arith.constant 0 : i32
    %dma_start3A_71 = tpu.memref_slice %dma_start3A_69[%add3A_50, %dma_start3A_70] : memref<10240x80xf32, #tpu.memory_space<hbm>> -> memref<128x80xf32, #tpu.memory_space<hbm>>
    tpu.enqueue_dma source(%dma_start3A_71 : memref<128x80xf32, #tpu.memory_space<hbm>>) target(%dma_start3A_65 : memref<128x80xf32, #tpu.memory_space<vmem>>) target_semaphore(%arg12 : memref<!tpu.dma_semaphore, #tpu.memory_space<semaphore_mem>>)
    %mul3A_72 = arith.constant 640 : i32
    %mul3A_73 = arith.muli %arg1, %mul3A_72 : i32
    %add3A_74 = arith.constant 384 : i32
    %add3A_75 = arith.addi %mul3A_73, %add3A_74 : i32
    %dma_start3A_76 = arith.constant 3 : i32
    %dma_start3A_77 = arith.constant 0 : i32
    %dma_start3A_78 = arith.constant 0 : i32
    %dma_start3A_79 = tpu.memref_slice %arg8[%dma_start3A_76, %dma_start3A_77, %dma_start3A_78] : memref<4x128x80xf32, #tpu.memory_space<vmem>> -> memref<1x128x80xf32, #tpu.memory_space<vmem>>
    %dma_start3A_80 = tpu.memref_squeeze %dma_start3A_79 : memref<1x128x80xf32, #tpu.memory_space<vmem>> -> memref<128x80xf32, #tpu.memory_space<vmem>>
    %dma_start3A_81 = arith.constant 0 : i32
    %dma_start3A_82 = arith.constant 0 : i32
    %dma_start3A_83 = tpu.memref_slice %arg2[%arg0, %dma_start3A_81, %dma_start3A_82] : memref<2x10240x80xf32, #tpu.memory_space<hbm>> -> memref<1x10240x80xf32, #tpu.memory_space<hbm>>
    %dma_start3A_84 = tpu.memref_squeeze %dma_start3A_83 : memref<1x10240x80xf32, #tpu.memory_space<hbm>> -> memref<10240x80xf32, #tpu.memory_space<hbm>>
    %dma_start3A_85 = arith.constant 0 : i32
    %dma_start3A_86 = tpu.memref_slice %dma_start3A_84[%add3A_75, %dma_start3A_85] : memref<10240x80xf32, #tpu.memory_space<hbm>> -> memref<128x80xf32, #tpu.memory_space<hbm>>
    %dma_start3A_87 = arith.constant 0 : i32
    %dma_start3A_88 = arith.constant 0 : i32
    %dma_start3A_89 = tpu.memref_slice %arg8[%dma_start3A_76, %dma_start3A_87, %dma_start3A_88] : memref<4x128x80xf32, #tpu.memory_space<vmem>> -> memref<1x128x80xf32, #tpu.memory_space<vmem>>
    %dma_start3A_90 = tpu.memref_squeeze %dma_start3A_89 : memref<1x128x80xf32, #tpu.memory_space<vmem>> -> memref<128x80xf32, #tpu.memory_space<vmem>>
    %dma_start3A_91 = arith.constant 0 : i32
    %dma_start3A_92 = arith.constant 0 : i32
    %dma_start3A_93 = tpu.memref_slice %arg2[%arg0, %dma_start3A_91, %dma_start3A_92] : memref<2x10240x80xf32, #tpu.memory_space<hbm>> -> memref<1x10240x80xf32, #tpu.memory_space<hbm>>
    %dma_start3A_94 = tpu.memref_squeeze %dma_start3A_93 : memref<1x10240x80xf32, #tpu.memory_space<hbm>> -> memref<10240x80xf32, #tpu.memory_space<hbm>>
    %dma_start3A_95 = arith.constant 0 : i32
    %dma_start3A_96 = tpu.memref_slice %dma_start3A_94[%add3A_75, %dma_start3A_95] : memref<10240x80xf32, #tpu.memory_space<hbm>> -> memref<128x80xf32, #tpu.memory_space<hbm>>
    tpu.enqueue_dma source(%dma_start3A_96 : memref<128x80xf32, #tpu.memory_space<hbm>>) target(%dma_start3A_90 : memref<128x80xf32, #tpu.memory_space<vmem>>) target_semaphore(%arg13 : memref<!tpu.dma_semaphore, #tpu.memory_space<semaphore_mem>>)
    %mul3A_97 = arith.constant 640 : i32
    %mul3A_98 = arith.muli %arg1, %mul3A_97 : i32
    %add3A_99 = arith.constant 0 : i32
    %add3A_100 = arith.addi %mul3A_98, %add3A_99 : i32
    %dma_wait3A = arith.constant 0 : i32
    %dma_wait3A_101 = arith.constant 0 : i32
    %dma_wait3A_102 = arith.constant 0 : i32
    %dma_wait3A_103 = tpu.memref_slice %arg8[%dma_wait3A, %dma_wait3A_101, %dma_wait3A_102] : memref<4x128x80xf32, #tpu.memory_space<vmem>> -> memref<1x128x80xf32, #tpu.memory_space<vmem>>
    %dma_wait3A_104 = tpu.memref_squeeze %dma_wait3A_103 : memref<1x128x80xf32, #tpu.memory_space<vmem>> -> memref<128x80xf32, #tpu.memory_space<vmem>>
    %dma_wait3A_105 = arith.constant 0 : i32
    %dma_wait3A_106 = arith.constant 0 : i32
    %dma_wait3A_107 = tpu.memref_slice %arg2[%arg0, %dma_wait3A_105, %dma_wait3A_106] : memref<2x10240x80xf32, #tpu.memory_space<hbm>> -> memref<1x10240x80xf32, #tpu.memory_space<hbm>>
    %dma_wait3A_108 = tpu.memref_squeeze %dma_wait3A_107 : memref<1x10240x80xf32, #tpu.memory_space<hbm>> -> memref<10240x80xf32, #tpu.memory_space<hbm>>
    %dma_wait3A_109 = arith.constant 0 : i32
    %dma_wait3A_110 = tpu.memref_slice %dma_wait3A_108[%add3A_100, %dma_wait3A_109] : memref<10240x80xf32, #tpu.memory_space<hbm>> -> memref<128x80xf32, #tpu.memory_space<hbm>>
    %dma_wait3A_111 = arith.constant 0 : i32
    %dma_wait3A_112 = arith.constant 0 : i32
    %dma_wait3A_113 = tpu.memref_slice %arg8[%dma_wait3A, %dma_wait3A_111, %dma_wait3A_112] : memref<4x128x80xf32, #tpu.memory_space<vmem>> -> memref<1x128x80xf32, #tpu.memory_space<vmem>>
    %dma_wait3A_114 = tpu.memref_squeeze %dma_wait3A_113 : memref<1x128x80xf32, #tpu.memory_space<vmem>> -> memref<128x80xf32, #tpu.memory_space<vmem>>
    %dma_wait3A_115 = arith.constant 0 : i32
    %dma_wait3A_116 = arith.constant 0 : i32
    %dma_wait3A_117 = tpu.memref_slice %arg2[%arg0, %dma_wait3A_115, %dma_wait3A_116] : memref<2x10240x80xf32, #tpu.memory_space<hbm>> -> memref<1x10240x80xf32, #tpu.memory_space<hbm>>
    %dma_wait3A_118 = tpu.memref_squeeze %dma_wait3A_117 : memref<1x10240x80xf32, #tpu.memory_space<hbm>> -> memref<10240x80xf32, #tpu.memory_space<hbm>>
    %dma_wait3A_119 = arith.constant 0 : i32
    %dma_wait3A_120 = tpu.memref_slice %dma_wait3A_118[%add3A_100, %dma_wait3A_119] : memref<10240x80xf32, #tpu.memory_space<hbm>> -> memref<128x80xf32, #tpu.memory_space<hbm>>
    tpu.wait_dma2 semaphore(%arg10 : memref<!tpu.dma_semaphore, #tpu.memory_space<semaphore_mem>>) src(%dma_wait3A_120 : memref<128x80xf32, #tpu.memory_space<hbm>>) dst(%dma_wait3A_114 : memref<128x80xf32, #tpu.memory_space<vmem>>)
    %dma_start3A_121 = arith.constant 0 : i32
    %dma_start3A_122 = arith.constant 0 : i32
    %dma_start3A_123 = arith.constant 0 : i32
    %dma_start3A_124 = tpu.memref_slice %arg8[%dma_start3A_121, %dma_start3A_122, %dma_start3A_123] : memref<4x128x80xf32, #tpu.memory_space<vmem>> -> memref<1x128x80xf32, #tpu.memory_space<vmem>>
    %dma_start3A_125 = tpu.memref_squeeze %dma_start3A_124 : memref<1x128x80xf32, #tpu.memory_space<vmem>> -> memref<128x80xf32, #tpu.memory_space<vmem>>
    %dma_start3A_126 = arith.constant 0 : i32
    %dma_start3A_127 = tpu.memref_slice %arg9[%add3A_100, %dma_start3A_126] : memref<10240x80xf32, #tpu.memory_space<vmem_shared>> -> memref<128x80xf32, #tpu.memory_space<vmem_shared>>
    %dma_start3A_128 = arith.constant 0 : i32
    %dma_start3A_129 = tpu.memref_slice %arg9[%add3A_100, %dma_start3A_128] : memref<10240x80xf32, #tpu.memory_space<vmem_shared>> -> memref<128x80xf32, #tpu.memory_space<vmem_shared>>
    %dma_start3A_130 = arith.constant 0 : i32
    %dma_start3A_131 = arith.constant 0 : i32
    %dma_start3A_132 = tpu.memref_slice %arg8[%dma_start3A_121, %dma_start3A_130, %dma_start3A_131] : memref<4x128x80xf32, #tpu.memory_space<vmem>> -> memref<1x128x80xf32, #tpu.memory_space<vmem>>
    %dma_start3A_133 = tpu.memref_squeeze %dma_start3A_132 : memref<1x128x80xf32, #tpu.memory_space<vmem>> -> memref<128x80xf32, #tpu.memory_space<vmem>>
    tpu.enqueue_dma source(%dma_start3A_133 : memref<128x80xf32, #tpu.memory_space<vmem>>) target(%dma_start3A_129 : memref<128x80xf32, #tpu.memory_space<vmem_shared>>) target_semaphore(%arg14 : memref<!tpu.dma_semaphore, #tpu.memory_space<semaphore_mem>>)
    %mul3A_134 = arith.constant 640 : i32
    %mul3A_135 = arith.muli %arg1, %mul3A_134 : i32
    %add3A_136 = arith.constant 512 : i32
    %add3A_137 = arith.addi %mul3A_135, %add3A_136 : i32
    %dma_wait3A_138 = arith.constant 0 : i32
    %dma_wait3A_139 = arith.constant 0 : i32
    %dma_wait3A_140 = arith.constant 0 : i32
    %dma_wait3A_141 = tpu.memref_slice %arg8[%dma_wait3A_138, %dma_wait3A_139, %dma_wait3A_140] : memref<4x128x80xf32, #tpu.memory_space<vmem>> -> memref<1x128x80xf32, #tpu.memory_space<vmem>>
    %dma_wait3A_142 = tpu.memref_squeeze %dma_wait3A_141 : memref<1x128x80xf32, #tpu.memory_space<vmem>> -> memref<128x80xf32, #tpu.memory_space<vmem>>
    %dma_wait3A_143 = arith.constant 0 : i32
    %dma_wait3A_144 = tpu.memref_slice %arg9[%add3A_100, %dma_wait3A_143] : memref<10240x80xf32, #tpu.memory_space<vmem_shared>> -> memref<128x80xf32, #tpu.memory_space<vmem_shared>>
    %dma_wait3A_145 = arith.constant 0 : i32
    %dma_wait3A_146 = tpu.memref_slice %arg9[%add3A_100, %dma_wait3A_145] : memref<10240x80xf32, #tpu.memory_space<vmem_shared>> -> memref<128x80xf32, #tpu.memory_space<vmem_shared>>
    %dma_wait3A_147 = arith.constant 0 : i32
    %dma_wait3A_148 = arith.constant 0 : i32
    %dma_wait3A_149 = tpu.memref_slice %arg8[%dma_wait3A_138, %dma_wait3A_147, %dma_wait3A_148] : memref<4x128x80xf32, #tpu.memory_space<vmem>> -> memref<1x128x80xf32, #tpu.memory_space<vmem>>
    %dma_wait3A_150 = tpu.memref_squeeze %dma_wait3A_149 : memref<1x128x80xf32, #tpu.memory_space<vmem>> -> memref<128x80xf32, #tpu.memory_space<vmem>>
    tpu.wait_dma2 semaphore(%arg14 : memref<!tpu.dma_semaphore, #tpu.memory_space<semaphore_mem>>) src(%dma_wait3A_150 : memref<128x80xf32, #tpu.memory_space<vmem>>) dst(%dma_wait3A_146 : memref<128x80xf32, #tpu.memory_space<vmem_shared>>)
    %dma_start3A_151 = arith.constant 0 : i32
    %dma_start3A_152 = arith.constant 0 : i32
    %dma_start3A_153 = arith.constant 0 : i32
    %dma_start3A_154 = tpu.memref_slice %arg8[%dma_start3A_151, %dma_start3A_152, %dma_start3A_153] : memref<4x128x80xf32, #tpu.memory_space<vmem>> -> memref<1x128x80xf32, #tpu.memory_space<vmem>>
    %dma_start3A_155 = tpu.memref_squeeze %dma_start3A_154 : memref<1x128x80xf32, #tpu.memory_space<vmem>> -> memref<128x80xf32, #tpu.memory_space<vmem>>
    %dma_start3A_156 = arith.constant 0 : i32
    %dma_start3A_157 = arith.constant 0 : i32
    %dma_start3A_158 = tpu.memref_slice %arg2[%arg0, %dma_start3A_156, %dma_start3A_157] : memref<2x10240x80xf32, #tpu.memory_space<hbm>> -> memref<1x10240x80xf32, #tpu.memory_space<hbm>>
    %dma_start3A_159 = tpu.memref_squeeze %dma_start3A_158 : memref<1x10240x80xf32, #tpu.memory_space<hbm>> -> memref<10240x80xf32, #tpu.memory_space<hbm>>
    %dma_start3A_160 = arith.constant 0 : i32
    %dma_start3A_161 = tpu.memref_slice %dma_start3A_159[%add3A_137, %dma_start3A_160] : memref<10240x80xf32, #tpu.memory_space<hbm>> -> memref<128x80xf32, #tpu.memory_space<hbm>>
    %dma_start3A_162 = arith.constant 0 : i32
    %dma_start3A_163 = arith.constant 0 : i32
    %dma_start3A_164 = tpu.memref_slice %arg8[%dma_start3A_151, %dma_start3A_162, %dma_start3A_163] : memref<4x128x80xf32, #tpu.memory_space<vmem>> -> memref<1x128x80xf32, #tpu.memory_space<vmem>>
    %dma_start3A_165 = tpu.memref_squeeze %dma_start3A_164 : memref<1x128x80xf32, #tpu.memory_space<vmem>> -> memref<128x80xf32, #tpu.memory_space<vmem>>
    %dma_start3A_166 = arith.constant 0 : i32
    %dma_start3A_167 = arith.constant 0 : i32
    %dma_start3A_168 = tpu.memref_slice %arg2[%arg0, %dma_start3A_166, %dma_start3A_167] : memref<2x10240x80xf32, #tpu.memory_space<hbm>> -> memref<1x10240x80xf32, #tpu.memory_space<hbm>>
    %dma_start3A_169 = tpu.memref_squeeze %dma_start3A_168 : memref<1x10240x80xf32, #tpu.memory_space<hbm>> -> memref<10240x80xf32, #tpu.memory_space<hbm>>
    %dma_start3A_170 = arith.constant 0 : i32
    %dma_start3A_171 = tpu.memref_slice %dma_start3A_169[%add3A_137, %dma_start3A_170] : memref<10240x80xf32, #tpu.memory_space<hbm>> -> memref<128x80xf32, #tpu.memory_space<hbm>>
    tpu.enqueue_dma source(%dma_start3A_171 : memref<128x80xf32, #tpu.memory_space<hbm>>) target(%dma_start3A_165 : memref<128x80xf32, #tpu.memory_space<vmem>>) target_semaphore(%arg10 : memref<!tpu.dma_semaphore, #tpu.memory_space<semaphore_mem>>)
    %mul3A_172 = arith.constant 640 : i32
    %mul3A_173 = arith.muli %arg1, %mul3A_172 : i32
    %add3A_174 = arith.constant 128 : i32
    %add3A_175 = arith.addi %mul3A_173, %add3A_174 : i32
    %dma_wait3A_176 = arith.constant 1 : i32
    %dma_wait3A_177 = arith.constant 0 : i32
    %dma_wait3A_178 = arith.constant 0 : i32
    %dma_wait3A_179 = tpu.memref_slice %arg8[%dma_wait3A_176, %dma_wait3A_177, %dma_wait3A_178] : memref<4x128x80xf32, #tpu.memory_space<vmem>> -> memref<1x128x80xf32, #tpu.memory_space<vmem>>
    %dma_wait3A_180 = tpu.memref_squeeze %dma_wait3A_179 : memref<1x128x80xf32, #tpu.memory_space<vmem>> -> memref<128x80xf32, #tpu.memory_space<vmem>>
    %dma_wait3A_181 = arith.constant 0 : i32
    %dma_wait3A_182 = arith.constant 0 : i32
    %dma_wait3A_183 = tpu.memref_slice %arg2[%arg0, %dma_wait3A_181, %dma_wait3A_182] : memref<2x10240x80xf32, #tpu.memory_space<hbm>> -> memref<1x10240x80xf32, #tpu.memory_space<hbm>>
    %dma_wait3A_184 = tpu.memref_squeeze %dma_wait3A_183 : memref<1x10240x80xf32, #tpu.memory_space<hbm>> -> memref<10240x80xf32, #tpu.memory_space<hbm>>
    %dma_wait3A_185 = arith.constant 0 : i32
    %dma_wait3A_186 = tpu.memref_slice %dma_wait3A_184[%add3A_175, %dma_wait3A_185] : memref<10240x80xf32, #tpu.memory_space<hbm>> -> memref<128x80xf32, #tpu.memory_space<hbm>>
    %dma_wait3A_187 = arith.constant 0 : i32
    %dma_wait3A_188 = arith.constant 0 : i32
    %dma_wait3A_189 = tpu.memref_slice %arg8[%dma_wait3A_176, %dma_wait3A_187, %dma_wait3A_188] : memref<4x128x80xf32, #tpu.memory_space<vmem>> -> memref<1x128x80xf32, #tpu.memory_space<vmem>>
    %dma_wait3A_190 = tpu.memref_squeeze %dma_wait3A_189 : memref<1x128x80xf32, #tpu.memory_space<vmem>> -> memref<128x80xf32, #tpu.memory_space<vmem>>
    %dma_wait3A_191 = arith.constant 0 : i32
    %dma_wait3A_192 = arith.constant 0 : i32
    %dma_wait3A_193 = tpu.memref_slice %arg2[%arg0, %dma_wait3A_191, %dma_wait3A_192] : memref<2x10240x80xf32, #tpu.memory_space<hbm>> -> memref<1x10240x80xf32, #tpu.memory_space<hbm>>
    %dma_wait3A_194 = tpu.memref_squeeze %dma_wait3A_193 : memref<1x10240x80xf32, #tpu.memory_space<hbm>> -> memref<10240x80xf32, #tpu.memory_space<hbm>>
    %dma_wait3A_195 = arith.constant 0 : i32
    %dma_wait3A_196 = tpu.memref_slice %dma_wait3A_194[%add3A_175, %dma_wait3A_195] : memref<10240x80xf32, #tpu.memory_space<hbm>> -> memref<128x80xf32, #tpu.memory_space<hbm>>
    tpu.wait_dma2 semaphore(%arg11 : memref<!tpu.dma_semaphore, #tpu.memory_space<semaphore_mem>>) src(%dma_wait3A_196 : memref<128x80xf32, #tpu.memory_space<hbm>>) dst(%dma_wait3A_190 : memref<128x80xf32, #tpu.memory_space<vmem>>)
    %dma_start3A_197 = arith.constant 1 : i32
    %dma_start3A_198 = arith.constant 0 : i32
    %dma_start3A_199 = arith.constant 0 : i32
    %dma_start3A_200 = tpu.memref_slice %arg8[%dma_start3A_197, %dma_start3A_198, %dma_start3A_199] : memref<4x128x80xf32, #tpu.memory_space<vmem>> -> memref<1x128x80xf32, #tpu.memory_space<vmem>>
    %dma_start3A_201 = tpu.memref_squeeze %dma_start3A_200 : memref<1x128x80xf32, #tpu.memory_space<vmem>> -> memref<128x80xf32, #tpu.memory_space<vmem>>
    %dma_start3A_202 = arith.constant 0 : i32
    %dma_start3A_203 = tpu.memref_slice %arg9[%add3A_175, %dma_start3A_202] : memref<10240x80xf32, #tpu.memory_space<vmem_shared>> -> memref<128x80xf32, #tpu.memory_space<vmem_shared>>
    %dma_start3A_204 = arith.constant 0 : i32
    %dma_start3A_205 = tpu.memref_slice %arg9[%add3A_175, %dma_start3A_204] : memref<10240x80xf32, #tpu.memory_space<vmem_shared>> -> memref<128x80xf32, #tpu.memory_space<vmem_shared>>
    %dma_start3A_206 = arith.constant 0 : i32
    %dma_start3A_207 = arith.constant 0 : i32
    %dma_start3A_208 = tpu.memref_slice %arg8[%dma_start3A_197, %dma_start3A_206, %dma_start3A_207] : memref<4x128x80xf32, #tpu.memory_space<vmem>> -> memref<1x128x80xf32, #tpu.memory_space<vmem>>
    %dma_start3A_209 = tpu.memref_squeeze %dma_start3A_208 : memref<1x128x80xf32, #tpu.memory_space<vmem>> -> memref<128x80xf32, #tpu.memory_space<vmem>>
    tpu.enqueue_dma source(%dma_start3A_209 : memref<128x80xf32, #tpu.memory_space<vmem>>) target(%dma_start3A_205 : memref<128x80xf32, #tpu.memory_space<vmem_shared>>) target_semaphore(%arg15 : memref<!tpu.dma_semaphore, #tpu.memory_space<semaphore_mem>>)
    %mul3A_210 = arith.constant 640 : i32
    %mul3A_211 = arith.muli %arg1, %mul3A_210 : i32
    %add3A_212 = arith.constant 256 : i32
    %add3A_213 = arith.addi %mul3A_211, %add3A_212 : i32
    %dma_wait3A_214 = arith.constant 2 : i32
    %dma_wait3A_215 = arith.constant 0 : i32
    %dma_wait3A_216 = arith.constant 0 : i32
    %dma_wait3A_217 = tpu.memref_slice %arg8[%dma_wait3A_214, %dma_wait3A_215, %dma_wait3A_216] : memref<4x128x80xf32, #tpu.memory_space<vmem>> -> memref<1x128x80xf32, #tpu.memory_space<vmem>>
    %dma_wait3A_218 = tpu.memref_squeeze %dma_wait3A_217 : memref<1x128x80xf32, #tpu.memory_space<vmem>> -> memref<128x80xf32, #tpu.memory_space<vmem>>
    %dma_wait3A_219 = arith.constant 0 : i32
    %dma_wait3A_220 = arith.constant 0 : i32
    %dma_wait3A_221 = tpu.memref_slice %arg2[%arg0, %dma_wait3A_219, %dma_wait3A_220] : memref<2x10240x80xf32, #tpu.memory_space<hbm>> -> memref<1x10240x80xf32, #tpu.memory_space<hbm>>
    %dma_wait3A_222 = tpu.memref_squeeze %dma_wait3A_221 : memref<1x10240x80xf32, #tpu.memory_space<hbm>> -> memref<10240x80xf32, #tpu.memory_space<hbm>>
    %dma_wait3A_223 = arith.constant 0 : i32
    %dma_wait3A_224 = tpu.memref_slice %dma_wait3A_222[%add3A_213, %dma_wait3A_223] : memref<10240x80xf32, #tpu.memory_space<hbm>> -> memref<128x80xf32, #tpu.memory_space<hbm>>
    %dma_wait3A_225 = arith.constant 0 : i32
    %dma_wait3A_226 = arith.constant 0 : i32
    %dma_wait3A_227 = tpu.memref_slice %arg8[%dma_wait3A_214, %dma_wait3A_225, %dma_wait3A_226] : memref<4x128x80xf32, #tpu.memory_space<vmem>> -> memref<1x128x80xf32, #tpu.memory_space<vmem>>
    %dma_wait3A_228 = tpu.memref_squeeze %dma_wait3A_227 : memref<1x128x80xf32, #tpu.memory_space<vmem>> -> memref<128x80xf32, #tpu.memory_space<vmem>>
    %dma_wait3A_229 = arith.constant 0 : i32
    %dma_wait3A_230 = arith.constant 0 : i32
    %dma_wait3A_231 = tpu.memref_slice %arg2[%arg0, %dma_wait3A_229, %dma_wait3A_230] : memref<2x10240x80xf32, #tpu.memory_space<hbm>> -> memref<1x10240x80xf32, #tpu.memory_space<hbm>>
    %dma_wait3A_232 = tpu.memref_squeeze %dma_wait3A_231 : memref<1x10240x80xf32, #tpu.memory_space<hbm>> -> memref<10240x80xf32, #tpu.memory_space<hbm>>
    %dma_wait3A_233 = arith.constant 0 : i32
    %dma_wait3A_234 = tpu.memref_slice %dma_wait3A_232[%add3A_213, %dma_wait3A_233] : memref<10240x80xf32, #tpu.memory_space<hbm>> -> memref<128x80xf32, #tpu.memory_space<hbm>>
    tpu.wait_dma2 semaphore(%arg12 : memref<!tpu.dma_semaphore, #tpu.memory_space<semaphore_mem>>) src(%dma_wait3A_234 : memref<128x80xf32, #tpu.memory_space<hbm>>) dst(%dma_wait3A_228 : memref<128x80xf32, #tpu.memory_space<vmem>>)
    %dma_start3A_235 = arith.constant 2 : i32
    %dma_start3A_236 = arith.constant 0 : i32
    %dma_start3A_237 = arith.constant 0 : i32
    %dma_start3A_238 = tpu.memref_slice %arg8[%dma_start3A_235, %dma_start3A_236, %dma_start3A_237] : memref<4x128x80xf32, #tpu.memory_space<vmem>> -> memref<1x128x80xf32, #tpu.memory_space<vmem>>
    %dma_start3A_239 = tpu.memref_squeeze %dma_start3A_238 : memref<1x128x80xf32, #tpu.memory_space<vmem>> -> memref<128x80xf32, #tpu.memory_space<vmem>>
    %dma_start3A_240 = arith.constant 0 : i32
    %dma_start3A_241 = tpu.memref_slice %arg9[%add3A_213, %dma_start3A_240] : memref<10240x80xf32, #tpu.memory_space<vmem_shared>> -> memref<128x80xf32, #tpu.memory_space<vmem_shared>>
    %dma_start3A_242 = arith.constant 0 : i32
    %dma_start3A_243 = tpu.memref_slice %arg9[%add3A_213, %dma_start3A_242] : memref<10240x80xf32, #tpu.memory_space<vmem_shared>> -> memref<128x80xf32, #tpu.memory_space<vmem_shared>>
    %dma_start3A_244 = arith.constant 0 : i32
    %dma_start3A_245 = arith.constant 0 : i32
    %dma_start3A_246 = tpu.memref_slice %arg8[%dma_start3A_235, %dma_start3A_244, %dma_start3A_245] : memref<4x128x80xf32, #tpu.memory_space<vmem>> -> memref<1x128x80xf32, #tpu.memory_space<vmem>>
    %dma_start3A_247 = tpu.memref_squeeze %dma_start3A_246 : memref<1x128x80xf32, #tpu.memory_space<vmem>> -> memref<128x80xf32, #tpu.memory_space<vmem>>
    tpu.enqueue_dma source(%dma_start3A_247 : memref<128x80xf32, #tpu.memory_space<vmem>>) target(%dma_start3A_243 : memref<128x80xf32, #tpu.memory_space<vmem_shared>>) target_semaphore(%arg16 : memref<!tpu.dma_semaphore, #tpu.memory_space<semaphore_mem>>)
    %mul3A_248 = arith.constant 640 : i32
    %mul3A_249 = arith.muli %arg1, %mul3A_248 : i32
    %add3A_250 = arith.constant 384 : i32
    %add3A_251 = arith.addi %mul3A_249, %add3A_250 : i32
    %dma_wait3A_252 = arith.constant 3 : i32
    %dma_wait3A_253 = arith.constant 0 : i32
    %dma_wait3A_254 = arith.constant 0 : i32
    %dma_wait3A_255 = tpu.memref_slice %arg8[%dma_wait3A_252, %dma_wait3A_253, %dma_wait3A_254] : memref<4x128x80xf32, #tpu.memory_space<vmem>> -> memref<1x128x80xf32, #tpu.memory_space<vmem>>
    %dma_wait3A_256 = tpu.memref_squeeze %dma_wait3A_255 : memref<1x128x80xf32, #tpu.memory_space<vmem>> -> memref<128x80xf32, #tpu.memory_space<vmem>>
    %dma_wait3A_257 = arith.constant 0 : i32
    %dma_wait3A_258 = arith.constant 0 : i32
    %dma_wait3A_259 = tpu.memref_slice %arg2[%arg0, %dma_wait3A_257, %dma_wait3A_258] : memref<2x10240x80xf32, #tpu.memory_space<hbm>> -> memref<1x10240x80xf32, #tpu.memory_space<hbm>>
    %dma_wait3A_260 = tpu.memref_squeeze %dma_wait3A_259 : memref<1x10240x80xf32, #tpu.memory_space<hbm>> -> memref<10240x80xf32, #tpu.memory_space<hbm>>
    %dma_wait3A_261 = arith.constant 0 : i32
    %dma_wait3A_262 = tpu.memref_slice %dma_wait3A_260[%add3A_251, %dma_wait3A_261] : memref<10240x80xf32, #tpu.memory_space<hbm>> -> memref<128x80xf32, #tpu.memory_space<hbm>>
    %dma_wait3A_263 = arith.constant 0 : i32
    %dma_wait3A_264 = arith.constant 0 : i32
    %dma_wait3A_265 = tpu.memref_slice %arg8[%dma_wait3A_252, %dma_wait3A_263, %dma_wait3A_264] : memref<4x128x80xf32, #tpu.memory_space<vmem>> -> memref<1x128x80xf32, #tpu.memory_space<vmem>>
    %dma_wait3A_266 = tpu.memref_squeeze %dma_wait3A_265 : memref<1x128x80xf32, #tpu.memory_space<vmem>> -> memref<128x80xf32, #tpu.memory_space<vmem>>
    %dma_wait3A_267 = arith.constant 0 : i32
    %dma_wait3A_268 = arith.constant 0 : i32
    %dma_wait3A_269 = tpu.memref_slice %arg2[%arg0, %dma_wait3A_267, %dma_wait3A_268] : memref<2x10240x80xf32, #tpu.memory_space<hbm>> -> memref<1x10240x80xf32, #tpu.memory_space<hbm>>
    %dma_wait3A_270 = tpu.memref_squeeze %dma_wait3A_269 : memref<1x10240x80xf32, #tpu.memory_space<hbm>> -> memref<10240x80xf32, #tpu.memory_space<hbm>>
    %dma_wait3A_271 = arith.constant 0 : i32
    %dma_wait3A_272 = tpu.memref_slice %dma_wait3A_270[%add3A_251, %dma_wait3A_271] : memref<10240x80xf32, #tpu.memory_space<hbm>> -> memref<128x80xf32, #tpu.memory_space<hbm>>
    tpu.wait_dma2 semaphore(%arg13 : memref<!tpu.dma_semaphore, #tpu.memory_space<semaphore_mem>>) src(%dma_wait3A_272 : memref<128x80xf32, #tpu.memory_space<hbm>>) dst(%dma_wait3A_266 : memref<128x80xf32, #tpu.memory_space<vmem>>)
    %dma_start3A_273 = arith.constant 3 : i32
    %dma_start3A_274 = arith.constant 0 : i32
    %dma_start3A_275 = arith.constant 0 : i32
    %dma_start3A_276 = tpu.memref_slice %arg8[%dma_start3A_273, %dma_start3A_274, %dma_start3A_275] : memref<4x128x80xf32, #tpu.memory_space<vmem>> -> memref<1x128x80xf32, #tpu.memory_space<vmem>>
    %dma_start3A_277 = tpu.memref_squeeze %dma_start3A_276 : memref<1x128x80xf32, #tpu.memory_space<vmem>> -> memref<128x80xf32, #tpu.memory_space<vmem>>
    %dma_start3A_278 = arith.constant 0 : i32
    %dma_start3A_279 = tpu.memref_slice %arg9[%add3A_251, %dma_start3A_278] : memref<10240x80xf32, #tpu.memory_space<vmem_shared>> -> memref<128x80xf32, #tpu.memory_space<vmem_shared>>
    %dma_start3A_280 = arith.constant 0 : i32
    %dma_start3A_281 = tpu.memref_slice %arg9[%add3A_251, %dma_start3A_280] : memref<10240x80xf32, #tpu.memory_space<vmem_shared>> -> memref<128x80xf32, #tpu.memory_space<vmem_shared>>
    %dma_start3A_282 = arith.constant 0 : i32
    %dma_start3A_283 = arith.constant 0 : i32
    %dma_start3A_284 = tpu.memref_slice %arg8[%dma_start3A_273, %dma_start3A_282, %dma_start3A_283] : memref<4x128x80xf32, #tpu.memory_space<vmem>> -> memref<1x128x80xf32, #tpu.memory_space<vmem>>
    %dma_start3A_285 = tpu.memref_squeeze %dma_start3A_284 : memref<1x128x80xf32, #tpu.memory_space<vmem>> -> memref<128x80xf32, #tpu.memory_space<vmem>>
    tpu.enqueue_dma source(%dma_start3A_285 : memref<128x80xf32, #tpu.memory_space<vmem>>) target(%dma_start3A_281 : memref<128x80xf32, #tpu.memory_space<vmem_shared>>) target_semaphore(%arg17 : memref<!tpu.dma_semaphore, #tpu.memory_space<semaphore_mem>>)
    %mul3A_286 = arith.constant 640 : i32
    %mul3A_287 = arith.muli %arg1, %mul3A_286 : i32
    %add3A_288 = arith.constant 512 : i32
    %add3A_289 = arith.addi %mul3A_287, %add3A_288 : i32
    %dma_wait3A_290 = arith.constant 0 : i32
    %dma_wait3A_291 = arith.constant 0 : i32
    %dma_wait3A_292 = arith.constant 0 : i32
    %dma_wait3A_293 = tpu.memref_slice %arg8[%dma_wait3A_290, %dma_wait3A_291, %dma_wait3A_292] : memref<4x128x80xf32, #tpu.memory_space<vmem>> -> memref<1x128x80xf32, #tpu.memory_space<vmem>>
    %dma_wait3A_294 = tpu.memref_squeeze %dma_wait3A_293 : memref<1x128x80xf32, #tpu.memory_space<vmem>> -> memref<128x80xf32, #tpu.memory_space<vmem>>
    %dma_wait3A_295 = arith.constant 0 : i32
    %dma_wait3A_296 = arith.constant 0 : i32
    %dma_wait3A_297 = tpu.memref_slice %arg2[%arg0, %dma_wait3A_295, %dma_wait3A_296] : memref<2x10240x80xf32, #tpu.memory_space<hbm>> -> memref<1x10240x80xf32, #tpu.memory_space<hbm>>
    %dma_wait3A_298 = tpu.memref_squeeze %dma_wait3A_297 : memref<1x10240x80xf32, #tpu.memory_space<hbm>> -> memref<10240x80xf32, #tpu.memory_space<hbm>>
    %dma_wait3A_299 = arith.constant 0 : i32
    %dma_wait3A_300 = tpu.memref_slice %dma_wait3A_298[%add3A_289, %dma_wait3A_299] : memref<10240x80xf32, #tpu.memory_space<hbm>> -> memref<128x80xf32, #tpu.memory_space<hbm>>
    %dma_wait3A_301 = arith.constant 0 : i32
    %dma_wait3A_302 = arith.constant 0 : i32
    %dma_wait3A_303 = tpu.memref_slice %arg8[%dma_wait3A_290, %dma_wait3A_301, %dma_wait3A_302] : memref<4x128x80xf32, #tpu.memory_space<vmem>> -> memref<1x128x80xf32, #tpu.memory_space<vmem>>
    %dma_wait3A_304 = tpu.memref_squeeze %dma_wait3A_303 : memref<1x128x80xf32, #tpu.memory_space<vmem>> -> memref<128x80xf32, #tpu.memory_space<vmem>>
    %dma_wait3A_305 = arith.constant 0 : i32
    %dma_wait3A_306 = arith.constant 0 : i32
    %dma_wait3A_307 = tpu.memref_slice %arg2[%arg0, %dma_wait3A_305, %dma_wait3A_306] : memref<2x10240x80xf32, #tpu.memory_space<hbm>> -> memref<1x10240x80xf32, #tpu.memory_space<hbm>>
    %dma_wait3A_308 = tpu.memref_squeeze %dma_wait3A_307 : memref<1x10240x80xf32, #tpu.memory_space<hbm>> -> memref<10240x80xf32, #tpu.memory_space<hbm>>
    %dma_wait3A_309 = arith.constant 0 : i32
    %dma_wait3A_310 = tpu.memref_slice %dma_wait3A_308[%add3A_289, %dma_wait3A_309] : memref<10240x80xf32, #tpu.memory_space<hbm>> -> memref<128x80xf32, #tpu.memory_space<hbm>>
    tpu.wait_dma2 semaphore(%arg10 : memref<!tpu.dma_semaphore, #tpu.memory_space<semaphore_mem>>) src(%dma_wait3A_310 : memref<128x80xf32, #tpu.memory_space<hbm>>) dst(%dma_wait3A_304 : memref<128x80xf32, #tpu.memory_space<vmem>>)
    %dma_start3A_311 = arith.constant 0 : i32
    %dma_start3A_312 = arith.constant 0 : i32
    %dma_start3A_313 = arith.constant 0 : i32
    %dma_start3A_314 = tpu.memref_slice %arg8[%dma_start3A_311, %dma_start3A_312, %dma_start3A_313] : memref<4x128x80xf32, #tpu.memory_space<vmem>> -> memref<1x128x80xf32, #tpu.memory_space<vmem>>
    %dma_start3A_315 = tpu.memref_squeeze %dma_start3A_314 : memref<1x128x80xf32, #tpu.memory_space<vmem>> -> memref<128x80xf32, #tpu.memory_space<vmem>>
    %dma_start3A_316 = arith.constant 0 : i32
    %dma_start3A_317 = tpu.memref_slice %arg9[%add3A_289, %dma_start3A_316] : memref<10240x80xf32, #tpu.memory_space<vmem_shared>> -> memref<128x80xf32, #tpu.memory_space<vmem_shared>>
    %dma_start3A_318 = arith.constant 0 : i32
    %dma_start3A_319 = tpu.memref_slice %arg9[%add3A_289, %dma_start3A_318] : memref<10240x80xf32, #tpu.memory_space<vmem_shared>> -> memref<128x80xf32, #tpu.memory_space<vmem_shared>>
    %dma_start3A_320 = arith.constant 0 : i32
    %dma_start3A_321 = arith.constant 0 : i32
    %dma_start3A_322 = tpu.memref_slice %arg8[%dma_start3A_311, %dma_start3A_320, %dma_start3A_321] : memref<4x128x80xf32, #tpu.memory_space<vmem>> -> memref<1x128x80xf32, #tpu.memory_space<vmem>>
    %dma_start3A_323 = tpu.memref_squeeze %dma_start3A_322 : memref<1x128x80xf32, #tpu.memory_space<vmem>> -> memref<128x80xf32, #tpu.memory_space<vmem>>
    tpu.enqueue_dma source(%dma_start3A_323 : memref<128x80xf32, #tpu.memory_space<vmem>>) target(%dma_start3A_319 : memref<128x80xf32, #tpu.memory_space<vmem_shared>>) target_semaphore(%arg14 : memref<!tpu.dma_semaphore, #tpu.memory_space<semaphore_mem>>)
    %mul3A_324 = arith.constant 640 : i32
    %mul3A_325 = arith.muli %arg1, %mul3A_324 : i32
    %add3A_326 = arith.constant 128 : i32
    %add3A_327 = arith.addi %mul3A_325, %add3A_326 : i32
    %dma_wait3A_328 = arith.constant 1 : i32
    %dma_wait3A_329 = arith.constant 0 : i32
    %dma_wait3A_330 = arith.constant 0 : i32
    %dma_wait3A_331 = tpu.memref_slice %arg8[%dma_wait3A_328, %dma_wait3A_329, %dma_wait3A_330] : memref<4x128x80xf32, #tpu.memory_space<vmem>> -> memref<1x128x80xf32, #tpu.memory_space<vmem>>
    %dma_wait3A_332 = tpu.memref_squeeze %dma_wait3A_331 : memref<1x128x80xf32, #tpu.memory_space<vmem>> -> memref<128x80xf32, #tpu.memory_space<vmem>>
    %dma_wait3A_333 = arith.constant 0 : i32
    %dma_wait3A_334 = tpu.memref_slice %arg9[%add3A_327, %dma_wait3A_333] : memref<10240x80xf32, #tpu.memory_space<vmem_shared>> -> memref<128x80xf32, #tpu.memory_space<vmem_shared>>
    %dma_wait3A_335 = arith.constant 0 : i32
    %dma_wait3A_336 = tpu.memref_slice %arg9[%add3A_327, %dma_wait3A_335] : memref<10240x80xf32, #tpu.memory_space<vmem_shared>> -> memref<128x80xf32, #tpu.memory_space<vmem_shared>>
    %dma_wait3A_337 = arith.constant 0 : i32
    %dma_wait3A_338 = arith.constant 0 : i32
    %dma_wait3A_339 = tpu.memref_slice %arg8[%dma_wait3A_328, %dma_wait3A_337, %dma_wait3A_338] : memref<4x128x80xf32, #tpu.memory_space<vmem>> -> memref<1x128x80xf32, #tpu.memory_space<vmem>>
    %dma_wait3A_340 = tpu.memref_squeeze %dma_wait3A_339 : memref<1x128x80xf32, #tpu.memory_space<vmem>> -> memref<128x80xf32, #tpu.memory_space<vmem>>
    tpu.wait_dma2 semaphore(%arg15 : memref<!tpu.dma_semaphore, #tpu.memory_space<semaphore_mem>>) src(%dma_wait3A_340 : memref<128x80xf32, #tpu.memory_space<vmem>>) dst(%dma_wait3A_336 : memref<128x80xf32, #tpu.memory_space<vmem_shared>>)
    %mul3A_341 = arith.constant 640 : i32
    %mul3A_342 = arith.muli %arg1, %mul3A_341 : i32
    %add3A_343 = arith.constant 256 : i32
    %add3A_344 = arith.addi %mul3A_342, %add3A_343 : i32
    %dma_wait3A_345 = arith.constant 2 : i32
    %dma_wait3A_346 = arith.constant 0 : i32
    %dma_wait3A_347 = arith.constant 0 : i32
    %dma_wait3A_348 = tpu.memref_slice %arg8[%dma_wait3A_345, %dma_wait3A_346, %dma_wait3A_347] : memref<4x128x80xf32, #tpu.memory_space<vmem>> -> memref<1x128x80xf32, #tpu.memory_space<vmem>>
    %dma_wait3A_349 = tpu.memref_squeeze %dma_wait3A_348 : memref<1x128x80xf32, #tpu.memory_space<vmem>> -> memref<128x80xf32, #tpu.memory_space<vmem>>
    %dma_wait3A_350 = arith.constant 0 : i32
    %dma_wait3A_351 = tpu.memref_slice %arg9[%add3A_344, %dma_wait3A_350] : memref<10240x80xf32, #tpu.memory_space<vmem_shared>> -> memref<128x80xf32, #tpu.memory_space<vmem_shared>>
    %dma_wait3A_352 = arith.constant 0 : i32
    %dma_wait3A_353 = tpu.memref_slice %arg9[%add3A_344, %dma_wait3A_352] : memref<10240x80xf32, #tpu.memory_space<vmem_shared>> -> memref<128x80xf32, #tpu.memory_space<vmem_shared>>
    %dma_wait3A_354 = arith.constant 0 : i32
    %dma_wait3A_355 = arith.constant 0 : i32
    %dma_wait3A_356 = tpu.memref_slice %arg8[%dma_wait3A_345, %dma_wait3A_354, %dma_wait3A_355] : memref<4x128x80xf32, #tpu.memory_space<vmem>> -> memref<1x128x80xf32, #tpu.memory_space<vmem>>
    %dma_wait3A_357 = tpu.memref_squeeze %dma_wait3A_356 : memref<1x128x80xf32, #tpu.memory_space<vmem>> -> memref<128x80xf32, #tpu.memory_space<vmem>>
    tpu.wait_dma2 semaphore(%arg16 : memref<!tpu.dma_semaphore, #tpu.memory_space<semaphore_mem>>) src(%dma_wait3A_357 : memref<128x80xf32, #tpu.memory_space<vmem>>) dst(%dma_wait3A_353 : memref<128x80xf32, #tpu.memory_space<vmem_shared>>)
    %mul3A_358 = arith.constant 640 : i32
    %mul3A_359 = arith.muli %arg1, %mul3A_358 : i32
    %add3A_360 = arith.constant 384 : i32
    %add3A_361 = arith.addi %mul3A_359, %add3A_360 : i32
    %dma_wait3A_362 = arith.constant 3 : i32
    %dma_wait3A_363 = arith.constant 0 : i32
    %dma_wait3A_364 = arith.constant 0 : i32
    %dma_wait3A_365 = tpu.memref_slice %arg8[%dma_wait3A_362, %dma_wait3A_363, %dma_wait3A_364] : memref<4x128x80xf32, #tpu.memory_space<vmem>> -> memref<1x128x80xf32, #tpu.memory_space<vmem>>
    %dma_wait3A_366 = tpu.memref_squeeze %dma_wait3A_365 : memref<1x128x80xf32, #tpu.memory_space<vmem>> -> memref<128x80xf32, #tpu.memory_space<vmem>>
    %dma_wait3A_367 = arith.constant 0 : i32
    %dma_wait3A_368 = tpu.memref_slice %arg9[%add3A_361, %dma_wait3A_367] : memref<10240x80xf32, #tpu.memory_space<vmem_shared>> -> memref<128x80xf32, #tpu.memory_space<vmem_shared>>
    %dma_wait3A_369 = arith.constant 0 : i32
    %dma_wait3A_370 = tpu.memref_slice %arg9[%add3A_361, %dma_wait3A_369] : memref<10240x80xf32, #tpu.memory_space<vmem_shared>> -> memref<128x80xf32, #tpu.memory_space<vmem_shared>>
    %dma_wait3A_371 = arith.constant 0 : i32
    %dma_wait3A_372 = arith.constant 0 : i32
    %dma_wait3A_373 = tpu.memref_slice %arg8[%dma_wait3A_362, %dma_wait3A_371, %dma_wait3A_372] : memref<4x128x80xf32, #tpu.memory_space<vmem>> -> memref<1x128x80xf32, #tpu.memory_space<vmem>>
    %dma_wait3A_374 = tpu.memref_squeeze %dma_wait3A_373 : memref<1x128x80xf32, #tpu.memory_space<vmem>> -> memref<128x80xf32, #tpu.memory_space<vmem>>
    tpu.wait_dma2 semaphore(%arg17 : memref<!tpu.dma_semaphore, #tpu.memory_space<semaphore_mem>>) src(%dma_wait3A_374 : memref<128x80xf32, #tpu.memory_space<vmem>>) dst(%dma_wait3A_370 : memref<128x80xf32, #tpu.memory_space<vmem_shared>>)
    %mul3A_375 = arith.constant 640 : i32
    %mul3A_376 = arith.muli %arg1, %mul3A_375 : i32
    %add3A_377 = arith.constant 512 : i32
    %add3A_378 = arith.addi %mul3A_376, %add3A_377 : i32
    %dma_wait3A_379 = arith.constant 0 : i32
    %dma_wait3A_380 = arith.constant 0 : i32
    %dma_wait3A_381 = arith.constant 0 : i32
    %dma_wait3A_382 = tpu.memref_slice %arg8[%dma_wait3A_379, %dma_wait3A_380, %dma_wait3A_381] : memref<4x128x80xf32, #tpu.memory_space<vmem>> -> memref<1x128x80xf32, #tpu.memory_space<vmem>>
    %dma_wait3A_383 = tpu.memref_squeeze %dma_wait3A_382 : memref<1x128x80xf32, #tpu.memory_space<vmem>> -> memref<128x80xf32, #tpu.memory_space<vmem>>
    %dma_wait3A_384 = arith.constant 0 : i32
    %dma_wait3A_385 = tpu.memref_slice %arg9[%add3A_378, %dma_wait3A_384] : memref<10240x80xf32, #tpu.memory_space<vmem_shared>> -> memref<128x80xf32, #tpu.memory_space<vmem_shared>>
    %dma_wait3A_386 = arith.constant 0 : i32
    %dma_wait3A_387 = tpu.memref_slice %arg9[%add3A_378, %dma_wait3A_386] : memref<10240x80xf32, #tpu.memory_space<vmem_shared>> -> memref<128x80xf32, #tpu.memory_space<vmem_shared>>
    %dma_wait3A_388 = arith.constant 0 : i32
    %dma_wait3A_389 = arith.constant 0 : i32
    %dma_wait3A_390 = tpu.memref_slice %arg8[%dma_wait3A_379, %dma_wait3A_388, %dma_wait3A_389] : memref<4x128x80xf32, #tpu.memory_space<vmem>> -> memref<1x128x80xf32, #tpu.memory_space<vmem>>
    %dma_wait3A_391 = tpu.memref_squeeze %dma_wait3A_390 : memref<1x128x80xf32, #tpu.memory_space<vmem>> -> memref<128x80xf32, #tpu.memory_space<vmem>>
    tpu.wait_dma2 semaphore(%arg14 : memref<!tpu.dma_semaphore, #tpu.memory_space<semaphore_mem>>) src(%dma_wait3A_391 : memref<128x80xf32, #tpu.memory_space<vmem>>) dst(%dma_wait3A_387 : memref<128x80xf32, #tpu.memory_space<vmem_shared>>)
    %barrier3A = arith.constant 0 : index
    tpu.barrier barrier_id(%barrier3A)
    %dma_start3A_392 = arith.constant 0 : i32
    %dma_start3A_393 = arith.constant 0 : i32
    %dma_start3A_394 = arith.constant 0 : i32
    %dma_start3A_395 = arith.constant 0 : i32
    %dma_start3A_396 = tpu.memref_slice %arg8[%dma_start3A_393, %dma_start3A_394, %dma_start3A_395] : memref<4x128x80xf32, #tpu.memory_space<vmem>> -> memref<1x128x80xf32, #tpu.memory_space<vmem>>
    %dma_start3A_397 = tpu.memref_squeeze %dma_start3A_396 : memref<1x128x80xf32, #tpu.memory_space<vmem>> -> memref<128x80xf32, #tpu.memory_space<vmem>>
    %dma_start3A_398 = arith.constant 0 : i32
    %dma_start3A_399 = tpu.memref_slice %arg6[%dma_start3A_392, %dma_start3A_398] : memref<80x128xi32, #tpu.memory_space<vmem>> -> memref<1x128xi32, #tpu.memory_space<vmem>>
    %dma_start3A_400 = tpu.memref_squeeze %dma_start3A_399 : memref<1x128xi32, #tpu.memory_space<vmem>> -> memref<128xi32, #tpu.memory_space<vmem>>
    %dma_start3A_401 = arith.constant 0 : i32
    %dma_start3A_402 = arith.constant 0 : i32
    %dma_start3A_403 = tpu.memref_slice %arg2[%arg0, %dma_start3A_401, %dma_start3A_402] : memref<2x10240x80xf32, #tpu.memory_space<hbm>> -> memref<1x10240x80xf32, #tpu.memory_space<hbm>>
    %dma_start3A_404 = tpu.memref_squeeze %dma_start3A_403 : memref<1x10240x80xf32, #tpu.memory_space<hbm>> -> memref<10240x80xf32, #tpu.memory_space<hbm>>
    %dma_start3A_405 = arith.constant 0 : i32
    %dma_start3A_406 = arith.constant 0 : i32
    %dma_start3A_407 = tpu.memref_slice %dma_start3A_404[%dma_start3A_405, %dma_start3A_406] : memref<10240x80xf32, #tpu.memory_space<hbm>> -> memref<10240x80xf32, #tpu.memory_space<hbm>>
    tpu.enqueue_indirect_dma source(%dma_start3A_407 : memref<10240x80xf32, #tpu.memory_space<hbm>>) target(%dma_start3A_397 : memref<128x80xf32, #tpu.memory_space<vmem>>) offsets(%dma_start3A_400 : memref<128xi32, #tpu.memory_space<vmem>>) semaphore(%arg10 : memref<!tpu.dma_semaphore, #tpu.memory_space<semaphore_mem>>)
    %dma_start3A_408 = arith.constant 1 : i32
    %dma_start3A_409 = arith.constant 1 : i32
    %dma_start3A_410 = arith.constant 0 : i32
    %dma_start3A_411 = arith.constant 0 : i32
    %dma_start3A_412 = tpu.memref_slice %arg8[%dma_start3A_409, %dma_start3A_410, %dma_start3A_411] : memref<4x128x80xf32, #tpu.memory_space<vmem>> -> memref<1x128x80xf32, #tpu.memory_space<vmem>>
    %dma_start3A_413 = tpu.memref_squeeze %dma_start3A_412 : memref<1x128x80xf32, #tpu.memory_space<vmem>> -> memref<128x80xf32, #tpu.memory_space<vmem>>
    %dma_start3A_414 = arith.constant 0 : i32
    %dma_start3A_415 = tpu.memref_slice %arg6[%dma_start3A_408, %dma_start3A_414] : memref<80x128xi32, #tpu.memory_space<vmem>> -> memref<1x128xi32, #tpu.memory_space<vmem>>
    %dma_start3A_416 = tpu.memref_squeeze %dma_start3A_415 : memref<1x128xi32, #tpu.memory_space<vmem>> -> memref<128xi32, #tpu.memory_space<vmem>>
    %dma_start3A_417 = arith.constant 0 : i32
    %dma_start3A_418 = arith.constant 0 : i32
    %dma_start3A_419 = tpu.memref_slice %arg2[%arg0, %dma_start3A_417, %dma_start3A_418] : memref<2x10240x80xf32, #tpu.memory_space<hbm>> -> memref<1x10240x80xf32, #tpu.memory_space<hbm>>
    %dma_start3A_420 = tpu.memref_squeeze %dma_start3A_419 : memref<1x10240x80xf32, #tpu.memory_space<hbm>> -> memref<10240x80xf32, #tpu.memory_space<hbm>>
    %dma_start3A_421 = arith.constant 0 : i32
    %dma_start3A_422 = arith.constant 0 : i32
    %dma_start3A_423 = tpu.memref_slice %dma_start3A_420[%dma_start3A_421, %dma_start3A_422] : memref<10240x80xf32, #tpu.memory_space<hbm>> -> memref<10240x80xf32, #tpu.memory_space<hbm>>
    tpu.enqueue_indirect_dma source(%dma_start3A_423 : memref<10240x80xf32, #tpu.memory_space<hbm>>) target(%dma_start3A_413 : memref<128x80xf32, #tpu.memory_space<vmem>>) offsets(%dma_start3A_416 : memref<128xi32, #tpu.memory_space<vmem>>) semaphore(%arg11 : memref<!tpu.dma_semaphore, #tpu.memory_space<semaphore_mem>>)
    %dma_start3A_424 = arith.constant 2 : i32
    %dma_start3A_425 = arith.constant 2 : i32
    %dma_start3A_426 = arith.constant 0 : i32
    %dma_start3A_427 = arith.constant 0 : i32
    %dma_start3A_428 = tpu.memref_slice %arg8[%dma_start3A_425, %dma_start3A_426, %dma_start3A_427] : memref<4x128x80xf32, #tpu.memory_space<vmem>> -> memref<1x128x80xf32, #tpu.memory_space<vmem>>
    %dma_start3A_429 = tpu.memref_squeeze %dma_start3A_428 : memref<1x128x80xf32, #tpu.memory_space<vmem>> -> memref<128x80xf32, #tpu.memory_space<vmem>>
    %dma_start3A_430 = arith.constant 0 : i32
    %dma_start3A_431 = tpu.memref_slice %arg6[%dma_start3A_424, %dma_start3A_430] : memref<80x128xi32, #tpu.memory_space<vmem>> -> memref<1x128xi32, #tpu.memory_space<vmem>>
    %dma_start3A_432 = tpu.memref_squeeze %dma_start3A_431 : memref<1x128xi32, #tpu.memory_space<vmem>> -> memref<128xi32, #tpu.memory_space<vmem>>
    %dma_start3A_433 = arith.constant 0 : i32
    %dma_start3A_434 = arith.constant 0 : i32
    %dma_start3A_435 = tpu.memref_slice %arg2[%arg0, %dma_start3A_433, %dma_start3A_434] : memref<2x10240x80xf32, #tpu.memory_space<hbm>> -> memref<1x10240x80xf32, #tpu.memory_space<hbm>>
    %dma_start3A_436 = tpu.memref_squeeze %dma_start3A_435 : memref<1x10240x80xf32, #tpu.memory_space<hbm>> -> memref<10240x80xf32, #tpu.memory_space<hbm>>
    %dma_start3A_437 = arith.constant 0 : i32
    %dma_start3A_438 = arith.constant 0 : i32
    %dma_start3A_439 = tpu.memref_slice %dma_start3A_436[%dma_start3A_437, %dma_start3A_438] : memref<10240x80xf32, #tpu.memory_space<hbm>> -> memref<10240x80xf32, #tpu.memory_space<hbm>>
    tpu.enqueue_indirect_dma source(%dma_start3A_439 : memref<10240x80xf32, #tpu.memory_space<hbm>>) target(%dma_start3A_429 : memref<128x80xf32, #tpu.memory_space<vmem>>) offsets(%dma_start3A_432 : memref<128xi32, #tpu.memory_space<vmem>>) semaphore(%arg12 : memref<!tpu.dma_semaphore, #tpu.memory_space<semaphore_mem>>)
    %dma_start3A_440 = arith.constant 3 : i32
    %dma_start3A_441 = arith.constant 3 : i32
    %dma_start3A_442 = arith.constant 0 : i32
    %dma_start3A_443 = arith.constant 0 : i32
    %dma_start3A_444 = tpu.memref_slice %arg8[%dma_start3A_441, %dma_start3A_442, %dma_start3A_443] : memref<4x128x80xf32, #tpu.memory_space<vmem>> -> memref<1x128x80xf32, #tpu.memory_space<vmem>>
    %dma_start3A_445 = tpu.memref_squeeze %dma_start3A_444 : memref<1x128x80xf32, #tpu.memory_space<vmem>> -> memref<128x80xf32, #tpu.memory_space<vmem>>
    %dma_start3A_446 = arith.constant 0 : i32
    %dma_start3A_447 = tpu.memref_slice %arg6[%dma_start3A_440, %dma_start3A_446] : memref<80x128xi32, #tpu.memory_space<vmem>> -> memref<1x128xi32, #tpu.memory_space<vmem>>
    %dma_start3A_448 = tpu.memref_squeeze %dma_start3A_447 : memref<1x128xi32, #tpu.memory_space<vmem>> -> memref<128xi32, #tpu.memory_space<vmem>>
    %dma_start3A_449 = arith.constant 0 : i32
    %dma_start3A_450 = arith.constant 0 : i32
    %dma_start3A_451 = tpu.memref_slice %arg2[%arg0, %dma_start3A_449, %dma_start3A_450] : memref<2x10240x80xf32, #tpu.memory_space<hbm>> -> memref<1x10240x80xf32, #tpu.memory_space<hbm>>
    %dma_start3A_452 = tpu.memref_squeeze %dma_start3A_451 : memref<1x10240x80xf32, #tpu.memory_space<hbm>> -> memref<10240x80xf32, #tpu.memory_space<hbm>>
    %dma_start3A_453 = arith.constant 0 : i32
    %dma_start3A_454 = arith.constant 0 : i32
    %dma_start3A_455 = tpu.memref_slice %dma_start3A_452[%dma_start3A_453, %dma_start3A_454] : memref<10240x80xf32, #tpu.memory_space<hbm>> -> memref<10240x80xf32, #tpu.memory_space<hbm>>
    tpu.enqueue_indirect_dma source(%dma_start3A_455 : memref<10240x80xf32, #tpu.memory_space<hbm>>) target(%dma_start3A_445 : memref<128x80xf32, #tpu.memory_space<vmem>>) offsets(%dma_start3A_448 : memref<128xi32, #tpu.memory_space<vmem>>) semaphore(%arg13 : memref<!tpu.dma_semaphore, #tpu.memory_space<semaphore_mem>>)
    %scan3A = arith.constant 0 : i32
    %scan3A_456 = arith.constant 0 : i32
    %scan3A_457 = arith.constant 20 : i32
    %scan3A_458 = arith.addi %scan3A_456, %scan3A_457 : i32
    %scan3A_459 = arith.constant 1 : i32
    scf.for %scan3A_514 = %scan3A_456 to %scan3A_458 step %scan3A_459  : i32 {
      %mul3A_515 = arith.constant 4 : i32
      %mul3A_516 = arith.muli %scan3A_514, %mul3A_515 : i32
      %dma_wait3A_517 = arith.constant 0 : i32
      %dma_wait3A_518 = arith.constant 0 : i32
      %dma_wait3A_519 = arith.constant 0 : i32
      %dma_wait3A_520 = arith.constant 0 : i32
      %dma_wait3A_521 = tpu.memref_slice %arg8[%dma_wait3A_518, %dma_wait3A_519, %dma_wait3A_520] : memref<4x128x80xf32, #tpu.memory_space<vmem>> -> memref<1x128x80xf32, #tpu.memory_space<vmem>>
      %dma_wait3A_522 = tpu.memref_squeeze %dma_wait3A_521 : memref<1x128x80xf32, #tpu.memory_space<vmem>> -> memref<128x80xf32, #tpu.memory_space<vmem>>
      %dma_wait3A_523 = arith.constant 0 : i32
      %dma_wait3A_524 = tpu.memref_slice %arg6[%dma_wait3A_517, %dma_wait3A_523] : memref<80x128xi32, #tpu.memory_space<vmem>> -> memref<1x128xi32, #tpu.memory_space<vmem>>
      %dma_wait3A_525 = tpu.memref_squeeze %dma_wait3A_524 : memref<1x128xi32, #tpu.memory_space<vmem>> -> memref<128xi32, #tpu.memory_space<vmem>>
      %dma_wait3A_526 = arith.constant 0 : i32
      %dma_wait3A_527 = arith.constant 0 : i32
      %dma_wait3A_528 = tpu.memref_slice %arg2[%arg0, %dma_wait3A_526, %dma_wait3A_527] : memref<2x10240x80xf32, #tpu.memory_space<hbm>> -> memref<1x10240x80xf32, #tpu.memory_space<hbm>>
      %dma_wait3A_529 = tpu.memref_squeeze %dma_wait3A_528 : memref<1x10240x80xf32, #tpu.memory_space<hbm>> -> memref<10240x80xf32, #tpu.memory_space<hbm>>
      %dma_wait3A_530 = arith.constant 0 : i32
      %dma_wait3A_531 = arith.constant 0 : i32
      %dma_wait3A_532 = tpu.memref_slice %dma_wait3A_529[%dma_wait3A_530, %dma_wait3A_531] : memref<10240x80xf32, #tpu.memory_space<hbm>> -> memref<10240x80xf32, #tpu.memory_space<hbm>>
      tpu.wait_indirect_dma semaphore(%arg10 : memref<!tpu.dma_semaphore, #tpu.memory_space<semaphore_mem>>) src(%dma_wait3A_532 : memref<10240x80xf32, #tpu.memory_space<hbm>>) dst(%dma_wait3A_522 : memref<128x80xf32, #tpu.memory_space<vmem>>)
      %add3A_533 = arith.constant 0 : i32
      %add3A_534 = arith.addi %mul3A_516, %add3A_533 : i32
      %dma_start3A_535 = arith.constant 0 : i32
      %dma_start3A_536 = arith.constant 0 : i32
      %dma_start3A_537 = arith.constant 0 : i32
      %dma_start3A_538 = tpu.memref_slice %arg8[%dma_start3A_535, %dma_start3A_536, %dma_start3A_537] : memref<4x128x80xf32, #tpu.memory_space<vmem>> -> memref<1x128x80xf32, #tpu.memory_space<vmem>>
      %dma_start3A_539 = tpu.memref_squeeze %dma_start3A_538 : memref<1x128x80xf32, #tpu.memory_space<vmem>> -> memref<128x80xf32, #tpu.memory_space<vmem>>
      %dma_start3A_540 = arith.constant 0 : i32
      %dma_start3A_541 = tpu.memref_slice %arg7[%add3A_534, %dma_start3A_540] : memref<80x128xi32, #tpu.memory_space<vmem>> -> memref<1x128xi32, #tpu.memory_space<vmem>>
      %dma_start3A_542 = tpu.memref_squeeze %dma_start3A_541 : memref<1x128xi32, #tpu.memory_space<vmem>> -> memref<128xi32, #tpu.memory_space<vmem>>
      %dma_start3A_543 = arith.constant 0 : i32
      %dma_start3A_544 = arith.constant 0 : i32
      %dma_start3A_545 = tpu.memref_slice %arg9[%dma_start3A_543, %dma_start3A_544] : memref<10240x80xf32, #tpu.memory_space<vmem_shared>> -> memref<10240x80xf32, #tpu.memory_space<vmem_shared>>
      tpu.enqueue_indirect_dma source(%dma_start3A_539 : memref<128x80xf32, #tpu.memory_space<vmem>>) target(%dma_start3A_545 : memref<10240x80xf32, #tpu.memory_space<vmem_shared>>) offsets(%dma_start3A_542 : memref<128xi32, #tpu.memory_space<vmem>>) semaphore(%arg14 : memref<!tpu.dma_semaphore, #tpu.memory_space<semaphore_mem>>) {add = true}
      %dma_wait3A_546 = arith.constant 0 : i32
      %dma_wait3A_547 = arith.constant 1 : i32
      %dma_wait3A_548 = arith.constant 0 : i32
      %dma_wait3A_549 = arith.constant 0 : i32
      %dma_wait3A_550 = tpu.memref_slice %arg8[%dma_wait3A_547, %dma_wait3A_548, %dma_wait3A_549] : memref<4x128x80xf32, #tpu.memory_space<vmem>> -> memref<1x128x80xf32, #tpu.memory_space<vmem>>
      %dma_wait3A_551 = tpu.memref_squeeze %dma_wait3A_550 : memref<1x128x80xf32, #tpu.memory_space<vmem>> -> memref<128x80xf32, #tpu.memory_space<vmem>>
      %dma_wait3A_552 = arith.constant 0 : i32
      %dma_wait3A_553 = tpu.memref_slice %arg6[%dma_wait3A_546, %dma_wait3A_552] : memref<80x128xi32, #tpu.memory_space<vmem>> -> memref<1x128xi32, #tpu.memory_space<vmem>>
      %dma_wait3A_554 = tpu.memref_squeeze %dma_wait3A_553 : memref<1x128xi32, #tpu.memory_space<vmem>> -> memref<128xi32, #tpu.memory_space<vmem>>
      %dma_wait3A_555 = arith.constant 0 : i32
      %dma_wait3A_556 = arith.constant 0 : i32
      %dma_wait3A_557 = tpu.memref_slice %arg2[%arg0, %dma_wait3A_555, %dma_wait3A_556] : memref<2x10240x80xf32, #tpu.memory_space<hbm>> -> memref<1x10240x80xf32, #tpu.memory_space<hbm>>
      %dma_wait3A_558 = tpu.memref_squeeze %dma_wait3A_557 : memref<1x10240x80xf32, #tpu.memory_space<hbm>> -> memref<10240x80xf32, #tpu.memory_space<hbm>>
      %dma_wait3A_559 = arith.constant 0 : i32
      %dma_wait3A_560 = arith.constant 0 : i32
      %dma_wait3A_561 = tpu.memref_slice %dma_wait3A_558[%dma_wait3A_559, %dma_wait3A_560] : memref<10240x80xf32, #tpu.memory_space<hbm>> -> memref<10240x80xf32, #tpu.memory_space<hbm>>
      tpu.wait_indirect_dma semaphore(%arg11 : memref<!tpu.dma_semaphore, #tpu.memory_space<semaphore_mem>>) src(%dma_wait3A_561 : memref<10240x80xf32, #tpu.memory_space<hbm>>) dst(%dma_wait3A_551 : memref<128x80xf32, #tpu.memory_space<vmem>>)
      %add3A_562 = arith.constant 1 : i32
      %add3A_563 = arith.addi %mul3A_516, %add3A_562 : i32
      %dma_start3A_564 = arith.constant 1 : i32
      %dma_start3A_565 = arith.constant 0 : i32
      %dma_start3A_566 = arith.constant 0 : i32
      %dma_start3A_567 = tpu.memref_slice %arg8[%dma_start3A_564, %dma_start3A_565, %dma_start3A_566] : memref<4x128x80xf32, #tpu.memory_space<vmem>> -> memref<1x128x80xf32, #tpu.memory_space<vmem>>
      %dma_start3A_568 = tpu.memref_squeeze %dma_start3A_567 : memref<1x128x80xf32, #tpu.memory_space<vmem>> -> memref<128x80xf32, #tpu.memory_space<vmem>>
      %dma_start3A_569 = arith.constant 0 : i32
      %dma_start3A_570 = tpu.memref_slice %arg7[%add3A_563, %dma_start3A_569] : memref<80x128xi32, #tpu.memory_space<vmem>> -> memref<1x128xi32, #tpu.memory_space<vmem>>
      %dma_start3A_571 = tpu.memref_squeeze %dma_start3A_570 : memref<1x128xi32, #tpu.memory_space<vmem>> -> memref<128xi32, #tpu.memory_space<vmem>>
      %dma_start3A_572 = arith.constant 0 : i32
      %dma_start3A_573 = arith.constant 0 : i32
      %dma_start3A_574 = tpu.memref_slice %arg9[%dma_start3A_572, %dma_start3A_573] : memref<10240x80xf32, #tpu.memory_space<vmem_shared>> -> memref<10240x80xf32, #tpu.memory_space<vmem_shared>>
      tpu.enqueue_indirect_dma source(%dma_start3A_568 : memref<128x80xf32, #tpu.memory_space<vmem>>) target(%dma_start3A_574 : memref<10240x80xf32, #tpu.memory_space<vmem_shared>>) offsets(%dma_start3A_571 : memref<128xi32, #tpu.memory_space<vmem>>) semaphore(%arg15 : memref<!tpu.dma_semaphore, #tpu.memory_space<semaphore_mem>>) {add = true}
      %dma_wait3A_575 = arith.constant 0 : i32
      %dma_wait3A_576 = arith.constant 2 : i32
      %dma_wait3A_577 = arith.constant 0 : i32
      %dma_wait3A_578 = arith.constant 0 : i32
      %dma_wait3A_579 = tpu.memref_slice %arg8[%dma_wait3A_576, %dma_wait3A_577, %dma_wait3A_578] : memref<4x128x80xf32, #tpu.memory_space<vmem>> -> memref<1x128x80xf32, #tpu.memory_space<vmem>>
      %dma_wait3A_580 = tpu.memref_squeeze %dma_wait3A_579 : memref<1x128x80xf32, #tpu.memory_space<vmem>> -> memref<128x80xf32, #tpu.memory_space<vmem>>
      %dma_wait3A_581 = arith.constant 0 : i32
      %dma_wait3A_582 = tpu.memref_slice %arg6[%dma_wait3A_575, %dma_wait3A_581] : memref<80x128xi32, #tpu.memory_space<vmem>> -> memref<1x128xi32, #tpu.memory_space<vmem>>
      %dma_wait3A_583 = tpu.memref_squeeze %dma_wait3A_582 : memref<1x128xi32, #tpu.memory_space<vmem>> -> memref<128xi32, #tpu.memory_space<vmem>>
      %dma_wait3A_584 = arith.constant 0 : i32
      %dma_wait3A_585 = arith.constant 0 : i32
      %dma_wait3A_586 = tpu.memref_slice %arg2[%arg0, %dma_wait3A_584, %dma_wait3A_585] : memref<2x10240x80xf32, #tpu.memory_space<hbm>> -> memref<1x10240x80xf32, #tpu.memory_space<hbm>>
      %dma_wait3A_587 = tpu.memref_squeeze %dma_wait3A_586 : memref<1x10240x80xf32, #tpu.memory_space<hbm>> -> memref<10240x80xf32, #tpu.memory_space<hbm>>
      %dma_wait3A_588 = arith.constant 0 : i32
      %dma_wait3A_589 = arith.constant 0 : i32
      %dma_wait3A_590 = tpu.memref_slice %dma_wait3A_587[%dma_wait3A_588, %dma_wait3A_589] : memref<10240x80xf32, #tpu.memory_space<hbm>> -> memref<10240x80xf32, #tpu.memory_space<hbm>>
      tpu.wait_indirect_dma semaphore(%arg12 : memref<!tpu.dma_semaphore, #tpu.memory_space<semaphore_mem>>) src(%dma_wait3A_590 : memref<10240x80xf32, #tpu.memory_space<hbm>>) dst(%dma_wait3A_580 : memref<128x80xf32, #tpu.memory_space<vmem>>)
      %add3A_591 = arith.constant 2 : i32
      %add3A_592 = arith.addi %mul3A_516, %add3A_591 : i32
      %dma_start3A_593 = arith.constant 2 : i32
      %dma_start3A_594 = arith.constant 0 : i32
      %dma_start3A_595 = arith.constant 0 : i32
      %dma_start3A_596 = tpu.memref_slice %arg8[%dma_start3A_593, %dma_start3A_594, %dma_start3A_595] : memref<4x128x80xf32, #tpu.memory_space<vmem>> -> memref<1x128x80xf32, #tpu.memory_space<vmem>>
      %dma_start3A_597 = tpu.memref_squeeze %dma_start3A_596 : memref<1x128x80xf32, #tpu.memory_space<vmem>> -> memref<128x80xf32, #tpu.memory_space<vmem>>
      %dma_start3A_598 = arith.constant 0 : i32
      %dma_start3A_599 = tpu.memref_slice %arg7[%add3A_592, %dma_start3A_598] : memref<80x128xi32, #tpu.memory_space<vmem>> -> memref<1x128xi32, #tpu.memory_space<vmem>>
      %dma_start3A_600 = tpu.memref_squeeze %dma_start3A_599 : memref<1x128xi32, #tpu.memory_space<vmem>> -> memref<128xi32, #tpu.memory_space<vmem>>
      %dma_start3A_601 = arith.constant 0 : i32
      %dma_start3A_602 = arith.constant 0 : i32
      %dma_start3A_603 = tpu.memref_slice %arg9[%dma_start3A_601, %dma_start3A_602] : memref<10240x80xf32, #tpu.memory_space<vmem_shared>> -> memref<10240x80xf32, #tpu.memory_space<vmem_shared>>
      tpu.enqueue_indirect_dma source(%dma_start3A_597 : memref<128x80xf32, #tpu.memory_space<vmem>>) target(%dma_start3A_603 : memref<10240x80xf32, #tpu.memory_space<vmem_shared>>) offsets(%dma_start3A_600 : memref<128xi32, #tpu.memory_space<vmem>>) semaphore(%arg16 : memref<!tpu.dma_semaphore, #tpu.memory_space<semaphore_mem>>) {add = true}
      %dma_wait3A_604 = arith.constant 0 : i32
      %dma_wait3A_605 = arith.constant 3 : i32
      %dma_wait3A_606 = arith.constant 0 : i32
      %dma_wait3A_607 = arith.constant 0 : i32
      %dma_wait3A_608 = tpu.memref_slice %arg8[%dma_wait3A_605, %dma_wait3A_606, %dma_wait3A_607] : memref<4x128x80xf32, #tpu.memory_space<vmem>> -> memref<1x128x80xf32, #tpu.memory_space<vmem>>
      %dma_wait3A_609 = tpu.memref_squeeze %dma_wait3A_608 : memref<1x128x80xf32, #tpu.memory_space<vmem>> -> memref<128x80xf32, #tpu.memory_space<vmem>>
      %dma_wait3A_610 = arith.constant 0 : i32
      %dma_wait3A_611 = tpu.memref_slice %arg6[%dma_wait3A_604, %dma_wait3A_610] : memref<80x128xi32, #tpu.memory_space<vmem>> -> memref<1x128xi32, #tpu.memory_space<vmem>>
      %dma_wait3A_612 = tpu.memref_squeeze %dma_wait3A_611 : memref<1x128xi32, #tpu.memory_space<vmem>> -> memref<128xi32, #tpu.memory_space<vmem>>
      %dma_wait3A_613 = arith.constant 0 : i32
      %dma_wait3A_614 = arith.constant 0 : i32
      %dma_wait3A_615 = tpu.memref_slice %arg2[%arg0, %dma_wait3A_613, %dma_wait3A_614] : memref<2x10240x80xf32, #tpu.memory_space<hbm>> -> memref<1x10240x80xf32, #tpu.memory_space<hbm>>
      %dma_wait3A_616 = tpu.memref_squeeze %dma_wait3A_615 : memref<1x10240x80xf32, #tpu.memory_space<hbm>> -> memref<10240x80xf32, #tpu.memory_space<hbm>>
      %dma_wait3A_617 = arith.constant 0 : i32
      %dma_wait3A_618 = arith.constant 0 : i32
      %dma_wait3A_619 = tpu.memref_slice %dma_wait3A_616[%dma_wait3A_617, %dma_wait3A_618] : memref<10240x80xf32, #tpu.memory_space<hbm>> -> memref<10240x80xf32, #tpu.memory_space<hbm>>
      tpu.wait_indirect_dma semaphore(%arg13 : memref<!tpu.dma_semaphore, #tpu.memory_space<semaphore_mem>>) src(%dma_wait3A_619 : memref<10240x80xf32, #tpu.memory_space<hbm>>) dst(%dma_wait3A_609 : memref<128x80xf32, #tpu.memory_space<vmem>>)
      %add3A_620 = arith.constant 3 : i32
      %add3A_621 = arith.addi %mul3A_516, %add3A_620 : i32
      %dma_start3A_622 = arith.constant 3 : i32
      %dma_start3A_623 = arith.constant 0 : i32
      %dma_start3A_624 = arith.constant 0 : i32
      %dma_start3A_625 = tpu.memref_slice %arg8[%dma_start3A_622, %dma_start3A_623, %dma_start3A_624] : memref<4x128x80xf32, #tpu.memory_space<vmem>> -> memref<1x128x80xf32, #tpu.memory_space<vmem>>
      %dma_start3A_626 = tpu.memref_squeeze %dma_start3A_625 : memref<1x128x80xf32, #tpu.memory_space<vmem>> -> memref<128x80xf32, #tpu.memory_space<vmem>>
      %dma_start3A_627 = arith.constant 0 : i32
      %dma_start3A_628 = tpu.memref_slice %arg7[%add3A_621, %dma_start3A_627] : memref<80x128xi32, #tpu.memory_space<vmem>> -> memref<1x128xi32, #tpu.memory_space<vmem>>
      %dma_start3A_629 = tpu.memref_squeeze %dma_start3A_628 : memref<1x128xi32, #tpu.memory_space<vmem>> -> memref<128xi32, #tpu.memory_space<vmem>>
      %dma_start3A_630 = arith.constant 0 : i32
      %dma_start3A_631 = arith.constant 0 : i32
      %dma_start3A_632 = tpu.memref_slice %arg9[%dma_start3A_630, %dma_start3A_631] : memref<10240x80xf32, #tpu.memory_space<vmem_shared>> -> memref<10240x80xf32, #tpu.memory_space<vmem_shared>>
      tpu.enqueue_indirect_dma source(%dma_start3A_626 : memref<128x80xf32, #tpu.memory_space<vmem>>) target(%dma_start3A_632 : memref<10240x80xf32, #tpu.memory_space<vmem_shared>>) offsets(%dma_start3A_629 : memref<128xi32, #tpu.memory_space<vmem>>) semaphore(%arg17 : memref<!tpu.dma_semaphore, #tpu.memory_space<semaphore_mem>>) {add = true}
      %add3A_633 = arith.constant 4 : i32
      %add3A_634 = arith.addi %mul3A_516, %add3A_633 : i32
      %lt3A = arith.constant 80 : i32
      %lt3A_635 = arith.cmpi slt, %add3A_634, %lt3A : i32
      %convert_element_type3A = arith.extui %lt3A_635 : i1 to i32
      %cond3A = arith.constant 0 : i32
      %cond3A_636 = arith.cmpi ne, %convert_element_type3A, %cond3A : i32
      scf.if %cond3A_636 {
        %dma_wait3A_637 = arith.constant 0 : i32
        %dma_wait3A_638 = arith.constant 0 : i32
        %dma_wait3A_639 = arith.constant 0 : i32
        %dma_wait3A_640 = arith.constant 0 : i32
        %dma_wait3A_641 = tpu.memref_slice %arg8[%dma_wait3A_637, %dma_wait3A_639, %dma_wait3A_640] : memref<4x128x80xf32, #tpu.memory_space<vmem>> -> memref<1x128x80xf32, #tpu.memory_space<vmem>>
        %dma_wait3A_642 = tpu.memref_squeeze %dma_wait3A_641 : memref<1x128x80xf32, #tpu.memory_space<vmem>> -> memref<128x80xf32, #tpu.memory_space<vmem>>
        %dma_wait3A_643 = arith.constant 0 : i32
        %dma_wait3A_644 = tpu.memref_slice %arg7[%dma_wait3A_638, %dma_wait3A_643] : memref<80x128xi32, #tpu.memory_space<vmem>> -> memref<1x128xi32, #tpu.memory_space<vmem>>
        %dma_wait3A_645 = tpu.memref_squeeze %dma_wait3A_644 : memref<1x128xi32, #tpu.memory_space<vmem>> -> memref<128xi32, #tpu.memory_space<vmem>>
        %dma_wait3A_646 = arith.constant 0 : i32
        %dma_wait3A_647 = arith.constant 0 : i32
        %dma_wait3A_648 = tpu.memref_slice %arg9[%dma_wait3A_646, %dma_wait3A_647] : memref<10240x80xf32, #tpu.memory_space<vmem_shared>> -> memref<10240x80xf32, #tpu.memory_space<vmem_shared>>
        tpu.wait_indirect_dma semaphore(%arg14 : memref<!tpu.dma_semaphore, #tpu.memory_space<semaphore_mem>>) src(%dma_wait3A_642 : memref<128x80xf32, #tpu.memory_space<vmem>>) dst(%dma_wait3A_648 : memref<10240x80xf32, #tpu.memory_space<vmem_shared>>)
        %add3A_649 = arith.constant 4 : i32
        %add3A_650 = arith.addi %mul3A_516, %add3A_649 : i32
        %add3A_651 = arith.constant 0 : i32
        %add3A_652 = arith.addi %add3A_650, %add3A_651 : i32
        %dma_start3A_653 = arith.constant 0 : i32
        %dma_start3A_654 = arith.constant 0 : i32
        %dma_start3A_655 = arith.constant 0 : i32
        %dma_start3A_656 = tpu.memref_slice %arg8[%dma_start3A_653, %dma_start3A_654, %dma_start3A_655] : memref<4x128x80xf32, #tpu.memory_space<vmem>> -> memref<1x128x80xf32, #tpu.memory_space<vmem>>
        %dma_start3A_657 = tpu.memref_squeeze %dma_start3A_656 : memref<1x128x80xf32, #tpu.memory_space<vmem>> -> memref<128x80xf32, #tpu.memory_space<vmem>>
        %dma_start3A_658 = arith.constant 0 : i32
        %dma_start3A_659 = tpu.memref_slice %arg6[%add3A_652, %dma_start3A_658] : memref<80x128xi32, #tpu.memory_space<vmem>> -> memref<1x128xi32, #tpu.memory_space<vmem>>
        %dma_start3A_660 = tpu.memref_squeeze %dma_start3A_659 : memref<1x128xi32, #tpu.memory_space<vmem>> -> memref<128xi32, #tpu.memory_space<vmem>>
        %dma_start3A_661 = arith.constant 0 : i32
        %dma_start3A_662 = arith.constant 0 : i32
        %dma_start3A_663 = tpu.memref_slice %arg2[%arg0, %dma_start3A_661, %dma_start3A_662] : memref<2x10240x80xf32, #tpu.memory_space<hbm>> -> memref<1x10240x80xf32, #tpu.memory_space<hbm>>
        %dma_start3A_664 = tpu.memref_squeeze %dma_start3A_663 : memref<1x10240x80xf32, #tpu.memory_space<hbm>> -> memref<10240x80xf32, #tpu.memory_space<hbm>>
        %dma_start3A_665 = arith.constant 0 : i32
        %dma_start3A_666 = arith.constant 0 : i32
        %dma_start3A_667 = tpu.memref_slice %dma_start3A_664[%dma_start3A_665, %dma_start3A_666] : memref<10240x80xf32, #tpu.memory_space<hbm>> -> memref<10240x80xf32, #tpu.memory_space<hbm>>
        tpu.enqueue_indirect_dma source(%dma_start3A_667 : memref<10240x80xf32, #tpu.memory_space<hbm>>) target(%dma_start3A_657 : memref<128x80xf32, #tpu.memory_space<vmem>>) offsets(%dma_start3A_660 : memref<128xi32, #tpu.memory_space<vmem>>) semaphore(%arg10 : memref<!tpu.dma_semaphore, #tpu.memory_space<semaphore_mem>>)
        %dma_wait3A_668 = arith.constant 1 : i32
        %dma_wait3A_669 = arith.constant 0 : i32
        %dma_wait3A_670 = arith.constant 0 : i32
        %dma_wait3A_671 = arith.constant 0 : i32
        %dma_wait3A_672 = tpu.memref_slice %arg8[%dma_wait3A_668, %dma_wait3A_670, %dma_wait3A_671] : memref<4x128x80xf32, #tpu.memory_space<vmem>> -> memref<1x128x80xf32, #tpu.memory_space<vmem>>
        %dma_wait3A_673 = tpu.memref_squeeze %dma_wait3A_672 : memref<1x128x80xf32, #tpu.memory_space<vmem>> -> memref<128x80xf32, #tpu.memory_space<vmem>>
        %dma_wait3A_674 = arith.constant 0 : i32
        %dma_wait3A_675 = tpu.memref_slice %arg7[%dma_wait3A_669, %dma_wait3A_674] : memref<80x128xi32, #tpu.memory_space<vmem>> -> memref<1x128xi32, #tpu.memory_space<vmem>>
        %dma_wait3A_676 = tpu.memref_squeeze %dma_wait3A_675 : memref<1x128xi32, #tpu.memory_space<vmem>> -> memref<128xi32, #tpu.memory_space<vmem>>
        %dma_wait3A_677 = arith.constant 0 : i32
        %dma_wait3A_678 = arith.constant 0 : i32
        %dma_wait3A_679 = tpu.memref_slice %arg9[%dma_wait3A_677, %dma_wait3A_678] : memref<10240x80xf32, #tpu.memory_space<vmem_shared>> -> memref<10240x80xf32, #tpu.memory_space<vmem_shared>>
        tpu.wait_indirect_dma semaphore(%arg15 : memref<!tpu.dma_semaphore, #tpu.memory_space<semaphore_mem>>) src(%dma_wait3A_673 : memref<128x80xf32, #tpu.memory_space<vmem>>) dst(%dma_wait3A_679 : memref<10240x80xf32, #tpu.memory_space<vmem_shared>>)
        %add3A_680 = arith.constant 4 : i32
        %add3A_681 = arith.addi %mul3A_516, %add3A_680 : i32
        %add3A_682 = arith.constant 1 : i32
        %add3A_683 = arith.addi %add3A_681, %add3A_682 : i32
        %dma_start3A_684 = arith.constant 1 : i32
        %dma_start3A_685 = arith.constant 0 : i32
        %dma_start3A_686 = arith.constant 0 : i32
        %dma_start3A_687 = tpu.memref_slice %arg8[%dma_start3A_684, %dma_start3A_685, %dma_start3A_686] : memref<4x128x80xf32, #tpu.memory_space<vmem>> -> memref<1x128x80xf32, #tpu.memory_space<vmem>>
        %dma_start3A_688 = tpu.memref_squeeze %dma_start3A_687 : memref<1x128x80xf32, #tpu.memory_space<vmem>> -> memref<128x80xf32, #tpu.memory_space<vmem>>
        %dma_start3A_689 = arith.constant 0 : i32
        %dma_start3A_690 = tpu.memref_slice %arg6[%add3A_683, %dma_start3A_689] : memref<80x128xi32, #tpu.memory_space<vmem>> -> memref<1x128xi32, #tpu.memory_space<vmem>>
        %dma_start3A_691 = tpu.memref_squeeze %dma_start3A_690 : memref<1x128xi32, #tpu.memory_space<vmem>> -> memref<128xi32, #tpu.memory_space<vmem>>
        %dma_start3A_692 = arith.constant 0 : i32
        %dma_start3A_693 = arith.constant 0 : i32
        %dma_start3A_694 = tpu.memref_slice %arg2[%arg0, %dma_start3A_692, %dma_start3A_693] : memref<2x10240x80xf32, #tpu.memory_space<hbm>> -> memref<1x10240x80xf32, #tpu.memory_space<hbm>>
        %dma_start3A_695 = tpu.memref_squeeze %dma_start3A_694 : memref<1x10240x80xf32, #tpu.memory_space<hbm>> -> memref<10240x80xf32, #tpu.memory_space<hbm>>
        %dma_start3A_696 = arith.constant 0 : i32
        %dma_start3A_697 = arith.constant 0 : i32
        %dma_start3A_698 = tpu.memref_slice %dma_start3A_695[%dma_start3A_696, %dma_start3A_697] : memref<10240x80xf32, #tpu.memory_space<hbm>> -> memref<10240x80xf32, #tpu.memory_space<hbm>>
        tpu.enqueue_indirect_dma source(%dma_start3A_698 : memref<10240x80xf32, #tpu.memory_space<hbm>>) target(%dma_start3A_688 : memref<128x80xf32, #tpu.memory_space<vmem>>) offsets(%dma_start3A_691 : memref<128xi32, #tpu.memory_space<vmem>>) semaphore(%arg11 : memref<!tpu.dma_semaphore, #tpu.memory_space<semaphore_mem>>)
        %dma_wait3A_699 = arith.constant 2 : i32
        %dma_wait3A_700 = arith.constant 0 : i32
        %dma_wait3A_701 = arith.constant 0 : i32
        %dma_wait3A_702 = arith.constant 0 : i32
        %dma_wait3A_703 = tpu.memref_slice %arg8[%dma_wait3A_699, %dma_wait3A_701, %dma_wait3A_702] : memref<4x128x80xf32, #tpu.memory_space<vmem>> -> memref<1x128x80xf32, #tpu.memory_space<vmem>>
        %dma_wait3A_704 = tpu.memref_squeeze %dma_wait3A_703 : memref<1x128x80xf32, #tpu.memory_space<vmem>> -> memref<128x80xf32, #tpu.memory_space<vmem>>
        %dma_wait3A_705 = arith.constant 0 : i32
        %dma_wait3A_706 = tpu.memref_slice %arg7[%dma_wait3A_700, %dma_wait3A_705] : memref<80x128xi32, #tpu.memory_space<vmem>> -> memref<1x128xi32, #tpu.memory_space<vmem>>
        %dma_wait3A_707 = tpu.memref_squeeze %dma_wait3A_706 : memref<1x128xi32, #tpu.memory_space<vmem>> -> memref<128xi32, #tpu.memory_space<vmem>>
        %dma_wait3A_708 = arith.constant 0 : i32
        %dma_wait3A_709 = arith.constant 0 : i32
        %dma_wait3A_710 = tpu.memref_slice %arg9[%dma_wait3A_708, %dma_wait3A_709] : memref<10240x80xf32, #tpu.memory_space<vmem_shared>> -> memref<10240x80xf32, #tpu.memory_space<vmem_shared>>
        tpu.wait_indirect_dma semaphore(%arg16 : memref<!tpu.dma_semaphore, #tpu.memory_space<semaphore_mem>>) src(%dma_wait3A_704 : memref<128x80xf32, #tpu.memory_space<vmem>>) dst(%dma_wait3A_710 : memref<10240x80xf32, #tpu.memory_space<vmem_shared>>)
        %add3A_711 = arith.constant 4 : i32
        %add3A_712 = arith.addi %mul3A_516, %add3A_711 : i32
        %add3A_713 = arith.constant 2 : i32
        %add3A_714 = arith.addi %add3A_712, %add3A_713 : i32
        %dma_start3A_715 = arith.constant 2 : i32
        %dma_start3A_716 = arith.constant 0 : i32
        %dma_start3A_717 = arith.constant 0 : i32
        %dma_start3A_718 = tpu.memref_slice %arg8[%dma_start3A_715, %dma_start3A_716, %dma_start3A_717] : memref<4x128x80xf32, #tpu.memory_space<vmem>> -> memref<1x128x80xf32, #tpu.memory_space<vmem>>
        %dma_start3A_719 = tpu.memref_squeeze %dma_start3A_718 : memref<1x128x80xf32, #tpu.memory_space<vmem>> -> memref<128x80xf32, #tpu.memory_space<vmem>>
        %dma_start3A_720 = arith.constant 0 : i32
        %dma_start3A_721 = tpu.memref_slice %arg6[%add3A_714, %dma_start3A_720] : memref<80x128xi32, #tpu.memory_space<vmem>> -> memref<1x128xi32, #tpu.memory_space<vmem>>
        %dma_start3A_722 = tpu.memref_squeeze %dma_start3A_721 : memref<1x128xi32, #tpu.memory_space<vmem>> -> memref<128xi32, #tpu.memory_space<vmem>>
        %dma_start3A_723 = arith.constant 0 : i32
        %dma_start3A_724 = arith.constant 0 : i32
        %dma_start3A_725 = tpu.memref_slice %arg2[%arg0, %dma_start3A_723, %dma_start3A_724] : memref<2x10240x80xf32, #tpu.memory_space<hbm>> -> memref<1x10240x80xf32, #tpu.memory_space<hbm>>
        %dma_start3A_726 = tpu.memref_squeeze %dma_start3A_725 : memref<1x10240x80xf32, #tpu.memory_space<hbm>> -> memref<10240x80xf32, #tpu.memory_space<hbm>>
        %dma_start3A_727 = arith.constant 0 : i32
        %dma_start3A_728 = arith.constant 0 : i32
        %dma_start3A_729 = tpu.memref_slice %dma_start3A_726[%dma_start3A_727, %dma_start3A_728] : memref<10240x80xf32, #tpu.memory_space<hbm>> -> memref<10240x80xf32, #tpu.memory_space<hbm>>
        tpu.enqueue_indirect_dma source(%dma_start3A_729 : memref<10240x80xf32, #tpu.memory_space<hbm>>) target(%dma_start3A_719 : memref<128x80xf32, #tpu.memory_space<vmem>>) offsets(%dma_start3A_722 : memref<128xi32, #tpu.memory_space<vmem>>) semaphore(%arg12 : memref<!tpu.dma_semaphore, #tpu.memory_space<semaphore_mem>>)
        %dma_wait3A_730 = arith.constant 3 : i32
        %dma_wait3A_731 = arith.constant 0 : i32
        %dma_wait3A_732 = arith.constant 0 : i32
        %dma_wait3A_733 = arith.constant 0 : i32
        %dma_wait3A_734 = tpu.memref_slice %arg8[%dma_wait3A_730, %dma_wait3A_732, %dma_wait3A_733] : memref<4x128x80xf32, #tpu.memory_space<vmem>> -> memref<1x128x80xf32, #tpu.memory_space<vmem>>
        %dma_wait3A_735 = tpu.memref_squeeze %dma_wait3A_734 : memref<1x128x80xf32, #tpu.memory_space<vmem>> -> memref<128x80xf32, #tpu.memory_space<vmem>>
        %dma_wait3A_736 = arith.constant 0 : i32
        %dma_wait3A_737 = tpu.memref_slice %arg7[%dma_wait3A_731, %dma_wait3A_736] : memref<80x128xi32, #tpu.memory_space<vmem>> -> memref<1x128xi32, #tpu.memory_space<vmem>>
        %dma_wait3A_738 = tpu.memref_squeeze %dma_wait3A_737 : memref<1x128xi32, #tpu.memory_space<vmem>> -> memref<128xi32, #tpu.memory_space<vmem>>
        %dma_wait3A_739 = arith.constant 0 : i32
        %dma_wait3A_740 = arith.constant 0 : i32
        %dma_wait3A_741 = tpu.memref_slice %arg9[%dma_wait3A_739, %dma_wait3A_740] : memref<10240x80xf32, #tpu.memory_space<vmem_shared>> -> memref<10240x80xf32, #tpu.memory_space<vmem_shared>>
        tpu.wait_indirect_dma semaphore(%arg17 : memref<!tpu.dma_semaphore, #tpu.memory_space<semaphore_mem>>) src(%dma_wait3A_735 : memref<128x80xf32, #tpu.memory_space<vmem>>) dst(%dma_wait3A_741 : memref<10240x80xf32, #tpu.memory_space<vmem_shared>>)
        %add3A_742 = arith.constant 4 : i32
        %add3A_743 = arith.addi %mul3A_516, %add3A_742 : i32
        %add3A_744 = arith.constant 3 : i32
        %add3A_745 = arith.addi %add3A_743, %add3A_744 : i32
        %dma_start3A_746 = arith.constant 3 : i32
        %dma_start3A_747 = arith.constant 0 : i32
        %dma_start3A_748 = arith.constant 0 : i32
        %dma_start3A_749 = tpu.memref_slice %arg8[%dma_start3A_746, %dma_start3A_747, %dma_start3A_748] : memref<4x128x80xf32, #tpu.memory_space<vmem>> -> memref<1x128x80xf32, #tpu.memory_space<vmem>>
        %dma_start3A_750 = tpu.memref_squeeze %dma_start3A_749 : memref<1x128x80xf32, #tpu.memory_space<vmem>> -> memref<128x80xf32, #tpu.memory_space<vmem>>
        %dma_start3A_751 = arith.constant 0 : i32
        %dma_start3A_752 = tpu.memref_slice %arg6[%add3A_745, %dma_start3A_751] : memref<80x128xi32, #tpu.memory_space<vmem>> -> memref<1x128xi32, #tpu.memory_space<vmem>>
        %dma_start3A_753 = tpu.memref_squeeze %dma_start3A_752 : memref<1x128xi32, #tpu.memory_space<vmem>> -> memref<128xi32, #tpu.memory_space<vmem>>
        %dma_start3A_754 = arith.constant 0 : i32
        %dma_start3A_755 = arith.constant 0 : i32
        %dma_start3A_756 = tpu.memref_slice %arg2[%arg0, %dma_start3A_754, %dma_start3A_755] : memref<2x10240x80xf32, #tpu.memory_space<hbm>> -> memref<1x10240x80xf32, #tpu.memory_space<hbm>>
        %dma_start3A_757 = tpu.memref_squeeze %dma_start3A_756 : memref<1x10240x80xf32, #tpu.memory_space<hbm>> -> memref<10240x80xf32, #tpu.memory_space<hbm>>
        %dma_start3A_758 = arith.constant 0 : i32
        %dma_start3A_759 = arith.constant 0 : i32
        %dma_start3A_760 = tpu.memref_slice %dma_start3A_757[%dma_start3A_758, %dma_start3A_759] : memref<10240x80xf32, #tpu.memory_space<hbm>> -> memref<10240x80xf32, #tpu.memory_space<hbm>>
        tpu.enqueue_indirect_dma source(%dma_start3A_760 : memref<10240x80xf32, #tpu.memory_space<hbm>>) target(%dma_start3A_750 : memref<128x80xf32, #tpu.memory_space<vmem>>) offsets(%dma_start3A_753 : memref<128xi32, #tpu.memory_space<vmem>>) semaphore(%arg13 : memref<!tpu.dma_semaphore, #tpu.memory_space<semaphore_mem>>)
      } else {
      }
    }
    %scan3A_460 = arith.constant 20 : i32
    %dma_wait3A_461 = arith.constant 0 : i32
    %dma_wait3A_462 = arith.constant 0 : i32
    %dma_wait3A_463 = arith.constant 0 : i32
    %dma_wait3A_464 = arith.constant 0 : i32
    %dma_wait3A_465 = tpu.memref_slice %arg8[%dma_wait3A_461, %dma_wait3A_463, %dma_wait3A_464] : memref<4x128x80xf32, #tpu.memory_space<vmem>> -> memref<1x128x80xf32, #tpu.memory_space<vmem>>
    %dma_wait3A_466 = tpu.memref_squeeze %dma_wait3A_465 : memref<1x128x80xf32, #tpu.memory_space<vmem>> -> memref<128x80xf32, #tpu.memory_space<vmem>>
    %dma_wait3A_467 = arith.constant 0 : i32
    %dma_wait3A_468 = tpu.memref_slice %arg7[%dma_wait3A_462, %dma_wait3A_467] : memref<80x128xi32, #tpu.memory_space<vmem>> -> memref<1x128xi32, #tpu.memory_space<vmem>>
    %dma_wait3A_469 = tpu.memref_squeeze %dma_wait3A_468 : memref<1x128xi32, #tpu.memory_space<vmem>> -> memref<128xi32, #tpu.memory_space<vmem>>
    %dma_wait3A_470 = arith.constant 0 : i32
    %dma_wait3A_471 = arith.constant 0 : i32
    %dma_wait3A_472 = tpu.memref_slice %arg9[%dma_wait3A_470, %dma_wait3A_471] : memref<10240x80xf32, #tpu.memory_space<vmem_shared>> -> memref<10240x80xf32, #tpu.memory_space<vmem_shared>>
    tpu.wait_indirect_dma semaphore(%arg14 : memref<!tpu.dma_semaphore, #tpu.memory_space<semaphore_mem>>) src(%dma_wait3A_466 : memref<128x80xf32, #tpu.memory_space<vmem>>) dst(%dma_wait3A_472 : memref<10240x80xf32, #tpu.memory_space<vmem_shared>>)
    %dma_wait3A_473 = arith.constant 1 : i32
    %dma_wait3A_474 = arith.constant 0 : i32
    %dma_wait3A_475 = arith.constant 0 : i32
    %dma_wait3A_476 = arith.constant 0 : i32
    %dma_wait3A_477 = tpu.memref_slice %arg8[%dma_wait3A_473, %dma_wait3A_475, %dma_wait3A_476] : memref<4x128x80xf32, #tpu.memory_space<vmem>> -> memref<1x128x80xf32, #tpu.memory_space<vmem>>
    %dma_wait3A_478 = tpu.memref_squeeze %dma_wait3A_477 : memref<1x128x80xf32, #tpu.memory_space<vmem>> -> memref<128x80xf32, #tpu.memory_space<vmem>>
    %dma_wait3A_479 = arith.constant 0 : i32
    %dma_wait3A_480 = tpu.memref_slice %arg7[%dma_wait3A_474, %dma_wait3A_479] : memref<80x128xi32, #tpu.memory_space<vmem>> -> memref<1x128xi32, #tpu.memory_space<vmem>>
    %dma_wait3A_481 = tpu.memref_squeeze %dma_wait3A_480 : memref<1x128xi32, #tpu.memory_space<vmem>> -> memref<128xi32, #tpu.memory_space<vmem>>
    %dma_wait3A_482 = arith.constant 0 : i32
    %dma_wait3A_483 = arith.constant 0 : i32
    %dma_wait3A_484 = tpu.memref_slice %arg9[%dma_wait3A_482, %dma_wait3A_483] : memref<10240x80xf32, #tpu.memory_space<vmem_shared>> -> memref<10240x80xf32, #tpu.memory_space<vmem_shared>>
    tpu.wait_indirect_dma semaphore(%arg15 : memref<!tpu.dma_semaphore, #tpu.memory_space<semaphore_mem>>) src(%dma_wait3A_478 : memref<128x80xf32, #tpu.memory_space<vmem>>) dst(%dma_wait3A_484 : memref<10240x80xf32, #tpu.memory_space<vmem_shared>>)
    %dma_wait3A_485 = arith.constant 2 : i32
    %dma_wait3A_486 = arith.constant 0 : i32
    %dma_wait3A_487 = arith.constant 0 : i32
    %dma_wait3A_488 = arith.constant 0 : i32
    %dma_wait3A_489 = tpu.memref_slice %arg8[%dma_wait3A_485, %dma_wait3A_487, %dma_wait3A_488] : memref<4x128x80xf32, #tpu.memory_space<vmem>> -> memref<1x128x80xf32, #tpu.memory_space<vmem>>
    %dma_wait3A_490 = tpu.memref_squeeze %dma_wait3A_489 : memref<1x128x80xf32, #tpu.memory_space<vmem>> -> memref<128x80xf32, #tpu.memory_space<vmem>>
    %dma_wait3A_491 = arith.constant 0 : i32
    %dma_wait3A_492 = tpu.memref_slice %arg7[%dma_wait3A_486, %dma_wait3A_491] : memref<80x128xi32, #tpu.memory_space<vmem>> -> memref<1x128xi32, #tpu.memory_space<vmem>>
    %dma_wait3A_493 = tpu.memref_squeeze %dma_wait3A_492 : memref<1x128xi32, #tpu.memory_space<vmem>> -> memref<128xi32, #tpu.memory_space<vmem>>
    %dma_wait3A_494 = arith.constant 0 : i32
    %dma_wait3A_495 = arith.constant 0 : i32
    %dma_wait3A_496 = tpu.memref_slice %arg9[%dma_wait3A_494, %dma_wait3A_495] : memref<10240x80xf32, #tpu.memory_space<vmem_shared>> -> memref<10240x80xf32, #tpu.memory_space<vmem_shared>>
    tpu.wait_indirect_dma semaphore(%arg16 : memref<!tpu.dma_semaphore, #tpu.memory_space<semaphore_mem>>) src(%dma_wait3A_490 : memref<128x80xf32, #tpu.memory_space<vmem>>) dst(%dma_wait3A_496 : memref<10240x80xf32, #tpu.memory_space<vmem_shared>>)
    %dma_wait3A_497 = arith.constant 3 : i32
    %dma_wait3A_498 = arith.constant 0 : i32
    %dma_wait3A_499 = arith.constant 0 : i32
    %dma_wait3A_500 = arith.constant 0 : i32
    %dma_wait3A_501 = tpu.memref_slice %arg8[%dma_wait3A_497, %dma_wait3A_499, %dma_wait3A_500] : memref<4x128x80xf32, #tpu.memory_space<vmem>> -> memref<1x128x80xf32, #tpu.memory_space<vmem>>
    %dma_wait3A_502 = tpu.memref_squeeze %dma_wait3A_501 : memref<1x128x80xf32, #tpu.memory_space<vmem>> -> memref<128x80xf32, #tpu.memory_space<vmem>>
    %dma_wait3A_503 = arith.constant 0 : i32
    %dma_wait3A_504 = tpu.memref_slice %arg7[%dma_wait3A_498, %dma_wait3A_503] : memref<80x128xi32, #tpu.memory_space<vmem>> -> memref<1x128xi32, #tpu.memory_space<vmem>>
    %dma_wait3A_505 = tpu.memref_squeeze %dma_wait3A_504 : memref<1x128xi32, #tpu.memory_space<vmem>> -> memref<128xi32, #tpu.memory_space<vmem>>
    %dma_wait3A_506 = arith.constant 0 : i32
    %dma_wait3A_507 = arith.constant 0 : i32
    %dma_wait3A_508 = tpu.memref_slice %arg9[%dma_wait3A_506, %dma_wait3A_507] : memref<10240x80xf32, #tpu.memory_space<vmem_shared>> -> memref<10240x80xf32, #tpu.memory_space<vmem_shared>>
    tpu.wait_indirect_dma semaphore(%arg17 : memref<!tpu.dma_semaphore, #tpu.memory_space<semaphore_mem>>) src(%dma_wait3A_502 : memref<128x80xf32, #tpu.memory_space<vmem>>) dst(%dma_wait3A_508 : memref<10240x80xf32, #tpu.memory_space<vmem_shared>>)
    %barrier3A_509 = arith.constant 0 : index
    tpu.barrier barrier_id(%barrier3A_509)
    %mul3A_510 = arith.constant 640 : i32
    %mul3A_511 = arith.muli %arg1, %mul3A_510 : i32
    %mul3A_512 = arith.constant 640 : i32
    %mul3A_513 = arith.muli %arg1, %mul3A_512 : i32
    "tpu.region"() ({
      %run_scoped3A = tpu.sem_alloc : memref<!tpu.dma_semaphore, #tpu.memory_space<semaphore_mem>>
      %dma_start3A_514 = arith.constant 0 : i32
      %dma_start3A_515 = arith.constant 0 : i32
      %dma_start3A_516 = tpu.memref_slice %arg5[%arg0, %dma_start3A_514, %dma_start3A_515] : memref<2x10240x80xf32, #tpu.memory_space<hbm>> -> memref<1x10240x80xf32, #tpu.memory_space<hbm>>
      %dma_start3A_517 = tpu.memref_squeeze %dma_start3A_516 : memref<1x10240x80xf32, #tpu.memory_space<hbm>> -> memref<10240x80xf32, #tpu.memory_space<hbm>>
      %dma_start3A_518 = arith.constant 0 : i32
      %dma_start3A_519 = tpu.memref_slice %dma_start3A_517[%mul3A_513, %dma_start3A_518] : memref<10240x80xf32, #tpu.memory_space<hbm>> -> memref<640x80xf32, #tpu.memory_space<hbm>>
      %dma_start3A_520 = arith.constant 0 : i32
      %dma_start3A_521 = tpu.memref_slice %arg9[%mul3A_511, %dma_start3A_520] : memref<10240x80xf32, #tpu.memory_space<vmem_shared>> -> memref<640x80xf32, #tpu.memory_space<vmem_shared>>
      tpu.enqueue_dma source(%dma_start3A_521 : memref<640x80xf32, #tpu.memory_space<vmem_shared>>) target(%dma_start3A_519 : memref<640x80xf32, #tpu.memory_space<hbm>>) target_semaphore(%run_scoped3A : memref<!tpu.dma_semaphore, #tpu.memory_space<semaphore_mem>>)
      %dma_wait3A_522 = arith.constant 0 : i32
      %dma_wait3A_523 = arith.constant 0 : i32
      %dma_wait3A_524 = tpu.memref_slice %arg5[%arg0, %dma_wait3A_522, %dma_wait3A_523] : memref<2x10240x80xf32, #tpu.memory_space<hbm>> -> memref<1x10240x80xf32, #tpu.memory_space<hbm>>
      %dma_wait3A_525 = tpu.memref_squeeze %dma_wait3A_524 : memref<1x10240x80xf32, #tpu.memory_space<hbm>> -> memref<10240x80xf32, #tpu.memory_space<hbm>>
      %dma_wait3A_526 = arith.constant 0 : i32
      %dma_wait3A_527 = tpu.memref_slice %dma_wait3A_525[%mul3A_513, %dma_wait3A_526] : memref<10240x80xf32, #tpu.memory_space<hbm>> -> memref<640x80xf32, #tpu.memory_space<hbm>>
      %dma_wait3A_528 = arith.constant 0 : i32
      %dma_wait3A_529 = tpu.memref_slice %arg9[%mul3A_511, %dma_wait3A_528] : memref<10240x80xf32, #tpu.memory_space<vmem_shared>> -> memref<640x80xf32, #tpu.memory_space<vmem_shared>>
      tpu.wait_dma2 semaphore(%run_scoped3A : memref<!tpu.dma_semaphore, #tpu.memory_space<semaphore_mem>>) src(%dma_wait3A_529 : memref<640x80xf32, #tpu.memory_space<vmem_shared>>) dst(%dma_wait3A_527 : memref<640x80xf32, #tpu.memory_space<hbm>>)
      tpu.yield
    }) : () -> ()
    return
  }
}

#map = affine_map<(d0, d1) -> (0, 0, 0)>
module attributes {stable_mosaic.version = 14 : i64} {
  func.func @_agg_body(%arg0: i32, %arg1: i32, %arg2: memref<2x10240x80xf32, #tpu.memory_space<hbm>>, %arg3: memref<16x80x128xi32, #tpu.memory_space<hbm>>, %arg4: memref<16x80x128xi32, #tpu.memory_space<hbm>>, %arg5: memref<2x10240x80xf32, #tpu.memory_space<hbm>>, %arg6: memref<80x128xi32, #tpu.memory_space<vmem>>, %arg7: memref<80x128xi32, #tpu.memory_space<vmem>>, %arg8: memref<4x128x80xf32, #tpu.memory_space<vmem>>, %arg9: memref<10240x80xf32, #tpu.memory_space<vmem_shared>>, %arg10: memref<!tpu.dma_semaphore, #tpu.memory_space<semaphore_mem>>, %arg11: memref<!tpu.dma_semaphore, #tpu.memory_space<semaphore_mem>>, %arg12: memref<!tpu.dma_semaphore, #tpu.memory_space<semaphore_mem>>, %arg13: memref<!tpu.dma_semaphore, #tpu.memory_space<semaphore_mem>>, %arg14: memref<!tpu.dma_semaphore, #tpu.memory_space<semaphore_mem>>, %arg15: memref<!tpu.dma_semaphore, #tpu.memory_space<semaphore_mem>>, %arg16: memref<!tpu.dma_semaphore, #tpu.memory_space<semaphore_mem>>, %arg17: memref<!tpu.dma_semaphore, #tpu.memory_space<semaphore_mem>>) attributes {dimension_semantics = [#tpu.dimension_semantics<core_parallel>, #tpu.dimension_semantics<subcore_parallel>], iteration_bounds = array<i64: 2, 16>, scalar_prefetch = 0 : i64, scratch_operands = 12 : i64, tpu.core_type = #tpu.core_type<sc_vector_subcore>, window_params = [{transform_indices = #map}, {transform_indices = #map}, {transform_indices = #map}, {transform_indices = #map}]} {
    "tpu.region"() ({
      %run_scoped3A = tpu.sem_alloc : memref<!tpu.dma_semaphore, #tpu.memory_space<semaphore_mem>>
      %dma_start3A_514 = arith.constant 0 : i32
      %dma_start3A_515 = arith.constant 0 : i32
      %dma_start3A_516 = tpu.memref_slice %arg3[%arg1, %dma_start3A_514, %dma_start3A_515] : memref<16x80x128xi32, #tpu.memory_space<hbm>> -> memref<1x80x128xi32, #tpu.memory_space<hbm>>
      %dma_start3A_517 = tpu.memref_squeeze %dma_start3A_516 : memref<1x80x128xi32, #tpu.memory_space<hbm>> -> memref<80x128xi32, #tpu.memory_space<hbm>>
      %dma_start3A_518 = arith.constant 0 : i32
      %dma_start3A_519 = arith.constant 0 : i32
      %dma_start3A_520 = tpu.memref_slice %arg3[%arg1, %dma_start3A_518, %dma_start3A_519] : memref<16x80x128xi32, #tpu.memory_space<hbm>> -> memref<1x80x128xi32, #tpu.memory_space<hbm>>
      %dma_start3A_521 = tpu.memref_squeeze %dma_start3A_520 : memref<1x80x128xi32, #tpu.memory_space<hbm>> -> memref<80x128xi32, #tpu.memory_space<hbm>>
      tpu.enqueue_dma source(%dma_start3A_521 : memref<80x128xi32, #tpu.memory_space<hbm>>) target(%arg6 : memref<80x128xi32, #tpu.memory_space<vmem>>) target_semaphore(%run_scoped3A : memref<!tpu.dma_semaphore, #tpu.memory_space<semaphore_mem>>)
      %dma_wait3A_522 = arith.constant 0 : i32
      %dma_wait3A_523 = arith.constant 0 : i32
      %dma_wait3A_524 = tpu.memref_slice %arg3[%arg1, %dma_wait3A_522, %dma_wait3A_523] : memref<16x80x128xi32, #tpu.memory_space<hbm>> -> memref<1x80x128xi32, #tpu.memory_space<hbm>>
      %dma_wait3A_525 = tpu.memref_squeeze %dma_wait3A_524 : memref<1x80x128xi32, #tpu.memory_space<hbm>> -> memref<80x128xi32, #tpu.memory_space<hbm>>
      %dma_wait3A_526 = arith.constant 0 : i32
      %dma_wait3A_527 = arith.constant 0 : i32
      %dma_wait3A_528 = tpu.memref_slice %arg3[%arg1, %dma_wait3A_526, %dma_wait3A_527] : memref<16x80x128xi32, #tpu.memory_space<hbm>> -> memref<1x80x128xi32, #tpu.memory_space<hbm>>
      %dma_wait3A_529 = tpu.memref_squeeze %dma_wait3A_528 : memref<1x80x128xi32, #tpu.memory_space<hbm>> -> memref<80x128xi32, #tpu.memory_space<hbm>>
      tpu.wait_dma2 semaphore(%run_scoped3A : memref<!tpu.dma_semaphore, #tpu.memory_space<semaphore_mem>>) src(%dma_wait3A_529 : memref<80x128xi32, #tpu.memory_space<hbm>>) dst(%arg6 : memref<80x128xi32, #tpu.memory_space<vmem>>)
      tpu.yield
    }) : () -> ()
    "tpu.region"() ({
      %run_scoped3A = tpu.sem_alloc : memref<!tpu.dma_semaphore, #tpu.memory_space<semaphore_mem>>
      %dma_start3A_514 = arith.constant 0 : i32
      %dma_start3A_515 = arith.constant 0 : i32
      %dma_start3A_516 = tpu.memref_slice %arg4[%arg1, %dma_start3A_514, %dma_start3A_515] : memref<16x80x128xi32, #tpu.memory_space<hbm>> -> memref<1x80x128xi32, #tpu.memory_space<hbm>>
      %dma_start3A_517 = tpu.memref_squeeze %dma_start3A_516 : memref<1x80x128xi32, #tpu.memory_space<hbm>> -> memref<80x128xi32, #tpu.memory_space<hbm>>
      %dma_start3A_518 = arith.constant 0 : i32
      %dma_start3A_519 = arith.constant 0 : i32
      %dma_start3A_520 = tpu.memref_slice %arg4[%arg1, %dma_start3A_518, %dma_start3A_519] : memref<16x80x128xi32, #tpu.memory_space<hbm>> -> memref<1x80x128xi32, #tpu.memory_space<hbm>>
      %dma_start3A_521 = tpu.memref_squeeze %dma_start3A_520 : memref<1x80x128xi32, #tpu.memory_space<hbm>> -> memref<80x128xi32, #tpu.memory_space<hbm>>
      tpu.enqueue_dma source(%dma_start3A_521 : memref<80x128xi32, #tpu.memory_space<hbm>>) target(%arg7 : memref<80x128xi32, #tpu.memory_space<vmem>>) target_semaphore(%run_scoped3A : memref<!tpu.dma_semaphore, #tpu.memory_space<semaphore_mem>>)
      %dma_wait3A_522 = arith.constant 0 : i32
      %dma_wait3A_523 = arith.constant 0 : i32
      %dma_wait3A_524 = tpu.memref_slice %arg4[%arg1, %dma_wait3A_522, %dma_wait3A_523] : memref<16x80x128xi32, #tpu.memory_space<hbm>> -> memref<1x80x128xi32, #tpu.memory_space<hbm>>
      %dma_wait3A_525 = tpu.memref_squeeze %dma_wait3A_524 : memref<1x80x128xi32, #tpu.memory_space<hbm>> -> memref<80x128xi32, #tpu.memory_space<hbm>>
      %dma_wait3A_526 = arith.constant 0 : i32
      %dma_wait3A_527 = arith.constant 0 : i32
      %dma_wait3A_528 = tpu.memref_slice %arg4[%arg1, %dma_wait3A_526, %dma_wait3A_527] : memref<16x80x128xi32, #tpu.memory_space<hbm>> -> memref<1x80x128xi32, #tpu.memory_space<hbm>>
      %dma_wait3A_529 = tpu.memref_squeeze %dma_wait3A_528 : memref<1x80x128xi32, #tpu.memory_space<hbm>> -> memref<80x128xi32, #tpu.memory_space<hbm>>
      tpu.wait_dma2 semaphore(%run_scoped3A : memref<!tpu.dma_semaphore, #tpu.memory_space<semaphore_mem>>) src(%dma_wait3A_529 : memref<80x128xi32, #tpu.memory_space<hbm>>) dst(%arg7 : memref<80x128xi32, #tpu.memory_space<vmem>>)
      tpu.yield
    }) : () -> ()
    %mul3A = arith.constant 640 : i32
    %mul3A_0 = arith.muli %arg1, %mul3A : i32
    %add3A = arith.constant 0 : i32
    %add3A_1 = arith.addi %mul3A_0, %add3A : i32
    %dma_start3A = arith.constant 0 : i32
    %dma_start3A_2 = arith.constant 0 : i32
    %dma_start3A_3 = arith.constant 0 : i32
    %dma_start3A_4 = tpu.memref_slice %arg8[%dma_start3A, %dma_start3A_2, %dma_start3A_3] : memref<4x128x80xf32, #tpu.memory_space<vmem>> -> memref<1x128x80xf32, #tpu.memory_space<vmem>>
    %dma_start3A_5 = tpu.memref_squeeze %dma_start3A_4 : memref<1x128x80xf32, #tpu.memory_space<vmem>> -> memref<128x80xf32, #tpu.memory_space<vmem>>
    %dma_start3A_6 = arith.constant 0 : i32
    %dma_start3A_7 = arith.constant 0 : i32
    %dma_start3A_8 = tpu.memref_slice %arg2[%arg0, %dma_start3A_6, %dma_start3A_7] : memref<2x10240x80xf32, #tpu.memory_space<hbm>> -> memref<1x10240x80xf32, #tpu.memory_space<hbm>>
    %dma_start3A_9 = tpu.memref_squeeze %dma_start3A_8 : memref<1x10240x80xf32, #tpu.memory_space<hbm>> -> memref<10240x80xf32, #tpu.memory_space<hbm>>
    %dma_start3A_10 = arith.constant 0 : i32
    %dma_start3A_11 = tpu.memref_slice %dma_start3A_9[%add3A_1, %dma_start3A_10] : memref<10240x80xf32, #tpu.memory_space<hbm>> -> memref<128x80xf32, #tpu.memory_space<hbm>>
    %dma_start3A_12 = arith.constant 0 : i32
    %dma_start3A_13 = arith.constant 0 : i32
    %dma_start3A_14 = tpu.memref_slice %arg8[%dma_start3A, %dma_start3A_12, %dma_start3A_13] : memref<4x128x80xf32, #tpu.memory_space<vmem>> -> memref<1x128x80xf32, #tpu.memory_space<vmem>>
    %dma_start3A_15 = tpu.memref_squeeze %dma_start3A_14 : memref<1x128x80xf32, #tpu.memory_space<vmem>> -> memref<128x80xf32, #tpu.memory_space<vmem>>
    %dma_start3A_16 = arith.constant 0 : i32
    %dma_start3A_17 = arith.constant 0 : i32
    %dma_start3A_18 = tpu.memref_slice %arg2[%arg0, %dma_start3A_16, %dma_start3A_17] : memref<2x10240x80xf32, #tpu.memory_space<hbm>> -> memref<1x10240x80xf32, #tpu.memory_space<hbm>>
    %dma_start3A_19 = tpu.memref_squeeze %dma_start3A_18 : memref<1x10240x80xf32, #tpu.memory_space<hbm>> -> memref<10240x80xf32, #tpu.memory_space<hbm>>
    %dma_start3A_20 = arith.constant 0 : i32
    %dma_start3A_21 = tpu.memref_slice %dma_start3A_19[%add3A_1, %dma_start3A_20] : memref<10240x80xf32, #tpu.memory_space<hbm>> -> memref<128x80xf32, #tpu.memory_space<hbm>>
    tpu.enqueue_dma source(%dma_start3A_21 : memref<128x80xf32, #tpu.memory_space<hbm>>) target(%dma_start3A_15 : memref<128x80xf32, #tpu.memory_space<vmem>>) target_semaphore(%arg10 : memref<!tpu.dma_semaphore, #tpu.memory_space<semaphore_mem>>)
    %mul3A_22 = arith.constant 640 : i32
    %mul3A_23 = arith.muli %arg1, %mul3A_22 : i32
    %add3A_24 = arith.constant 128 : i32
    %add3A_25 = arith.addi %mul3A_23, %add3A_24 : i32
    %dma_start3A_26 = arith.constant 1 : i32
    %dma_start3A_27 = arith.constant 0 : i32
    %dma_start3A_28 = arith.constant 0 : i32
    %dma_start3A_29 = tpu.memref_slice %arg8[%dma_start3A_26, %dma_start3A_27, %dma_start3A_28] : memref<4x128x80xf32, #tpu.memory_space<vmem>> -> memref<1x128x80xf32, #tpu.memory_space<vmem>>
    %dma_start3A_30 = tpu.memref_squeeze %dma_start3A_29 : memref<1x128x80xf32, #tpu.memory_space<vmem>> -> memref<128x80xf32, #tpu.memory_space<vmem>>
    %dma_start3A_31 = arith.constant 0 : i32
    %dma_start3A_32 = arith.constant 0 : i32
    %dma_start3A_33 = tpu.memref_slice %arg2[%arg0, %dma_start3A_31, %dma_start3A_32] : memref<2x10240x80xf32, #tpu.memory_space<hbm>> -> memref<1x10240x80xf32, #tpu.memory_space<hbm>>
    %dma_start3A_34 = tpu.memref_squeeze %dma_start3A_33 : memref<1x10240x80xf32, #tpu.memory_space<hbm>> -> memref<10240x80xf32, #tpu.memory_space<hbm>>
    %dma_start3A_35 = arith.constant 0 : i32
    %dma_start3A_36 = tpu.memref_slice %dma_start3A_34[%add3A_25, %dma_start3A_35] : memref<10240x80xf32, #tpu.memory_space<hbm>> -> memref<128x80xf32, #tpu.memory_space<hbm>>
    %dma_start3A_37 = arith.constant 0 : i32
    %dma_start3A_38 = arith.constant 0 : i32
    %dma_start3A_39 = tpu.memref_slice %arg8[%dma_start3A_26, %dma_start3A_37, %dma_start3A_38] : memref<4x128x80xf32, #tpu.memory_space<vmem>> -> memref<1x128x80xf32, #tpu.memory_space<vmem>>
    %dma_start3A_40 = tpu.memref_squeeze %dma_start3A_39 : memref<1x128x80xf32, #tpu.memory_space<vmem>> -> memref<128x80xf32, #tpu.memory_space<vmem>>
    %dma_start3A_41 = arith.constant 0 : i32
    %dma_start3A_42 = arith.constant 0 : i32
    %dma_start3A_43 = tpu.memref_slice %arg2[%arg0, %dma_start3A_41, %dma_start3A_42] : memref<2x10240x80xf32, #tpu.memory_space<hbm>> -> memref<1x10240x80xf32, #tpu.memory_space<hbm>>
    %dma_start3A_44 = tpu.memref_squeeze %dma_start3A_43 : memref<1x10240x80xf32, #tpu.memory_space<hbm>> -> memref<10240x80xf32, #tpu.memory_space<hbm>>
    %dma_start3A_45 = arith.constant 0 : i32
    %dma_start3A_46 = tpu.memref_slice %dma_start3A_44[%add3A_25, %dma_start3A_45] : memref<10240x80xf32, #tpu.memory_space<hbm>> -> memref<128x80xf32, #tpu.memory_space<hbm>>
    tpu.enqueue_dma source(%dma_start3A_46 : memref<128x80xf32, #tpu.memory_space<hbm>>) target(%dma_start3A_40 : memref<128x80xf32, #tpu.memory_space<vmem>>) target_semaphore(%arg11 : memref<!tpu.dma_semaphore, #tpu.memory_space<semaphore_mem>>)
    %mul3A_47 = arith.constant 640 : i32
    %mul3A_48 = arith.muli %arg1, %mul3A_47 : i32
    %add3A_49 = arith.constant 256 : i32
    %add3A_50 = arith.addi %mul3A_48, %add3A_49 : i32
    %dma_start3A_51 = arith.constant 2 : i32
    %dma_start3A_52 = arith.constant 0 : i32
    %dma_start3A_53 = arith.constant 0 : i32
    %dma_start3A_54 = tpu.memref_slice %arg8[%dma_start3A_51, %dma_start3A_52, %dma_start3A_53] : memref<4x128x80xf32, #tpu.memory_space<vmem>> -> memref<1x128x80xf32, #tpu.memory_space<vmem>>
    %dma_start3A_55 = tpu.memref_squeeze %dma_start3A_54 : memref<1x128x80xf32, #tpu.memory_space<vmem>> -> memref<128x80xf32, #tpu.memory_space<vmem>>
    %dma_start3A_56 = arith.constant 0 : i32
    %dma_start3A_57 = arith.constant 0 : i32
    %dma_start3A_58 = tpu.memref_slice %arg2[%arg0, %dma_start3A_56, %dma_start3A_57] : memref<2x10240x80xf32, #tpu.memory_space<hbm>> -> memref<1x10240x80xf32, #tpu.memory_space<hbm>>
    %dma_start3A_59 = tpu.memref_squeeze %dma_start3A_58 : memref<1x10240x80xf32, #tpu.memory_space<hbm>> -> memref<10240x80xf32, #tpu.memory_space<hbm>>
    %dma_start3A_60 = arith.constant 0 : i32
    %dma_start3A_61 = tpu.memref_slice %dma_start3A_59[%add3A_50, %dma_start3A_60] : memref<10240x80xf32, #tpu.memory_space<hbm>> -> memref<128x80xf32, #tpu.memory_space<hbm>>
    %dma_start3A_62 = arith.constant 0 : i32
    %dma_start3A_63 = arith.constant 0 : i32
    %dma_start3A_64 = tpu.memref_slice %arg8[%dma_start3A_51, %dma_start3A_62, %dma_start3A_63] : memref<4x128x80xf32, #tpu.memory_space<vmem>> -> memref<1x128x80xf32, #tpu.memory_space<vmem>>
    %dma_start3A_65 = tpu.memref_squeeze %dma_start3A_64 : memref<1x128x80xf32, #tpu.memory_space<vmem>> -> memref<128x80xf32, #tpu.memory_space<vmem>>
    %dma_start3A_66 = arith.constant 0 : i32
    %dma_start3A_67 = arith.constant 0 : i32
    %dma_start3A_68 = tpu.memref_slice %arg2[%arg0, %dma_start3A_66, %dma_start3A_67] : memref<2x10240x80xf32, #tpu.memory_space<hbm>> -> memref<1x10240x80xf32, #tpu.memory_space<hbm>>
    %dma_start3A_69 = tpu.memref_squeeze %dma_start3A_68 : memref<1x10240x80xf32, #tpu.memory_space<hbm>> -> memref<10240x80xf32, #tpu.memory_space<hbm>>
    %dma_start3A_70 = arith.constant 0 : i32
    %dma_start3A_71 = tpu.memref_slice %dma_start3A_69[%add3A_50, %dma_start3A_70] : memref<10240x80xf32, #tpu.memory_space<hbm>> -> memref<128x80xf32, #tpu.memory_space<hbm>>
    tpu.enqueue_dma source(%dma_start3A_71 : memref<128x80xf32, #tpu.memory_space<hbm>>) target(%dma_start3A_65 : memref<128x80xf32, #tpu.memory_space<vmem>>) target_semaphore(%arg12 : memref<!tpu.dma_semaphore, #tpu.memory_space<semaphore_mem>>)
    %mul3A_72 = arith.constant 640 : i32
    %mul3A_73 = arith.muli %arg1, %mul3A_72 : i32
    %add3A_74 = arith.constant 384 : i32
    %add3A_75 = arith.addi %mul3A_73, %add3A_74 : i32
    %dma_start3A_76 = arith.constant 3 : i32
    %dma_start3A_77 = arith.constant 0 : i32
    %dma_start3A_78 = arith.constant 0 : i32
    %dma_start3A_79 = tpu.memref_slice %arg8[%dma_start3A_76, %dma_start3A_77, %dma_start3A_78] : memref<4x128x80xf32, #tpu.memory_space<vmem>> -> memref<1x128x80xf32, #tpu.memory_space<vmem>>
    %dma_start3A_80 = tpu.memref_squeeze %dma_start3A_79 : memref<1x128x80xf32, #tpu.memory_space<vmem>> -> memref<128x80xf32, #tpu.memory_space<vmem>>
    %dma_start3A_81 = arith.constant 0 : i32
    %dma_start3A_82 = arith.constant 0 : i32
    %dma_start3A_83 = tpu.memref_slice %arg2[%arg0, %dma_start3A_81, %dma_start3A_82] : memref<2x10240x80xf32, #tpu.memory_space<hbm>> -> memref<1x10240x80xf32, #tpu.memory_space<hbm>>
    %dma_start3A_84 = tpu.memref_squeeze %dma_start3A_83 : memref<1x10240x80xf32, #tpu.memory_space<hbm>> -> memref<10240x80xf32, #tpu.memory_space<hbm>>
    %dma_start3A_85 = arith.constant 0 : i32
    %dma_start3A_86 = tpu.memref_slice %dma_start3A_84[%add3A_75, %dma_start3A_85] : memref<10240x80xf32, #tpu.memory_space<hbm>> -> memref<128x80xf32, #tpu.memory_space<hbm>>
    %dma_start3A_87 = arith.constant 0 : i32
    %dma_start3A_88 = arith.constant 0 : i32
    %dma_start3A_89 = tpu.memref_slice %arg8[%dma_start3A_76, %dma_start3A_87, %dma_start3A_88] : memref<4x128x80xf32, #tpu.memory_space<vmem>> -> memref<1x128x80xf32, #tpu.memory_space<vmem>>
    %dma_start3A_90 = tpu.memref_squeeze %dma_start3A_89 : memref<1x128x80xf32, #tpu.memory_space<vmem>> -> memref<128x80xf32, #tpu.memory_space<vmem>>
    %dma_start3A_91 = arith.constant 0 : i32
    %dma_start3A_92 = arith.constant 0 : i32
    %dma_start3A_93 = tpu.memref_slice %arg2[%arg0, %dma_start3A_91, %dma_start3A_92] : memref<2x10240x80xf32, #tpu.memory_space<hbm>> -> memref<1x10240x80xf32, #tpu.memory_space<hbm>>
    %dma_start3A_94 = tpu.memref_squeeze %dma_start3A_93 : memref<1x10240x80xf32, #tpu.memory_space<hbm>> -> memref<10240x80xf32, #tpu.memory_space<hbm>>
    %dma_start3A_95 = arith.constant 0 : i32
    %dma_start3A_96 = tpu.memref_slice %dma_start3A_94[%add3A_75, %dma_start3A_95] : memref<10240x80xf32, #tpu.memory_space<hbm>> -> memref<128x80xf32, #tpu.memory_space<hbm>>
    tpu.enqueue_dma source(%dma_start3A_96 : memref<128x80xf32, #tpu.memory_space<hbm>>) target(%dma_start3A_90 : memref<128x80xf32, #tpu.memory_space<vmem>>) target_semaphore(%arg13 : memref<!tpu.dma_semaphore, #tpu.memory_space<semaphore_mem>>)
    %mul3A_97 = arith.constant 640 : i32
    %mul3A_98 = arith.muli %arg1, %mul3A_97 : i32
    %add3A_99 = arith.constant 0 : i32
    %add3A_100 = arith.addi %mul3A_98, %add3A_99 : i32
    %dma_wait3A = arith.constant 0 : i32
    %dma_wait3A_101 = arith.constant 0 : i32
    %dma_wait3A_102 = arith.constant 0 : i32
    %dma_wait3A_103 = tpu.memref_slice %arg8[%dma_wait3A, %dma_wait3A_101, %dma_wait3A_102] : memref<4x128x80xf32, #tpu.memory_space<vmem>> -> memref<1x128x80xf32, #tpu.memory_space<vmem>>
    %dma_wait3A_104 = tpu.memref_squeeze %dma_wait3A_103 : memref<1x128x80xf32, #tpu.memory_space<vmem>> -> memref<128x80xf32, #tpu.memory_space<vmem>>
    %dma_wait3A_105 = arith.constant 0 : i32
    %dma_wait3A_106 = arith.constant 0 : i32
    %dma_wait3A_107 = tpu.memref_slice %arg2[%arg0, %dma_wait3A_105, %dma_wait3A_106] : memref<2x10240x80xf32, #tpu.memory_space<hbm>> -> memref<1x10240x80xf32, #tpu.memory_space<hbm>>
    %dma_wait3A_108 = tpu.memref_squeeze %dma_wait3A_107 : memref<1x10240x80xf32, #tpu.memory_space<hbm>> -> memref<10240x80xf32, #tpu.memory_space<hbm>>
    %dma_wait3A_109 = arith.constant 0 : i32
    %dma_wait3A_110 = tpu.memref_slice %dma_wait3A_108[%add3A_100, %dma_wait3A_109] : memref<10240x80xf32, #tpu.memory_space<hbm>> -> memref<128x80xf32, #tpu.memory_space<hbm>>
    %dma_wait3A_111 = arith.constant 0 : i32
    %dma_wait3A_112 = arith.constant 0 : i32
    %dma_wait3A_113 = tpu.memref_slice %arg8[%dma_wait3A, %dma_wait3A_111, %dma_wait3A_112] : memref<4x128x80xf32, #tpu.memory_space<vmem>> -> memref<1x128x80xf32, #tpu.memory_space<vmem>>
    %dma_wait3A_114 = tpu.memref_squeeze %dma_wait3A_113 : memref<1x128x80xf32, #tpu.memory_space<vmem>> -> memref<128x80xf32, #tpu.memory_space<vmem>>
    %dma_wait3A_115 = arith.constant 0 : i32
    %dma_wait3A_116 = arith.constant 0 : i32
    %dma_wait3A_117 = tpu.memref_slice %arg2[%arg0, %dma_wait3A_115, %dma_wait3A_116] : memref<2x10240x80xf32, #tpu.memory_space<hbm>> -> memref<1x10240x80xf32, #tpu.memory_space<hbm>>
    %dma_wait3A_118 = tpu.memref_squeeze %dma_wait3A_117 : memref<1x10240x80xf32, #tpu.memory_space<hbm>> -> memref<10240x80xf32, #tpu.memory_space<hbm>>
    %dma_wait3A_119 = arith.constant 0 : i32
    %dma_wait3A_120 = tpu.memref_slice %dma_wait3A_118[%add3A_100, %dma_wait3A_119] : memref<10240x80xf32, #tpu.memory_space<hbm>> -> memref<128x80xf32, #tpu.memory_space<hbm>>
    tpu.wait_dma2 semaphore(%arg10 : memref<!tpu.dma_semaphore, #tpu.memory_space<semaphore_mem>>) src(%dma_wait3A_120 : memref<128x80xf32, #tpu.memory_space<hbm>>) dst(%dma_wait3A_114 : memref<128x80xf32, #tpu.memory_space<vmem>>)
    %dma_start3A_121 = arith.constant 0 : i32
    %dma_start3A_122 = arith.constant 0 : i32
    %dma_start3A_123 = arith.constant 0 : i32
    %dma_start3A_124 = tpu.memref_slice %arg8[%dma_start3A_121, %dma_start3A_122, %dma_start3A_123] : memref<4x128x80xf32, #tpu.memory_space<vmem>> -> memref<1x128x80xf32, #tpu.memory_space<vmem>>
    %dma_start3A_125 = tpu.memref_squeeze %dma_start3A_124 : memref<1x128x80xf32, #tpu.memory_space<vmem>> -> memref<128x80xf32, #tpu.memory_space<vmem>>
    %dma_start3A_126 = arith.constant 0 : i32
    %dma_start3A_127 = tpu.memref_slice %arg9[%add3A_100, %dma_start3A_126] : memref<10240x80xf32, #tpu.memory_space<vmem_shared>> -> memref<128x80xf32, #tpu.memory_space<vmem_shared>>
    %dma_start3A_128 = arith.constant 0 : i32
    %dma_start3A_129 = tpu.memref_slice %arg9[%add3A_100, %dma_start3A_128] : memref<10240x80xf32, #tpu.memory_space<vmem_shared>> -> memref<128x80xf32, #tpu.memory_space<vmem_shared>>
    %dma_start3A_130 = arith.constant 0 : i32
    %dma_start3A_131 = arith.constant 0 : i32
    %dma_start3A_132 = tpu.memref_slice %arg8[%dma_start3A_121, %dma_start3A_130, %dma_start3A_131] : memref<4x128x80xf32, #tpu.memory_space<vmem>> -> memref<1x128x80xf32, #tpu.memory_space<vmem>>
    %dma_start3A_133 = tpu.memref_squeeze %dma_start3A_132 : memref<1x128x80xf32, #tpu.memory_space<vmem>> -> memref<128x80xf32, #tpu.memory_space<vmem>>
    tpu.enqueue_dma source(%dma_start3A_133 : memref<128x80xf32, #tpu.memory_space<vmem>>) target(%dma_start3A_129 : memref<128x80xf32, #tpu.memory_space<vmem_shared>>) target_semaphore(%arg14 : memref<!tpu.dma_semaphore, #tpu.memory_space<semaphore_mem>>)
    %mul3A_134 = arith.constant 640 : i32
    %mul3A_135 = arith.muli %arg1, %mul3A_134 : i32
    %add3A_136 = arith.constant 512 : i32
    %add3A_137 = arith.addi %mul3A_135, %add3A_136 : i32
    %dma_wait3A_138 = arith.constant 0 : i32
    %dma_wait3A_139 = arith.constant 0 : i32
    %dma_wait3A_140 = arith.constant 0 : i32
    %dma_wait3A_141 = tpu.memref_slice %arg8[%dma_wait3A_138, %dma_wait3A_139, %dma_wait3A_140] : memref<4x128x80xf32, #tpu.memory_space<vmem>> -> memref<1x128x80xf32, #tpu.memory_space<vmem>>
    %dma_wait3A_142 = tpu.memref_squeeze %dma_wait3A_141 : memref<1x128x80xf32, #tpu.memory_space<vmem>> -> memref<128x80xf32, #tpu.memory_space<vmem>>
    %dma_wait3A_143 = arith.constant 0 : i32
    %dma_wait3A_144 = tpu.memref_slice %arg9[%add3A_100, %dma_wait3A_143] : memref<10240x80xf32, #tpu.memory_space<vmem_shared>> -> memref<128x80xf32, #tpu.memory_space<vmem_shared>>
    %dma_wait3A_145 = arith.constant 0 : i32
    %dma_wait3A_146 = tpu.memref_slice %arg9[%add3A_100, %dma_wait3A_145] : memref<10240x80xf32, #tpu.memory_space<vmem_shared>> -> memref<128x80xf32, #tpu.memory_space<vmem_shared>>
    %dma_wait3A_147 = arith.constant 0 : i32
    %dma_wait3A_148 = arith.constant 0 : i32
    %dma_wait3A_149 = tpu.memref_slice %arg8[%dma_wait3A_138, %dma_wait3A_147, %dma_wait3A_148] : memref<4x128x80xf32, #tpu.memory_space<vmem>> -> memref<1x128x80xf32, #tpu.memory_space<vmem>>
    %dma_wait3A_150 = tpu.memref_squeeze %dma_wait3A_149 : memref<1x128x80xf32, #tpu.memory_space<vmem>> -> memref<128x80xf32, #tpu.memory_space<vmem>>
    tpu.wait_dma2 semaphore(%arg14 : memref<!tpu.dma_semaphore, #tpu.memory_space<semaphore_mem>>) src(%dma_wait3A_150 : memref<128x80xf32, #tpu.memory_space<vmem>>) dst(%dma_wait3A_146 : memref<128x80xf32, #tpu.memory_space<vmem_shared>>)
    %dma_start3A_151 = arith.constant 0 : i32
    %dma_start3A_152 = arith.constant 0 : i32
    %dma_start3A_153 = arith.constant 0 : i32
    %dma_start3A_154 = tpu.memref_slice %arg8[%dma_start3A_151, %dma_start3A_152, %dma_start3A_153] : memref<4x128x80xf32, #tpu.memory_space<vmem>> -> memref<1x128x80xf32, #tpu.memory_space<vmem>>
    %dma_start3A_155 = tpu.memref_squeeze %dma_start3A_154 : memref<1x128x80xf32, #tpu.memory_space<vmem>> -> memref<128x80xf32, #tpu.memory_space<vmem>>
    %dma_start3A_156 = arith.constant 0 : i32
    %dma_start3A_157 = arith.constant 0 : i32
    %dma_start3A_158 = tpu.memref_slice %arg2[%arg0, %dma_start3A_156, %dma_start3A_157] : memref<2x10240x80xf32, #tpu.memory_space<hbm>> -> memref<1x10240x80xf32, #tpu.memory_space<hbm>>
    %dma_start3A_159 = tpu.memref_squeeze %dma_start3A_158 : memref<1x10240x80xf32, #tpu.memory_space<hbm>> -> memref<10240x80xf32, #tpu.memory_space<hbm>>
    %dma_start3A_160 = arith.constant 0 : i32
    %dma_start3A_161 = tpu.memref_slice %dma_start3A_159[%add3A_137, %dma_start3A_160] : memref<10240x80xf32, #tpu.memory_space<hbm>> -> memref<128x80xf32, #tpu.memory_space<hbm>>
    %dma_start3A_162 = arith.constant 0 : i32
    %dma_start3A_163 = arith.constant 0 : i32
    %dma_start3A_164 = tpu.memref_slice %arg8[%dma_start3A_151, %dma_start3A_162, %dma_start3A_163] : memref<4x128x80xf32, #tpu.memory_space<vmem>> -> memref<1x128x80xf32, #tpu.memory_space<vmem>>
    %dma_start3A_165 = tpu.memref_squeeze %dma_start3A_164 : memref<1x128x80xf32, #tpu.memory_space<vmem>> -> memref<128x80xf32, #tpu.memory_space<vmem>>
    %dma_start3A_166 = arith.constant 0 : i32
    %dma_start3A_167 = arith.constant 0 : i32
    %dma_start3A_168 = tpu.memref_slice %arg2[%arg0, %dma_start3A_166, %dma_start3A_167] : memref<2x10240x80xf32, #tpu.memory_space<hbm>> -> memref<1x10240x80xf32, #tpu.memory_space<hbm>>
    %dma_start3A_169 = tpu.memref_squeeze %dma_start3A_168 : memref<1x10240x80xf32, #tpu.memory_space<hbm>> -> memref<10240x80xf32, #tpu.memory_space<hbm>>
    %dma_start3A_170 = arith.constant 0 : i32
    %dma_start3A_171 = tpu.memref_slice %dma_start3A_169[%add3A_137, %dma_start3A_170] : memref<10240x80xf32, #tpu.memory_space<hbm>> -> memref<128x80xf32, #tpu.memory_space<hbm>>
    tpu.enqueue_dma source(%dma_start3A_171 : memref<128x80xf32, #tpu.memory_space<hbm>>) target(%dma_start3A_165 : memref<128x80xf32, #tpu.memory_space<vmem>>) target_semaphore(%arg10 : memref<!tpu.dma_semaphore, #tpu.memory_space<semaphore_mem>>)
    %mul3A_172 = arith.constant 640 : i32
    %mul3A_173 = arith.muli %arg1, %mul3A_172 : i32
    %add3A_174 = arith.constant 128 : i32
    %add3A_175 = arith.addi %mul3A_173, %add3A_174 : i32
    %dma_wait3A_176 = arith.constant 1 : i32
    %dma_wait3A_177 = arith.constant 0 : i32
    %dma_wait3A_178 = arith.constant 0 : i32
    %dma_wait3A_179 = tpu.memref_slice %arg8[%dma_wait3A_176, %dma_wait3A_177, %dma_wait3A_178] : memref<4x128x80xf32, #tpu.memory_space<vmem>> -> memref<1x128x80xf32, #tpu.memory_space<vmem>>
    %dma_wait3A_180 = tpu.memref_squeeze %dma_wait3A_179 : memref<1x128x80xf32, #tpu.memory_space<vmem>> -> memref<128x80xf32, #tpu.memory_space<vmem>>
    %dma_wait3A_181 = arith.constant 0 : i32
    %dma_wait3A_182 = arith.constant 0 : i32
    %dma_wait3A_183 = tpu.memref_slice %arg2[%arg0, %dma_wait3A_181, %dma_wait3A_182] : memref<2x10240x80xf32, #tpu.memory_space<hbm>> -> memref<1x10240x80xf32, #tpu.memory_space<hbm>>
    %dma_wait3A_184 = tpu.memref_squeeze %dma_wait3A_183 : memref<1x10240x80xf32, #tpu.memory_space<hbm>> -> memref<10240x80xf32, #tpu.memory_space<hbm>>
    %dma_wait3A_185 = arith.constant 0 : i32
    %dma_wait3A_186 = tpu.memref_slice %dma_wait3A_184[%add3A_175, %dma_wait3A_185] : memref<10240x80xf32, #tpu.memory_space<hbm>> -> memref<128x80xf32, #tpu.memory_space<hbm>>
    %dma_wait3A_187 = arith.constant 0 : i32
    %dma_wait3A_188 = arith.constant 0 : i32
    %dma_wait3A_189 = tpu.memref_slice %arg8[%dma_wait3A_176, %dma_wait3A_187, %dma_wait3A_188] : memref<4x128x80xf32, #tpu.memory_space<vmem>> -> memref<1x128x80xf32, #tpu.memory_space<vmem>>
    %dma_wait3A_190 = tpu.memref_squeeze %dma_wait3A_189 : memref<1x128x80xf32, #tpu.memory_space<vmem>> -> memref<128x80xf32, #tpu.memory_space<vmem>>
    %dma_wait3A_191 = arith.constant 0 : i32
    %dma_wait3A_192 = arith.constant 0 : i32
    %dma_wait3A_193 = tpu.memref_slice %arg2[%arg0, %dma_wait3A_191, %dma_wait3A_192] : memref<2x10240x80xf32, #tpu.memory_space<hbm>> -> memref<1x10240x80xf32, #tpu.memory_space<hbm>>
    %dma_wait3A_194 = tpu.memref_squeeze %dma_wait3A_193 : memref<1x10240x80xf32, #tpu.memory_space<hbm>> -> memref<10240x80xf32, #tpu.memory_space<hbm>>
    %dma_wait3A_195 = arith.constant 0 : i32
    %dma_wait3A_196 = tpu.memref_slice %dma_wait3A_194[%add3A_175, %dma_wait3A_195] : memref<10240x80xf32, #tpu.memory_space<hbm>> -> memref<128x80xf32, #tpu.memory_space<hbm>>
    tpu.wait_dma2 semaphore(%arg11 : memref<!tpu.dma_semaphore, #tpu.memory_space<semaphore_mem>>) src(%dma_wait3A_196 : memref<128x80xf32, #tpu.memory_space<hbm>>) dst(%dma_wait3A_190 : memref<128x80xf32, #tpu.memory_space<vmem>>)
    %dma_start3A_197 = arith.constant 1 : i32
    %dma_start3A_198 = arith.constant 0 : i32
    %dma_start3A_199 = arith.constant 0 : i32
    %dma_start3A_200 = tpu.memref_slice %arg8[%dma_start3A_197, %dma_start3A_198, %dma_start3A_199] : memref<4x128x80xf32, #tpu.memory_space<vmem>> -> memref<1x128x80xf32, #tpu.memory_space<vmem>>
    %dma_start3A_201 = tpu.memref_squeeze %dma_start3A_200 : memref<1x128x80xf32, #tpu.memory_space<vmem>> -> memref<128x80xf32, #tpu.memory_space<vmem>>
    %dma_start3A_202 = arith.constant 0 : i32
    %dma_start3A_203 = tpu.memref_slice %arg9[%add3A_175, %dma_start3A_202] : memref<10240x80xf32, #tpu.memory_space<vmem_shared>> -> memref<128x80xf32, #tpu.memory_space<vmem_shared>>
    %dma_start3A_204 = arith.constant 0 : i32
    %dma_start3A_205 = tpu.memref_slice %arg9[%add3A_175, %dma_start3A_204] : memref<10240x80xf32, #tpu.memory_space<vmem_shared>> -> memref<128x80xf32, #tpu.memory_space<vmem_shared>>
    %dma_start3A_206 = arith.constant 0 : i32
    %dma_start3A_207 = arith.constant 0 : i32
    %dma_start3A_208 = tpu.memref_slice %arg8[%dma_start3A_197, %dma_start3A_206, %dma_start3A_207] : memref<4x128x80xf32, #tpu.memory_space<vmem>> -> memref<1x128x80xf32, #tpu.memory_space<vmem>>
    %dma_start3A_209 = tpu.memref_squeeze %dma_start3A_208 : memref<1x128x80xf32, #tpu.memory_space<vmem>> -> memref<128x80xf32, #tpu.memory_space<vmem>>
    tpu.enqueue_dma source(%dma_start3A_209 : memref<128x80xf32, #tpu.memory_space<vmem>>) target(%dma_start3A_205 : memref<128x80xf32, #tpu.memory_space<vmem_shared>>) target_semaphore(%arg15 : memref<!tpu.dma_semaphore, #tpu.memory_space<semaphore_mem>>)
    %mul3A_210 = arith.constant 640 : i32
    %mul3A_211 = arith.muli %arg1, %mul3A_210 : i32
    %add3A_212 = arith.constant 256 : i32
    %add3A_213 = arith.addi %mul3A_211, %add3A_212 : i32
    %dma_wait3A_214 = arith.constant 2 : i32
    %dma_wait3A_215 = arith.constant 0 : i32
    %dma_wait3A_216 = arith.constant 0 : i32
    %dma_wait3A_217 = tpu.memref_slice %arg8[%dma_wait3A_214, %dma_wait3A_215, %dma_wait3A_216] : memref<4x128x80xf32, #tpu.memory_space<vmem>> -> memref<1x128x80xf32, #tpu.memory_space<vmem>>
    %dma_wait3A_218 = tpu.memref_squeeze %dma_wait3A_217 : memref<1x128x80xf32, #tpu.memory_space<vmem>> -> memref<128x80xf32, #tpu.memory_space<vmem>>
    %dma_wait3A_219 = arith.constant 0 : i32
    %dma_wait3A_220 = arith.constant 0 : i32
    %dma_wait3A_221 = tpu.memref_slice %arg2[%arg0, %dma_wait3A_219, %dma_wait3A_220] : memref<2x10240x80xf32, #tpu.memory_space<hbm>> -> memref<1x10240x80xf32, #tpu.memory_space<hbm>>
    %dma_wait3A_222 = tpu.memref_squeeze %dma_wait3A_221 : memref<1x10240x80xf32, #tpu.memory_space<hbm>> -> memref<10240x80xf32, #tpu.memory_space<hbm>>
    %dma_wait3A_223 = arith.constant 0 : i32
    %dma_wait3A_224 = tpu.memref_slice %dma_wait3A_222[%add3A_213, %dma_wait3A_223] : memref<10240x80xf32, #tpu.memory_space<hbm>> -> memref<128x80xf32, #tpu.memory_space<hbm>>
    %dma_wait3A_225 = arith.constant 0 : i32
    %dma_wait3A_226 = arith.constant 0 : i32
    %dma_wait3A_227 = tpu.memref_slice %arg8[%dma_wait3A_214, %dma_wait3A_225, %dma_wait3A_226] : memref<4x128x80xf32, #tpu.memory_space<vmem>> -> memref<1x128x80xf32, #tpu.memory_space<vmem>>
    %dma_wait3A_228 = tpu.memref_squeeze %dma_wait3A_227 : memref<1x128x80xf32, #tpu.memory_space<vmem>> -> memref<128x80xf32, #tpu.memory_space<vmem>>
    %dma_wait3A_229 = arith.constant 0 : i32
    %dma_wait3A_230 = arith.constant 0 : i32
    %dma_wait3A_231 = tpu.memref_slice %arg2[%arg0, %dma_wait3A_229, %dma_wait3A_230] : memref<2x10240x80xf32, #tpu.memory_space<hbm>> -> memref<1x10240x80xf32, #tpu.memory_space<hbm>>
    %dma_wait3A_232 = tpu.memref_squeeze %dma_wait3A_231 : memref<1x10240x80xf32, #tpu.memory_space<hbm>> -> memref<10240x80xf32, #tpu.memory_space<hbm>>
    %dma_wait3A_233 = arith.constant 0 : i32
    %dma_wait3A_234 = tpu.memref_slice %dma_wait3A_232[%add3A_213, %dma_wait3A_233] : memref<10240x80xf32, #tpu.memory_space<hbm>> -> memref<128x80xf32, #tpu.memory_space<hbm>>
    tpu.wait_dma2 semaphore(%arg12 : memref<!tpu.dma_semaphore, #tpu.memory_space<semaphore_mem>>) src(%dma_wait3A_234 : memref<128x80xf32, #tpu.memory_space<hbm>>) dst(%dma_wait3A_228 : memref<128x80xf32, #tpu.memory_space<vmem>>)
    %dma_start3A_235 = arith.constant 2 : i32
    %dma_start3A_236 = arith.constant 0 : i32
    %dma_start3A_237 = arith.constant 0 : i32
    %dma_start3A_238 = tpu.memref_slice %arg8[%dma_start3A_235, %dma_start3A_236, %dma_start3A_237] : memref<4x128x80xf32, #tpu.memory_space<vmem>> -> memref<1x128x80xf32, #tpu.memory_space<vmem>>
    %dma_start3A_239 = tpu.memref_squeeze %dma_start3A_238 : memref<1x128x80xf32, #tpu.memory_space<vmem>> -> memref<128x80xf32, #tpu.memory_space<vmem>>
    %dma_start3A_240 = arith.constant 0 : i32
    %dma_start3A_241 = tpu.memref_slice %arg9[%add3A_213, %dma_start3A_240] : memref<10240x80xf32, #tpu.memory_space<vmem_shared>> -> memref<128x80xf32, #tpu.memory_space<vmem_shared>>
    %dma_start3A_242 = arith.constant 0 : i32
    %dma_start3A_243 = tpu.memref_slice %arg9[%add3A_213, %dma_start3A_242] : memref<10240x80xf32, #tpu.memory_space<vmem_shared>> -> memref<128x80xf32, #tpu.memory_space<vmem_shared>>
    %dma_start3A_244 = arith.constant 0 : i32
    %dma_start3A_245 = arith.constant 0 : i32
    %dma_start3A_246 = tpu.memref_slice %arg8[%dma_start3A_235, %dma_start3A_244, %dma_start3A_245] : memref<4x128x80xf32, #tpu.memory_space<vmem>> -> memref<1x128x80xf32, #tpu.memory_space<vmem>>
    %dma_start3A_247 = tpu.memref_squeeze %dma_start3A_246 : memref<1x128x80xf32, #tpu.memory_space<vmem>> -> memref<128x80xf32, #tpu.memory_space<vmem>>
    tpu.enqueue_dma source(%dma_start3A_247 : memref<128x80xf32, #tpu.memory_space<vmem>>) target(%dma_start3A_243 : memref<128x80xf32, #tpu.memory_space<vmem_shared>>) target_semaphore(%arg16 : memref<!tpu.dma_semaphore, #tpu.memory_space<semaphore_mem>>)
    %mul3A_248 = arith.constant 640 : i32
    %mul3A_249 = arith.muli %arg1, %mul3A_248 : i32
    %add3A_250 = arith.constant 384 : i32
    %add3A_251 = arith.addi %mul3A_249, %add3A_250 : i32
    %dma_wait3A_252 = arith.constant 3 : i32
    %dma_wait3A_253 = arith.constant 0 : i32
    %dma_wait3A_254 = arith.constant 0 : i32
    %dma_wait3A_255 = tpu.memref_slice %arg8[%dma_wait3A_252, %dma_wait3A_253, %dma_wait3A_254] : memref<4x128x80xf32, #tpu.memory_space<vmem>> -> memref<1x128x80xf32, #tpu.memory_space<vmem>>
    %dma_wait3A_256 = tpu.memref_squeeze %dma_wait3A_255 : memref<1x128x80xf32, #tpu.memory_space<vmem>> -> memref<128x80xf32, #tpu.memory_space<vmem>>
    %dma_wait3A_257 = arith.constant 0 : i32
    %dma_wait3A_258 = arith.constant 0 : i32
    %dma_wait3A_259 = tpu.memref_slice %arg2[%arg0, %dma_wait3A_257, %dma_wait3A_258] : memref<2x10240x80xf32, #tpu.memory_space<hbm>> -> memref<1x10240x80xf32, #tpu.memory_space<hbm>>
    %dma_wait3A_260 = tpu.memref_squeeze %dma_wait3A_259 : memref<1x10240x80xf32, #tpu.memory_space<hbm>> -> memref<10240x80xf32, #tpu.memory_space<hbm>>
    %dma_wait3A_261 = arith.constant 0 : i32
    %dma_wait3A_262 = tpu.memref_slice %dma_wait3A_260[%add3A_251, %dma_wait3A_261] : memref<10240x80xf32, #tpu.memory_space<hbm>> -> memref<128x80xf32, #tpu.memory_space<hbm>>
    %dma_wait3A_263 = arith.constant 0 : i32
    %dma_wait3A_264 = arith.constant 0 : i32
    %dma_wait3A_265 = tpu.memref_slice %arg8[%dma_wait3A_252, %dma_wait3A_263, %dma_wait3A_264] : memref<4x128x80xf32, #tpu.memory_space<vmem>> -> memref<1x128x80xf32, #tpu.memory_space<vmem>>
    %dma_wait3A_266 = tpu.memref_squeeze %dma_wait3A_265 : memref<1x128x80xf32, #tpu.memory_space<vmem>> -> memref<128x80xf32, #tpu.memory_space<vmem>>
    %dma_wait3A_267 = arith.constant 0 : i32
    %dma_wait3A_268 = arith.constant 0 : i32
    %dma_wait3A_269 = tpu.memref_slice %arg2[%arg0, %dma_wait3A_267, %dma_wait3A_268] : memref<2x10240x80xf32, #tpu.memory_space<hbm>> -> memref<1x10240x80xf32, #tpu.memory_space<hbm>>
    %dma_wait3A_270 = tpu.memref_squeeze %dma_wait3A_269 : memref<1x10240x80xf32, #tpu.memory_space<hbm>> -> memref<10240x80xf32, #tpu.memory_space<hbm>>
    %dma_wait3A_271 = arith.constant 0 : i32
    %dma_wait3A_272 = tpu.memref_slice %dma_wait3A_270[%add3A_251, %dma_wait3A_271] : memref<10240x80xf32, #tpu.memory_space<hbm>> -> memref<128x80xf32, #tpu.memory_space<hbm>>
    tpu.wait_dma2 semaphore(%arg13 : memref<!tpu.dma_semaphore, #tpu.memory_space<semaphore_mem>>) src(%dma_wait3A_272 : memref<128x80xf32, #tpu.memory_space<hbm>>) dst(%dma_wait3A_266 : memref<128x80xf32, #tpu.memory_space<vmem>>)
    %dma_start3A_273 = arith.constant 3 : i32
    %dma_start3A_274 = arith.constant 0 : i32
    %dma_start3A_275 = arith.constant 0 : i32
    %dma_start3A_276 = tpu.memref_slice %arg8[%dma_start3A_273, %dma_start3A_274, %dma_start3A_275] : memref<4x128x80xf32, #tpu.memory_space<vmem>> -> memref<1x128x80xf32, #tpu.memory_space<vmem>>
    %dma_start3A_277 = tpu.memref_squeeze %dma_start3A_276 : memref<1x128x80xf32, #tpu.memory_space<vmem>> -> memref<128x80xf32, #tpu.memory_space<vmem>>
    %dma_start3A_278 = arith.constant 0 : i32
    %dma_start3A_279 = tpu.memref_slice %arg9[%add3A_251, %dma_start3A_278] : memref<10240x80xf32, #tpu.memory_space<vmem_shared>> -> memref<128x80xf32, #tpu.memory_space<vmem_shared>>
    %dma_start3A_280 = arith.constant 0 : i32
    %dma_start3A_281 = tpu.memref_slice %arg9[%add3A_251, %dma_start3A_280] : memref<10240x80xf32, #tpu.memory_space<vmem_shared>> -> memref<128x80xf32, #tpu.memory_space<vmem_shared>>
    %dma_start3A_282 = arith.constant 0 : i32
    %dma_start3A_283 = arith.constant 0 : i32
    %dma_start3A_284 = tpu.memref_slice %arg8[%dma_start3A_273, %dma_start3A_282, %dma_start3A_283] : memref<4x128x80xf32, #tpu.memory_space<vmem>> -> memref<1x128x80xf32, #tpu.memory_space<vmem>>
    %dma_start3A_285 = tpu.memref_squeeze %dma_start3A_284 : memref<1x128x80xf32, #tpu.memory_space<vmem>> -> memref<128x80xf32, #tpu.memory_space<vmem>>
    tpu.enqueue_dma source(%dma_start3A_285 : memref<128x80xf32, #tpu.memory_space<vmem>>) target(%dma_start3A_281 : memref<128x80xf32, #tpu.memory_space<vmem_shared>>) target_semaphore(%arg17 : memref<!tpu.dma_semaphore, #tpu.memory_space<semaphore_mem>>)
    %mul3A_286 = arith.constant 640 : i32
    %mul3A_287 = arith.muli %arg1, %mul3A_286 : i32
    %add3A_288 = arith.constant 512 : i32
    %add3A_289 = arith.addi %mul3A_287, %add3A_288 : i32
    %dma_wait3A_290 = arith.constant 0 : i32
    %dma_wait3A_291 = arith.constant 0 : i32
    %dma_wait3A_292 = arith.constant 0 : i32
    %dma_wait3A_293 = tpu.memref_slice %arg8[%dma_wait3A_290, %dma_wait3A_291, %dma_wait3A_292] : memref<4x128x80xf32, #tpu.memory_space<vmem>> -> memref<1x128x80xf32, #tpu.memory_space<vmem>>
    %dma_wait3A_294 = tpu.memref_squeeze %dma_wait3A_293 : memref<1x128x80xf32, #tpu.memory_space<vmem>> -> memref<128x80xf32, #tpu.memory_space<vmem>>
    %dma_wait3A_295 = arith.constant 0 : i32
    %dma_wait3A_296 = arith.constant 0 : i32
    %dma_wait3A_297 = tpu.memref_slice %arg2[%arg0, %dma_wait3A_295, %dma_wait3A_296] : memref<2x10240x80xf32, #tpu.memory_space<hbm>> -> memref<1x10240x80xf32, #tpu.memory_space<hbm>>
    %dma_wait3A_298 = tpu.memref_squeeze %dma_wait3A_297 : memref<1x10240x80xf32, #tpu.memory_space<hbm>> -> memref<10240x80xf32, #tpu.memory_space<hbm>>
    %dma_wait3A_299 = arith.constant 0 : i32
    %dma_wait3A_300 = tpu.memref_slice %dma_wait3A_298[%add3A_289, %dma_wait3A_299] : memref<10240x80xf32, #tpu.memory_space<hbm>> -> memref<128x80xf32, #tpu.memory_space<hbm>>
    %dma_wait3A_301 = arith.constant 0 : i32
    %dma_wait3A_302 = arith.constant 0 : i32
    %dma_wait3A_303 = tpu.memref_slice %arg8[%dma_wait3A_290, %dma_wait3A_301, %dma_wait3A_302] : memref<4x128x80xf32, #tpu.memory_space<vmem>> -> memref<1x128x80xf32, #tpu.memory_space<vmem>>
    %dma_wait3A_304 = tpu.memref_squeeze %dma_wait3A_303 : memref<1x128x80xf32, #tpu.memory_space<vmem>> -> memref<128x80xf32, #tpu.memory_space<vmem>>
    %dma_wait3A_305 = arith.constant 0 : i32
    %dma_wait3A_306 = arith.constant 0 : i32
    %dma_wait3A_307 = tpu.memref_slice %arg2[%arg0, %dma_wait3A_305, %dma_wait3A_306] : memref<2x10240x80xf32, #tpu.memory_space<hbm>> -> memref<1x10240x80xf32, #tpu.memory_space<hbm>>
    %dma_wait3A_308 = tpu.memref_squeeze %dma_wait3A_307 : memref<1x10240x80xf32, #tpu.memory_space<hbm>> -> memref<10240x80xf32, #tpu.memory_space<hbm>>
    %dma_wait3A_309 = arith.constant 0 : i32
    %dma_wait3A_310 = tpu.memref_slice %dma_wait3A_308[%add3A_289, %dma_wait3A_309] : memref<10240x80xf32, #tpu.memory_space<hbm>> -> memref<128x80xf32, #tpu.memory_space<hbm>>
    tpu.wait_dma2 semaphore(%arg10 : memref<!tpu.dma_semaphore, #tpu.memory_space<semaphore_mem>>) src(%dma_wait3A_310 : memref<128x80xf32, #tpu.memory_space<hbm>>) dst(%dma_wait3A_304 : memref<128x80xf32, #tpu.memory_space<vmem>>)
    %dma_start3A_311 = arith.constant 0 : i32
    %dma_start3A_312 = arith.constant 0 : i32
    %dma_start3A_313 = arith.constant 0 : i32
    %dma_start3A_314 = tpu.memref_slice %arg8[%dma_start3A_311, %dma_start3A_312, %dma_start3A_313] : memref<4x128x80xf32, #tpu.memory_space<vmem>> -> memref<1x128x80xf32, #tpu.memory_space<vmem>>
    %dma_start3A_315 = tpu.memref_squeeze %dma_start3A_314 : memref<1x128x80xf32, #tpu.memory_space<vmem>> -> memref<128x80xf32, #tpu.memory_space<vmem>>
    %dma_start3A_316 = arith.constant 0 : i32
    %dma_start3A_317 = tpu.memref_slice %arg9[%add3A_289, %dma_start3A_316] : memref<10240x80xf32, #tpu.memory_space<vmem_shared>> -> memref<128x80xf32, #tpu.memory_space<vmem_shared>>
    %dma_start3A_318 = arith.constant 0 : i32
    %dma_start3A_319 = tpu.memref_slice %arg9[%add3A_289, %dma_start3A_318] : memref<10240x80xf32, #tpu.memory_space<vmem_shared>> -> memref<128x80xf32, #tpu.memory_space<vmem_shared>>
    %dma_start3A_320 = arith.constant 0 : i32
    %dma_start3A_321 = arith.constant 0 : i32
    %dma_start3A_322 = tpu.memref_slice %arg8[%dma_start3A_311, %dma_start3A_320, %dma_start3A_321] : memref<4x128x80xf32, #tpu.memory_space<vmem>> -> memref<1x128x80xf32, #tpu.memory_space<vmem>>
    %dma_start3A_323 = tpu.memref_squeeze %dma_start3A_322 : memref<1x128x80xf32, #tpu.memory_space<vmem>> -> memref<128x80xf32, #tpu.memory_space<vmem>>
    tpu.enqueue_dma source(%dma_start3A_323 : memref<128x80xf32, #tpu.memory_space<vmem>>) target(%dma_start3A_319 : memref<128x80xf32, #tpu.memory_space<vmem_shared>>) target_semaphore(%arg14 : memref<!tpu.dma_semaphore, #tpu.memory_space<semaphore_mem>>)
    %mul3A_324 = arith.constant 640 : i32
    %mul3A_325 = arith.muli %arg1, %mul3A_324 : i32
    %add3A_326 = arith.constant 128 : i32
    %add3A_327 = arith.addi %mul3A_325, %add3A_326 : i32
    %dma_wait3A_328 = arith.constant 1 : i32
    %dma_wait3A_329 = arith.constant 0 : i32
    %dma_wait3A_330 = arith.constant 0 : i32
    %dma_wait3A_331 = tpu.memref_slice %arg8[%dma_wait3A_328, %dma_wait3A_329, %dma_wait3A_330] : memref<4x128x80xf32, #tpu.memory_space<vmem>> -> memref<1x128x80xf32, #tpu.memory_space<vmem>>
    %dma_wait3A_332 = tpu.memref_squeeze %dma_wait3A_331 : memref<1x128x80xf32, #tpu.memory_space<vmem>> -> memref<128x80xf32, #tpu.memory_space<vmem>>
    %dma_wait3A_333 = arith.constant 0 : i32
    %dma_wait3A_334 = tpu.memref_slice %arg9[%add3A_327, %dma_wait3A_333] : memref<10240x80xf32, #tpu.memory_space<vmem_shared>> -> memref<128x80xf32, #tpu.memory_space<vmem_shared>>
    %dma_wait3A_335 = arith.constant 0 : i32
    %dma_wait3A_336 = tpu.memref_slice %arg9[%add3A_327, %dma_wait3A_335] : memref<10240x80xf32, #tpu.memory_space<vmem_shared>> -> memref<128x80xf32, #tpu.memory_space<vmem_shared>>
    %dma_wait3A_337 = arith.constant 0 : i32
    %dma_wait3A_338 = arith.constant 0 : i32
    %dma_wait3A_339 = tpu.memref_slice %arg8[%dma_wait3A_328, %dma_wait3A_337, %dma_wait3A_338] : memref<4x128x80xf32, #tpu.memory_space<vmem>> -> memref<1x128x80xf32, #tpu.memory_space<vmem>>
    %dma_wait3A_340 = tpu.memref_squeeze %dma_wait3A_339 : memref<1x128x80xf32, #tpu.memory_space<vmem>> -> memref<128x80xf32, #tpu.memory_space<vmem>>
    tpu.wait_dma2 semaphore(%arg15 : memref<!tpu.dma_semaphore, #tpu.memory_space<semaphore_mem>>) src(%dma_wait3A_340 : memref<128x80xf32, #tpu.memory_space<vmem>>) dst(%dma_wait3A_336 : memref<128x80xf32, #tpu.memory_space<vmem_shared>>)
    %mul3A_341 = arith.constant 640 : i32
    %mul3A_342 = arith.muli %arg1, %mul3A_341 : i32
    %add3A_343 = arith.constant 256 : i32
    %add3A_344 = arith.addi %mul3A_342, %add3A_343 : i32
    %dma_wait3A_345 = arith.constant 2 : i32
    %dma_wait3A_346 = arith.constant 0 : i32
    %dma_wait3A_347 = arith.constant 0 : i32
    %dma_wait3A_348 = tpu.memref_slice %arg8[%dma_wait3A_345, %dma_wait3A_346, %dma_wait3A_347] : memref<4x128x80xf32, #tpu.memory_space<vmem>> -> memref<1x128x80xf32, #tpu.memory_space<vmem>>
    %dma_wait3A_349 = tpu.memref_squeeze %dma_wait3A_348 : memref<1x128x80xf32, #tpu.memory_space<vmem>> -> memref<128x80xf32, #tpu.memory_space<vmem>>
    %dma_wait3A_350 = arith.constant 0 : i32
    %dma_wait3A_351 = tpu.memref_slice %arg9[%add3A_344, %dma_wait3A_350] : memref<10240x80xf32, #tpu.memory_space<vmem_shared>> -> memref<128x80xf32, #tpu.memory_space<vmem_shared>>
    %dma_wait3A_352 = arith.constant 0 : i32
    %dma_wait3A_353 = tpu.memref_slice %arg9[%add3A_344, %dma_wait3A_352] : memref<10240x80xf32, #tpu.memory_space<vmem_shared>> -> memref<128x80xf32, #tpu.memory_space<vmem_shared>>
    %dma_wait3A_354 = arith.constant 0 : i32
    %dma_wait3A_355 = arith.constant 0 : i32
    %dma_wait3A_356 = tpu.memref_slice %arg8[%dma_wait3A_345, %dma_wait3A_354, %dma_wait3A_355] : memref<4x128x80xf32, #tpu.memory_space<vmem>> -> memref<1x128x80xf32, #tpu.memory_space<vmem>>
    %dma_wait3A_357 = tpu.memref_squeeze %dma_wait3A_356 : memref<1x128x80xf32, #tpu.memory_space<vmem>> -> memref<128x80xf32, #tpu.memory_space<vmem>>
    tpu.wait_dma2 semaphore(%arg16 : memref<!tpu.dma_semaphore, #tpu.memory_space<semaphore_mem>>) src(%dma_wait3A_357 : memref<128x80xf32, #tpu.memory_space<vmem>>) dst(%dma_wait3A_353 : memref<128x80xf32, #tpu.memory_space<vmem_shared>>)
    %mul3A_358 = arith.constant 640 : i32
    %mul3A_359 = arith.muli %arg1, %mul3A_358 : i32
    %add3A_360 = arith.constant 384 : i32
    %add3A_361 = arith.addi %mul3A_359, %add3A_360 : i32
    %dma_wait3A_362 = arith.constant 3 : i32
    %dma_wait3A_363 = arith.constant 0 : i32
    %dma_wait3A_364 = arith.constant 0 : i32
    %dma_wait3A_365 = tpu.memref_slice %arg8[%dma_wait3A_362, %dma_wait3A_363, %dma_wait3A_364] : memref<4x128x80xf32, #tpu.memory_space<vmem>> -> memref<1x128x80xf32, #tpu.memory_space<vmem>>
    %dma_wait3A_366 = tpu.memref_squeeze %dma_wait3A_365 : memref<1x128x80xf32, #tpu.memory_space<vmem>> -> memref<128x80xf32, #tpu.memory_space<vmem>>
    %dma_wait3A_367 = arith.constant 0 : i32
    %dma_wait3A_368 = tpu.memref_slice %arg9[%add3A_361, %dma_wait3A_367] : memref<10240x80xf32, #tpu.memory_space<vmem_shared>> -> memref<128x80xf32, #tpu.memory_space<vmem_shared>>
    %dma_wait3A_369 = arith.constant 0 : i32
    %dma_wait3A_370 = tpu.memref_slice %arg9[%add3A_361, %dma_wait3A_369] : memref<10240x80xf32, #tpu.memory_space<vmem_shared>> -> memref<128x80xf32, #tpu.memory_space<vmem_shared>>
    %dma_wait3A_371 = arith.constant 0 : i32
    %dma_wait3A_372 = arith.constant 0 : i32
    %dma_wait3A_373 = tpu.memref_slice %arg8[%dma_wait3A_362, %dma_wait3A_371, %dma_wait3A_372] : memref<4x128x80xf32, #tpu.memory_space<vmem>> -> memref<1x128x80xf32, #tpu.memory_space<vmem>>
    %dma_wait3A_374 = tpu.memref_squeeze %dma_wait3A_373 : memref<1x128x80xf32, #tpu.memory_space<vmem>> -> memref<128x80xf32, #tpu.memory_space<vmem>>
    tpu.wait_dma2 semaphore(%arg17 : memref<!tpu.dma_semaphore, #tpu.memory_space<semaphore_mem>>) src(%dma_wait3A_374 : memref<128x80xf32, #tpu.memory_space<vmem>>) dst(%dma_wait3A_370 : memref<128x80xf32, #tpu.memory_space<vmem_shared>>)
    %mul3A_375 = arith.constant 640 : i32
    %mul3A_376 = arith.muli %arg1, %mul3A_375 : i32
    %add3A_377 = arith.constant 512 : i32
    %add3A_378 = arith.addi %mul3A_376, %add3A_377 : i32
    %dma_wait3A_379 = arith.constant 0 : i32
    %dma_wait3A_380 = arith.constant 0 : i32
    %dma_wait3A_381 = arith.constant 0 : i32
    %dma_wait3A_382 = tpu.memref_slice %arg8[%dma_wait3A_379, %dma_wait3A_380, %dma_wait3A_381] : memref<4x128x80xf32, #tpu.memory_space<vmem>> -> memref<1x128x80xf32, #tpu.memory_space<vmem>>
    %dma_wait3A_383 = tpu.memref_squeeze %dma_wait3A_382 : memref<1x128x80xf32, #tpu.memory_space<vmem>> -> memref<128x80xf32, #tpu.memory_space<vmem>>
    %dma_wait3A_384 = arith.constant 0 : i32
    %dma_wait3A_385 = tpu.memref_slice %arg9[%add3A_378, %dma_wait3A_384] : memref<10240x80xf32, #tpu.memory_space<vmem_shared>> -> memref<128x80xf32, #tpu.memory_space<vmem_shared>>
    %dma_wait3A_386 = arith.constant 0 : i32
    %dma_wait3A_387 = tpu.memref_slice %arg9[%add3A_378, %dma_wait3A_386] : memref<10240x80xf32, #tpu.memory_space<vmem_shared>> -> memref<128x80xf32, #tpu.memory_space<vmem_shared>>
    %dma_wait3A_388 = arith.constant 0 : i32
    %dma_wait3A_389 = arith.constant 0 : i32
    %dma_wait3A_390 = tpu.memref_slice %arg8[%dma_wait3A_379, %dma_wait3A_388, %dma_wait3A_389] : memref<4x128x80xf32, #tpu.memory_space<vmem>> -> memref<1x128x80xf32, #tpu.memory_space<vmem>>
    %dma_wait3A_391 = tpu.memref_squeeze %dma_wait3A_390 : memref<1x128x80xf32, #tpu.memory_space<vmem>> -> memref<128x80xf32, #tpu.memory_space<vmem>>
    tpu.wait_dma2 semaphore(%arg14 : memref<!tpu.dma_semaphore, #tpu.memory_space<semaphore_mem>>) src(%dma_wait3A_391 : memref<128x80xf32, #tpu.memory_space<vmem>>) dst(%dma_wait3A_387 : memref<128x80xf32, #tpu.memory_space<vmem_shared>>)
    %barrier3A = arith.constant 0 : index
    tpu.barrier barrier_id(%barrier3A)
    %dma_start3A_392 = arith.constant 0 : i32
    %dma_start3A_393 = arith.constant 0 : i32
    %dma_start3A_394 = arith.constant 0 : i32
    %dma_start3A_395 = arith.constant 0 : i32
    %dma_start3A_396 = tpu.memref_slice %arg8[%dma_start3A_393, %dma_start3A_394, %dma_start3A_395] : memref<4x128x80xf32, #tpu.memory_space<vmem>> -> memref<1x128x80xf32, #tpu.memory_space<vmem>>
    %dma_start3A_397 = tpu.memref_squeeze %dma_start3A_396 : memref<1x128x80xf32, #tpu.memory_space<vmem>> -> memref<128x80xf32, #tpu.memory_space<vmem>>
    %dma_start3A_398 = arith.constant 0 : i32
    %dma_start3A_399 = tpu.memref_slice %arg6[%dma_start3A_392, %dma_start3A_398] : memref<80x128xi32, #tpu.memory_space<vmem>> -> memref<1x128xi32, #tpu.memory_space<vmem>>
    %dma_start3A_400 = tpu.memref_squeeze %dma_start3A_399 : memref<1x128xi32, #tpu.memory_space<vmem>> -> memref<128xi32, #tpu.memory_space<vmem>>
    %dma_start3A_401 = arith.constant 0 : i32
    %dma_start3A_402 = arith.constant 0 : i32
    %dma_start3A_403 = tpu.memref_slice %arg2[%arg0, %dma_start3A_401, %dma_start3A_402] : memref<2x10240x80xf32, #tpu.memory_space<hbm>> -> memref<1x10240x80xf32, #tpu.memory_space<hbm>>
    %dma_start3A_404 = tpu.memref_squeeze %dma_start3A_403 : memref<1x10240x80xf32, #tpu.memory_space<hbm>> -> memref<10240x80xf32, #tpu.memory_space<hbm>>
    %dma_start3A_405 = arith.constant 0 : i32
    %dma_start3A_406 = arith.constant 0 : i32
    %dma_start3A_407 = tpu.memref_slice %dma_start3A_404[%dma_start3A_405, %dma_start3A_406] : memref<10240x80xf32, #tpu.memory_space<hbm>> -> memref<10240x80xf32, #tpu.memory_space<hbm>>
    tpu.enqueue_indirect_dma source(%dma_start3A_407 : memref<10240x80xf32, #tpu.memory_space<hbm>>) target(%dma_start3A_397 : memref<128x80xf32, #tpu.memory_space<vmem>>) offsets(%dma_start3A_400 : memref<128xi32, #tpu.memory_space<vmem>>) semaphore(%arg10 : memref<!tpu.dma_semaphore, #tpu.memory_space<semaphore_mem>>)
    %dma_start3A_408 = arith.constant 1 : i32
    %dma_start3A_409 = arith.constant 1 : i32
    %dma_start3A_410 = arith.constant 0 : i32
    %dma_start3A_411 = arith.constant 0 : i32
    %dma_start3A_412 = tpu.memref_slice %arg8[%dma_start3A_409, %dma_start3A_410, %dma_start3A_411] : memref<4x128x80xf32, #tpu.memory_space<vmem>> -> memref<1x128x80xf32, #tpu.memory_space<vmem>>
    %dma_start3A_413 = tpu.memref_squeeze %dma_start3A_412 : memref<1x128x80xf32, #tpu.memory_space<vmem>> -> memref<128x80xf32, #tpu.memory_space<vmem>>
    %dma_start3A_414 = arith.constant 0 : i32
    %dma_start3A_415 = tpu.memref_slice %arg6[%dma_start3A_408, %dma_start3A_414] : memref<80x128xi32, #tpu.memory_space<vmem>> -> memref<1x128xi32, #tpu.memory_space<vmem>>
    %dma_start3A_416 = tpu.memref_squeeze %dma_start3A_415 : memref<1x128xi32, #tpu.memory_space<vmem>> -> memref<128xi32, #tpu.memory_space<vmem>>
    %dma_start3A_417 = arith.constant 0 : i32
    %dma_start3A_418 = arith.constant 0 : i32
    %dma_start3A_419 = tpu.memref_slice %arg2[%arg0, %dma_start3A_417, %dma_start3A_418] : memref<2x10240x80xf32, #tpu.memory_space<hbm>> -> memref<1x10240x80xf32, #tpu.memory_space<hbm>>
    %dma_start3A_420 = tpu.memref_squeeze %dma_start3A_419 : memref<1x10240x80xf32, #tpu.memory_space<hbm>> -> memref<10240x80xf32, #tpu.memory_space<hbm>>
    %dma_start3A_421 = arith.constant 0 : i32
    %dma_start3A_422 = arith.constant 0 : i32
    %dma_start3A_423 = tpu.memref_slice %dma_start3A_420[%dma_start3A_421, %dma_start3A_422] : memref<10240x80xf32, #tpu.memory_space<hbm>> -> memref<10240x80xf32, #tpu.memory_space<hbm>>
    tpu.enqueue_indirect_dma source(%dma_start3A_423 : memref<10240x80xf32, #tpu.memory_space<hbm>>) target(%dma_start3A_413 : memref<128x80xf32, #tpu.memory_space<vmem>>) offsets(%dma_start3A_416 : memref<128xi32, #tpu.memory_space<vmem>>) semaphore(%arg11 : memref<!tpu.dma_semaphore, #tpu.memory_space<semaphore_mem>>)
    %dma_start3A_424 = arith.constant 2 : i32
    %dma_start3A_425 = arith.constant 2 : i32
    %dma_start3A_426 = arith.constant 0 : i32
    %dma_start3A_427 = arith.constant 0 : i32
    %dma_start3A_428 = tpu.memref_slice %arg8[%dma_start3A_425, %dma_start3A_426, %dma_start3A_427] : memref<4x128x80xf32, #tpu.memory_space<vmem>> -> memref<1x128x80xf32, #tpu.memory_space<vmem>>
    %dma_start3A_429 = tpu.memref_squeeze %dma_start3A_428 : memref<1x128x80xf32, #tpu.memory_space<vmem>> -> memref<128x80xf32, #tpu.memory_space<vmem>>
    %dma_start3A_430 = arith.constant 0 : i32
    %dma_start3A_431 = tpu.memref_slice %arg6[%dma_start3A_424, %dma_start3A_430] : memref<80x128xi32, #tpu.memory_space<vmem>> -> memref<1x128xi32, #tpu.memory_space<vmem>>
    %dma_start3A_432 = tpu.memref_squeeze %dma_start3A_431 : memref<1x128xi32, #tpu.memory_space<vmem>> -> memref<128xi32, #tpu.memory_space<vmem>>
    %dma_start3A_433 = arith.constant 0 : i32
    %dma_start3A_434 = arith.constant 0 : i32
    %dma_start3A_435 = tpu.memref_slice %arg2[%arg0, %dma_start3A_433, %dma_start3A_434] : memref<2x10240x80xf32, #tpu.memory_space<hbm>> -> memref<1x10240x80xf32, #tpu.memory_space<hbm>>
    %dma_start3A_436 = tpu.memref_squeeze %dma_start3A_435 : memref<1x10240x80xf32, #tpu.memory_space<hbm>> -> memref<10240x80xf32, #tpu.memory_space<hbm>>
    %dma_start3A_437 = arith.constant 0 : i32
    %dma_start3A_438 = arith.constant 0 : i32
    %dma_start3A_439 = tpu.memref_slice %dma_start3A_436[%dma_start3A_437, %dma_start3A_438] : memref<10240x80xf32, #tpu.memory_space<hbm>> -> memref<10240x80xf32, #tpu.memory_space<hbm>>
    tpu.enqueue_indirect_dma source(%dma_start3A_439 : memref<10240x80xf32, #tpu.memory_space<hbm>>) target(%dma_start3A_429 : memref<128x80xf32, #tpu.memory_space<vmem>>) offsets(%dma_start3A_432 : memref<128xi32, #tpu.memory_space<vmem>>) semaphore(%arg12 : memref<!tpu.dma_semaphore, #tpu.memory_space<semaphore_mem>>)
    %dma_start3A_440 = arith.constant 3 : i32
    %dma_start3A_441 = arith.constant 3 : i32
    %dma_start3A_442 = arith.constant 0 : i32
    %dma_start3A_443 = arith.constant 0 : i32
    %dma_start3A_444 = tpu.memref_slice %arg8[%dma_start3A_441, %dma_start3A_442, %dma_start3A_443] : memref<4x128x80xf32, #tpu.memory_space<vmem>> -> memref<1x128x80xf32, #tpu.memory_space<vmem>>
    %dma_start3A_445 = tpu.memref_squeeze %dma_start3A_444 : memref<1x128x80xf32, #tpu.memory_space<vmem>> -> memref<128x80xf32, #tpu.memory_space<vmem>>
    %dma_start3A_446 = arith.constant 0 : i32
    %dma_start3A_447 = tpu.memref_slice %arg6[%dma_start3A_440, %dma_start3A_446] : memref<80x128xi32, #tpu.memory_space<vmem>> -> memref<1x128xi32, #tpu.memory_space<vmem>>
    %dma_start3A_448 = tpu.memref_squeeze %dma_start3A_447 : memref<1x128xi32, #tpu.memory_space<vmem>> -> memref<128xi32, #tpu.memory_space<vmem>>
    %dma_start3A_449 = arith.constant 0 : i32
    %dma_start3A_450 = arith.constant 0 : i32
    %dma_start3A_451 = tpu.memref_slice %arg2[%arg0, %dma_start3A_449, %dma_start3A_450] : memref<2x10240x80xf32, #tpu.memory_space<hbm>> -> memref<1x10240x80xf32, #tpu.memory_space<hbm>>
    %dma_start3A_452 = tpu.memref_squeeze %dma_start3A_451 : memref<1x10240x80xf32, #tpu.memory_space<hbm>> -> memref<10240x80xf32, #tpu.memory_space<hbm>>
    %dma_start3A_453 = arith.constant 0 : i32
    %dma_start3A_454 = arith.constant 0 : i32
    %dma_start3A_455 = tpu.memref_slice %dma_start3A_452[%dma_start3A_453, %dma_start3A_454] : memref<10240x80xf32, #tpu.memory_space<hbm>> -> memref<10240x80xf32, #tpu.memory_space<hbm>>
    tpu.enqueue_indirect_dma source(%dma_start3A_455 : memref<10240x80xf32, #tpu.memory_space<hbm>>) target(%dma_start3A_445 : memref<128x80xf32, #tpu.memory_space<vmem>>) offsets(%dma_start3A_448 : memref<128xi32, #tpu.memory_space<vmem>>) semaphore(%arg13 : memref<!tpu.dma_semaphore, #tpu.memory_space<semaphore_mem>>)
    %scan3A = arith.constant 0 : i32
    %scan3A_456 = arith.constant 0 : i32
    %scan3A_457 = arith.constant 20 : i32
    %scan3A_458 = arith.addi %scan3A_456, %scan3A_457 : i32
    %scan3A_459 = arith.constant 1 : i32
    scf.for %scan3A_514 = %scan3A_456 to %scan3A_458 step %scan3A_459  : i32 {
      %mul3A_515 = arith.constant 4 : i32
      %mul3A_516 = arith.muli %scan3A_514, %mul3A_515 : i32
      %dma_wait3A_517 = arith.constant 0 : i32
      %dma_wait3A_518 = arith.constant 0 : i32
      %dma_wait3A_519 = arith.constant 0 : i32
      %dma_wait3A_520 = arith.constant 0 : i32
      %dma_wait3A_521 = tpu.memref_slice %arg8[%dma_wait3A_518, %dma_wait3A_519, %dma_wait3A_520] : memref<4x128x80xf32, #tpu.memory_space<vmem>> -> memref<1x128x80xf32, #tpu.memory_space<vmem>>
      %dma_wait3A_522 = tpu.memref_squeeze %dma_wait3A_521 : memref<1x128x80xf32, #tpu.memory_space<vmem>> -> memref<128x80xf32, #tpu.memory_space<vmem>>
      %dma_wait3A_523 = arith.constant 0 : i32
      %dma_wait3A_524 = tpu.memref_slice %arg6[%dma_wait3A_517, %dma_wait3A_523] : memref<80x128xi32, #tpu.memory_space<vmem>> -> memref<1x128xi32, #tpu.memory_space<vmem>>
      %dma_wait3A_525 = tpu.memref_squeeze %dma_wait3A_524 : memref<1x128xi32, #tpu.memory_space<vmem>> -> memref<128xi32, #tpu.memory_space<vmem>>
      %dma_wait3A_526 = arith.constant 0 : i32
      %dma_wait3A_527 = arith.constant 0 : i32
      %dma_wait3A_528 = tpu.memref_slice %arg2[%arg0, %dma_wait3A_526, %dma_wait3A_527] : memref<2x10240x80xf32, #tpu.memory_space<hbm>> -> memref<1x10240x80xf32, #tpu.memory_space<hbm>>
      %dma_wait3A_529 = tpu.memref_squeeze %dma_wait3A_528 : memref<1x10240x80xf32, #tpu.memory_space<hbm>> -> memref<10240x80xf32, #tpu.memory_space<hbm>>
      %dma_wait3A_530 = arith.constant 0 : i32
      %dma_wait3A_531 = arith.constant 0 : i32
      %dma_wait3A_532 = tpu.memref_slice %dma_wait3A_529[%dma_wait3A_530, %dma_wait3A_531] : memref<10240x80xf32, #tpu.memory_space<hbm>> -> memref<10240x80xf32, #tpu.memory_space<hbm>>
      tpu.wait_indirect_dma semaphore(%arg10 : memref<!tpu.dma_semaphore, #tpu.memory_space<semaphore_mem>>) src(%dma_wait3A_532 : memref<10240x80xf32, #tpu.memory_space<hbm>>) dst(%dma_wait3A_522 : memref<128x80xf32, #tpu.memory_space<vmem>>)
      %add3A_533 = arith.constant 0 : i32
      %add3A_534 = arith.addi %mul3A_516, %add3A_533 : i32
      %dma_start3A_535 = arith.constant 0 : i32
      %dma_start3A_536 = arith.constant 0 : i32
      %dma_start3A_537 = arith.constant 0 : i32
      %dma_start3A_538 = tpu.memref_slice %arg8[%dma_start3A_535, %dma_start3A_536, %dma_start3A_537] : memref<4x128x80xf32, #tpu.memory_space<vmem>> -> memref<1x128x80xf32, #tpu.memory_space<vmem>>
      %dma_start3A_539 = tpu.memref_squeeze %dma_start3A_538 : memref<1x128x80xf32, #tpu.memory_space<vmem>> -> memref<128x80xf32, #tpu.memory_space<vmem>>
      %dma_start3A_540 = arith.constant 0 : i32
      %dma_start3A_541 = tpu.memref_slice %arg7[%add3A_534, %dma_start3A_540] : memref<80x128xi32, #tpu.memory_space<vmem>> -> memref<1x128xi32, #tpu.memory_space<vmem>>
      %dma_start3A_542 = tpu.memref_squeeze %dma_start3A_541 : memref<1x128xi32, #tpu.memory_space<vmem>> -> memref<128xi32, #tpu.memory_space<vmem>>
      %dma_start3A_543 = arith.constant 0 : i32
      %dma_start3A_544 = arith.constant 0 : i32
      %dma_start3A_545 = tpu.memref_slice %arg9[%dma_start3A_543, %dma_start3A_544] : memref<10240x80xf32, #tpu.memory_space<vmem_shared>> -> memref<10240x80xf32, #tpu.memory_space<vmem_shared>>
      tpu.enqueue_indirect_dma source(%dma_start3A_539 : memref<128x80xf32, #tpu.memory_space<vmem>>) target(%dma_start3A_545 : memref<10240x80xf32, #tpu.memory_space<vmem_shared>>) offsets(%dma_start3A_542 : memref<128xi32, #tpu.memory_space<vmem>>) semaphore(%arg14 : memref<!tpu.dma_semaphore, #tpu.memory_space<semaphore_mem>>) {add = true}
      %dma_wait3A_546 = arith.constant 0 : i32
      %dma_wait3A_547 = arith.constant 1 : i32
      %dma_wait3A_548 = arith.constant 0 : i32
      %dma_wait3A_549 = arith.constant 0 : i32
      %dma_wait3A_550 = tpu.memref_slice %arg8[%dma_wait3A_547, %dma_wait3A_548, %dma_wait3A_549] : memref<4x128x80xf32, #tpu.memory_space<vmem>> -> memref<1x128x80xf32, #tpu.memory_space<vmem>>
      %dma_wait3A_551 = tpu.memref_squeeze %dma_wait3A_550 : memref<1x128x80xf32, #tpu.memory_space<vmem>> -> memref<128x80xf32, #tpu.memory_space<vmem>>
      %dma_wait3A_552 = arith.constant 0 : i32
      %dma_wait3A_553 = tpu.memref_slice %arg6[%dma_wait3A_546, %dma_wait3A_552] : memref<80x128xi32, #tpu.memory_space<vmem>> -> memref<1x128xi32, #tpu.memory_space<vmem>>
      %dma_wait3A_554 = tpu.memref_squeeze %dma_wait3A_553 : memref<1x128xi32, #tpu.memory_space<vmem>> -> memref<128xi32, #tpu.memory_space<vmem>>
      %dma_wait3A_555 = arith.constant 0 : i32
      %dma_wait3A_556 = arith.constant 0 : i32
      %dma_wait3A_557 = tpu.memref_slice %arg2[%arg0, %dma_wait3A_555, %dma_wait3A_556] : memref<2x10240x80xf32, #tpu.memory_space<hbm>> -> memref<1x10240x80xf32, #tpu.memory_space<hbm>>
      %dma_wait3A_558 = tpu.memref_squeeze %dma_wait3A_557 : memref<1x10240x80xf32, #tpu.memory_space<hbm>> -> memref<10240x80xf32, #tpu.memory_space<hbm>>
      %dma_wait3A_559 = arith.constant 0 : i32
      %dma_wait3A_560 = arith.constant 0 : i32
      %dma_wait3A_561 = tpu.memref_slice %dma_wait3A_558[%dma_wait3A_559, %dma_wait3A_560] : memref<10240x80xf32, #tpu.memory_space<hbm>> -> memref<10240x80xf32, #tpu.memory_space<hbm>>
      tpu.wait_indirect_dma semaphore(%arg11 : memref<!tpu.dma_semaphore, #tpu.memory_space<semaphore_mem>>) src(%dma_wait3A_561 : memref<10240x80xf32, #tpu.memory_space<hbm>>) dst(%dma_wait3A_551 : memref<128x80xf32, #tpu.memory_space<vmem>>)
      %add3A_562 = arith.constant 1 : i32
      %add3A_563 = arith.addi %mul3A_516, %add3A_562 : i32
      %dma_start3A_564 = arith.constant 1 : i32
      %dma_start3A_565 = arith.constant 0 : i32
      %dma_start3A_566 = arith.constant 0 : i32
      %dma_start3A_567 = tpu.memref_slice %arg8[%dma_start3A_564, %dma_start3A_565, %dma_start3A_566] : memref<4x128x80xf32, #tpu.memory_space<vmem>> -> memref<1x128x80xf32, #tpu.memory_space<vmem>>
      %dma_start3A_568 = tpu.memref_squeeze %dma_start3A_567 : memref<1x128x80xf32, #tpu.memory_space<vmem>> -> memref<128x80xf32, #tpu.memory_space<vmem>>
      %dma_start3A_569 = arith.constant 0 : i32
      %dma_start3A_570 = tpu.memref_slice %arg7[%add3A_563, %dma_start3A_569] : memref<80x128xi32, #tpu.memory_space<vmem>> -> memref<1x128xi32, #tpu.memory_space<vmem>>
      %dma_start3A_571 = tpu.memref_squeeze %dma_start3A_570 : memref<1x128xi32, #tpu.memory_space<vmem>> -> memref<128xi32, #tpu.memory_space<vmem>>
      %dma_start3A_572 = arith.constant 0 : i32
      %dma_start3A_573 = arith.constant 0 : i32
      %dma_start3A_574 = tpu.memref_slice %arg9[%dma_start3A_572, %dma_start3A_573] : memref<10240x80xf32, #tpu.memory_space<vmem_shared>> -> memref<10240x80xf32, #tpu.memory_space<vmem_shared>>
      tpu.enqueue_indirect_dma source(%dma_start3A_568 : memref<128x80xf32, #tpu.memory_space<vmem>>) target(%dma_start3A_574 : memref<10240x80xf32, #tpu.memory_space<vmem_shared>>) offsets(%dma_start3A_571 : memref<128xi32, #tpu.memory_space<vmem>>) semaphore(%arg15 : memref<!tpu.dma_semaphore, #tpu.memory_space<semaphore_mem>>) {add = true}
      %dma_wait3A_575 = arith.constant 0 : i32
      %dma_wait3A_576 = arith.constant 2 : i32
      %dma_wait3A_577 = arith.constant 0 : i32
      %dma_wait3A_578 = arith.constant 0 : i32
      %dma_wait3A_579 = tpu.memref_slice %arg8[%dma_wait3A_576, %dma_wait3A_577, %dma_wait3A_578] : memref<4x128x80xf32, #tpu.memory_space<vmem>> -> memref<1x128x80xf32, #tpu.memory_space<vmem>>
      %dma_wait3A_580 = tpu.memref_squeeze %dma_wait3A_579 : memref<1x128x80xf32, #tpu.memory_space<vmem>> -> memref<128x80xf32, #tpu.memory_space<vmem>>
      %dma_wait3A_581 = arith.constant 0 : i32
      %dma_wait3A_582 = tpu.memref_slice %arg6[%dma_wait3A_575, %dma_wait3A_581] : memref<80x128xi32, #tpu.memory_space<vmem>> -> memref<1x128xi32, #tpu.memory_space<vmem>>
      %dma_wait3A_583 = tpu.memref_squeeze %dma_wait3A_582 : memref<1x128xi32, #tpu.memory_space<vmem>> -> memref<128xi32, #tpu.memory_space<vmem>>
      %dma_wait3A_584 = arith.constant 0 : i32
      %dma_wait3A_585 = arith.constant 0 : i32
      %dma_wait3A_586 = tpu.memref_slice %arg2[%arg0, %dma_wait3A_584, %dma_wait3A_585] : memref<2x10240x80xf32, #tpu.memory_space<hbm>> -> memref<1x10240x80xf32, #tpu.memory_space<hbm>>
      %dma_wait3A_587 = tpu.memref_squeeze %dma_wait3A_586 : memref<1x10240x80xf32, #tpu.memory_space<hbm>> -> memref<10240x80xf32, #tpu.memory_space<hbm>>
      %dma_wait3A_588 = arith.constant 0 : i32
      %dma_wait3A_589 = arith.constant 0 : i32
      %dma_wait3A_590 = tpu.memref_slice %dma_wait3A_587[%dma_wait3A_588, %dma_wait3A_589] : memref<10240x80xf32, #tpu.memory_space<hbm>> -> memref<10240x80xf32, #tpu.memory_space<hbm>>
      tpu.wait_indirect_dma semaphore(%arg12 : memref<!tpu.dma_semaphore, #tpu.memory_space<semaphore_mem>>) src(%dma_wait3A_590 : memref<10240x80xf32, #tpu.memory_space<hbm>>) dst(%dma_wait3A_580 : memref<128x80xf32, #tpu.memory_space<vmem>>)
      %add3A_591 = arith.constant 2 : i32
      %add3A_592 = arith.addi %mul3A_516, %add3A_591 : i32
      %dma_start3A_593 = arith.constant 2 : i32
      %dma_start3A_594 = arith.constant 0 : i32
      %dma_start3A_595 = arith.constant 0 : i32
      %dma_start3A_596 = tpu.memref_slice %arg8[%dma_start3A_593, %dma_start3A_594, %dma_start3A_595] : memref<4x128x80xf32, #tpu.memory_space<vmem>> -> memref<1x128x80xf32, #tpu.memory_space<vmem>>
      %dma_start3A_597 = tpu.memref_squeeze %dma_start3A_596 : memref<1x128x80xf32, #tpu.memory_space<vmem>> -> memref<128x80xf32, #tpu.memory_space<vmem>>
      %dma_start3A_598 = arith.constant 0 : i32
      %dma_start3A_599 = tpu.memref_slice %arg7[%add3A_592, %dma_start3A_598] : memref<80x128xi32, #tpu.memory_space<vmem>> -> memref<1x128xi32, #tpu.memory_space<vmem>>
      %dma_start3A_600 = tpu.memref_squeeze %dma_start3A_599 : memref<1x128xi32, #tpu.memory_space<vmem>> -> memref<128xi32, #tpu.memory_space<vmem>>
      %dma_start3A_601 = arith.constant 0 : i32
      %dma_start3A_602 = arith.constant 0 : i32
      %dma_start3A_603 = tpu.memref_slice %arg9[%dma_start3A_601, %dma_start3A_602] : memref<10240x80xf32, #tpu.memory_space<vmem_shared>> -> memref<10240x80xf32, #tpu.memory_space<vmem_shared>>
      tpu.enqueue_indirect_dma source(%dma_start3A_597 : memref<128x80xf32, #tpu.memory_space<vmem>>) target(%dma_start3A_603 : memref<10240x80xf32, #tpu.memory_space<vmem_shared>>) offsets(%dma_start3A_600 : memref<128xi32, #tpu.memory_space<vmem>>) semaphore(%arg16 : memref<!tpu.dma_semaphore, #tpu.memory_space<semaphore_mem>>) {add = true}
      %dma_wait3A_604 = arith.constant 0 : i32
      %dma_wait3A_605 = arith.constant 3 : i32
      %dma_wait3A_606 = arith.constant 0 : i32
      %dma_wait3A_607 = arith.constant 0 : i32
      %dma_wait3A_608 = tpu.memref_slice %arg8[%dma_wait3A_605, %dma_wait3A_606, %dma_wait3A_607] : memref<4x128x80xf32, #tpu.memory_space<vmem>> -> memref<1x128x80xf32, #tpu.memory_space<vmem>>
      %dma_wait3A_609 = tpu.memref_squeeze %dma_wait3A_608 : memref<1x128x80xf32, #tpu.memory_space<vmem>> -> memref<128x80xf32, #tpu.memory_space<vmem>>
      %dma_wait3A_610 = arith.constant 0 : i32
      %dma_wait3A_611 = tpu.memref_slice %arg6[%dma_wait3A_604, %dma_wait3A_610] : memref<80x128xi32, #tpu.memory_space<vmem>> -> memref<1x128xi32, #tpu.memory_space<vmem>>
      %dma_wait3A_612 = tpu.memref_squeeze %dma_wait3A_611 : memref<1x128xi32, #tpu.memory_space<vmem>> -> memref<128xi32, #tpu.memory_space<vmem>>
      %dma_wait3A_613 = arith.constant 0 : i32
      %dma_wait3A_614 = arith.constant 0 : i32
      %dma_wait3A_615 = tpu.memref_slice %arg2[%arg0, %dma_wait3A_613, %dma_wait3A_614] : memref<2x10240x80xf32, #tpu.memory_space<hbm>> -> memref<1x10240x80xf32, #tpu.memory_space<hbm>>
      %dma_wait3A_616 = tpu.memref_squeeze %dma_wait3A_615 : memref<1x10240x80xf32, #tpu.memory_space<hbm>> -> memref<10240x80xf32, #tpu.memory_space<hbm>>
      %dma_wait3A_617 = arith.constant 0 : i32
      %dma_wait3A_618 = arith.constant 0 : i32
      %dma_wait3A_619 = tpu.memref_slice %dma_wait3A_616[%dma_wait3A_617, %dma_wait3A_618] : memref<10240x80xf32, #tpu.memory_space<hbm>> -> memref<10240x80xf32, #tpu.memory_space<hbm>>
      tpu.wait_indirect_dma semaphore(%arg13 : memref<!tpu.dma_semaphore, #tpu.memory_space<semaphore_mem>>) src(%dma_wait3A_619 : memref<10240x80xf32, #tpu.memory_space<hbm>>) dst(%dma_wait3A_609 : memref<128x80xf32, #tpu.memory_space<vmem>>)
      %add3A_620 = arith.constant 3 : i32
      %add3A_621 = arith.addi %mul3A_516, %add3A_620 : i32
      %dma_start3A_622 = arith.constant 3 : i32
      %dma_start3A_623 = arith.constant 0 : i32
      %dma_start3A_624 = arith.constant 0 : i32
      %dma_start3A_625 = tpu.memref_slice %arg8[%dma_start3A_622, %dma_start3A_623, %dma_start3A_624] : memref<4x128x80xf32, #tpu.memory_space<vmem>> -> memref<1x128x80xf32, #tpu.memory_space<vmem>>
      %dma_start3A_626 = tpu.memref_squeeze %dma_start3A_625 : memref<1x128x80xf32, #tpu.memory_space<vmem>> -> memref<128x80xf32, #tpu.memory_space<vmem>>
      %dma_start3A_627 = arith.constant 0 : i32
      %dma_start3A_628 = tpu.memref_slice %arg7[%add3A_621, %dma_start3A_627] : memref<80x128xi32, #tpu.memory_space<vmem>> -> memref<1x128xi32, #tpu.memory_space<vmem>>
      %dma_start3A_629 = tpu.memref_squeeze %dma_start3A_628 : memref<1x128xi32, #tpu.memory_space<vmem>> -> memref<128xi32, #tpu.memory_space<vmem>>
      %dma_start3A_630 = arith.constant 0 : i32
      %dma_start3A_631 = arith.constant 0 : i32
      %dma_start3A_632 = tpu.memref_slice %arg9[%dma_start3A_630, %dma_start3A_631] : memref<10240x80xf32, #tpu.memory_space<vmem_shared>> -> memref<10240x80xf32, #tpu.memory_space<vmem_shared>>
      tpu.enqueue_indirect_dma source(%dma_start3A_626 : memref<128x80xf32, #tpu.memory_space<vmem>>) target(%dma_start3A_632 : memref<10240x80xf32, #tpu.memory_space<vmem_shared>>) offsets(%dma_start3A_629 : memref<128xi32, #tpu.memory_space<vmem>>) semaphore(%arg17 : memref<!tpu.dma_semaphore, #tpu.memory_space<semaphore_mem>>) {add = true}
      %add3A_633 = arith.constant 4 : i32
      %add3A_634 = arith.addi %mul3A_516, %add3A_633 : i32
      %lt3A = arith.constant 80 : i32
      %lt3A_635 = arith.cmpi slt, %add3A_634, %lt3A : i32
      %convert_element_type3A = arith.extui %lt3A_635 : i1 to i32
      %cond3A = arith.constant 0 : i32
      %cond3A_636 = arith.cmpi ne, %convert_element_type3A, %cond3A : i32
      scf.if %cond3A_636 {
        %dma_wait3A_637 = arith.constant 0 : i32
        %dma_wait3A_638 = arith.constant 0 : i32
        %dma_wait3A_639 = arith.constant 0 : i32
        %dma_wait3A_640 = arith.constant 0 : i32
        %dma_wait3A_641 = tpu.memref_slice %arg8[%dma_wait3A_637, %dma_wait3A_639, %dma_wait3A_640] : memref<4x128x80xf32, #tpu.memory_space<vmem>> -> memref<1x128x80xf32, #tpu.memory_space<vmem>>
        %dma_wait3A_642 = tpu.memref_squeeze %dma_wait3A_641 : memref<1x128x80xf32, #tpu.memory_space<vmem>> -> memref<128x80xf32, #tpu.memory_space<vmem>>
        %dma_wait3A_643 = arith.constant 0 : i32
        %dma_wait3A_644 = tpu.memref_slice %arg7[%dma_wait3A_638, %dma_wait3A_643] : memref<80x128xi32, #tpu.memory_space<vmem>> -> memref<1x128xi32, #tpu.memory_space<vmem>>
        %dma_wait3A_645 = tpu.memref_squeeze %dma_wait3A_644 : memref<1x128xi32, #tpu.memory_space<vmem>> -> memref<128xi32, #tpu.memory_space<vmem>>
        %dma_wait3A_646 = arith.constant 0 : i32
        %dma_wait3A_647 = arith.constant 0 : i32
        %dma_wait3A_648 = tpu.memref_slice %arg9[%dma_wait3A_646, %dma_wait3A_647] : memref<10240x80xf32, #tpu.memory_space<vmem_shared>> -> memref<10240x80xf32, #tpu.memory_space<vmem_shared>>
        tpu.wait_indirect_dma semaphore(%arg14 : memref<!tpu.dma_semaphore, #tpu.memory_space<semaphore_mem>>) src(%dma_wait3A_642 : memref<128x80xf32, #tpu.memory_space<vmem>>) dst(%dma_wait3A_648 : memref<10240x80xf32, #tpu.memory_space<vmem_shared>>)
        %add3A_649 = arith.constant 4 : i32
        %add3A_650 = arith.addi %mul3A_516, %add3A_649 : i32
        %add3A_651 = arith.constant 0 : i32
        %add3A_652 = arith.addi %add3A_650, %add3A_651 : i32
        %dma_start3A_653 = arith.constant 0 : i32
        %dma_start3A_654 = arith.constant 0 : i32
        %dma_start3A_655 = arith.constant 0 : i32
        %dma_start3A_656 = tpu.memref_slice %arg8[%dma_start3A_653, %dma_start3A_654, %dma_start3A_655] : memref<4x128x80xf32, #tpu.memory_space<vmem>> -> memref<1x128x80xf32, #tpu.memory_space<vmem>>
        %dma_start3A_657 = tpu.memref_squeeze %dma_start3A_656 : memref<1x128x80xf32, #tpu.memory_space<vmem>> -> memref<128x80xf32, #tpu.memory_space<vmem>>
        %dma_start3A_658 = arith.constant 0 : i32
        %dma_start3A_659 = tpu.memref_slice %arg6[%add3A_652, %dma_start3A_658] : memref<80x128xi32, #tpu.memory_space<vmem>> -> memref<1x128xi32, #tpu.memory_space<vmem>>
        %dma_start3A_660 = tpu.memref_squeeze %dma_start3A_659 : memref<1x128xi32, #tpu.memory_space<vmem>> -> memref<128xi32, #tpu.memory_space<vmem>>
        %dma_start3A_661 = arith.constant 0 : i32
        %dma_start3A_662 = arith.constant 0 : i32
        %dma_start3A_663 = tpu.memref_slice %arg2[%arg0, %dma_start3A_661, %dma_start3A_662] : memref<2x10240x80xf32, #tpu.memory_space<hbm>> -> memref<1x10240x80xf32, #tpu.memory_space<hbm>>
        %dma_start3A_664 = tpu.memref_squeeze %dma_start3A_663 : memref<1x10240x80xf32, #tpu.memory_space<hbm>> -> memref<10240x80xf32, #tpu.memory_space<hbm>>
        %dma_start3A_665 = arith.constant 0 : i32
        %dma_start3A_666 = arith.constant 0 : i32
        %dma_start3A_667 = tpu.memref_slice %dma_start3A_664[%dma_start3A_665, %dma_start3A_666] : memref<10240x80xf32, #tpu.memory_space<hbm>> -> memref<10240x80xf32, #tpu.memory_space<hbm>>
        tpu.enqueue_indirect_dma source(%dma_start3A_667 : memref<10240x80xf32, #tpu.memory_space<hbm>>) target(%dma_start3A_657 : memref<128x80xf32, #tpu.memory_space<vmem>>) offsets(%dma_start3A_660 : memref<128xi32, #tpu.memory_space<vmem>>) semaphore(%arg10 : memref<!tpu.dma_semaphore, #tpu.memory_space<semaphore_mem>>)
        %dma_wait3A_668 = arith.constant 1 : i32
        %dma_wait3A_669 = arith.constant 0 : i32
        %dma_wait3A_670 = arith.constant 0 : i32
        %dma_wait3A_671 = arith.constant 0 : i32
        %dma_wait3A_672 = tpu.memref_slice %arg8[%dma_wait3A_668, %dma_wait3A_670, %dma_wait3A_671] : memref<4x128x80xf32, #tpu.memory_space<vmem>> -> memref<1x128x80xf32, #tpu.memory_space<vmem>>
        %dma_wait3A_673 = tpu.memref_squeeze %dma_wait3A_672 : memref<1x128x80xf32, #tpu.memory_space<vmem>> -> memref<128x80xf32, #tpu.memory_space<vmem>>
        %dma_wait3A_674 = arith.constant 0 : i32
        %dma_wait3A_675 = tpu.memref_slice %arg7[%dma_wait3A_669, %dma_wait3A_674] : memref<80x128xi32, #tpu.memory_space<vmem>> -> memref<1x128xi32, #tpu.memory_space<vmem>>
        %dma_wait3A_676 = tpu.memref_squeeze %dma_wait3A_675 : memref<1x128xi32, #tpu.memory_space<vmem>> -> memref<128xi32, #tpu.memory_space<vmem>>
        %dma_wait3A_677 = arith.constant 0 : i32
        %dma_wait3A_678 = arith.constant 0 : i32
        %dma_wait3A_679 = tpu.memref_slice %arg9[%dma_wait3A_677, %dma_wait3A_678] : memref<10240x80xf32, #tpu.memory_space<vmem_shared>> -> memref<10240x80xf32, #tpu.memory_space<vmem_shared>>
        tpu.wait_indirect_dma semaphore(%arg15 : memref<!tpu.dma_semaphore, #tpu.memory_space<semaphore_mem>>) src(%dma_wait3A_673 : memref<128x80xf32, #tpu.memory_space<vmem>>) dst(%dma_wait3A_679 : memref<10240x80xf32, #tpu.memory_space<vmem_shared>>)
        %add3A_680 = arith.constant 4 : i32
        %add3A_681 = arith.addi %mul3A_516, %add3A_680 : i32
        %add3A_682 = arith.constant 1 : i32
        %add3A_683 = arith.addi %add3A_681, %add3A_682 : i32
        %dma_start3A_684 = arith.constant 1 : i32
        %dma_start3A_685 = arith.constant 0 : i32
        %dma_start3A_686 = arith.constant 0 : i32
        %dma_start3A_687 = tpu.memref_slice %arg8[%dma_start3A_684, %dma_start3A_685, %dma_start3A_686] : memref<4x128x80xf32, #tpu.memory_space<vmem>> -> memref<1x128x80xf32, #tpu.memory_space<vmem>>
        %dma_start3A_688 = tpu.memref_squeeze %dma_start3A_687 : memref<1x128x80xf32, #tpu.memory_space<vmem>> -> memref<128x80xf32, #tpu.memory_space<vmem>>
        %dma_start3A_689 = arith.constant 0 : i32
        %dma_start3A_690 = tpu.memref_slice %arg6[%add3A_683, %dma_start3A_689] : memref<80x128xi32, #tpu.memory_space<vmem>> -> memref<1x128xi32, #tpu.memory_space<vmem>>
        %dma_start3A_691 = tpu.memref_squeeze %dma_start3A_690 : memref<1x128xi32, #tpu.memory_space<vmem>> -> memref<128xi32, #tpu.memory_space<vmem>>
        %dma_start3A_692 = arith.constant 0 : i32
        %dma_start3A_693 = arith.constant 0 : i32
        %dma_start3A_694 = tpu.memref_slice %arg2[%arg0, %dma_start3A_692, %dma_start3A_693] : memref<2x10240x80xf32, #tpu.memory_space<hbm>> -> memref<1x10240x80xf32, #tpu.memory_space<hbm>>
        %dma_start3A_695 = tpu.memref_squeeze %dma_start3A_694 : memref<1x10240x80xf32, #tpu.memory_space<hbm>> -> memref<10240x80xf32, #tpu.memory_space<hbm>>
        %dma_start3A_696 = arith.constant 0 : i32
        %dma_start3A_697 = arith.constant 0 : i32
        %dma_start3A_698 = tpu.memref_slice %dma_start3A_695[%dma_start3A_696, %dma_start3A_697] : memref<10240x80xf32, #tpu.memory_space<hbm>> -> memref<10240x80xf32, #tpu.memory_space<hbm>>
        tpu.enqueue_indirect_dma source(%dma_start3A_698 : memref<10240x80xf32, #tpu.memory_space<hbm>>) target(%dma_start3A_688 : memref<128x80xf32, #tpu.memory_space<vmem>>) offsets(%dma_start3A_691 : memref<128xi32, #tpu.memory_space<vmem>>) semaphore(%arg11 : memref<!tpu.dma_semaphore, #tpu.memory_space<semaphore_mem>>)
        %dma_wait3A_699 = arith.constant 2 : i32
        %dma_wait3A_700 = arith.constant 0 : i32
        %dma_wait3A_701 = arith.constant 0 : i32
        %dma_wait3A_702 = arith.constant 0 : i32
        %dma_wait3A_703 = tpu.memref_slice %arg8[%dma_wait3A_699, %dma_wait3A_701, %dma_wait3A_702] : memref<4x128x80xf32, #tpu.memory_space<vmem>> -> memref<1x128x80xf32, #tpu.memory_space<vmem>>
        %dma_wait3A_704 = tpu.memref_squeeze %dma_wait3A_703 : memref<1x128x80xf32, #tpu.memory_space<vmem>> -> memref<128x80xf32, #tpu.memory_space<vmem>>
        %dma_wait3A_705 = arith.constant 0 : i32
        %dma_wait3A_706 = tpu.memref_slice %arg7[%dma_wait3A_700, %dma_wait3A_705] : memref<80x128xi32, #tpu.memory_space<vmem>> -> memref<1x128xi32, #tpu.memory_space<vmem>>
        %dma_wait3A_707 = tpu.memref_squeeze %dma_wait3A_706 : memref<1x128xi32, #tpu.memory_space<vmem>> -> memref<128xi32, #tpu.memory_space<vmem>>
        %dma_wait3A_708 = arith.constant 0 : i32
        %dma_wait3A_709 = arith.constant 0 : i32
        %dma_wait3A_710 = tpu.memref_slice %arg9[%dma_wait3A_708, %dma_wait3A_709] : memref<10240x80xf32, #tpu.memory_space<vmem_shared>> -> memref<10240x80xf32, #tpu.memory_space<vmem_shared>>
        tpu.wait_indirect_dma semaphore(%arg16 : memref<!tpu.dma_semaphore, #tpu.memory_space<semaphore_mem>>) src(%dma_wait3A_704 : memref<128x80xf32, #tpu.memory_space<vmem>>) dst(%dma_wait3A_710 : memref<10240x80xf32, #tpu.memory_space<vmem_shared>>)
        %add3A_711 = arith.constant 4 : i32
        %add3A_712 = arith.addi %mul3A_516, %add3A_711 : i32
        %add3A_713 = arith.constant 2 : i32
        %add3A_714 = arith.addi %add3A_712, %add3A_713 : i32
        %dma_start3A_715 = arith.constant 2 : i32
        %dma_start3A_716 = arith.constant 0 : i32
        %dma_start3A_717 = arith.constant 0 : i32
        %dma_start3A_718 = tpu.memref_slice %arg8[%dma_start3A_715, %dma_start3A_716, %dma_start3A_717] : memref<4x128x80xf32, #tpu.memory_space<vmem>> -> memref<1x128x80xf32, #tpu.memory_space<vmem>>
        %dma_start3A_719 = tpu.memref_squeeze %dma_start3A_718 : memref<1x128x80xf32, #tpu.memory_space<vmem>> -> memref<128x80xf32, #tpu.memory_space<vmem>>
        %dma_start3A_720 = arith.constant 0 : i32
        %dma_start3A_721 = tpu.memref_slice %arg6[%add3A_714, %dma_start3A_720] : memref<80x128xi32, #tpu.memory_space<vmem>> -> memref<1x128xi32, #tpu.memory_space<vmem>>
        %dma_start3A_722 = tpu.memref_squeeze %dma_start3A_721 : memref<1x128xi32, #tpu.memory_space<vmem>> -> memref<128xi32, #tpu.memory_space<vmem>>
        %dma_start3A_723 = arith.constant 0 : i32
        %dma_start3A_724 = arith.constant 0 : i32
        %dma_start3A_725 = tpu.memref_slice %arg2[%arg0, %dma_start3A_723, %dma_start3A_724] : memref<2x10240x80xf32, #tpu.memory_space<hbm>> -> memref<1x10240x80xf32, #tpu.memory_space<hbm>>
        %dma_start3A_726 = tpu.memref_squeeze %dma_start3A_725 : memref<1x10240x80xf32, #tpu.memory_space<hbm>> -> memref<10240x80xf32, #tpu.memory_space<hbm>>
        %dma_start3A_727 = arith.constant 0 : i32
        %dma_start3A_728 = arith.constant 0 : i32
        %dma_start3A_729 = tpu.memref_slice %dma_start3A_726[%dma_start3A_727, %dma_start3A_728] : memref<10240x80xf32, #tpu.memory_space<hbm>> -> memref<10240x80xf32, #tpu.memory_space<hbm>>
        tpu.enqueue_indirect_dma source(%dma_start3A_729 : memref<10240x80xf32, #tpu.memory_space<hbm>>) target(%dma_start3A_719 : memref<128x80xf32, #tpu.memory_space<vmem>>) offsets(%dma_start3A_722 : memref<128xi32, #tpu.memory_space<vmem>>) semaphore(%arg12 : memref<!tpu.dma_semaphore, #tpu.memory_space<semaphore_mem>>)
        %dma_wait3A_730 = arith.constant 3 : i32
        %dma_wait3A_731 = arith.constant 0 : i32
        %dma_wait3A_732 = arith.constant 0 : i32
        %dma_wait3A_733 = arith.constant 0 : i32
        %dma_wait3A_734 = tpu.memref_slice %arg8[%dma_wait3A_730, %dma_wait3A_732, %dma_wait3A_733] : memref<4x128x80xf32, #tpu.memory_space<vmem>> -> memref<1x128x80xf32, #tpu.memory_space<vmem>>
        %dma_wait3A_735 = tpu.memref_squeeze %dma_wait3A_734 : memref<1x128x80xf32, #tpu.memory_space<vmem>> -> memref<128x80xf32, #tpu.memory_space<vmem>>
        %dma_wait3A_736 = arith.constant 0 : i32
        %dma_wait3A_737 = tpu.memref_slice %arg7[%dma_wait3A_731, %dma_wait3A_736] : memref<80x128xi32, #tpu.memory_space<vmem>> -> memref<1x128xi32, #tpu.memory_space<vmem>>
        %dma_wait3A_738 = tpu.memref_squeeze %dma_wait3A_737 : memref<1x128xi32, #tpu.memory_space<vmem>> -> memref<128xi32, #tpu.memory_space<vmem>>
        %dma_wait3A_739 = arith.constant 0 : i32
        %dma_wait3A_740 = arith.constant 0 : i32
        %dma_wait3A_741 = tpu.memref_slice %arg9[%dma_wait3A_739, %dma_wait3A_740] : memref<10240x80xf32, #tpu.memory_space<vmem_shared>> -> memref<10240x80xf32, #tpu.memory_space<vmem_shared>>
        tpu.wait_indirect_dma semaphore(%arg17 : memref<!tpu.dma_semaphore, #tpu.memory_space<semaphore_mem>>) src(%dma_wait3A_735 : memref<128x80xf32, #tpu.memory_space<vmem>>) dst(%dma_wait3A_741 : memref<10240x80xf32, #tpu.memory_space<vmem_shared>>)
        %add3A_742 = arith.constant 4 : i32
        %add3A_743 = arith.addi %mul3A_516, %add3A_742 : i32
        %add3A_744 = arith.constant 3 : i32
        %add3A_745 = arith.addi %add3A_743, %add3A_744 : i32
        %dma_start3A_746 = arith.constant 3 : i32
        %dma_start3A_747 = arith.constant 0 : i32
        %dma_start3A_748 = arith.constant 0 : i32
        %dma_start3A_749 = tpu.memref_slice %arg8[%dma_start3A_746, %dma_start3A_747, %dma_start3A_748] : memref<4x128x80xf32, #tpu.memory_space<vmem>> -> memref<1x128x80xf32, #tpu.memory_space<vmem>>
        %dma_start3A_750 = tpu.memref_squeeze %dma_start3A_749 : memref<1x128x80xf32, #tpu.memory_space<vmem>> -> memref<128x80xf32, #tpu.memory_space<vmem>>
        %dma_start3A_751 = arith.constant 0 : i32
        %dma_start3A_752 = tpu.memref_slice %arg6[%add3A_745, %dma_start3A_751] : memref<80x128xi32, #tpu.memory_space<vmem>> -> memref<1x128xi32, #tpu.memory_space<vmem>>
        %dma_start3A_753 = tpu.memref_squeeze %dma_start3A_752 : memref<1x128xi32, #tpu.memory_space<vmem>> -> memref<128xi32, #tpu.memory_space<vmem>>
        %dma_start3A_754 = arith.constant 0 : i32
        %dma_start3A_755 = arith.constant 0 : i32
        %dma_start3A_756 = tpu.memref_slice %arg2[%arg0, %dma_start3A_754, %dma_start3A_755] : memref<2x10240x80xf32, #tpu.memory_space<hbm>> -> memref<1x10240x80xf32, #tpu.memory_space<hbm>>
        %dma_start3A_757 = tpu.memref_squeeze %dma_start3A_756 : memref<1x10240x80xf32, #tpu.memory_space<hbm>> -> memref<10240x80xf32, #tpu.memory_space<hbm>>
        %dma_start3A_758 = arith.constant 0 : i32
        %dma_start3A_759 = arith.constant 0 : i32
        %dma_start3A_760 = tpu.memref_slice %dma_start3A_757[%dma_start3A_758, %dma_start3A_759] : memref<10240x80xf32, #tpu.memory_space<hbm>> -> memref<10240x80xf32, #tpu.memory_space<hbm>>
        tpu.enqueue_indirect_dma source(%dma_start3A_760 : memref<10240x80xf32, #tpu.memory_space<hbm>>) target(%dma_start3A_750 : memref<128x80xf32, #tpu.memory_space<vmem>>) offsets(%dma_start3A_753 : memref<128xi32, #tpu.memory_space<vmem>>) semaphore(%arg13 : memref<!tpu.dma_semaphore, #tpu.memory_space<semaphore_mem>>)
      } else {
      }
    }
    %scan3A_460 = arith.constant 20 : i32
    %dma_wait3A_461 = arith.constant 0 : i32
    %dma_wait3A_462 = arith.constant 0 : i32
    %dma_wait3A_463 = arith.constant 0 : i32
    %dma_wait3A_464 = arith.constant 0 : i32
    %dma_wait3A_465 = tpu.memref_slice %arg8[%dma_wait3A_461, %dma_wait3A_463, %dma_wait3A_464] : memref<4x128x80xf32, #tpu.memory_space<vmem>> -> memref<1x128x80xf32, #tpu.memory_space<vmem>>
    %dma_wait3A_466 = tpu.memref_squeeze %dma_wait3A_465 : memref<1x128x80xf32, #tpu.memory_space<vmem>> -> memref<128x80xf32, #tpu.memory_space<vmem>>
    %dma_wait3A_467 = arith.constant 0 : i32
    %dma_wait3A_468 = tpu.memref_slice %arg7[%dma_wait3A_462, %dma_wait3A_467] : memref<80x128xi32, #tpu.memory_space<vmem>> -> memref<1x128xi32, #tpu.memory_space<vmem>>
    %dma_wait3A_469 = tpu.memref_squeeze %dma_wait3A_468 : memref<1x128xi32, #tpu.memory_space<vmem>> -> memref<128xi32, #tpu.memory_space<vmem>>
    %dma_wait3A_470 = arith.constant 0 : i32
    %dma_wait3A_471 = arith.constant 0 : i32
    %dma_wait3A_472 = tpu.memref_slice %arg9[%dma_wait3A_470, %dma_wait3A_471] : memref<10240x80xf32, #tpu.memory_space<vmem_shared>> -> memref<10240x80xf32, #tpu.memory_space<vmem_shared>>
    tpu.wait_indirect_dma semaphore(%arg14 : memref<!tpu.dma_semaphore, #tpu.memory_space<semaphore_mem>>) src(%dma_wait3A_466 : memref<128x80xf32, #tpu.memory_space<vmem>>) dst(%dma_wait3A_472 : memref<10240x80xf32, #tpu.memory_space<vmem_shared>>)
    %dma_wait3A_473 = arith.constant 1 : i32
    %dma_wait3A_474 = arith.constant 0 : i32
    %dma_wait3A_475 = arith.constant 0 : i32
    %dma_wait3A_476 = arith.constant 0 : i32
    %dma_wait3A_477 = tpu.memref_slice %arg8[%dma_wait3A_473, %dma_wait3A_475, %dma_wait3A_476] : memref<4x128x80xf32, #tpu.memory_space<vmem>> -> memref<1x128x80xf32, #tpu.memory_space<vmem>>
    %dma_wait3A_478 = tpu.memref_squeeze %dma_wait3A_477 : memref<1x128x80xf32, #tpu.memory_space<vmem>> -> memref<128x80xf32, #tpu.memory_space<vmem>>
    %dma_wait3A_479 = arith.constant 0 : i32
    %dma_wait3A_480 = tpu.memref_slice %arg7[%dma_wait3A_474, %dma_wait3A_479] : memref<80x128xi32, #tpu.memory_space<vmem>> -> memref<1x128xi32, #tpu.memory_space<vmem>>
    %dma_wait3A_481 = tpu.memref_squeeze %dma_wait3A_480 : memref<1x128xi32, #tpu.memory_space<vmem>> -> memref<128xi32, #tpu.memory_space<vmem>>
    %dma_wait3A_482 = arith.constant 0 : i32
    %dma_wait3A_483 = arith.constant 0 : i32
    %dma_wait3A_484 = tpu.memref_slice %arg9[%dma_wait3A_482, %dma_wait3A_483] : memref<10240x80xf32, #tpu.memory_space<vmem_shared>> -> memref<10240x80xf32, #tpu.memory_space<vmem_shared>>
    tpu.wait_indirect_dma semaphore(%arg15 : memref<!tpu.dma_semaphore, #tpu.memory_space<semaphore_mem>>) src(%dma_wait3A_478 : memref<128x80xf32, #tpu.memory_space<vmem>>) dst(%dma_wait3A_484 : memref<10240x80xf32, #tpu.memory_space<vmem_shared>>)
    %dma_wait3A_485 = arith.constant 2 : i32
    %dma_wait3A_486 = arith.constant 0 : i32
    %dma_wait3A_487 = arith.constant 0 : i32
    %dma_wait3A_488 = arith.constant 0 : i32
    %dma_wait3A_489 = tpu.memref_slice %arg8[%dma_wait3A_485, %dma_wait3A_487, %dma_wait3A_488] : memref<4x128x80xf32, #tpu.memory_space<vmem>> -> memref<1x128x80xf32, #tpu.memory_space<vmem>>
    %dma_wait3A_490 = tpu.memref_squeeze %dma_wait3A_489 : memref<1x128x80xf32, #tpu.memory_space<vmem>> -> memref<128x80xf32, #tpu.memory_space<vmem>>
    %dma_wait3A_491 = arith.constant 0 : i32
    %dma_wait3A_492 = tpu.memref_slice %arg7[%dma_wait3A_486, %dma_wait3A_491] : memref<80x128xi32, #tpu.memory_space<vmem>> -> memref<1x128xi32, #tpu.memory_space<vmem>>
    %dma_wait3A_493 = tpu.memref_squeeze %dma_wait3A_492 : memref<1x128xi32, #tpu.memory_space<vmem>> -> memref<128xi32, #tpu.memory_space<vmem>>
    %dma_wait3A_494 = arith.constant 0 : i32
    %dma_wait3A_495 = arith.constant 0 : i32
    %dma_wait3A_496 = tpu.memref_slice %arg9[%dma_wait3A_494, %dma_wait3A_495] : memref<10240x80xf32, #tpu.memory_space<vmem_shared>> -> memref<10240x80xf32, #tpu.memory_space<vmem_shared>>
    tpu.wait_indirect_dma semaphore(%arg16 : memref<!tpu.dma_semaphore, #tpu.memory_space<semaphore_mem>>) src(%dma_wait3A_490 : memref<128x80xf32, #tpu.memory_space<vmem>>) dst(%dma_wait3A_496 : memref<10240x80xf32, #tpu.memory_space<vmem_shared>>)
    %dma_wait3A_497 = arith.constant 3 : i32
    %dma_wait3A_498 = arith.constant 0 : i32
    %dma_wait3A_499 = arith.constant 0 : i32
    %dma_wait3A_500 = arith.constant 0 : i32
    %dma_wait3A_501 = tpu.memref_slice %arg8[%dma_wait3A_497, %dma_wait3A_499, %dma_wait3A_500] : memref<4x128x80xf32, #tpu.memory_space<vmem>> -> memref<1x128x80xf32, #tpu.memory_space<vmem>>
    %dma_wait3A_502 = tpu.memref_squeeze %dma_wait3A_501 : memref<1x128x80xf32, #tpu.memory_space<vmem>> -> memref<128x80xf32, #tpu.memory_space<vmem>>
    %dma_wait3A_503 = arith.constant 0 : i32
    %dma_wait3A_504 = tpu.memref_slice %arg7[%dma_wait3A_498, %dma_wait3A_503] : memref<80x128xi32, #tpu.memory_space<vmem>> -> memref<1x128xi32, #tpu.memory_space<vmem>>
    %dma_wait3A_505 = tpu.memref_squeeze %dma_wait3A_504 : memref<1x128xi32, #tpu.memory_space<vmem>> -> memref<128xi32, #tpu.memory_space<vmem>>
    %dma_wait3A_506 = arith.constant 0 : i32
    %dma_wait3A_507 = arith.constant 0 : i32
    %dma_wait3A_508 = tpu.memref_slice %arg9[%dma_wait3A_506, %dma_wait3A_507] : memref<10240x80xf32, #tpu.memory_space<vmem_shared>> -> memref<10240x80xf32, #tpu.memory_space<vmem_shared>>
    tpu.wait_indirect_dma semaphore(%arg17 : memref<!tpu.dma_semaphore, #tpu.memory_space<semaphore_mem>>) src(%dma_wait3A_502 : memref<128x80xf32, #tpu.memory_space<vmem>>) dst(%dma_wait3A_508 : memref<10240x80xf32, #tpu.memory_space<vmem_shared>>)
    %barrier3A_509 = arith.constant 0 : index
    tpu.barrier barrier_id(%barrier3A_509)
    %mul3A_510 = arith.constant 640 : i32
    %mul3A_511 = arith.muli %arg1, %mul3A_510 : i32
    %mul3A_512 = arith.constant 640 : i32
    %mul3A_513 = arith.muli %arg1, %mul3A_512 : i32
    "tpu.region"() ({
      %run_scoped3A = tpu.sem_alloc : memref<!tpu.dma_semaphore, #tpu.memory_space<semaphore_mem>>
      %dma_start3A_514 = arith.constant 0 : i32
      %dma_start3A_515 = arith.constant 0 : i32
      %dma_start3A_516 = tpu.memref_slice %arg5[%arg0, %dma_start3A_514, %dma_start3A_515] : memref<2x10240x80xf32, #tpu.memory_space<hbm>> -> memref<1x10240x80xf32, #tpu.memory_space<hbm>>
      %dma_start3A_517 = tpu.memref_squeeze %dma_start3A_516 : memref<1x10240x80xf32, #tpu.memory_space<hbm>> -> memref<10240x80xf32, #tpu.memory_space<hbm>>
      %dma_start3A_518 = arith.constant 0 : i32
      %dma_start3A_519 = tpu.memref_slice %dma_start3A_517[%mul3A_513, %dma_start3A_518] : memref<10240x80xf32, #tpu.memory_space<hbm>> -> memref<640x80xf32, #tpu.memory_space<hbm>>
      %dma_start3A_520 = arith.constant 0 : i32
      %dma_start3A_521 = tpu.memref_slice %arg9[%mul3A_511, %dma_start3A_520] : memref<10240x80xf32, #tpu.memory_space<vmem_shared>> -> memref<640x80xf32, #tpu.memory_space<vmem_shared>>
      tpu.enqueue_dma source(%dma_start3A_521 : memref<640x80xf32, #tpu.memory_space<vmem_shared>>) target(%dma_start3A_519 : memref<640x80xf32, #tpu.memory_space<hbm>>) target_semaphore(%run_scoped3A : memref<!tpu.dma_semaphore, #tpu.memory_space<semaphore_mem>>)
      %dma_wait3A_522 = arith.constant 0 : i32
      %dma_wait3A_523 = arith.constant 0 : i32
      %dma_wait3A_524 = tpu.memref_slice %arg5[%arg0, %dma_wait3A_522, %dma_wait3A_523] : memref<2x10240x80xf32, #tpu.memory_space<hbm>> -> memref<1x10240x80xf32, #tpu.memory_space<hbm>>
      %dma_wait3A_525 = tpu.memref_squeeze %dma_wait3A_524 : memref<1x10240x80xf32, #tpu.memory_space<hbm>> -> memref<10240x80xf32, #tpu.memory_space<hbm>>
      %dma_wait3A_526 = arith.constant 0 : i32
      %dma_wait3A_527 = tpu.memref_slice %dma_wait3A_525[%mul3A_513, %dma_wait3A_526] : memref<10240x80xf32, #tpu.memory_space<hbm>> -> memref<640x80xf32, #tpu.memory_space<hbm>>
      %dma_wait3A_528 = arith.constant 0 : i32
      %dma_wait3A_529 = tpu.memref_slice %arg9[%mul3A_511, %dma_wait3A_528] : memref<10240x80xf32, #tpu.memory_space<vmem_shared>> -> memref<640x80xf32, #tpu.memory_space<vmem_shared>>
      tpu.wait_dma2 semaphore(%run_scoped3A : memref<!tpu.dma_semaphore, #tpu.memory_space<semaphore_mem>>) src(%dma_wait3A_529 : memref<640x80xf32, #tpu.memory_space<vmem_shared>>) dst(%dma_wait3A_527 : memref<640x80xf32, #tpu.memory_space<hbm>>)
      tpu.yield
    }) : () -> ()
    return
  }
}

#map = affine_map<(d0, d1) -> (0, 0, 0)>
module attributes {stable_mosaic.version = 14 : i64} {
  func.func @_agg_body(%arg0: i32, %arg1: i32, %arg2: memref<2x10240x80xf32, #tpu.memory_space<hbm>>, %arg3: memref<16x80x128xi32, #tpu.memory_space<hbm>>, %arg4: memref<16x80x128xi32, #tpu.memory_space<hbm>>, %arg5: memref<2x10240x80xf32, #tpu.memory_space<hbm>>, %arg6: memref<80x128xi32, #tpu.memory_space<vmem>>, %arg7: memref<80x128xi32, #tpu.memory_space<vmem>>, %arg8: memref<4x128x80xf32, #tpu.memory_space<vmem>>, %arg9: memref<10240x80xf32, #tpu.memory_space<vmem_shared>>, %arg10: memref<!tpu.dma_semaphore, #tpu.memory_space<semaphore_mem>>, %arg11: memref<!tpu.dma_semaphore, #tpu.memory_space<semaphore_mem>>, %arg12: memref<!tpu.dma_semaphore, #tpu.memory_space<semaphore_mem>>, %arg13: memref<!tpu.dma_semaphore, #tpu.memory_space<semaphore_mem>>, %arg14: memref<!tpu.dma_semaphore, #tpu.memory_space<semaphore_mem>>, %arg15: memref<!tpu.dma_semaphore, #tpu.memory_space<semaphore_mem>>, %arg16: memref<!tpu.dma_semaphore, #tpu.memory_space<semaphore_mem>>, %arg17: memref<!tpu.dma_semaphore, #tpu.memory_space<semaphore_mem>>) attributes {dimension_semantics = [#tpu.dimension_semantics<core_parallel>, #tpu.dimension_semantics<subcore_parallel>], iteration_bounds = array<i64: 2, 16>, scalar_prefetch = 0 : i64, scratch_operands = 12 : i64, tpu.core_type = #tpu.core_type<sc_vector_subcore>, window_params = [{transform_indices = #map}, {transform_indices = #map}, {transform_indices = #map}, {transform_indices = #map}]} {
    "tpu.region"() ({
      %run_scoped3A = tpu.sem_alloc : memref<!tpu.dma_semaphore, #tpu.memory_space<semaphore_mem>>
      %dma_start3A_514 = arith.constant 0 : i32
      %dma_start3A_515 = arith.constant 0 : i32
      %dma_start3A_516 = tpu.memref_slice %arg3[%arg1, %dma_start3A_514, %dma_start3A_515] : memref<16x80x128xi32, #tpu.memory_space<hbm>> -> memref<1x80x128xi32, #tpu.memory_space<hbm>>
      %dma_start3A_517 = tpu.memref_squeeze %dma_start3A_516 : memref<1x80x128xi32, #tpu.memory_space<hbm>> -> memref<80x128xi32, #tpu.memory_space<hbm>>
      %dma_start3A_518 = arith.constant 0 : i32
      %dma_start3A_519 = arith.constant 0 : i32
      %dma_start3A_520 = tpu.memref_slice %arg3[%arg1, %dma_start3A_518, %dma_start3A_519] : memref<16x80x128xi32, #tpu.memory_space<hbm>> -> memref<1x80x128xi32, #tpu.memory_space<hbm>>
      %dma_start3A_521 = tpu.memref_squeeze %dma_start3A_520 : memref<1x80x128xi32, #tpu.memory_space<hbm>> -> memref<80x128xi32, #tpu.memory_space<hbm>>
      tpu.enqueue_dma source(%dma_start3A_521 : memref<80x128xi32, #tpu.memory_space<hbm>>) target(%arg6 : memref<80x128xi32, #tpu.memory_space<vmem>>) target_semaphore(%run_scoped3A : memref<!tpu.dma_semaphore, #tpu.memory_space<semaphore_mem>>)
      %dma_wait3A_522 = arith.constant 0 : i32
      %dma_wait3A_523 = arith.constant 0 : i32
      %dma_wait3A_524 = tpu.memref_slice %arg3[%arg1, %dma_wait3A_522, %dma_wait3A_523] : memref<16x80x128xi32, #tpu.memory_space<hbm>> -> memref<1x80x128xi32, #tpu.memory_space<hbm>>
      %dma_wait3A_525 = tpu.memref_squeeze %dma_wait3A_524 : memref<1x80x128xi32, #tpu.memory_space<hbm>> -> memref<80x128xi32, #tpu.memory_space<hbm>>
      %dma_wait3A_526 = arith.constant 0 : i32
      %dma_wait3A_527 = arith.constant 0 : i32
      %dma_wait3A_528 = tpu.memref_slice %arg3[%arg1, %dma_wait3A_526, %dma_wait3A_527] : memref<16x80x128xi32, #tpu.memory_space<hbm>> -> memref<1x80x128xi32, #tpu.memory_space<hbm>>
      %dma_wait3A_529 = tpu.memref_squeeze %dma_wait3A_528 : memref<1x80x128xi32, #tpu.memory_space<hbm>> -> memref<80x128xi32, #tpu.memory_space<hbm>>
      tpu.wait_dma2 semaphore(%run_scoped3A : memref<!tpu.dma_semaphore, #tpu.memory_space<semaphore_mem>>) src(%dma_wait3A_529 : memref<80x128xi32, #tpu.memory_space<hbm>>) dst(%arg6 : memref<80x128xi32, #tpu.memory_space<vmem>>)
      tpu.yield
    }) : () -> ()
    "tpu.region"() ({
      %run_scoped3A = tpu.sem_alloc : memref<!tpu.dma_semaphore, #tpu.memory_space<semaphore_mem>>
      %dma_start3A_514 = arith.constant 0 : i32
      %dma_start3A_515 = arith.constant 0 : i32
      %dma_start3A_516 = tpu.memref_slice %arg4[%arg1, %dma_start3A_514, %dma_start3A_515] : memref<16x80x128xi32, #tpu.memory_space<hbm>> -> memref<1x80x128xi32, #tpu.memory_space<hbm>>
      %dma_start3A_517 = tpu.memref_squeeze %dma_start3A_516 : memref<1x80x128xi32, #tpu.memory_space<hbm>> -> memref<80x128xi32, #tpu.memory_space<hbm>>
      %dma_start3A_518 = arith.constant 0 : i32
      %dma_start3A_519 = arith.constant 0 : i32
      %dma_start3A_520 = tpu.memref_slice %arg4[%arg1, %dma_start3A_518, %dma_start3A_519] : memref<16x80x128xi32, #tpu.memory_space<hbm>> -> memref<1x80x128xi32, #tpu.memory_space<hbm>>
      %dma_start3A_521 = tpu.memref_squeeze %dma_start3A_520 : memref<1x80x128xi32, #tpu.memory_space<hbm>> -> memref<80x128xi32, #tpu.memory_space<hbm>>
      tpu.enqueue_dma source(%dma_start3A_521 : memref<80x128xi32, #tpu.memory_space<hbm>>) target(%arg7 : memref<80x128xi32, #tpu.memory_space<vmem>>) target_semaphore(%run_scoped3A : memref<!tpu.dma_semaphore, #tpu.memory_space<semaphore_mem>>)
      %dma_wait3A_522 = arith.constant 0 : i32
      %dma_wait3A_523 = arith.constant 0 : i32
      %dma_wait3A_524 = tpu.memref_slice %arg4[%arg1, %dma_wait3A_522, %dma_wait3A_523] : memref<16x80x128xi32, #tpu.memory_space<hbm>> -> memref<1x80x128xi32, #tpu.memory_space<hbm>>
      %dma_wait3A_525 = tpu.memref_squeeze %dma_wait3A_524 : memref<1x80x128xi32, #tpu.memory_space<hbm>> -> memref<80x128xi32, #tpu.memory_space<hbm>>
      %dma_wait3A_526 = arith.constant 0 : i32
      %dma_wait3A_527 = arith.constant 0 : i32
      %dma_wait3A_528 = tpu.memref_slice %arg4[%arg1, %dma_wait3A_526, %dma_wait3A_527] : memref<16x80x128xi32, #tpu.memory_space<hbm>> -> memref<1x80x128xi32, #tpu.memory_space<hbm>>
      %dma_wait3A_529 = tpu.memref_squeeze %dma_wait3A_528 : memref<1x80x128xi32, #tpu.memory_space<hbm>> -> memref<80x128xi32, #tpu.memory_space<hbm>>
      tpu.wait_dma2 semaphore(%run_scoped3A : memref<!tpu.dma_semaphore, #tpu.memory_space<semaphore_mem>>) src(%dma_wait3A_529 : memref<80x128xi32, #tpu.memory_space<hbm>>) dst(%arg7 : memref<80x128xi32, #tpu.memory_space<vmem>>)
      tpu.yield
    }) : () -> ()
    %mul3A = arith.constant 640 : i32
    %mul3A_0 = arith.muli %arg1, %mul3A : i32
    %add3A = arith.constant 0 : i32
    %add3A_1 = arith.addi %mul3A_0, %add3A : i32
    %dma_start3A = arith.constant 0 : i32
    %dma_start3A_2 = arith.constant 0 : i32
    %dma_start3A_3 = arith.constant 0 : i32
    %dma_start3A_4 = tpu.memref_slice %arg8[%dma_start3A, %dma_start3A_2, %dma_start3A_3] : memref<4x128x80xf32, #tpu.memory_space<vmem>> -> memref<1x128x80xf32, #tpu.memory_space<vmem>>
    %dma_start3A_5 = tpu.memref_squeeze %dma_start3A_4 : memref<1x128x80xf32, #tpu.memory_space<vmem>> -> memref<128x80xf32, #tpu.memory_space<vmem>>
    %dma_start3A_6 = arith.constant 0 : i32
    %dma_start3A_7 = arith.constant 0 : i32
    %dma_start3A_8 = tpu.memref_slice %arg2[%arg0, %dma_start3A_6, %dma_start3A_7] : memref<2x10240x80xf32, #tpu.memory_space<hbm>> -> memref<1x10240x80xf32, #tpu.memory_space<hbm>>
    %dma_start3A_9 = tpu.memref_squeeze %dma_start3A_8 : memref<1x10240x80xf32, #tpu.memory_space<hbm>> -> memref<10240x80xf32, #tpu.memory_space<hbm>>
    %dma_start3A_10 = arith.constant 0 : i32
    %dma_start3A_11 = tpu.memref_slice %dma_start3A_9[%add3A_1, %dma_start3A_10] : memref<10240x80xf32, #tpu.memory_space<hbm>> -> memref<128x80xf32, #tpu.memory_space<hbm>>
    %dma_start3A_12 = arith.constant 0 : i32
    %dma_start3A_13 = arith.constant 0 : i32
    %dma_start3A_14 = tpu.memref_slice %arg8[%dma_start3A, %dma_start3A_12, %dma_start3A_13] : memref<4x128x80xf32, #tpu.memory_space<vmem>> -> memref<1x128x80xf32, #tpu.memory_space<vmem>>
    %dma_start3A_15 = tpu.memref_squeeze %dma_start3A_14 : memref<1x128x80xf32, #tpu.memory_space<vmem>> -> memref<128x80xf32, #tpu.memory_space<vmem>>
    %dma_start3A_16 = arith.constant 0 : i32
    %dma_start3A_17 = arith.constant 0 : i32
    %dma_start3A_18 = tpu.memref_slice %arg2[%arg0, %dma_start3A_16, %dma_start3A_17] : memref<2x10240x80xf32, #tpu.memory_space<hbm>> -> memref<1x10240x80xf32, #tpu.memory_space<hbm>>
    %dma_start3A_19 = tpu.memref_squeeze %dma_start3A_18 : memref<1x10240x80xf32, #tpu.memory_space<hbm>> -> memref<10240x80xf32, #tpu.memory_space<hbm>>
    %dma_start3A_20 = arith.constant 0 : i32
    %dma_start3A_21 = tpu.memref_slice %dma_start3A_19[%add3A_1, %dma_start3A_20] : memref<10240x80xf32, #tpu.memory_space<hbm>> -> memref<128x80xf32, #tpu.memory_space<hbm>>
    tpu.enqueue_dma source(%dma_start3A_21 : memref<128x80xf32, #tpu.memory_space<hbm>>) target(%dma_start3A_15 : memref<128x80xf32, #tpu.memory_space<vmem>>) target_semaphore(%arg10 : memref<!tpu.dma_semaphore, #tpu.memory_space<semaphore_mem>>)
    %mul3A_22 = arith.constant 640 : i32
    %mul3A_23 = arith.muli %arg1, %mul3A_22 : i32
    %add3A_24 = arith.constant 128 : i32
    %add3A_25 = arith.addi %mul3A_23, %add3A_24 : i32
    %dma_start3A_26 = arith.constant 1 : i32
    %dma_start3A_27 = arith.constant 0 : i32
    %dma_start3A_28 = arith.constant 0 : i32
    %dma_start3A_29 = tpu.memref_slice %arg8[%dma_start3A_26, %dma_start3A_27, %dma_start3A_28] : memref<4x128x80xf32, #tpu.memory_space<vmem>> -> memref<1x128x80xf32, #tpu.memory_space<vmem>>
    %dma_start3A_30 = tpu.memref_squeeze %dma_start3A_29 : memref<1x128x80xf32, #tpu.memory_space<vmem>> -> memref<128x80xf32, #tpu.memory_space<vmem>>
    %dma_start3A_31 = arith.constant 0 : i32
    %dma_start3A_32 = arith.constant 0 : i32
    %dma_start3A_33 = tpu.memref_slice %arg2[%arg0, %dma_start3A_31, %dma_start3A_32] : memref<2x10240x80xf32, #tpu.memory_space<hbm>> -> memref<1x10240x80xf32, #tpu.memory_space<hbm>>
    %dma_start3A_34 = tpu.memref_squeeze %dma_start3A_33 : memref<1x10240x80xf32, #tpu.memory_space<hbm>> -> memref<10240x80xf32, #tpu.memory_space<hbm>>
    %dma_start3A_35 = arith.constant 0 : i32
    %dma_start3A_36 = tpu.memref_slice %dma_start3A_34[%add3A_25, %dma_start3A_35] : memref<10240x80xf32, #tpu.memory_space<hbm>> -> memref<128x80xf32, #tpu.memory_space<hbm>>
    %dma_start3A_37 = arith.constant 0 : i32
    %dma_start3A_38 = arith.constant 0 : i32
    %dma_start3A_39 = tpu.memref_slice %arg8[%dma_start3A_26, %dma_start3A_37, %dma_start3A_38] : memref<4x128x80xf32, #tpu.memory_space<vmem>> -> memref<1x128x80xf32, #tpu.memory_space<vmem>>
    %dma_start3A_40 = tpu.memref_squeeze %dma_start3A_39 : memref<1x128x80xf32, #tpu.memory_space<vmem>> -> memref<128x80xf32, #tpu.memory_space<vmem>>
    %dma_start3A_41 = arith.constant 0 : i32
    %dma_start3A_42 = arith.constant 0 : i32
    %dma_start3A_43 = tpu.memref_slice %arg2[%arg0, %dma_start3A_41, %dma_start3A_42] : memref<2x10240x80xf32, #tpu.memory_space<hbm>> -> memref<1x10240x80xf32, #tpu.memory_space<hbm>>
    %dma_start3A_44 = tpu.memref_squeeze %dma_start3A_43 : memref<1x10240x80xf32, #tpu.memory_space<hbm>> -> memref<10240x80xf32, #tpu.memory_space<hbm>>
    %dma_start3A_45 = arith.constant 0 : i32
    %dma_start3A_46 = tpu.memref_slice %dma_start3A_44[%add3A_25, %dma_start3A_45] : memref<10240x80xf32, #tpu.memory_space<hbm>> -> memref<128x80xf32, #tpu.memory_space<hbm>>
    tpu.enqueue_dma source(%dma_start3A_46 : memref<128x80xf32, #tpu.memory_space<hbm>>) target(%dma_start3A_40 : memref<128x80xf32, #tpu.memory_space<vmem>>) target_semaphore(%arg11 : memref<!tpu.dma_semaphore, #tpu.memory_space<semaphore_mem>>)
    %mul3A_47 = arith.constant 640 : i32
    %mul3A_48 = arith.muli %arg1, %mul3A_47 : i32
    %add3A_49 = arith.constant 256 : i32
    %add3A_50 = arith.addi %mul3A_48, %add3A_49 : i32
    %dma_start3A_51 = arith.constant 2 : i32
    %dma_start3A_52 = arith.constant 0 : i32
    %dma_start3A_53 = arith.constant 0 : i32
    %dma_start3A_54 = tpu.memref_slice %arg8[%dma_start3A_51, %dma_start3A_52, %dma_start3A_53] : memref<4x128x80xf32, #tpu.memory_space<vmem>> -> memref<1x128x80xf32, #tpu.memory_space<vmem>>
    %dma_start3A_55 = tpu.memref_squeeze %dma_start3A_54 : memref<1x128x80xf32, #tpu.memory_space<vmem>> -> memref<128x80xf32, #tpu.memory_space<vmem>>
    %dma_start3A_56 = arith.constant 0 : i32
    %dma_start3A_57 = arith.constant 0 : i32
    %dma_start3A_58 = tpu.memref_slice %arg2[%arg0, %dma_start3A_56, %dma_start3A_57] : memref<2x10240x80xf32, #tpu.memory_space<hbm>> -> memref<1x10240x80xf32, #tpu.memory_space<hbm>>
    %dma_start3A_59 = tpu.memref_squeeze %dma_start3A_58 : memref<1x10240x80xf32, #tpu.memory_space<hbm>> -> memref<10240x80xf32, #tpu.memory_space<hbm>>
    %dma_start3A_60 = arith.constant 0 : i32
    %dma_start3A_61 = tpu.memref_slice %dma_start3A_59[%add3A_50, %dma_start3A_60] : memref<10240x80xf32, #tpu.memory_space<hbm>> -> memref<128x80xf32, #tpu.memory_space<hbm>>
    %dma_start3A_62 = arith.constant 0 : i32
    %dma_start3A_63 = arith.constant 0 : i32
    %dma_start3A_64 = tpu.memref_slice %arg8[%dma_start3A_51, %dma_start3A_62, %dma_start3A_63] : memref<4x128x80xf32, #tpu.memory_space<vmem>> -> memref<1x128x80xf32, #tpu.memory_space<vmem>>
    %dma_start3A_65 = tpu.memref_squeeze %dma_start3A_64 : memref<1x128x80xf32, #tpu.memory_space<vmem>> -> memref<128x80xf32, #tpu.memory_space<vmem>>
    %dma_start3A_66 = arith.constant 0 : i32
    %dma_start3A_67 = arith.constant 0 : i32
    %dma_start3A_68 = tpu.memref_slice %arg2[%arg0, %dma_start3A_66, %dma_start3A_67] : memref<2x10240x80xf32, #tpu.memory_space<hbm>> -> memref<1x10240x80xf32, #tpu.memory_space<hbm>>
    %dma_start3A_69 = tpu.memref_squeeze %dma_start3A_68 : memref<1x10240x80xf32, #tpu.memory_space<hbm>> -> memref<10240x80xf32, #tpu.memory_space<hbm>>
    %dma_start3A_70 = arith.constant 0 : i32
    %dma_start3A_71 = tpu.memref_slice %dma_start3A_69[%add3A_50, %dma_start3A_70] : memref<10240x80xf32, #tpu.memory_space<hbm>> -> memref<128x80xf32, #tpu.memory_space<hbm>>
    tpu.enqueue_dma source(%dma_start3A_71 : memref<128x80xf32, #tpu.memory_space<hbm>>) target(%dma_start3A_65 : memref<128x80xf32, #tpu.memory_space<vmem>>) target_semaphore(%arg12 : memref<!tpu.dma_semaphore, #tpu.memory_space<semaphore_mem>>)
    %mul3A_72 = arith.constant 640 : i32
    %mul3A_73 = arith.muli %arg1, %mul3A_72 : i32
    %add3A_74 = arith.constant 384 : i32
    %add3A_75 = arith.addi %mul3A_73, %add3A_74 : i32
    %dma_start3A_76 = arith.constant 3 : i32
    %dma_start3A_77 = arith.constant 0 : i32
    %dma_start3A_78 = arith.constant 0 : i32
    %dma_start3A_79 = tpu.memref_slice %arg8[%dma_start3A_76, %dma_start3A_77, %dma_start3A_78] : memref<4x128x80xf32, #tpu.memory_space<vmem>> -> memref<1x128x80xf32, #tpu.memory_space<vmem>>
    %dma_start3A_80 = tpu.memref_squeeze %dma_start3A_79 : memref<1x128x80xf32, #tpu.memory_space<vmem>> -> memref<128x80xf32, #tpu.memory_space<vmem>>
    %dma_start3A_81 = arith.constant 0 : i32
    %dma_start3A_82 = arith.constant 0 : i32
    %dma_start3A_83 = tpu.memref_slice %arg2[%arg0, %dma_start3A_81, %dma_start3A_82] : memref<2x10240x80xf32, #tpu.memory_space<hbm>> -> memref<1x10240x80xf32, #tpu.memory_space<hbm>>
    %dma_start3A_84 = tpu.memref_squeeze %dma_start3A_83 : memref<1x10240x80xf32, #tpu.memory_space<hbm>> -> memref<10240x80xf32, #tpu.memory_space<hbm>>
    %dma_start3A_85 = arith.constant 0 : i32
    %dma_start3A_86 = tpu.memref_slice %dma_start3A_84[%add3A_75, %dma_start3A_85] : memref<10240x80xf32, #tpu.memory_space<hbm>> -> memref<128x80xf32, #tpu.memory_space<hbm>>
    %dma_start3A_87 = arith.constant 0 : i32
    %dma_start3A_88 = arith.constant 0 : i32
    %dma_start3A_89 = tpu.memref_slice %arg8[%dma_start3A_76, %dma_start3A_87, %dma_start3A_88] : memref<4x128x80xf32, #tpu.memory_space<vmem>> -> memref<1x128x80xf32, #tpu.memory_space<vmem>>
    %dma_start3A_90 = tpu.memref_squeeze %dma_start3A_89 : memref<1x128x80xf32, #tpu.memory_space<vmem>> -> memref<128x80xf32, #tpu.memory_space<vmem>>
    %dma_start3A_91 = arith.constant 0 : i32
    %dma_start3A_92 = arith.constant 0 : i32
    %dma_start3A_93 = tpu.memref_slice %arg2[%arg0, %dma_start3A_91, %dma_start3A_92] : memref<2x10240x80xf32, #tpu.memory_space<hbm>> -> memref<1x10240x80xf32, #tpu.memory_space<hbm>>
    %dma_start3A_94 = tpu.memref_squeeze %dma_start3A_93 : memref<1x10240x80xf32, #tpu.memory_space<hbm>> -> memref<10240x80xf32, #tpu.memory_space<hbm>>
    %dma_start3A_95 = arith.constant 0 : i32
    %dma_start3A_96 = tpu.memref_slice %dma_start3A_94[%add3A_75, %dma_start3A_95] : memref<10240x80xf32, #tpu.memory_space<hbm>> -> memref<128x80xf32, #tpu.memory_space<hbm>>
    tpu.enqueue_dma source(%dma_start3A_96 : memref<128x80xf32, #tpu.memory_space<hbm>>) target(%dma_start3A_90 : memref<128x80xf32, #tpu.memory_space<vmem>>) target_semaphore(%arg13 : memref<!tpu.dma_semaphore, #tpu.memory_space<semaphore_mem>>)
    %mul3A_97 = arith.constant 640 : i32
    %mul3A_98 = arith.muli %arg1, %mul3A_97 : i32
    %add3A_99 = arith.constant 0 : i32
    %add3A_100 = arith.addi %mul3A_98, %add3A_99 : i32
    %dma_wait3A = arith.constant 0 : i32
    %dma_wait3A_101 = arith.constant 0 : i32
    %dma_wait3A_102 = arith.constant 0 : i32
    %dma_wait3A_103 = tpu.memref_slice %arg8[%dma_wait3A, %dma_wait3A_101, %dma_wait3A_102] : memref<4x128x80xf32, #tpu.memory_space<vmem>> -> memref<1x128x80xf32, #tpu.memory_space<vmem>>
    %dma_wait3A_104 = tpu.memref_squeeze %dma_wait3A_103 : memref<1x128x80xf32, #tpu.memory_space<vmem>> -> memref<128x80xf32, #tpu.memory_space<vmem>>
    %dma_wait3A_105 = arith.constant 0 : i32
    %dma_wait3A_106 = arith.constant 0 : i32
    %dma_wait3A_107 = tpu.memref_slice %arg2[%arg0, %dma_wait3A_105, %dma_wait3A_106] : memref<2x10240x80xf32, #tpu.memory_space<hbm>> -> memref<1x10240x80xf32, #tpu.memory_space<hbm>>
    %dma_wait3A_108 = tpu.memref_squeeze %dma_wait3A_107 : memref<1x10240x80xf32, #tpu.memory_space<hbm>> -> memref<10240x80xf32, #tpu.memory_space<hbm>>
    %dma_wait3A_109 = arith.constant 0 : i32
    %dma_wait3A_110 = tpu.memref_slice %dma_wait3A_108[%add3A_100, %dma_wait3A_109] : memref<10240x80xf32, #tpu.memory_space<hbm>> -> memref<128x80xf32, #tpu.memory_space<hbm>>
    %dma_wait3A_111 = arith.constant 0 : i32
    %dma_wait3A_112 = arith.constant 0 : i32
    %dma_wait3A_113 = tpu.memref_slice %arg8[%dma_wait3A, %dma_wait3A_111, %dma_wait3A_112] : memref<4x128x80xf32, #tpu.memory_space<vmem>> -> memref<1x128x80xf32, #tpu.memory_space<vmem>>
    %dma_wait3A_114 = tpu.memref_squeeze %dma_wait3A_113 : memref<1x128x80xf32, #tpu.memory_space<vmem>> -> memref<128x80xf32, #tpu.memory_space<vmem>>
    %dma_wait3A_115 = arith.constant 0 : i32
    %dma_wait3A_116 = arith.constant 0 : i32
    %dma_wait3A_117 = tpu.memref_slice %arg2[%arg0, %dma_wait3A_115, %dma_wait3A_116] : memref<2x10240x80xf32, #tpu.memory_space<hbm>> -> memref<1x10240x80xf32, #tpu.memory_space<hbm>>
    %dma_wait3A_118 = tpu.memref_squeeze %dma_wait3A_117 : memref<1x10240x80xf32, #tpu.memory_space<hbm>> -> memref<10240x80xf32, #tpu.memory_space<hbm>>
    %dma_wait3A_119 = arith.constant 0 : i32
    %dma_wait3A_120 = tpu.memref_slice %dma_wait3A_118[%add3A_100, %dma_wait3A_119] : memref<10240x80xf32, #tpu.memory_space<hbm>> -> memref<128x80xf32, #tpu.memory_space<hbm>>
    tpu.wait_dma2 semaphore(%arg10 : memref<!tpu.dma_semaphore, #tpu.memory_space<semaphore_mem>>) src(%dma_wait3A_120 : memref<128x80xf32, #tpu.memory_space<hbm>>) dst(%dma_wait3A_114 : memref<128x80xf32, #tpu.memory_space<vmem>>)
    %dma_start3A_121 = arith.constant 0 : i32
    %dma_start3A_122 = arith.constant 0 : i32
    %dma_start3A_123 = arith.constant 0 : i32
    %dma_start3A_124 = tpu.memref_slice %arg8[%dma_start3A_121, %dma_start3A_122, %dma_start3A_123] : memref<4x128x80xf32, #tpu.memory_space<vmem>> -> memref<1x128x80xf32, #tpu.memory_space<vmem>>
    %dma_start3A_125 = tpu.memref_squeeze %dma_start3A_124 : memref<1x128x80xf32, #tpu.memory_space<vmem>> -> memref<128x80xf32, #tpu.memory_space<vmem>>
    %dma_start3A_126 = arith.constant 0 : i32
    %dma_start3A_127 = tpu.memref_slice %arg9[%add3A_100, %dma_start3A_126] : memref<10240x80xf32, #tpu.memory_space<vmem_shared>> -> memref<128x80xf32, #tpu.memory_space<vmem_shared>>
    %dma_start3A_128 = arith.constant 0 : i32
    %dma_start3A_129 = tpu.memref_slice %arg9[%add3A_100, %dma_start3A_128] : memref<10240x80xf32, #tpu.memory_space<vmem_shared>> -> memref<128x80xf32, #tpu.memory_space<vmem_shared>>
    %dma_start3A_130 = arith.constant 0 : i32
    %dma_start3A_131 = arith.constant 0 : i32
    %dma_start3A_132 = tpu.memref_slice %arg8[%dma_start3A_121, %dma_start3A_130, %dma_start3A_131] : memref<4x128x80xf32, #tpu.memory_space<vmem>> -> memref<1x128x80xf32, #tpu.memory_space<vmem>>
    %dma_start3A_133 = tpu.memref_squeeze %dma_start3A_132 : memref<1x128x80xf32, #tpu.memory_space<vmem>> -> memref<128x80xf32, #tpu.memory_space<vmem>>
    tpu.enqueue_dma source(%dma_start3A_133 : memref<128x80xf32, #tpu.memory_space<vmem>>) target(%dma_start3A_129 : memref<128x80xf32, #tpu.memory_space<vmem_shared>>) target_semaphore(%arg14 : memref<!tpu.dma_semaphore, #tpu.memory_space<semaphore_mem>>)
    %mul3A_134 = arith.constant 640 : i32
    %mul3A_135 = arith.muli %arg1, %mul3A_134 : i32
    %add3A_136 = arith.constant 512 : i32
    %add3A_137 = arith.addi %mul3A_135, %add3A_136 : i32
    %dma_wait3A_138 = arith.constant 0 : i32
    %dma_wait3A_139 = arith.constant 0 : i32
    %dma_wait3A_140 = arith.constant 0 : i32
    %dma_wait3A_141 = tpu.memref_slice %arg8[%dma_wait3A_138, %dma_wait3A_139, %dma_wait3A_140] : memref<4x128x80xf32, #tpu.memory_space<vmem>> -> memref<1x128x80xf32, #tpu.memory_space<vmem>>
    %dma_wait3A_142 = tpu.memref_squeeze %dma_wait3A_141 : memref<1x128x80xf32, #tpu.memory_space<vmem>> -> memref<128x80xf32, #tpu.memory_space<vmem>>
    %dma_wait3A_143 = arith.constant 0 : i32
    %dma_wait3A_144 = tpu.memref_slice %arg9[%add3A_100, %dma_wait3A_143] : memref<10240x80xf32, #tpu.memory_space<vmem_shared>> -> memref<128x80xf32, #tpu.memory_space<vmem_shared>>
    %dma_wait3A_145 = arith.constant 0 : i32
    %dma_wait3A_146 = tpu.memref_slice %arg9[%add3A_100, %dma_wait3A_145] : memref<10240x80xf32, #tpu.memory_space<vmem_shared>> -> memref<128x80xf32, #tpu.memory_space<vmem_shared>>
    %dma_wait3A_147 = arith.constant 0 : i32
    %dma_wait3A_148 = arith.constant 0 : i32
    %dma_wait3A_149 = tpu.memref_slice %arg8[%dma_wait3A_138, %dma_wait3A_147, %dma_wait3A_148] : memref<4x128x80xf32, #tpu.memory_space<vmem>> -> memref<1x128x80xf32, #tpu.memory_space<vmem>>
    %dma_wait3A_150 = tpu.memref_squeeze %dma_wait3A_149 : memref<1x128x80xf32, #tpu.memory_space<vmem>> -> memref<128x80xf32, #tpu.memory_space<vmem>>
    tpu.wait_dma2 semaphore(%arg14 : memref<!tpu.dma_semaphore, #tpu.memory_space<semaphore_mem>>) src(%dma_wait3A_150 : memref<128x80xf32, #tpu.memory_space<vmem>>) dst(%dma_wait3A_146 : memref<128x80xf32, #tpu.memory_space<vmem_shared>>)
    %dma_start3A_151 = arith.constant 0 : i32
    %dma_start3A_152 = arith.constant 0 : i32
    %dma_start3A_153 = arith.constant 0 : i32
    %dma_start3A_154 = tpu.memref_slice %arg8[%dma_start3A_151, %dma_start3A_152, %dma_start3A_153] : memref<4x128x80xf32, #tpu.memory_space<vmem>> -> memref<1x128x80xf32, #tpu.memory_space<vmem>>
    %dma_start3A_155 = tpu.memref_squeeze %dma_start3A_154 : memref<1x128x80xf32, #tpu.memory_space<vmem>> -> memref<128x80xf32, #tpu.memory_space<vmem>>
    %dma_start3A_156 = arith.constant 0 : i32
    %dma_start3A_157 = arith.constant 0 : i32
    %dma_start3A_158 = tpu.memref_slice %arg2[%arg0, %dma_start3A_156, %dma_start3A_157] : memref<2x10240x80xf32, #tpu.memory_space<hbm>> -> memref<1x10240x80xf32, #tpu.memory_space<hbm>>
    %dma_start3A_159 = tpu.memref_squeeze %dma_start3A_158 : memref<1x10240x80xf32, #tpu.memory_space<hbm>> -> memref<10240x80xf32, #tpu.memory_space<hbm>>
    %dma_start3A_160 = arith.constant 0 : i32
    %dma_start3A_161 = tpu.memref_slice %dma_start3A_159[%add3A_137, %dma_start3A_160] : memref<10240x80xf32, #tpu.memory_space<hbm>> -> memref<128x80xf32, #tpu.memory_space<hbm>>
    %dma_start3A_162 = arith.constant 0 : i32
    %dma_start3A_163 = arith.constant 0 : i32
    %dma_start3A_164 = tpu.memref_slice %arg8[%dma_start3A_151, %dma_start3A_162, %dma_start3A_163] : memref<4x128x80xf32, #tpu.memory_space<vmem>> -> memref<1x128x80xf32, #tpu.memory_space<vmem>>
    %dma_start3A_165 = tpu.memref_squeeze %dma_start3A_164 : memref<1x128x80xf32, #tpu.memory_space<vmem>> -> memref<128x80xf32, #tpu.memory_space<vmem>>
    %dma_start3A_166 = arith.constant 0 : i32
    %dma_start3A_167 = arith.constant 0 : i32
    %dma_start3A_168 = tpu.memref_slice %arg2[%arg0, %dma_start3A_166, %dma_start3A_167] : memref<2x10240x80xf32, #tpu.memory_space<hbm>> -> memref<1x10240x80xf32, #tpu.memory_space<hbm>>
    %dma_start3A_169 = tpu.memref_squeeze %dma_start3A_168 : memref<1x10240x80xf32, #tpu.memory_space<hbm>> -> memref<10240x80xf32, #tpu.memory_space<hbm>>
    %dma_start3A_170 = arith.constant 0 : i32
    %dma_start3A_171 = tpu.memref_slice %dma_start3A_169[%add3A_137, %dma_start3A_170] : memref<10240x80xf32, #tpu.memory_space<hbm>> -> memref<128x80xf32, #tpu.memory_space<hbm>>
    tpu.enqueue_dma source(%dma_start3A_171 : memref<128x80xf32, #tpu.memory_space<hbm>>) target(%dma_start3A_165 : memref<128x80xf32, #tpu.memory_space<vmem>>) target_semaphore(%arg10 : memref<!tpu.dma_semaphore, #tpu.memory_space<semaphore_mem>>)
    %mul3A_172 = arith.constant 640 : i32
    %mul3A_173 = arith.muli %arg1, %mul3A_172 : i32
    %add3A_174 = arith.constant 128 : i32
    %add3A_175 = arith.addi %mul3A_173, %add3A_174 : i32
    %dma_wait3A_176 = arith.constant 1 : i32
    %dma_wait3A_177 = arith.constant 0 : i32
    %dma_wait3A_178 = arith.constant 0 : i32
    %dma_wait3A_179 = tpu.memref_slice %arg8[%dma_wait3A_176, %dma_wait3A_177, %dma_wait3A_178] : memref<4x128x80xf32, #tpu.memory_space<vmem>> -> memref<1x128x80xf32, #tpu.memory_space<vmem>>
    %dma_wait3A_180 = tpu.memref_squeeze %dma_wait3A_179 : memref<1x128x80xf32, #tpu.memory_space<vmem>> -> memref<128x80xf32, #tpu.memory_space<vmem>>
    %dma_wait3A_181 = arith.constant 0 : i32
    %dma_wait3A_182 = arith.constant 0 : i32
    %dma_wait3A_183 = tpu.memref_slice %arg2[%arg0, %dma_wait3A_181, %dma_wait3A_182] : memref<2x10240x80xf32, #tpu.memory_space<hbm>> -> memref<1x10240x80xf32, #tpu.memory_space<hbm>>
    %dma_wait3A_184 = tpu.memref_squeeze %dma_wait3A_183 : memref<1x10240x80xf32, #tpu.memory_space<hbm>> -> memref<10240x80xf32, #tpu.memory_space<hbm>>
    %dma_wait3A_185 = arith.constant 0 : i32
    %dma_wait3A_186 = tpu.memref_slice %dma_wait3A_184[%add3A_175, %dma_wait3A_185] : memref<10240x80xf32, #tpu.memory_space<hbm>> -> memref<128x80xf32, #tpu.memory_space<hbm>>
    %dma_wait3A_187 = arith.constant 0 : i32
    %dma_wait3A_188 = arith.constant 0 : i32
    %dma_wait3A_189 = tpu.memref_slice %arg8[%dma_wait3A_176, %dma_wait3A_187, %dma_wait3A_188] : memref<4x128x80xf32, #tpu.memory_space<vmem>> -> memref<1x128x80xf32, #tpu.memory_space<vmem>>
    %dma_wait3A_190 = tpu.memref_squeeze %dma_wait3A_189 : memref<1x128x80xf32, #tpu.memory_space<vmem>> -> memref<128x80xf32, #tpu.memory_space<vmem>>
    %dma_wait3A_191 = arith.constant 0 : i32
    %dma_wait3A_192 = arith.constant 0 : i32
    %dma_wait3A_193 = tpu.memref_slice %arg2[%arg0, %dma_wait3A_191, %dma_wait3A_192] : memref<2x10240x80xf32, #tpu.memory_space<hbm>> -> memref<1x10240x80xf32, #tpu.memory_space<hbm>>
    %dma_wait3A_194 = tpu.memref_squeeze %dma_wait3A_193 : memref<1x10240x80xf32, #tpu.memory_space<hbm>> -> memref<10240x80xf32, #tpu.memory_space<hbm>>
    %dma_wait3A_195 = arith.constant 0 : i32
    %dma_wait3A_196 = tpu.memref_slice %dma_wait3A_194[%add3A_175, %dma_wait3A_195] : memref<10240x80xf32, #tpu.memory_space<hbm>> -> memref<128x80xf32, #tpu.memory_space<hbm>>
    tpu.wait_dma2 semaphore(%arg11 : memref<!tpu.dma_semaphore, #tpu.memory_space<semaphore_mem>>) src(%dma_wait3A_196 : memref<128x80xf32, #tpu.memory_space<hbm>>) dst(%dma_wait3A_190 : memref<128x80xf32, #tpu.memory_space<vmem>>)
    %dma_start3A_197 = arith.constant 1 : i32
    %dma_start3A_198 = arith.constant 0 : i32
    %dma_start3A_199 = arith.constant 0 : i32
    %dma_start3A_200 = tpu.memref_slice %arg8[%dma_start3A_197, %dma_start3A_198, %dma_start3A_199] : memref<4x128x80xf32, #tpu.memory_space<vmem>> -> memref<1x128x80xf32, #tpu.memory_space<vmem>>
    %dma_start3A_201 = tpu.memref_squeeze %dma_start3A_200 : memref<1x128x80xf32, #tpu.memory_space<vmem>> -> memref<128x80xf32, #tpu.memory_space<vmem>>
    %dma_start3A_202 = arith.constant 0 : i32
    %dma_start3A_203 = tpu.memref_slice %arg9[%add3A_175, %dma_start3A_202] : memref<10240x80xf32, #tpu.memory_space<vmem_shared>> -> memref<128x80xf32, #tpu.memory_space<vmem_shared>>
    %dma_start3A_204 = arith.constant 0 : i32
    %dma_start3A_205 = tpu.memref_slice %arg9[%add3A_175, %dma_start3A_204] : memref<10240x80xf32, #tpu.memory_space<vmem_shared>> -> memref<128x80xf32, #tpu.memory_space<vmem_shared>>
    %dma_start3A_206 = arith.constant 0 : i32
    %dma_start3A_207 = arith.constant 0 : i32
    %dma_start3A_208 = tpu.memref_slice %arg8[%dma_start3A_197, %dma_start3A_206, %dma_start3A_207] : memref<4x128x80xf32, #tpu.memory_space<vmem>> -> memref<1x128x80xf32, #tpu.memory_space<vmem>>
    %dma_start3A_209 = tpu.memref_squeeze %dma_start3A_208 : memref<1x128x80xf32, #tpu.memory_space<vmem>> -> memref<128x80xf32, #tpu.memory_space<vmem>>
    tpu.enqueue_dma source(%dma_start3A_209 : memref<128x80xf32, #tpu.memory_space<vmem>>) target(%dma_start3A_205 : memref<128x80xf32, #tpu.memory_space<vmem_shared>>) target_semaphore(%arg15 : memref<!tpu.dma_semaphore, #tpu.memory_space<semaphore_mem>>)
    %mul3A_210 = arith.constant 640 : i32
    %mul3A_211 = arith.muli %arg1, %mul3A_210 : i32
    %add3A_212 = arith.constant 256 : i32
    %add3A_213 = arith.addi %mul3A_211, %add3A_212 : i32
    %dma_wait3A_214 = arith.constant 2 : i32
    %dma_wait3A_215 = arith.constant 0 : i32
    %dma_wait3A_216 = arith.constant 0 : i32
    %dma_wait3A_217 = tpu.memref_slice %arg8[%dma_wait3A_214, %dma_wait3A_215, %dma_wait3A_216] : memref<4x128x80xf32, #tpu.memory_space<vmem>> -> memref<1x128x80xf32, #tpu.memory_space<vmem>>
    %dma_wait3A_218 = tpu.memref_squeeze %dma_wait3A_217 : memref<1x128x80xf32, #tpu.memory_space<vmem>> -> memref<128x80xf32, #tpu.memory_space<vmem>>
    %dma_wait3A_219 = arith.constant 0 : i32
    %dma_wait3A_220 = arith.constant 0 : i32
    %dma_wait3A_221 = tpu.memref_slice %arg2[%arg0, %dma_wait3A_219, %dma_wait3A_220] : memref<2x10240x80xf32, #tpu.memory_space<hbm>> -> memref<1x10240x80xf32, #tpu.memory_space<hbm>>
    %dma_wait3A_222 = tpu.memref_squeeze %dma_wait3A_221 : memref<1x10240x80xf32, #tpu.memory_space<hbm>> -> memref<10240x80xf32, #tpu.memory_space<hbm>>
    %dma_wait3A_223 = arith.constant 0 : i32
    %dma_wait3A_224 = tpu.memref_slice %dma_wait3A_222[%add3A_213, %dma_wait3A_223] : memref<10240x80xf32, #tpu.memory_space<hbm>> -> memref<128x80xf32, #tpu.memory_space<hbm>>
    %dma_wait3A_225 = arith.constant 0 : i32
    %dma_wait3A_226 = arith.constant 0 : i32
    %dma_wait3A_227 = tpu.memref_slice %arg8[%dma_wait3A_214, %dma_wait3A_225, %dma_wait3A_226] : memref<4x128x80xf32, #tpu.memory_space<vmem>> -> memref<1x128x80xf32, #tpu.memory_space<vmem>>
    %dma_wait3A_228 = tpu.memref_squeeze %dma_wait3A_227 : memref<1x128x80xf32, #tpu.memory_space<vmem>> -> memref<128x80xf32, #tpu.memory_space<vmem>>
    %dma_wait3A_229 = arith.constant 0 : i32
    %dma_wait3A_230 = arith.constant 0 : i32
    %dma_wait3A_231 = tpu.memref_slice %arg2[%arg0, %dma_wait3A_229, %dma_wait3A_230] : memref<2x10240x80xf32, #tpu.memory_space<hbm>> -> memref<1x10240x80xf32, #tpu.memory_space<hbm>>
    %dma_wait3A_232 = tpu.memref_squeeze %dma_wait3A_231 : memref<1x10240x80xf32, #tpu.memory_space<hbm>> -> memref<10240x80xf32, #tpu.memory_space<hbm>>
    %dma_wait3A_233 = arith.constant 0 : i32
    %dma_wait3A_234 = tpu.memref_slice %dma_wait3A_232[%add3A_213, %dma_wait3A_233] : memref<10240x80xf32, #tpu.memory_space<hbm>> -> memref<128x80xf32, #tpu.memory_space<hbm>>
    tpu.wait_dma2 semaphore(%arg12 : memref<!tpu.dma_semaphore, #tpu.memory_space<semaphore_mem>>) src(%dma_wait3A_234 : memref<128x80xf32, #tpu.memory_space<hbm>>) dst(%dma_wait3A_228 : memref<128x80xf32, #tpu.memory_space<vmem>>)
    %dma_start3A_235 = arith.constant 2 : i32
    %dma_start3A_236 = arith.constant 0 : i32
    %dma_start3A_237 = arith.constant 0 : i32
    %dma_start3A_238 = tpu.memref_slice %arg8[%dma_start3A_235, %dma_start3A_236, %dma_start3A_237] : memref<4x128x80xf32, #tpu.memory_space<vmem>> -> memref<1x128x80xf32, #tpu.memory_space<vmem>>
    %dma_start3A_239 = tpu.memref_squeeze %dma_start3A_238 : memref<1x128x80xf32, #tpu.memory_space<vmem>> -> memref<128x80xf32, #tpu.memory_space<vmem>>
    %dma_start3A_240 = arith.constant 0 : i32
    %dma_start3A_241 = tpu.memref_slice %arg9[%add3A_213, %dma_start3A_240] : memref<10240x80xf32, #tpu.memory_space<vmem_shared>> -> memref<128x80xf32, #tpu.memory_space<vmem_shared>>
    %dma_start3A_242 = arith.constant 0 : i32
    %dma_start3A_243 = tpu.memref_slice %arg9[%add3A_213, %dma_start3A_242] : memref<10240x80xf32, #tpu.memory_space<vmem_shared>> -> memref<128x80xf32, #tpu.memory_space<vmem_shared>>
    %dma_start3A_244 = arith.constant 0 : i32
    %dma_start3A_245 = arith.constant 0 : i32
    %dma_start3A_246 = tpu.memref_slice %arg8[%dma_start3A_235, %dma_start3A_244, %dma_start3A_245] : memref<4x128x80xf32, #tpu.memory_space<vmem>> -> memref<1x128x80xf32, #tpu.memory_space<vmem>>
    %dma_start3A_247 = tpu.memref_squeeze %dma_start3A_246 : memref<1x128x80xf32, #tpu.memory_space<vmem>> -> memref<128x80xf32, #tpu.memory_space<vmem>>
    tpu.enqueue_dma source(%dma_start3A_247 : memref<128x80xf32, #tpu.memory_space<vmem>>) target(%dma_start3A_243 : memref<128x80xf32, #tpu.memory_space<vmem_shared>>) target_semaphore(%arg16 : memref<!tpu.dma_semaphore, #tpu.memory_space<semaphore_mem>>)
    %mul3A_248 = arith.constant 640 : i32
    %mul3A_249 = arith.muli %arg1, %mul3A_248 : i32
    %add3A_250 = arith.constant 384 : i32
    %add3A_251 = arith.addi %mul3A_249, %add3A_250 : i32
    %dma_wait3A_252 = arith.constant 3 : i32
    %dma_wait3A_253 = arith.constant 0 : i32
    %dma_wait3A_254 = arith.constant 0 : i32
    %dma_wait3A_255 = tpu.memref_slice %arg8[%dma_wait3A_252, %dma_wait3A_253, %dma_wait3A_254] : memref<4x128x80xf32, #tpu.memory_space<vmem>> -> memref<1x128x80xf32, #tpu.memory_space<vmem>>
    %dma_wait3A_256 = tpu.memref_squeeze %dma_wait3A_255 : memref<1x128x80xf32, #tpu.memory_space<vmem>> -> memref<128x80xf32, #tpu.memory_space<vmem>>
    %dma_wait3A_257 = arith.constant 0 : i32
    %dma_wait3A_258 = arith.constant 0 : i32
    %dma_wait3A_259 = tpu.memref_slice %arg2[%arg0, %dma_wait3A_257, %dma_wait3A_258] : memref<2x10240x80xf32, #tpu.memory_space<hbm>> -> memref<1x10240x80xf32, #tpu.memory_space<hbm>>
    %dma_wait3A_260 = tpu.memref_squeeze %dma_wait3A_259 : memref<1x10240x80xf32, #tpu.memory_space<hbm>> -> memref<10240x80xf32, #tpu.memory_space<hbm>>
    %dma_wait3A_261 = arith.constant 0 : i32
    %dma_wait3A_262 = tpu.memref_slice %dma_wait3A_260[%add3A_251, %dma_wait3A_261] : memref<10240x80xf32, #tpu.memory_space<hbm>> -> memref<128x80xf32, #tpu.memory_space<hbm>>
    %dma_wait3A_263 = arith.constant 0 : i32
    %dma_wait3A_264 = arith.constant 0 : i32
    %dma_wait3A_265 = tpu.memref_slice %arg8[%dma_wait3A_252, %dma_wait3A_263, %dma_wait3A_264] : memref<4x128x80xf32, #tpu.memory_space<vmem>> -> memref<1x128x80xf32, #tpu.memory_space<vmem>>
    %dma_wait3A_266 = tpu.memref_squeeze %dma_wait3A_265 : memref<1x128x80xf32, #tpu.memory_space<vmem>> -> memref<128x80xf32, #tpu.memory_space<vmem>>
    %dma_wait3A_267 = arith.constant 0 : i32
    %dma_wait3A_268 = arith.constant 0 : i32
    %dma_wait3A_269 = tpu.memref_slice %arg2[%arg0, %dma_wait3A_267, %dma_wait3A_268] : memref<2x10240x80xf32, #tpu.memory_space<hbm>> -> memref<1x10240x80xf32, #tpu.memory_space<hbm>>
    %dma_wait3A_270 = tpu.memref_squeeze %dma_wait3A_269 : memref<1x10240x80xf32, #tpu.memory_space<hbm>> -> memref<10240x80xf32, #tpu.memory_space<hbm>>
    %dma_wait3A_271 = arith.constant 0 : i32
    %dma_wait3A_272 = tpu.memref_slice %dma_wait3A_270[%add3A_251, %dma_wait3A_271] : memref<10240x80xf32, #tpu.memory_space<hbm>> -> memref<128x80xf32, #tpu.memory_space<hbm>>
    tpu.wait_dma2 semaphore(%arg13 : memref<!tpu.dma_semaphore, #tpu.memory_space<semaphore_mem>>) src(%dma_wait3A_272 : memref<128x80xf32, #tpu.memory_space<hbm>>) dst(%dma_wait3A_266 : memref<128x80xf32, #tpu.memory_space<vmem>>)
    %dma_start3A_273 = arith.constant 3 : i32
    %dma_start3A_274 = arith.constant 0 : i32
    %dma_start3A_275 = arith.constant 0 : i32
    %dma_start3A_276 = tpu.memref_slice %arg8[%dma_start3A_273, %dma_start3A_274, %dma_start3A_275] : memref<4x128x80xf32, #tpu.memory_space<vmem>> -> memref<1x128x80xf32, #tpu.memory_space<vmem>>
    %dma_start3A_277 = tpu.memref_squeeze %dma_start3A_276 : memref<1x128x80xf32, #tpu.memory_space<vmem>> -> memref<128x80xf32, #tpu.memory_space<vmem>>
    %dma_start3A_278 = arith.constant 0 : i32
    %dma_start3A_279 = tpu.memref_slice %arg9[%add3A_251, %dma_start3A_278] : memref<10240x80xf32, #tpu.memory_space<vmem_shared>> -> memref<128x80xf32, #tpu.memory_space<vmem_shared>>
    %dma_start3A_280 = arith.constant 0 : i32
    %dma_start3A_281 = tpu.memref_slice %arg9[%add3A_251, %dma_start3A_280] : memref<10240x80xf32, #tpu.memory_space<vmem_shared>> -> memref<128x80xf32, #tpu.memory_space<vmem_shared>>
    %dma_start3A_282 = arith.constant 0 : i32
    %dma_start3A_283 = arith.constant 0 : i32
    %dma_start3A_284 = tpu.memref_slice %arg8[%dma_start3A_273, %dma_start3A_282, %dma_start3A_283] : memref<4x128x80xf32, #tpu.memory_space<vmem>> -> memref<1x128x80xf32, #tpu.memory_space<vmem>>
    %dma_start3A_285 = tpu.memref_squeeze %dma_start3A_284 : memref<1x128x80xf32, #tpu.memory_space<vmem>> -> memref<128x80xf32, #tpu.memory_space<vmem>>
    tpu.enqueue_dma source(%dma_start3A_285 : memref<128x80xf32, #tpu.memory_space<vmem>>) target(%dma_start3A_281 : memref<128x80xf32, #tpu.memory_space<vmem_shared>>) target_semaphore(%arg17 : memref<!tpu.dma_semaphore, #tpu.memory_space<semaphore_mem>>)
    %mul3A_286 = arith.constant 640 : i32
    %mul3A_287 = arith.muli %arg1, %mul3A_286 : i32
    %add3A_288 = arith.constant 512 : i32
    %add3A_289 = arith.addi %mul3A_287, %add3A_288 : i32
    %dma_wait3A_290 = arith.constant 0 : i32
    %dma_wait3A_291 = arith.constant 0 : i32
    %dma_wait3A_292 = arith.constant 0 : i32
    %dma_wait3A_293 = tpu.memref_slice %arg8[%dma_wait3A_290, %dma_wait3A_291, %dma_wait3A_292] : memref<4x128x80xf32, #tpu.memory_space<vmem>> -> memref<1x128x80xf32, #tpu.memory_space<vmem>>
    %dma_wait3A_294 = tpu.memref_squeeze %dma_wait3A_293 : memref<1x128x80xf32, #tpu.memory_space<vmem>> -> memref<128x80xf32, #tpu.memory_space<vmem>>
    %dma_wait3A_295 = arith.constant 0 : i32
    %dma_wait3A_296 = arith.constant 0 : i32
    %dma_wait3A_297 = tpu.memref_slice %arg2[%arg0, %dma_wait3A_295, %dma_wait3A_296] : memref<2x10240x80xf32, #tpu.memory_space<hbm>> -> memref<1x10240x80xf32, #tpu.memory_space<hbm>>
    %dma_wait3A_298 = tpu.memref_squeeze %dma_wait3A_297 : memref<1x10240x80xf32, #tpu.memory_space<hbm>> -> memref<10240x80xf32, #tpu.memory_space<hbm>>
    %dma_wait3A_299 = arith.constant 0 : i32
    %dma_wait3A_300 = tpu.memref_slice %dma_wait3A_298[%add3A_289, %dma_wait3A_299] : memref<10240x80xf32, #tpu.memory_space<hbm>> -> memref<128x80xf32, #tpu.memory_space<hbm>>
    %dma_wait3A_301 = arith.constant 0 : i32
    %dma_wait3A_302 = arith.constant 0 : i32
    %dma_wait3A_303 = tpu.memref_slice %arg8[%dma_wait3A_290, %dma_wait3A_301, %dma_wait3A_302] : memref<4x128x80xf32, #tpu.memory_space<vmem>> -> memref<1x128x80xf32, #tpu.memory_space<vmem>>
    %dma_wait3A_304 = tpu.memref_squeeze %dma_wait3A_303 : memref<1x128x80xf32, #tpu.memory_space<vmem>> -> memref<128x80xf32, #tpu.memory_space<vmem>>
    %dma_wait3A_305 = arith.constant 0 : i32
    %dma_wait3A_306 = arith.constant 0 : i32
    %dma_wait3A_307 = tpu.memref_slice %arg2[%arg0, %dma_wait3A_305, %dma_wait3A_306] : memref<2x10240x80xf32, #tpu.memory_space<hbm>> -> memref<1x10240x80xf32, #tpu.memory_space<hbm>>
    %dma_wait3A_308 = tpu.memref_squeeze %dma_wait3A_307 : memref<1x10240x80xf32, #tpu.memory_space<hbm>> -> memref<10240x80xf32, #tpu.memory_space<hbm>>
    %dma_wait3A_309 = arith.constant 0 : i32
    %dma_wait3A_310 = tpu.memref_slice %dma_wait3A_308[%add3A_289, %dma_wait3A_309] : memref<10240x80xf32, #tpu.memory_space<hbm>> -> memref<128x80xf32, #tpu.memory_space<hbm>>
    tpu.wait_dma2 semaphore(%arg10 : memref<!tpu.dma_semaphore, #tpu.memory_space<semaphore_mem>>) src(%dma_wait3A_310 : memref<128x80xf32, #tpu.memory_space<hbm>>) dst(%dma_wait3A_304 : memref<128x80xf32, #tpu.memory_space<vmem>>)
    %dma_start3A_311 = arith.constant 0 : i32
    %dma_start3A_312 = arith.constant 0 : i32
    %dma_start3A_313 = arith.constant 0 : i32
    %dma_start3A_314 = tpu.memref_slice %arg8[%dma_start3A_311, %dma_start3A_312, %dma_start3A_313] : memref<4x128x80xf32, #tpu.memory_space<vmem>> -> memref<1x128x80xf32, #tpu.memory_space<vmem>>
    %dma_start3A_315 = tpu.memref_squeeze %dma_start3A_314 : memref<1x128x80xf32, #tpu.memory_space<vmem>> -> memref<128x80xf32, #tpu.memory_space<vmem>>
    %dma_start3A_316 = arith.constant 0 : i32
    %dma_start3A_317 = tpu.memref_slice %arg9[%add3A_289, %dma_start3A_316] : memref<10240x80xf32, #tpu.memory_space<vmem_shared>> -> memref<128x80xf32, #tpu.memory_space<vmem_shared>>
    %dma_start3A_318 = arith.constant 0 : i32
    %dma_start3A_319 = tpu.memref_slice %arg9[%add3A_289, %dma_start3A_318] : memref<10240x80xf32, #tpu.memory_space<vmem_shared>> -> memref<128x80xf32, #tpu.memory_space<vmem_shared>>
    %dma_start3A_320 = arith.constant 0 : i32
    %dma_start3A_321 = arith.constant 0 : i32
    %dma_start3A_322 = tpu.memref_slice %arg8[%dma_start3A_311, %dma_start3A_320, %dma_start3A_321] : memref<4x128x80xf32, #tpu.memory_space<vmem>> -> memref<1x128x80xf32, #tpu.memory_space<vmem>>
    %dma_start3A_323 = tpu.memref_squeeze %dma_start3A_322 : memref<1x128x80xf32, #tpu.memory_space<vmem>> -> memref<128x80xf32, #tpu.memory_space<vmem>>
    tpu.enqueue_dma source(%dma_start3A_323 : memref<128x80xf32, #tpu.memory_space<vmem>>) target(%dma_start3A_319 : memref<128x80xf32, #tpu.memory_space<vmem_shared>>) target_semaphore(%arg14 : memref<!tpu.dma_semaphore, #tpu.memory_space<semaphore_mem>>)
    %mul3A_324 = arith.constant 640 : i32
    %mul3A_325 = arith.muli %arg1, %mul3A_324 : i32
    %add3A_326 = arith.constant 128 : i32
    %add3A_327 = arith.addi %mul3A_325, %add3A_326 : i32
    %dma_wait3A_328 = arith.constant 1 : i32
    %dma_wait3A_329 = arith.constant 0 : i32
    %dma_wait3A_330 = arith.constant 0 : i32
    %dma_wait3A_331 = tpu.memref_slice %arg8[%dma_wait3A_328, %dma_wait3A_329, %dma_wait3A_330] : memref<4x128x80xf32, #tpu.memory_space<vmem>> -> memref<1x128x80xf32, #tpu.memory_space<vmem>>
    %dma_wait3A_332 = tpu.memref_squeeze %dma_wait3A_331 : memref<1x128x80xf32, #tpu.memory_space<vmem>> -> memref<128x80xf32, #tpu.memory_space<vmem>>
    %dma_wait3A_333 = arith.constant 0 : i32
    %dma_wait3A_334 = tpu.memref_slice %arg9[%add3A_327, %dma_wait3A_333] : memref<10240x80xf32, #tpu.memory_space<vmem_shared>> -> memref<128x80xf32, #tpu.memory_space<vmem_shared>>
    %dma_wait3A_335 = arith.constant 0 : i32
    %dma_wait3A_336 = tpu.memref_slice %arg9[%add3A_327, %dma_wait3A_335] : memref<10240x80xf32, #tpu.memory_space<vmem_shared>> -> memref<128x80xf32, #tpu.memory_space<vmem_shared>>
    %dma_wait3A_337 = arith.constant 0 : i32
    %dma_wait3A_338 = arith.constant 0 : i32
    %dma_wait3A_339 = tpu.memref_slice %arg8[%dma_wait3A_328, %dma_wait3A_337, %dma_wait3A_338] : memref<4x128x80xf32, #tpu.memory_space<vmem>> -> memref<1x128x80xf32, #tpu.memory_space<vmem>>
    %dma_wait3A_340 = tpu.memref_squeeze %dma_wait3A_339 : memref<1x128x80xf32, #tpu.memory_space<vmem>> -> memref<128x80xf32, #tpu.memory_space<vmem>>
    tpu.wait_dma2 semaphore(%arg15 : memref<!tpu.dma_semaphore, #tpu.memory_space<semaphore_mem>>) src(%dma_wait3A_340 : memref<128x80xf32, #tpu.memory_space<vmem>>) dst(%dma_wait3A_336 : memref<128x80xf32, #tpu.memory_space<vmem_shared>>)
    %mul3A_341 = arith.constant 640 : i32
    %mul3A_342 = arith.muli %arg1, %mul3A_341 : i32
    %add3A_343 = arith.constant 256 : i32
    %add3A_344 = arith.addi %mul3A_342, %add3A_343 : i32
    %dma_wait3A_345 = arith.constant 2 : i32
    %dma_wait3A_346 = arith.constant 0 : i32
    %dma_wait3A_347 = arith.constant 0 : i32
    %dma_wait3A_348 = tpu.memref_slice %arg8[%dma_wait3A_345, %dma_wait3A_346, %dma_wait3A_347] : memref<4x128x80xf32, #tpu.memory_space<vmem>> -> memref<1x128x80xf32, #tpu.memory_space<vmem>>
    %dma_wait3A_349 = tpu.memref_squeeze %dma_wait3A_348 : memref<1x128x80xf32, #tpu.memory_space<vmem>> -> memref<128x80xf32, #tpu.memory_space<vmem>>
    %dma_wait3A_350 = arith.constant 0 : i32
    %dma_wait3A_351 = tpu.memref_slice %arg9[%add3A_344, %dma_wait3A_350] : memref<10240x80xf32, #tpu.memory_space<vmem_shared>> -> memref<128x80xf32, #tpu.memory_space<vmem_shared>>
    %dma_wait3A_352 = arith.constant 0 : i32
    %dma_wait3A_353 = tpu.memref_slice %arg9[%add3A_344, %dma_wait3A_352] : memref<10240x80xf32, #tpu.memory_space<vmem_shared>> -> memref<128x80xf32, #tpu.memory_space<vmem_shared>>
    %dma_wait3A_354 = arith.constant 0 : i32
    %dma_wait3A_355 = arith.constant 0 : i32
    %dma_wait3A_356 = tpu.memref_slice %arg8[%dma_wait3A_345, %dma_wait3A_354, %dma_wait3A_355] : memref<4x128x80xf32, #tpu.memory_space<vmem>> -> memref<1x128x80xf32, #tpu.memory_space<vmem>>
    %dma_wait3A_357 = tpu.memref_squeeze %dma_wait3A_356 : memref<1x128x80xf32, #tpu.memory_space<vmem>> -> memref<128x80xf32, #tpu.memory_space<vmem>>
    tpu.wait_dma2 semaphore(%arg16 : memref<!tpu.dma_semaphore, #tpu.memory_space<semaphore_mem>>) src(%dma_wait3A_357 : memref<128x80xf32, #tpu.memory_space<vmem>>) dst(%dma_wait3A_353 : memref<128x80xf32, #tpu.memory_space<vmem_shared>>)
    %mul3A_358 = arith.constant 640 : i32
    %mul3A_359 = arith.muli %arg1, %mul3A_358 : i32
    %add3A_360 = arith.constant 384 : i32
    %add3A_361 = arith.addi %mul3A_359, %add3A_360 : i32
    %dma_wait3A_362 = arith.constant 3 : i32
    %dma_wait3A_363 = arith.constant 0 : i32
    %dma_wait3A_364 = arith.constant 0 : i32
    %dma_wait3A_365 = tpu.memref_slice %arg8[%dma_wait3A_362, %dma_wait3A_363, %dma_wait3A_364] : memref<4x128x80xf32, #tpu.memory_space<vmem>> -> memref<1x128x80xf32, #tpu.memory_space<vmem>>
    %dma_wait3A_366 = tpu.memref_squeeze %dma_wait3A_365 : memref<1x128x80xf32, #tpu.memory_space<vmem>> -> memref<128x80xf32, #tpu.memory_space<vmem>>
    %dma_wait3A_367 = arith.constant 0 : i32
    %dma_wait3A_368 = tpu.memref_slice %arg9[%add3A_361, %dma_wait3A_367] : memref<10240x80xf32, #tpu.memory_space<vmem_shared>> -> memref<128x80xf32, #tpu.memory_space<vmem_shared>>
    %dma_wait3A_369 = arith.constant 0 : i32
    %dma_wait3A_370 = tpu.memref_slice %arg9[%add3A_361, %dma_wait3A_369] : memref<10240x80xf32, #tpu.memory_space<vmem_shared>> -> memref<128x80xf32, #tpu.memory_space<vmem_shared>>
    %dma_wait3A_371 = arith.constant 0 : i32
    %dma_wait3A_372 = arith.constant 0 : i32
    %dma_wait3A_373 = tpu.memref_slice %arg8[%dma_wait3A_362, %dma_wait3A_371, %dma_wait3A_372] : memref<4x128x80xf32, #tpu.memory_space<vmem>> -> memref<1x128x80xf32, #tpu.memory_space<vmem>>
    %dma_wait3A_374 = tpu.memref_squeeze %dma_wait3A_373 : memref<1x128x80xf32, #tpu.memory_space<vmem>> -> memref<128x80xf32, #tpu.memory_space<vmem>>
    tpu.wait_dma2 semaphore(%arg17 : memref<!tpu.dma_semaphore, #tpu.memory_space<semaphore_mem>>) src(%dma_wait3A_374 : memref<128x80xf32, #tpu.memory_space<vmem>>) dst(%dma_wait3A_370 : memref<128x80xf32, #tpu.memory_space<vmem_shared>>)
    %mul3A_375 = arith.constant 640 : i32
    %mul3A_376 = arith.muli %arg1, %mul3A_375 : i32
    %add3A_377 = arith.constant 512 : i32
    %add3A_378 = arith.addi %mul3A_376, %add3A_377 : i32
    %dma_wait3A_379 = arith.constant 0 : i32
    %dma_wait3A_380 = arith.constant 0 : i32
    %dma_wait3A_381 = arith.constant 0 : i32
    %dma_wait3A_382 = tpu.memref_slice %arg8[%dma_wait3A_379, %dma_wait3A_380, %dma_wait3A_381] : memref<4x128x80xf32, #tpu.memory_space<vmem>> -> memref<1x128x80xf32, #tpu.memory_space<vmem>>
    %dma_wait3A_383 = tpu.memref_squeeze %dma_wait3A_382 : memref<1x128x80xf32, #tpu.memory_space<vmem>> -> memref<128x80xf32, #tpu.memory_space<vmem>>
    %dma_wait3A_384 = arith.constant 0 : i32
    %dma_wait3A_385 = tpu.memref_slice %arg9[%add3A_378, %dma_wait3A_384] : memref<10240x80xf32, #tpu.memory_space<vmem_shared>> -> memref<128x80xf32, #tpu.memory_space<vmem_shared>>
    %dma_wait3A_386 = arith.constant 0 : i32
    %dma_wait3A_387 = tpu.memref_slice %arg9[%add3A_378, %dma_wait3A_386] : memref<10240x80xf32, #tpu.memory_space<vmem_shared>> -> memref<128x80xf32, #tpu.memory_space<vmem_shared>>
    %dma_wait3A_388 = arith.constant 0 : i32
    %dma_wait3A_389 = arith.constant 0 : i32
    %dma_wait3A_390 = tpu.memref_slice %arg8[%dma_wait3A_379, %dma_wait3A_388, %dma_wait3A_389] : memref<4x128x80xf32, #tpu.memory_space<vmem>> -> memref<1x128x80xf32, #tpu.memory_space<vmem>>
    %dma_wait3A_391 = tpu.memref_squeeze %dma_wait3A_390 : memref<1x128x80xf32, #tpu.memory_space<vmem>> -> memref<128x80xf32, #tpu.memory_space<vmem>>
    tpu.wait_dma2 semaphore(%arg14 : memref<!tpu.dma_semaphore, #tpu.memory_space<semaphore_mem>>) src(%dma_wait3A_391 : memref<128x80xf32, #tpu.memory_space<vmem>>) dst(%dma_wait3A_387 : memref<128x80xf32, #tpu.memory_space<vmem_shared>>)
    %barrier3A = arith.constant 0 : index
    tpu.barrier barrier_id(%barrier3A)
    %dma_start3A_392 = arith.constant 0 : i32
    %dma_start3A_393 = arith.constant 0 : i32
    %dma_start3A_394 = arith.constant 0 : i32
    %dma_start3A_395 = arith.constant 0 : i32
    %dma_start3A_396 = tpu.memref_slice %arg8[%dma_start3A_393, %dma_start3A_394, %dma_start3A_395] : memref<4x128x80xf32, #tpu.memory_space<vmem>> -> memref<1x128x80xf32, #tpu.memory_space<vmem>>
    %dma_start3A_397 = tpu.memref_squeeze %dma_start3A_396 : memref<1x128x80xf32, #tpu.memory_space<vmem>> -> memref<128x80xf32, #tpu.memory_space<vmem>>
    %dma_start3A_398 = arith.constant 0 : i32
    %dma_start3A_399 = tpu.memref_slice %arg6[%dma_start3A_392, %dma_start3A_398] : memref<80x128xi32, #tpu.memory_space<vmem>> -> memref<1x128xi32, #tpu.memory_space<vmem>>
    %dma_start3A_400 = tpu.memref_squeeze %dma_start3A_399 : memref<1x128xi32, #tpu.memory_space<vmem>> -> memref<128xi32, #tpu.memory_space<vmem>>
    %dma_start3A_401 = arith.constant 0 : i32
    %dma_start3A_402 = arith.constant 0 : i32
    %dma_start3A_403 = tpu.memref_slice %arg2[%arg0, %dma_start3A_401, %dma_start3A_402] : memref<2x10240x80xf32, #tpu.memory_space<hbm>> -> memref<1x10240x80xf32, #tpu.memory_space<hbm>>
    %dma_start3A_404 = tpu.memref_squeeze %dma_start3A_403 : memref<1x10240x80xf32, #tpu.memory_space<hbm>> -> memref<10240x80xf32, #tpu.memory_space<hbm>>
    %dma_start3A_405 = arith.constant 0 : i32
    %dma_start3A_406 = arith.constant 0 : i32
    %dma_start3A_407 = tpu.memref_slice %dma_start3A_404[%dma_start3A_405, %dma_start3A_406] : memref<10240x80xf32, #tpu.memory_space<hbm>> -> memref<10240x80xf32, #tpu.memory_space<hbm>>
    tpu.enqueue_indirect_dma source(%dma_start3A_407 : memref<10240x80xf32, #tpu.memory_space<hbm>>) target(%dma_start3A_397 : memref<128x80xf32, #tpu.memory_space<vmem>>) offsets(%dma_start3A_400 : memref<128xi32, #tpu.memory_space<vmem>>) semaphore(%arg10 : memref<!tpu.dma_semaphore, #tpu.memory_space<semaphore_mem>>)
    %dma_start3A_408 = arith.constant 1 : i32
    %dma_start3A_409 = arith.constant 1 : i32
    %dma_start3A_410 = arith.constant 0 : i32
    %dma_start3A_411 = arith.constant 0 : i32
    %dma_start3A_412 = tpu.memref_slice %arg8[%dma_start3A_409, %dma_start3A_410, %dma_start3A_411] : memref<4x128x80xf32, #tpu.memory_space<vmem>> -> memref<1x128x80xf32, #tpu.memory_space<vmem>>
    %dma_start3A_413 = tpu.memref_squeeze %dma_start3A_412 : memref<1x128x80xf32, #tpu.memory_space<vmem>> -> memref<128x80xf32, #tpu.memory_space<vmem>>
    %dma_start3A_414 = arith.constant 0 : i32
    %dma_start3A_415 = tpu.memref_slice %arg6[%dma_start3A_408, %dma_start3A_414] : memref<80x128xi32, #tpu.memory_space<vmem>> -> memref<1x128xi32, #tpu.memory_space<vmem>>
    %dma_start3A_416 = tpu.memref_squeeze %dma_start3A_415 : memref<1x128xi32, #tpu.memory_space<vmem>> -> memref<128xi32, #tpu.memory_space<vmem>>
    %dma_start3A_417 = arith.constant 0 : i32
    %dma_start3A_418 = arith.constant 0 : i32
    %dma_start3A_419 = tpu.memref_slice %arg2[%arg0, %dma_start3A_417, %dma_start3A_418] : memref<2x10240x80xf32, #tpu.memory_space<hbm>> -> memref<1x10240x80xf32, #tpu.memory_space<hbm>>
    %dma_start3A_420 = tpu.memref_squeeze %dma_start3A_419 : memref<1x10240x80xf32, #tpu.memory_space<hbm>> -> memref<10240x80xf32, #tpu.memory_space<hbm>>
    %dma_start3A_421 = arith.constant 0 : i32
    %dma_start3A_422 = arith.constant 0 : i32
    %dma_start3A_423 = tpu.memref_slice %dma_start3A_420[%dma_start3A_421, %dma_start3A_422] : memref<10240x80xf32, #tpu.memory_space<hbm>> -> memref<10240x80xf32, #tpu.memory_space<hbm>>
    tpu.enqueue_indirect_dma source(%dma_start3A_423 : memref<10240x80xf32, #tpu.memory_space<hbm>>) target(%dma_start3A_413 : memref<128x80xf32, #tpu.memory_space<vmem>>) offsets(%dma_start3A_416 : memref<128xi32, #tpu.memory_space<vmem>>) semaphore(%arg11 : memref<!tpu.dma_semaphore, #tpu.memory_space<semaphore_mem>>)
    %dma_start3A_424 = arith.constant 2 : i32
    %dma_start3A_425 = arith.constant 2 : i32
    %dma_start3A_426 = arith.constant 0 : i32
    %dma_start3A_427 = arith.constant 0 : i32
    %dma_start3A_428 = tpu.memref_slice %arg8[%dma_start3A_425, %dma_start3A_426, %dma_start3A_427] : memref<4x128x80xf32, #tpu.memory_space<vmem>> -> memref<1x128x80xf32, #tpu.memory_space<vmem>>
    %dma_start3A_429 = tpu.memref_squeeze %dma_start3A_428 : memref<1x128x80xf32, #tpu.memory_space<vmem>> -> memref<128x80xf32, #tpu.memory_space<vmem>>
    %dma_start3A_430 = arith.constant 0 : i32
    %dma_start3A_431 = tpu.memref_slice %arg6[%dma_start3A_424, %dma_start3A_430] : memref<80x128xi32, #tpu.memory_space<vmem>> -> memref<1x128xi32, #tpu.memory_space<vmem>>
    %dma_start3A_432 = tpu.memref_squeeze %dma_start3A_431 : memref<1x128xi32, #tpu.memory_space<vmem>> -> memref<128xi32, #tpu.memory_space<vmem>>
    %dma_start3A_433 = arith.constant 0 : i32
    %dma_start3A_434 = arith.constant 0 : i32
    %dma_start3A_435 = tpu.memref_slice %arg2[%arg0, %dma_start3A_433, %dma_start3A_434] : memref<2x10240x80xf32, #tpu.memory_space<hbm>> -> memref<1x10240x80xf32, #tpu.memory_space<hbm>>
    %dma_start3A_436 = tpu.memref_squeeze %dma_start3A_435 : memref<1x10240x80xf32, #tpu.memory_space<hbm>> -> memref<10240x80xf32, #tpu.memory_space<hbm>>
    %dma_start3A_437 = arith.constant 0 : i32
    %dma_start3A_438 = arith.constant 0 : i32
    %dma_start3A_439 = tpu.memref_slice %dma_start3A_436[%dma_start3A_437, %dma_start3A_438] : memref<10240x80xf32, #tpu.memory_space<hbm>> -> memref<10240x80xf32, #tpu.memory_space<hbm>>
    tpu.enqueue_indirect_dma source(%dma_start3A_439 : memref<10240x80xf32, #tpu.memory_space<hbm>>) target(%dma_start3A_429 : memref<128x80xf32, #tpu.memory_space<vmem>>) offsets(%dma_start3A_432 : memref<128xi32, #tpu.memory_space<vmem>>) semaphore(%arg12 : memref<!tpu.dma_semaphore, #tpu.memory_space<semaphore_mem>>)
    %dma_start3A_440 = arith.constant 3 : i32
    %dma_start3A_441 = arith.constant 3 : i32
    %dma_start3A_442 = arith.constant 0 : i32
    %dma_start3A_443 = arith.constant 0 : i32
    %dma_start3A_444 = tpu.memref_slice %arg8[%dma_start3A_441, %dma_start3A_442, %dma_start3A_443] : memref<4x128x80xf32, #tpu.memory_space<vmem>> -> memref<1x128x80xf32, #tpu.memory_space<vmem>>
    %dma_start3A_445 = tpu.memref_squeeze %dma_start3A_444 : memref<1x128x80xf32, #tpu.memory_space<vmem>> -> memref<128x80xf32, #tpu.memory_space<vmem>>
    %dma_start3A_446 = arith.constant 0 : i32
    %dma_start3A_447 = tpu.memref_slice %arg6[%dma_start3A_440, %dma_start3A_446] : memref<80x128xi32, #tpu.memory_space<vmem>> -> memref<1x128xi32, #tpu.memory_space<vmem>>
    %dma_start3A_448 = tpu.memref_squeeze %dma_start3A_447 : memref<1x128xi32, #tpu.memory_space<vmem>> -> memref<128xi32, #tpu.memory_space<vmem>>
    %dma_start3A_449 = arith.constant 0 : i32
    %dma_start3A_450 = arith.constant 0 : i32
    %dma_start3A_451 = tpu.memref_slice %arg2[%arg0, %dma_start3A_449, %dma_start3A_450] : memref<2x10240x80xf32, #tpu.memory_space<hbm>> -> memref<1x10240x80xf32, #tpu.memory_space<hbm>>
    %dma_start3A_452 = tpu.memref_squeeze %dma_start3A_451 : memref<1x10240x80xf32, #tpu.memory_space<hbm>> -> memref<10240x80xf32, #tpu.memory_space<hbm>>
    %dma_start3A_453 = arith.constant 0 : i32
    %dma_start3A_454 = arith.constant 0 : i32
    %dma_start3A_455 = tpu.memref_slice %dma_start3A_452[%dma_start3A_453, %dma_start3A_454] : memref<10240x80xf32, #tpu.memory_space<hbm>> -> memref<10240x80xf32, #tpu.memory_space<hbm>>
    tpu.enqueue_indirect_dma source(%dma_start3A_455 : memref<10240x80xf32, #tpu.memory_space<hbm>>) target(%dma_start3A_445 : memref<128x80xf32, #tpu.memory_space<vmem>>) offsets(%dma_start3A_448 : memref<128xi32, #tpu.memory_space<vmem>>) semaphore(%arg13 : memref<!tpu.dma_semaphore, #tpu.memory_space<semaphore_mem>>)
    %scan3A = arith.constant 0 : i32
    %scan3A_456 = arith.constant 0 : i32
    %scan3A_457 = arith.constant 20 : i32
    %scan3A_458 = arith.addi %scan3A_456, %scan3A_457 : i32
    %scan3A_459 = arith.constant 1 : i32
    scf.for %scan3A_514 = %scan3A_456 to %scan3A_458 step %scan3A_459  : i32 {
      %mul3A_515 = arith.constant 4 : i32
      %mul3A_516 = arith.muli %scan3A_514, %mul3A_515 : i32
      %dma_wait3A_517 = arith.constant 0 : i32
      %dma_wait3A_518 = arith.constant 0 : i32
      %dma_wait3A_519 = arith.constant 0 : i32
      %dma_wait3A_520 = arith.constant 0 : i32
      %dma_wait3A_521 = tpu.memref_slice %arg8[%dma_wait3A_518, %dma_wait3A_519, %dma_wait3A_520] : memref<4x128x80xf32, #tpu.memory_space<vmem>> -> memref<1x128x80xf32, #tpu.memory_space<vmem>>
      %dma_wait3A_522 = tpu.memref_squeeze %dma_wait3A_521 : memref<1x128x80xf32, #tpu.memory_space<vmem>> -> memref<128x80xf32, #tpu.memory_space<vmem>>
      %dma_wait3A_523 = arith.constant 0 : i32
      %dma_wait3A_524 = tpu.memref_slice %arg6[%dma_wait3A_517, %dma_wait3A_523] : memref<80x128xi32, #tpu.memory_space<vmem>> -> memref<1x128xi32, #tpu.memory_space<vmem>>
      %dma_wait3A_525 = tpu.memref_squeeze %dma_wait3A_524 : memref<1x128xi32, #tpu.memory_space<vmem>> -> memref<128xi32, #tpu.memory_space<vmem>>
      %dma_wait3A_526 = arith.constant 0 : i32
      %dma_wait3A_527 = arith.constant 0 : i32
      %dma_wait3A_528 = tpu.memref_slice %arg2[%arg0, %dma_wait3A_526, %dma_wait3A_527] : memref<2x10240x80xf32, #tpu.memory_space<hbm>> -> memref<1x10240x80xf32, #tpu.memory_space<hbm>>
      %dma_wait3A_529 = tpu.memref_squeeze %dma_wait3A_528 : memref<1x10240x80xf32, #tpu.memory_space<hbm>> -> memref<10240x80xf32, #tpu.memory_space<hbm>>
      %dma_wait3A_530 = arith.constant 0 : i32
      %dma_wait3A_531 = arith.constant 0 : i32
      %dma_wait3A_532 = tpu.memref_slice %dma_wait3A_529[%dma_wait3A_530, %dma_wait3A_531] : memref<10240x80xf32, #tpu.memory_space<hbm>> -> memref<10240x80xf32, #tpu.memory_space<hbm>>
      tpu.wait_indirect_dma semaphore(%arg10 : memref<!tpu.dma_semaphore, #tpu.memory_space<semaphore_mem>>) src(%dma_wait3A_532 : memref<10240x80xf32, #tpu.memory_space<hbm>>) dst(%dma_wait3A_522 : memref<128x80xf32, #tpu.memory_space<vmem>>)
      %add3A_533 = arith.constant 0 : i32
      %add3A_534 = arith.addi %mul3A_516, %add3A_533 : i32
      %dma_start3A_535 = arith.constant 0 : i32
      %dma_start3A_536 = arith.constant 0 : i32
      %dma_start3A_537 = arith.constant 0 : i32
      %dma_start3A_538 = tpu.memref_slice %arg8[%dma_start3A_535, %dma_start3A_536, %dma_start3A_537] : memref<4x128x80xf32, #tpu.memory_space<vmem>> -> memref<1x128x80xf32, #tpu.memory_space<vmem>>
      %dma_start3A_539 = tpu.memref_squeeze %dma_start3A_538 : memref<1x128x80xf32, #tpu.memory_space<vmem>> -> memref<128x80xf32, #tpu.memory_space<vmem>>
      %dma_start3A_540 = arith.constant 0 : i32
      %dma_start3A_541 = tpu.memref_slice %arg7[%add3A_534, %dma_start3A_540] : memref<80x128xi32, #tpu.memory_space<vmem>> -> memref<1x128xi32, #tpu.memory_space<vmem>>
      %dma_start3A_542 = tpu.memref_squeeze %dma_start3A_541 : memref<1x128xi32, #tpu.memory_space<vmem>> -> memref<128xi32, #tpu.memory_space<vmem>>
      %dma_start3A_543 = arith.constant 0 : i32
      %dma_start3A_544 = arith.constant 0 : i32
      %dma_start3A_545 = tpu.memref_slice %arg9[%dma_start3A_543, %dma_start3A_544] : memref<10240x80xf32, #tpu.memory_space<vmem_shared>> -> memref<10240x80xf32, #tpu.memory_space<vmem_shared>>
      tpu.enqueue_indirect_dma source(%dma_start3A_539 : memref<128x80xf32, #tpu.memory_space<vmem>>) target(%dma_start3A_545 : memref<10240x80xf32, #tpu.memory_space<vmem_shared>>) offsets(%dma_start3A_542 : memref<128xi32, #tpu.memory_space<vmem>>) semaphore(%arg14 : memref<!tpu.dma_semaphore, #tpu.memory_space<semaphore_mem>>) {add = true}
      %dma_wait3A_546 = arith.constant 0 : i32
      %dma_wait3A_547 = arith.constant 1 : i32
      %dma_wait3A_548 = arith.constant 0 : i32
      %dma_wait3A_549 = arith.constant 0 : i32
      %dma_wait3A_550 = tpu.memref_slice %arg8[%dma_wait3A_547, %dma_wait3A_548, %dma_wait3A_549] : memref<4x128x80xf32, #tpu.memory_space<vmem>> -> memref<1x128x80xf32, #tpu.memory_space<vmem>>
      %dma_wait3A_551 = tpu.memref_squeeze %dma_wait3A_550 : memref<1x128x80xf32, #tpu.memory_space<vmem>> -> memref<128x80xf32, #tpu.memory_space<vmem>>
      %dma_wait3A_552 = arith.constant 0 : i32
      %dma_wait3A_553 = tpu.memref_slice %arg6[%dma_wait3A_546, %dma_wait3A_552] : memref<80x128xi32, #tpu.memory_space<vmem>> -> memref<1x128xi32, #tpu.memory_space<vmem>>
      %dma_wait3A_554 = tpu.memref_squeeze %dma_wait3A_553 : memref<1x128xi32, #tpu.memory_space<vmem>> -> memref<128xi32, #tpu.memory_space<vmem>>
      %dma_wait3A_555 = arith.constant 0 : i32
      %dma_wait3A_556 = arith.constant 0 : i32
      %dma_wait3A_557 = tpu.memref_slice %arg2[%arg0, %dma_wait3A_555, %dma_wait3A_556] : memref<2x10240x80xf32, #tpu.memory_space<hbm>> -> memref<1x10240x80xf32, #tpu.memory_space<hbm>>
      %dma_wait3A_558 = tpu.memref_squeeze %dma_wait3A_557 : memref<1x10240x80xf32, #tpu.memory_space<hbm>> -> memref<10240x80xf32, #tpu.memory_space<hbm>>
      %dma_wait3A_559 = arith.constant 0 : i32
      %dma_wait3A_560 = arith.constant 0 : i32
      %dma_wait3A_561 = tpu.memref_slice %dma_wait3A_558[%dma_wait3A_559, %dma_wait3A_560] : memref<10240x80xf32, #tpu.memory_space<hbm>> -> memref<10240x80xf32, #tpu.memory_space<hbm>>
      tpu.wait_indirect_dma semaphore(%arg11 : memref<!tpu.dma_semaphore, #tpu.memory_space<semaphore_mem>>) src(%dma_wait3A_561 : memref<10240x80xf32, #tpu.memory_space<hbm>>) dst(%dma_wait3A_551 : memref<128x80xf32, #tpu.memory_space<vmem>>)
      %add3A_562 = arith.constant 1 : i32
      %add3A_563 = arith.addi %mul3A_516, %add3A_562 : i32
      %dma_start3A_564 = arith.constant 1 : i32
      %dma_start3A_565 = arith.constant 0 : i32
      %dma_start3A_566 = arith.constant 0 : i32
      %dma_start3A_567 = tpu.memref_slice %arg8[%dma_start3A_564, %dma_start3A_565, %dma_start3A_566] : memref<4x128x80xf32, #tpu.memory_space<vmem>> -> memref<1x128x80xf32, #tpu.memory_space<vmem>>
      %dma_start3A_568 = tpu.memref_squeeze %dma_start3A_567 : memref<1x128x80xf32, #tpu.memory_space<vmem>> -> memref<128x80xf32, #tpu.memory_space<vmem>>
      %dma_start3A_569 = arith.constant 0 : i32
      %dma_start3A_570 = tpu.memref_slice %arg7[%add3A_563, %dma_start3A_569] : memref<80x128xi32, #tpu.memory_space<vmem>> -> memref<1x128xi32, #tpu.memory_space<vmem>>
      %dma_start3A_571 = tpu.memref_squeeze %dma_start3A_570 : memref<1x128xi32, #tpu.memory_space<vmem>> -> memref<128xi32, #tpu.memory_space<vmem>>
      %dma_start3A_572 = arith.constant 0 : i32
      %dma_start3A_573 = arith.constant 0 : i32
      %dma_start3A_574 = tpu.memref_slice %arg9[%dma_start3A_572, %dma_start3A_573] : memref<10240x80xf32, #tpu.memory_space<vmem_shared>> -> memref<10240x80xf32, #tpu.memory_space<vmem_shared>>
      tpu.enqueue_indirect_dma source(%dma_start3A_568 : memref<128x80xf32, #tpu.memory_space<vmem>>) target(%dma_start3A_574 : memref<10240x80xf32, #tpu.memory_space<vmem_shared>>) offsets(%dma_start3A_571 : memref<128xi32, #tpu.memory_space<vmem>>) semaphore(%arg15 : memref<!tpu.dma_semaphore, #tpu.memory_space<semaphore_mem>>) {add = true}
      %dma_wait3A_575 = arith.constant 0 : i32
      %dma_wait3A_576 = arith.constant 2 : i32
      %dma_wait3A_577 = arith.constant 0 : i32
      %dma_wait3A_578 = arith.constant 0 : i32
      %dma_wait3A_579 = tpu.memref_slice %arg8[%dma_wait3A_576, %dma_wait3A_577, %dma_wait3A_578] : memref<4x128x80xf32, #tpu.memory_space<vmem>> -> memref<1x128x80xf32, #tpu.memory_space<vmem>>
      %dma_wait3A_580 = tpu.memref_squeeze %dma_wait3A_579 : memref<1x128x80xf32, #tpu.memory_space<vmem>> -> memref<128x80xf32, #tpu.memory_space<vmem>>
      %dma_wait3A_581 = arith.constant 0 : i32
      %dma_wait3A_582 = tpu.memref_slice %arg6[%dma_wait3A_575, %dma_wait3A_581] : memref<80x128xi32, #tpu.memory_space<vmem>> -> memref<1x128xi32, #tpu.memory_space<vmem>>
      %dma_wait3A_583 = tpu.memref_squeeze %dma_wait3A_582 : memref<1x128xi32, #tpu.memory_space<vmem>> -> memref<128xi32, #tpu.memory_space<vmem>>
      %dma_wait3A_584 = arith.constant 0 : i32
      %dma_wait3A_585 = arith.constant 0 : i32
      %dma_wait3A_586 = tpu.memref_slice %arg2[%arg0, %dma_wait3A_584, %dma_wait3A_585] : memref<2x10240x80xf32, #tpu.memory_space<hbm>> -> memref<1x10240x80xf32, #tpu.memory_space<hbm>>
      %dma_wait3A_587 = tpu.memref_squeeze %dma_wait3A_586 : memref<1x10240x80xf32, #tpu.memory_space<hbm>> -> memref<10240x80xf32, #tpu.memory_space<hbm>>
      %dma_wait3A_588 = arith.constant 0 : i32
      %dma_wait3A_589 = arith.constant 0 : i32
      %dma_wait3A_590 = tpu.memref_slice %dma_wait3A_587[%dma_wait3A_588, %dma_wait3A_589] : memref<10240x80xf32, #tpu.memory_space<hbm>> -> memref<10240x80xf32, #tpu.memory_space<hbm>>
      tpu.wait_indirect_dma semaphore(%arg12 : memref<!tpu.dma_semaphore, #tpu.memory_space<semaphore_mem>>) src(%dma_wait3A_590 : memref<10240x80xf32, #tpu.memory_space<hbm>>) dst(%dma_wait3A_580 : memref<128x80xf32, #tpu.memory_space<vmem>>)
      %add3A_591 = arith.constant 2 : i32
      %add3A_592 = arith.addi %mul3A_516, %add3A_591 : i32
      %dma_start3A_593 = arith.constant 2 : i32
      %dma_start3A_594 = arith.constant 0 : i32
      %dma_start3A_595 = arith.constant 0 : i32
      %dma_start3A_596 = tpu.memref_slice %arg8[%dma_start3A_593, %dma_start3A_594, %dma_start3A_595] : memref<4x128x80xf32, #tpu.memory_space<vmem>> -> memref<1x128x80xf32, #tpu.memory_space<vmem>>
      %dma_start3A_597 = tpu.memref_squeeze %dma_start3A_596 : memref<1x128x80xf32, #tpu.memory_space<vmem>> -> memref<128x80xf32, #tpu.memory_space<vmem>>
      %dma_start3A_598 = arith.constant 0 : i32
      %dma_start3A_599 = tpu.memref_slice %arg7[%add3A_592, %dma_start3A_598] : memref<80x128xi32, #tpu.memory_space<vmem>> -> memref<1x128xi32, #tpu.memory_space<vmem>>
      %dma_start3A_600 = tpu.memref_squeeze %dma_start3A_599 : memref<1x128xi32, #tpu.memory_space<vmem>> -> memref<128xi32, #tpu.memory_space<vmem>>
      %dma_start3A_601 = arith.constant 0 : i32
      %dma_start3A_602 = arith.constant 0 : i32
      %dma_start3A_603 = tpu.memref_slice %arg9[%dma_start3A_601, %dma_start3A_602] : memref<10240x80xf32, #tpu.memory_space<vmem_shared>> -> memref<10240x80xf32, #tpu.memory_space<vmem_shared>>
      tpu.enqueue_indirect_dma source(%dma_start3A_597 : memref<128x80xf32, #tpu.memory_space<vmem>>) target(%dma_start3A_603 : memref<10240x80xf32, #tpu.memory_space<vmem_shared>>) offsets(%dma_start3A_600 : memref<128xi32, #tpu.memory_space<vmem>>) semaphore(%arg16 : memref<!tpu.dma_semaphore, #tpu.memory_space<semaphore_mem>>) {add = true}
      %dma_wait3A_604 = arith.constant 0 : i32
      %dma_wait3A_605 = arith.constant 3 : i32
      %dma_wait3A_606 = arith.constant 0 : i32
      %dma_wait3A_607 = arith.constant 0 : i32
      %dma_wait3A_608 = tpu.memref_slice %arg8[%dma_wait3A_605, %dma_wait3A_606, %dma_wait3A_607] : memref<4x128x80xf32, #tpu.memory_space<vmem>> -> memref<1x128x80xf32, #tpu.memory_space<vmem>>
      %dma_wait3A_609 = tpu.memref_squeeze %dma_wait3A_608 : memref<1x128x80xf32, #tpu.memory_space<vmem>> -> memref<128x80xf32, #tpu.memory_space<vmem>>
      %dma_wait3A_610 = arith.constant 0 : i32
      %dma_wait3A_611 = tpu.memref_slice %arg6[%dma_wait3A_604, %dma_wait3A_610] : memref<80x128xi32, #tpu.memory_space<vmem>> -> memref<1x128xi32, #tpu.memory_space<vmem>>
      %dma_wait3A_612 = tpu.memref_squeeze %dma_wait3A_611 : memref<1x128xi32, #tpu.memory_space<vmem>> -> memref<128xi32, #tpu.memory_space<vmem>>
      %dma_wait3A_613 = arith.constant 0 : i32
      %dma_wait3A_614 = arith.constant 0 : i32
      %dma_wait3A_615 = tpu.memref_slice %arg2[%arg0, %dma_wait3A_613, %dma_wait3A_614] : memref<2x10240x80xf32, #tpu.memory_space<hbm>> -> memref<1x10240x80xf32, #tpu.memory_space<hbm>>
      %dma_wait3A_616 = tpu.memref_squeeze %dma_wait3A_615 : memref<1x10240x80xf32, #tpu.memory_space<hbm>> -> memref<10240x80xf32, #tpu.memory_space<hbm>>
      %dma_wait3A_617 = arith.constant 0 : i32
      %dma_wait3A_618 = arith.constant 0 : i32
      %dma_wait3A_619 = tpu.memref_slice %dma_wait3A_616[%dma_wait3A_617, %dma_wait3A_618] : memref<10240x80xf32, #tpu.memory_space<hbm>> -> memref<10240x80xf32, #tpu.memory_space<hbm>>
      tpu.wait_indirect_dma semaphore(%arg13 : memref<!tpu.dma_semaphore, #tpu.memory_space<semaphore_mem>>) src(%dma_wait3A_619 : memref<10240x80xf32, #tpu.memory_space<hbm>>) dst(%dma_wait3A_609 : memref<128x80xf32, #tpu.memory_space<vmem>>)
      %add3A_620 = arith.constant 3 : i32
      %add3A_621 = arith.addi %mul3A_516, %add3A_620 : i32
      %dma_start3A_622 = arith.constant 3 : i32
      %dma_start3A_623 = arith.constant 0 : i32
      %dma_start3A_624 = arith.constant 0 : i32
      %dma_start3A_625 = tpu.memref_slice %arg8[%dma_start3A_622, %dma_start3A_623, %dma_start3A_624] : memref<4x128x80xf32, #tpu.memory_space<vmem>> -> memref<1x128x80xf32, #tpu.memory_space<vmem>>
      %dma_start3A_626 = tpu.memref_squeeze %dma_start3A_625 : memref<1x128x80xf32, #tpu.memory_space<vmem>> -> memref<128x80xf32, #tpu.memory_space<vmem>>
      %dma_start3A_627 = arith.constant 0 : i32
      %dma_start3A_628 = tpu.memref_slice %arg7[%add3A_621, %dma_start3A_627] : memref<80x128xi32, #tpu.memory_space<vmem>> -> memref<1x128xi32, #tpu.memory_space<vmem>>
      %dma_start3A_629 = tpu.memref_squeeze %dma_start3A_628 : memref<1x128xi32, #tpu.memory_space<vmem>> -> memref<128xi32, #tpu.memory_space<vmem>>
      %dma_start3A_630 = arith.constant 0 : i32
      %dma_start3A_631 = arith.constant 0 : i32
      %dma_start3A_632 = tpu.memref_slice %arg9[%dma_start3A_630, %dma_start3A_631] : memref<10240x80xf32, #tpu.memory_space<vmem_shared>> -> memref<10240x80xf32, #tpu.memory_space<vmem_shared>>
      tpu.enqueue_indirect_dma source(%dma_start3A_626 : memref<128x80xf32, #tpu.memory_space<vmem>>) target(%dma_start3A_632 : memref<10240x80xf32, #tpu.memory_space<vmem_shared>>) offsets(%dma_start3A_629 : memref<128xi32, #tpu.memory_space<vmem>>) semaphore(%arg17 : memref<!tpu.dma_semaphore, #tpu.memory_space<semaphore_mem>>) {add = true}
      %add3A_633 = arith.constant 4 : i32
      %add3A_634 = arith.addi %mul3A_516, %add3A_633 : i32
      %lt3A = arith.constant 80 : i32
      %lt3A_635 = arith.cmpi slt, %add3A_634, %lt3A : i32
      %convert_element_type3A = arith.extui %lt3A_635 : i1 to i32
      %cond3A = arith.constant 0 : i32
      %cond3A_636 = arith.cmpi ne, %convert_element_type3A, %cond3A : i32
      scf.if %cond3A_636 {
        %dma_wait3A_637 = arith.constant 0 : i32
        %dma_wait3A_638 = arith.constant 0 : i32
        %dma_wait3A_639 = arith.constant 0 : i32
        %dma_wait3A_640 = arith.constant 0 : i32
        %dma_wait3A_641 = tpu.memref_slice %arg8[%dma_wait3A_637, %dma_wait3A_639, %dma_wait3A_640] : memref<4x128x80xf32, #tpu.memory_space<vmem>> -> memref<1x128x80xf32, #tpu.memory_space<vmem>>
        %dma_wait3A_642 = tpu.memref_squeeze %dma_wait3A_641 : memref<1x128x80xf32, #tpu.memory_space<vmem>> -> memref<128x80xf32, #tpu.memory_space<vmem>>
        %dma_wait3A_643 = arith.constant 0 : i32
        %dma_wait3A_644 = tpu.memref_slice %arg7[%dma_wait3A_638, %dma_wait3A_643] : memref<80x128xi32, #tpu.memory_space<vmem>> -> memref<1x128xi32, #tpu.memory_space<vmem>>
        %dma_wait3A_645 = tpu.memref_squeeze %dma_wait3A_644 : memref<1x128xi32, #tpu.memory_space<vmem>> -> memref<128xi32, #tpu.memory_space<vmem>>
        %dma_wait3A_646 = arith.constant 0 : i32
        %dma_wait3A_647 = arith.constant 0 : i32
        %dma_wait3A_648 = tpu.memref_slice %arg9[%dma_wait3A_646, %dma_wait3A_647] : memref<10240x80xf32, #tpu.memory_space<vmem_shared>> -> memref<10240x80xf32, #tpu.memory_space<vmem_shared>>
        tpu.wait_indirect_dma semaphore(%arg14 : memref<!tpu.dma_semaphore, #tpu.memory_space<semaphore_mem>>) src(%dma_wait3A_642 : memref<128x80xf32, #tpu.memory_space<vmem>>) dst(%dma_wait3A_648 : memref<10240x80xf32, #tpu.memory_space<vmem_shared>>)
        %add3A_649 = arith.constant 4 : i32
        %add3A_650 = arith.addi %mul3A_516, %add3A_649 : i32
        %add3A_651 = arith.constant 0 : i32
        %add3A_652 = arith.addi %add3A_650, %add3A_651 : i32
        %dma_start3A_653 = arith.constant 0 : i32
        %dma_start3A_654 = arith.constant 0 : i32
        %dma_start3A_655 = arith.constant 0 : i32
        %dma_start3A_656 = tpu.memref_slice %arg8[%dma_start3A_653, %dma_start3A_654, %dma_start3A_655] : memref<4x128x80xf32, #tpu.memory_space<vmem>> -> memref<1x128x80xf32, #tpu.memory_space<vmem>>
        %dma_start3A_657 = tpu.memref_squeeze %dma_start3A_656 : memref<1x128x80xf32, #tpu.memory_space<vmem>> -> memref<128x80xf32, #tpu.memory_space<vmem>>
        %dma_start3A_658 = arith.constant 0 : i32
        %dma_start3A_659 = tpu.memref_slice %arg6[%add3A_652, %dma_start3A_658] : memref<80x128xi32, #tpu.memory_space<vmem>> -> memref<1x128xi32, #tpu.memory_space<vmem>>
        %dma_start3A_660 = tpu.memref_squeeze %dma_start3A_659 : memref<1x128xi32, #tpu.memory_space<vmem>> -> memref<128xi32, #tpu.memory_space<vmem>>
        %dma_start3A_661 = arith.constant 0 : i32
        %dma_start3A_662 = arith.constant 0 : i32
        %dma_start3A_663 = tpu.memref_slice %arg2[%arg0, %dma_start3A_661, %dma_start3A_662] : memref<2x10240x80xf32, #tpu.memory_space<hbm>> -> memref<1x10240x80xf32, #tpu.memory_space<hbm>>
        %dma_start3A_664 = tpu.memref_squeeze %dma_start3A_663 : memref<1x10240x80xf32, #tpu.memory_space<hbm>> -> memref<10240x80xf32, #tpu.memory_space<hbm>>
        %dma_start3A_665 = arith.constant 0 : i32
        %dma_start3A_666 = arith.constant 0 : i32
        %dma_start3A_667 = tpu.memref_slice %dma_start3A_664[%dma_start3A_665, %dma_start3A_666] : memref<10240x80xf32, #tpu.memory_space<hbm>> -> memref<10240x80xf32, #tpu.memory_space<hbm>>
        tpu.enqueue_indirect_dma source(%dma_start3A_667 : memref<10240x80xf32, #tpu.memory_space<hbm>>) target(%dma_start3A_657 : memref<128x80xf32, #tpu.memory_space<vmem>>) offsets(%dma_start3A_660 : memref<128xi32, #tpu.memory_space<vmem>>) semaphore(%arg10 : memref<!tpu.dma_semaphore, #tpu.memory_space<semaphore_mem>>)
        %dma_wait3A_668 = arith.constant 1 : i32
        %dma_wait3A_669 = arith.constant 0 : i32
        %dma_wait3A_670 = arith.constant 0 : i32
        %dma_wait3A_671 = arith.constant 0 : i32
        %dma_wait3A_672 = tpu.memref_slice %arg8[%dma_wait3A_668, %dma_wait3A_670, %dma_wait3A_671] : memref<4x128x80xf32, #tpu.memory_space<vmem>> -> memref<1x128x80xf32, #tpu.memory_space<vmem>>
        %dma_wait3A_673 = tpu.memref_squeeze %dma_wait3A_672 : memref<1x128x80xf32, #tpu.memory_space<vmem>> -> memref<128x80xf32, #tpu.memory_space<vmem>>
        %dma_wait3A_674 = arith.constant 0 : i32
        %dma_wait3A_675 = tpu.memref_slice %arg7[%dma_wait3A_669, %dma_wait3A_674] : memref<80x128xi32, #tpu.memory_space<vmem>> -> memref<1x128xi32, #tpu.memory_space<vmem>>
        %dma_wait3A_676 = tpu.memref_squeeze %dma_wait3A_675 : memref<1x128xi32, #tpu.memory_space<vmem>> -> memref<128xi32, #tpu.memory_space<vmem>>
        %dma_wait3A_677 = arith.constant 0 : i32
        %dma_wait3A_678 = arith.constant 0 : i32
        %dma_wait3A_679 = tpu.memref_slice %arg9[%dma_wait3A_677, %dma_wait3A_678] : memref<10240x80xf32, #tpu.memory_space<vmem_shared>> -> memref<10240x80xf32, #tpu.memory_space<vmem_shared>>
        tpu.wait_indirect_dma semaphore(%arg15 : memref<!tpu.dma_semaphore, #tpu.memory_space<semaphore_mem>>) src(%dma_wait3A_673 : memref<128x80xf32, #tpu.memory_space<vmem>>) dst(%dma_wait3A_679 : memref<10240x80xf32, #tpu.memory_space<vmem_shared>>)
        %add3A_680 = arith.constant 4 : i32
        %add3A_681 = arith.addi %mul3A_516, %add3A_680 : i32
        %add3A_682 = arith.constant 1 : i32
        %add3A_683 = arith.addi %add3A_681, %add3A_682 : i32
        %dma_start3A_684 = arith.constant 1 : i32
        %dma_start3A_685 = arith.constant 0 : i32
        %dma_start3A_686 = arith.constant 0 : i32
        %dma_start3A_687 = tpu.memref_slice %arg8[%dma_start3A_684, %dma_start3A_685, %dma_start3A_686] : memref<4x128x80xf32, #tpu.memory_space<vmem>> -> memref<1x128x80xf32, #tpu.memory_space<vmem>>
        %dma_start3A_688 = tpu.memref_squeeze %dma_start3A_687 : memref<1x128x80xf32, #tpu.memory_space<vmem>> -> memref<128x80xf32, #tpu.memory_space<vmem>>
        %dma_start3A_689 = arith.constant 0 : i32
        %dma_start3A_690 = tpu.memref_slice %arg6[%add3A_683, %dma_start3A_689] : memref<80x128xi32, #tpu.memory_space<vmem>> -> memref<1x128xi32, #tpu.memory_space<vmem>>
        %dma_start3A_691 = tpu.memref_squeeze %dma_start3A_690 : memref<1x128xi32, #tpu.memory_space<vmem>> -> memref<128xi32, #tpu.memory_space<vmem>>
        %dma_start3A_692 = arith.constant 0 : i32
        %dma_start3A_693 = arith.constant 0 : i32
        %dma_start3A_694 = tpu.memref_slice %arg2[%arg0, %dma_start3A_692, %dma_start3A_693] : memref<2x10240x80xf32, #tpu.memory_space<hbm>> -> memref<1x10240x80xf32, #tpu.memory_space<hbm>>
        %dma_start3A_695 = tpu.memref_squeeze %dma_start3A_694 : memref<1x10240x80xf32, #tpu.memory_space<hbm>> -> memref<10240x80xf32, #tpu.memory_space<hbm>>
        %dma_start3A_696 = arith.constant 0 : i32
        %dma_start3A_697 = arith.constant 0 : i32
        %dma_start3A_698 = tpu.memref_slice %dma_start3A_695[%dma_start3A_696, %dma_start3A_697] : memref<10240x80xf32, #tpu.memory_space<hbm>> -> memref<10240x80xf32, #tpu.memory_space<hbm>>
        tpu.enqueue_indirect_dma source(%dma_start3A_698 : memref<10240x80xf32, #tpu.memory_space<hbm>>) target(%dma_start3A_688 : memref<128x80xf32, #tpu.memory_space<vmem>>) offsets(%dma_start3A_691 : memref<128xi32, #tpu.memory_space<vmem>>) semaphore(%arg11 : memref<!tpu.dma_semaphore, #tpu.memory_space<semaphore_mem>>)
        %dma_wait3A_699 = arith.constant 2 : i32
        %dma_wait3A_700 = arith.constant 0 : i32
        %dma_wait3A_701 = arith.constant 0 : i32
        %dma_wait3A_702 = arith.constant 0 : i32
        %dma_wait3A_703 = tpu.memref_slice %arg8[%dma_wait3A_699, %dma_wait3A_701, %dma_wait3A_702] : memref<4x128x80xf32, #tpu.memory_space<vmem>> -> memref<1x128x80xf32, #tpu.memory_space<vmem>>
        %dma_wait3A_704 = tpu.memref_squeeze %dma_wait3A_703 : memref<1x128x80xf32, #tpu.memory_space<vmem>> -> memref<128x80xf32, #tpu.memory_space<vmem>>
        %dma_wait3A_705 = arith.constant 0 : i32
        %dma_wait3A_706 = tpu.memref_slice %arg7[%dma_wait3A_700, %dma_wait3A_705] : memref<80x128xi32, #tpu.memory_space<vmem>> -> memref<1x128xi32, #tpu.memory_space<vmem>>
        %dma_wait3A_707 = tpu.memref_squeeze %dma_wait3A_706 : memref<1x128xi32, #tpu.memory_space<vmem>> -> memref<128xi32, #tpu.memory_space<vmem>>
        %dma_wait3A_708 = arith.constant 0 : i32
        %dma_wait3A_709 = arith.constant 0 : i32
        %dma_wait3A_710 = tpu.memref_slice %arg9[%dma_wait3A_708, %dma_wait3A_709] : memref<10240x80xf32, #tpu.memory_space<vmem_shared>> -> memref<10240x80xf32, #tpu.memory_space<vmem_shared>>
        tpu.wait_indirect_dma semaphore(%arg16 : memref<!tpu.dma_semaphore, #tpu.memory_space<semaphore_mem>>) src(%dma_wait3A_704 : memref<128x80xf32, #tpu.memory_space<vmem>>) dst(%dma_wait3A_710 : memref<10240x80xf32, #tpu.memory_space<vmem_shared>>)
        %add3A_711 = arith.constant 4 : i32
        %add3A_712 = arith.addi %mul3A_516, %add3A_711 : i32
        %add3A_713 = arith.constant 2 : i32
        %add3A_714 = arith.addi %add3A_712, %add3A_713 : i32
        %dma_start3A_715 = arith.constant 2 : i32
        %dma_start3A_716 = arith.constant 0 : i32
        %dma_start3A_717 = arith.constant 0 : i32
        %dma_start3A_718 = tpu.memref_slice %arg8[%dma_start3A_715, %dma_start3A_716, %dma_start3A_717] : memref<4x128x80xf32, #tpu.memory_space<vmem>> -> memref<1x128x80xf32, #tpu.memory_space<vmem>>
        %dma_start3A_719 = tpu.memref_squeeze %dma_start3A_718 : memref<1x128x80xf32, #tpu.memory_space<vmem>> -> memref<128x80xf32, #tpu.memory_space<vmem>>
        %dma_start3A_720 = arith.constant 0 : i32
        %dma_start3A_721 = tpu.memref_slice %arg6[%add3A_714, %dma_start3A_720] : memref<80x128xi32, #tpu.memory_space<vmem>> -> memref<1x128xi32, #tpu.memory_space<vmem>>
        %dma_start3A_722 = tpu.memref_squeeze %dma_start3A_721 : memref<1x128xi32, #tpu.memory_space<vmem>> -> memref<128xi32, #tpu.memory_space<vmem>>
        %dma_start3A_723 = arith.constant 0 : i32
        %dma_start3A_724 = arith.constant 0 : i32
        %dma_start3A_725 = tpu.memref_slice %arg2[%arg0, %dma_start3A_723, %dma_start3A_724] : memref<2x10240x80xf32, #tpu.memory_space<hbm>> -> memref<1x10240x80xf32, #tpu.memory_space<hbm>>
        %dma_start3A_726 = tpu.memref_squeeze %dma_start3A_725 : memref<1x10240x80xf32, #tpu.memory_space<hbm>> -> memref<10240x80xf32, #tpu.memory_space<hbm>>
        %dma_start3A_727 = arith.constant 0 : i32
        %dma_start3A_728 = arith.constant 0 : i32
        %dma_start3A_729 = tpu.memref_slice %dma_start3A_726[%dma_start3A_727, %dma_start3A_728] : memref<10240x80xf32, #tpu.memory_space<hbm>> -> memref<10240x80xf32, #tpu.memory_space<hbm>>
        tpu.enqueue_indirect_dma source(%dma_start3A_729 : memref<10240x80xf32, #tpu.memory_space<hbm>>) target(%dma_start3A_719 : memref<128x80xf32, #tpu.memory_space<vmem>>) offsets(%dma_start3A_722 : memref<128xi32, #tpu.memory_space<vmem>>) semaphore(%arg12 : memref<!tpu.dma_semaphore, #tpu.memory_space<semaphore_mem>>)
        %dma_wait3A_730 = arith.constant 3 : i32
        %dma_wait3A_731 = arith.constant 0 : i32
        %dma_wait3A_732 = arith.constant 0 : i32
        %dma_wait3A_733 = arith.constant 0 : i32
        %dma_wait3A_734 = tpu.memref_slice %arg8[%dma_wait3A_730, %dma_wait3A_732, %dma_wait3A_733] : memref<4x128x80xf32, #tpu.memory_space<vmem>> -> memref<1x128x80xf32, #tpu.memory_space<vmem>>
        %dma_wait3A_735 = tpu.memref_squeeze %dma_wait3A_734 : memref<1x128x80xf32, #tpu.memory_space<vmem>> -> memref<128x80xf32, #tpu.memory_space<vmem>>
        %dma_wait3A_736 = arith.constant 0 : i32
        %dma_wait3A_737 = tpu.memref_slice %arg7[%dma_wait3A_731, %dma_wait3A_736] : memref<80x128xi32, #tpu.memory_space<vmem>> -> memref<1x128xi32, #tpu.memory_space<vmem>>
        %dma_wait3A_738 = tpu.memref_squeeze %dma_wait3A_737 : memref<1x128xi32, #tpu.memory_space<vmem>> -> memref<128xi32, #tpu.memory_space<vmem>>
        %dma_wait3A_739 = arith.constant 0 : i32
        %dma_wait3A_740 = arith.constant 0 : i32
        %dma_wait3A_741 = tpu.memref_slice %arg9[%dma_wait3A_739, %dma_wait3A_740] : memref<10240x80xf32, #tpu.memory_space<vmem_shared>> -> memref<10240x80xf32, #tpu.memory_space<vmem_shared>>
        tpu.wait_indirect_dma semaphore(%arg17 : memref<!tpu.dma_semaphore, #tpu.memory_space<semaphore_mem>>) src(%dma_wait3A_735 : memref<128x80xf32, #tpu.memory_space<vmem>>) dst(%dma_wait3A_741 : memref<10240x80xf32, #tpu.memory_space<vmem_shared>>)
        %add3A_742 = arith.constant 4 : i32
        %add3A_743 = arith.addi %mul3A_516, %add3A_742 : i32
        %add3A_744 = arith.constant 3 : i32
        %add3A_745 = arith.addi %add3A_743, %add3A_744 : i32
        %dma_start3A_746 = arith.constant 3 : i32
        %dma_start3A_747 = arith.constant 0 : i32
        %dma_start3A_748 = arith.constant 0 : i32
        %dma_start3A_749 = tpu.memref_slice %arg8[%dma_start3A_746, %dma_start3A_747, %dma_start3A_748] : memref<4x128x80xf32, #tpu.memory_space<vmem>> -> memref<1x128x80xf32, #tpu.memory_space<vmem>>
        %dma_start3A_750 = tpu.memref_squeeze %dma_start3A_749 : memref<1x128x80xf32, #tpu.memory_space<vmem>> -> memref<128x80xf32, #tpu.memory_space<vmem>>
        %dma_start3A_751 = arith.constant 0 : i32
        %dma_start3A_752 = tpu.memref_slice %arg6[%add3A_745, %dma_start3A_751] : memref<80x128xi32, #tpu.memory_space<vmem>> -> memref<1x128xi32, #tpu.memory_space<vmem>>
        %dma_start3A_753 = tpu.memref_squeeze %dma_start3A_752 : memref<1x128xi32, #tpu.memory_space<vmem>> -> memref<128xi32, #tpu.memory_space<vmem>>
        %dma_start3A_754 = arith.constant 0 : i32
        %dma_start3A_755 = arith.constant 0 : i32
        %dma_start3A_756 = tpu.memref_slice %arg2[%arg0, %dma_start3A_754, %dma_start3A_755] : memref<2x10240x80xf32, #tpu.memory_space<hbm>> -> memref<1x10240x80xf32, #tpu.memory_space<hbm>>
        %dma_start3A_757 = tpu.memref_squeeze %dma_start3A_756 : memref<1x10240x80xf32, #tpu.memory_space<hbm>> -> memref<10240x80xf32, #tpu.memory_space<hbm>>
        %dma_start3A_758 = arith.constant 0 : i32
        %dma_start3A_759 = arith.constant 0 : i32
        %dma_start3A_760 = tpu.memref_slice %dma_start3A_757[%dma_start3A_758, %dma_start3A_759] : memref<10240x80xf32, #tpu.memory_space<hbm>> -> memref<10240x80xf32, #tpu.memory_space<hbm>>
        tpu.enqueue_indirect_dma source(%dma_start3A_760 : memref<10240x80xf32, #tpu.memory_space<hbm>>) target(%dma_start3A_750 : memref<128x80xf32, #tpu.memory_space<vmem>>) offsets(%dma_start3A_753 : memref<128xi32, #tpu.memory_space<vmem>>) semaphore(%arg13 : memref<!tpu.dma_semaphore, #tpu.memory_space<semaphore_mem>>)
      } else {
      }
    }
    %scan3A_460 = arith.constant 20 : i32
    %dma_wait3A_461 = arith.constant 0 : i32
    %dma_wait3A_462 = arith.constant 0 : i32
    %dma_wait3A_463 = arith.constant 0 : i32
    %dma_wait3A_464 = arith.constant 0 : i32
    %dma_wait3A_465 = tpu.memref_slice %arg8[%dma_wait3A_461, %dma_wait3A_463, %dma_wait3A_464] : memref<4x128x80xf32, #tpu.memory_space<vmem>> -> memref<1x128x80xf32, #tpu.memory_space<vmem>>
    %dma_wait3A_466 = tpu.memref_squeeze %dma_wait3A_465 : memref<1x128x80xf32, #tpu.memory_space<vmem>> -> memref<128x80xf32, #tpu.memory_space<vmem>>
    %dma_wait3A_467 = arith.constant 0 : i32
    %dma_wait3A_468 = tpu.memref_slice %arg7[%dma_wait3A_462, %dma_wait3A_467] : memref<80x128xi32, #tpu.memory_space<vmem>> -> memref<1x128xi32, #tpu.memory_space<vmem>>
    %dma_wait3A_469 = tpu.memref_squeeze %dma_wait3A_468 : memref<1x128xi32, #tpu.memory_space<vmem>> -> memref<128xi32, #tpu.memory_space<vmem>>
    %dma_wait3A_470 = arith.constant 0 : i32
    %dma_wait3A_471 = arith.constant 0 : i32
    %dma_wait3A_472 = tpu.memref_slice %arg9[%dma_wait3A_470, %dma_wait3A_471] : memref<10240x80xf32, #tpu.memory_space<vmem_shared>> -> memref<10240x80xf32, #tpu.memory_space<vmem_shared>>
    tpu.wait_indirect_dma semaphore(%arg14 : memref<!tpu.dma_semaphore, #tpu.memory_space<semaphore_mem>>) src(%dma_wait3A_466 : memref<128x80xf32, #tpu.memory_space<vmem>>) dst(%dma_wait3A_472 : memref<10240x80xf32, #tpu.memory_space<vmem_shared>>)
    %dma_wait3A_473 = arith.constant 1 : i32
    %dma_wait3A_474 = arith.constant 0 : i32
    %dma_wait3A_475 = arith.constant 0 : i32
    %dma_wait3A_476 = arith.constant 0 : i32
    %dma_wait3A_477 = tpu.memref_slice %arg8[%dma_wait3A_473, %dma_wait3A_475, %dma_wait3A_476] : memref<4x128x80xf32, #tpu.memory_space<vmem>> -> memref<1x128x80xf32, #tpu.memory_space<vmem>>
    %dma_wait3A_478 = tpu.memref_squeeze %dma_wait3A_477 : memref<1x128x80xf32, #tpu.memory_space<vmem>> -> memref<128x80xf32, #tpu.memory_space<vmem>>
    %dma_wait3A_479 = arith.constant 0 : i32
    %dma_wait3A_480 = tpu.memref_slice %arg7[%dma_wait3A_474, %dma_wait3A_479] : memref<80x128xi32, #tpu.memory_space<vmem>> -> memref<1x128xi32, #tpu.memory_space<vmem>>
    %dma_wait3A_481 = tpu.memref_squeeze %dma_wait3A_480 : memref<1x128xi32, #tpu.memory_space<vmem>> -> memref<128xi32, #tpu.memory_space<vmem>>
    %dma_wait3A_482 = arith.constant 0 : i32
    %dma_wait3A_483 = arith.constant 0 : i32
    %dma_wait3A_484 = tpu.memref_slice %arg9[%dma_wait3A_482, %dma_wait3A_483] : memref<10240x80xf32, #tpu.memory_space<vmem_shared>> -> memref<10240x80xf32, #tpu.memory_space<vmem_shared>>
    tpu.wait_indirect_dma semaphore(%arg15 : memref<!tpu.dma_semaphore, #tpu.memory_space<semaphore_mem>>) src(%dma_wait3A_478 : memref<128x80xf32, #tpu.memory_space<vmem>>) dst(%dma_wait3A_484 : memref<10240x80xf32, #tpu.memory_space<vmem_shared>>)
    %dma_wait3A_485 = arith.constant 2 : i32
    %dma_wait3A_486 = arith.constant 0 : i32
    %dma_wait3A_487 = arith.constant 0 : i32
    %dma_wait3A_488 = arith.constant 0 : i32
    %dma_wait3A_489 = tpu.memref_slice %arg8[%dma_wait3A_485, %dma_wait3A_487, %dma_wait3A_488] : memref<4x128x80xf32, #tpu.memory_space<vmem>> -> memref<1x128x80xf32, #tpu.memory_space<vmem>>
    %dma_wait3A_490 = tpu.memref_squeeze %dma_wait3A_489 : memref<1x128x80xf32, #tpu.memory_space<vmem>> -> memref<128x80xf32, #tpu.memory_space<vmem>>
    %dma_wait3A_491 = arith.constant 0 : i32
    %dma_wait3A_492 = tpu.memref_slice %arg7[%dma_wait3A_486, %dma_wait3A_491] : memref<80x128xi32, #tpu.memory_space<vmem>> -> memref<1x128xi32, #tpu.memory_space<vmem>>
    %dma_wait3A_493 = tpu.memref_squeeze %dma_wait3A_492 : memref<1x128xi32, #tpu.memory_space<vmem>> -> memref<128xi32, #tpu.memory_space<vmem>>
    %dma_wait3A_494 = arith.constant 0 : i32
    %dma_wait3A_495 = arith.constant 0 : i32
    %dma_wait3A_496 = tpu.memref_slice %arg9[%dma_wait3A_494, %dma_wait3A_495] : memref<10240x80xf32, #tpu.memory_space<vmem_shared>> -> memref<10240x80xf32, #tpu.memory_space<vmem_shared>>
    tpu.wait_indirect_dma semaphore(%arg16 : memref<!tpu.dma_semaphore, #tpu.memory_space<semaphore_mem>>) src(%dma_wait3A_490 : memref<128x80xf32, #tpu.memory_space<vmem>>) dst(%dma_wait3A_496 : memref<10240x80xf32, #tpu.memory_space<vmem_shared>>)
    %dma_wait3A_497 = arith.constant 3 : i32
    %dma_wait3A_498 = arith.constant 0 : i32
    %dma_wait3A_499 = arith.constant 0 : i32
    %dma_wait3A_500 = arith.constant 0 : i32
    %dma_wait3A_501 = tpu.memref_slice %arg8[%dma_wait3A_497, %dma_wait3A_499, %dma_wait3A_500] : memref<4x128x80xf32, #tpu.memory_space<vmem>> -> memref<1x128x80xf32, #tpu.memory_space<vmem>>
    %dma_wait3A_502 = tpu.memref_squeeze %dma_wait3A_501 : memref<1x128x80xf32, #tpu.memory_space<vmem>> -> memref<128x80xf32, #tpu.memory_space<vmem>>
    %dma_wait3A_503 = arith.constant 0 : i32
    %dma_wait3A_504 = tpu.memref_slice %arg7[%dma_wait3A_498, %dma_wait3A_503] : memref<80x128xi32, #tpu.memory_space<vmem>> -> memref<1x128xi32, #tpu.memory_space<vmem>>
    %dma_wait3A_505 = tpu.memref_squeeze %dma_wait3A_504 : memref<1x128xi32, #tpu.memory_space<vmem>> -> memref<128xi32, #tpu.memory_space<vmem>>
    %dma_wait3A_506 = arith.constant 0 : i32
    %dma_wait3A_507 = arith.constant 0 : i32
    %dma_wait3A_508 = tpu.memref_slice %arg9[%dma_wait3A_506, %dma_wait3A_507] : memref<10240x80xf32, #tpu.memory_space<vmem_shared>> -> memref<10240x80xf32, #tpu.memory_space<vmem_shared>>
    tpu.wait_indirect_dma semaphore(%arg17 : memref<!tpu.dma_semaphore, #tpu.memory_space<semaphore_mem>>) src(%dma_wait3A_502 : memref<128x80xf32, #tpu.memory_space<vmem>>) dst(%dma_wait3A_508 : memref<10240x80xf32, #tpu.memory_space<vmem_shared>>)
    %barrier3A_509 = arith.constant 0 : index
    tpu.barrier barrier_id(%barrier3A_509)
    %mul3A_510 = arith.constant 640 : i32
    %mul3A_511 = arith.muli %arg1, %mul3A_510 : i32
    %mul3A_512 = arith.constant 640 : i32
    %mul3A_513 = arith.muli %arg1, %mul3A_512 : i32
    "tpu.region"() ({
      %run_scoped3A = tpu.sem_alloc : memref<!tpu.dma_semaphore, #tpu.memory_space<semaphore_mem>>
      %dma_start3A_514 = arith.constant 0 : i32
      %dma_start3A_515 = arith.constant 0 : i32
      %dma_start3A_516 = tpu.memref_slice %arg5[%arg0, %dma_start3A_514, %dma_start3A_515] : memref<2x10240x80xf32, #tpu.memory_space<hbm>> -> memref<1x10240x80xf32, #tpu.memory_space<hbm>>
      %dma_start3A_517 = tpu.memref_squeeze %dma_start3A_516 : memref<1x10240x80xf32, #tpu.memory_space<hbm>> -> memref<10240x80xf32, #tpu.memory_space<hbm>>
      %dma_start3A_518 = arith.constant 0 : i32
      %dma_start3A_519 = tpu.memref_slice %dma_start3A_517[%mul3A_513, %dma_start3A_518] : memref<10240x80xf32, #tpu.memory_space<hbm>> -> memref<640x80xf32, #tpu.memory_space<hbm>>
      %dma_start3A_520 = arith.constant 0 : i32
      %dma_start3A_521 = tpu.memref_slice %arg9[%mul3A_511, %dma_start3A_520] : memref<10240x80xf32, #tpu.memory_space<vmem_shared>> -> memref<640x80xf32, #tpu.memory_space<vmem_shared>>
      tpu.enqueue_dma source(%dma_start3A_521 : memref<640x80xf32, #tpu.memory_space<vmem_shared>>) target(%dma_start3A_519 : memref<640x80xf32, #tpu.memory_space<hbm>>) target_semaphore(%run_scoped3A : memref<!tpu.dma_semaphore, #tpu.memory_space<semaphore_mem>>)
      %dma_wait3A_522 = arith.constant 0 : i32
      %dma_wait3A_523 = arith.constant 0 : i32
      %dma_wait3A_524 = tpu.memref_slice %arg5[%arg0, %dma_wait3A_522, %dma_wait3A_523] : memref<2x10240x80xf32, #tpu.memory_space<hbm>> -> memref<1x10240x80xf32, #tpu.memory_space<hbm>>
      %dma_wait3A_525 = tpu.memref_squeeze %dma_wait3A_524 : memref<1x10240x80xf32, #tpu.memory_space<hbm>> -> memref<10240x80xf32, #tpu.memory_space<hbm>>
      %dma_wait3A_526 = arith.constant 0 : i32
      %dma_wait3A_527 = tpu.memref_slice %dma_wait3A_525[%mul3A_513, %dma_wait3A_526] : memref<10240x80xf32, #tpu.memory_space<hbm>> -> memref<640x80xf32, #tpu.memory_space<hbm>>
      %dma_wait3A_528 = arith.constant 0 : i32
      %dma_wait3A_529 = tpu.memref_slice %arg9[%mul3A_511, %dma_wait3A_528] : memref<10240x80xf32, #tpu.memory_space<vmem_shared>> -> memref<640x80xf32, #tpu.memory_space<vmem_shared>>
      tpu.wait_dma2 semaphore(%run_scoped3A : memref<!tpu.dma_semaphore, #tpu.memory_space<semaphore_mem>>) src(%dma_wait3A_529 : memref<640x80xf32, #tpu.memory_space<vmem_shared>>) dst(%dma_wait3A_527 : memref<640x80xf32, #tpu.memory_space<hbm>>)
      tpu.yield
    }) : () -> ()
    return
  }
}

module attributes {stable_mosaic.version = 14 : i64} {
  func.func @_mm_first_body(%arg0: i32, %arg1: memref<400x300xf32, #tpu.memory_space<vmem>>, %arg2: memref<300x160xf32, #tpu.memory_space<vmem>>, %arg3: memref<2x400x80xf32, #tpu.memory_space<vmem>>) attributes {dimension_semantics = [#tpu.dimension_semantics<arbitrary>], iteration_bounds = array<i64: 25>, scalar_prefetch = 0 : i64, scratch_operands = 0 : i64, tpu.core_type = #tpu.core_type<tc>, window_params = [{transform_indices = @transform_0, window_bounds = array<i64: 400, 300>}, {pipeline_mode = #tpu.pipeline_mode<synchronous>, transform_indices = @transform_1, window_bounds = array<i64: 300, 160>}, {transform_indices = @transform_2, window_bounds = array<i64: 2, 400, 80>}]} {
    %get3A = arith.constant 0 : index
    %get3A_0 = arith.constant 0 : index
    %get3A_1 = vector.load %arg1[%get3A, %get3A_0] : memref<400x300xf32, #tpu.memory_space<vmem>>, vector<400x300xf32>
    %get3A_2 = arith.constant 0 : index
    %get3A_3 = arith.constant 0 : index
    %get3A_4 = vector.load %arg2[%get3A_2, %get3A_3] : memref<300x160xf32, #tpu.memory_space<vmem>>, vector<300x160xf32>
    %dot_general3A = arith.constant dense<0.000000e+00> : vector<400x160xf32>
    %dot_general3A_5 = tpu.matmul %get3A_1, %get3A_4, %dot_general3A {dimension_numbers = #tpu.dot_dimension_numbers<[1], [0], [0], [1], [0, 0, 1, 1], [], []>, transpose_lhs_hint = false} : vector<400x300xf32>, vector<300x160xf32>, vector<400x160xf32> -> vector<400x160xf32>
    %slice3A = vector.extract_strided_slice %dot_general3A_5 {offsets = [0, 0], sizes = [400, 80], strides = [1, 1]} : vector<400x160xf32> to vector<400x80xf32>
    %swap3A = arith.constant 0 : index
    %swap3A_6 = arith.constant 0 : index
    %swap3A_7 = arith.constant 0 : index
    %swap3A_8 = vector.load %arg3[%swap3A, %swap3A_6, %swap3A_7] : memref<2x400x80xf32, #tpu.memory_space<vmem>>, vector<1x400x80xf32>
    %swap3A_9 = vector.shape_cast %swap3A_8 : vector<1x400x80xf32> to vector<400x80xf32>
    %swap3A_10 = vector.shape_cast %slice3A : vector<400x80xf32> to vector<1x400x80xf32>
    tpu.vector_store %arg3[%swap3A, %swap3A_6, %swap3A_7], %swap3A_10 {strides = array<i32>} : memref<2x400x80xf32, #tpu.memory_space<vmem>>, vector<1x400x80xf32>,
    %slice3A_11 = vector.extract_strided_slice %dot_general3A_5 {offsets = [0, 80], sizes = [400, 80], strides = [1, 1]} : vector<400x160xf32> to vector<400x80xf32>
    %swap3A_12 = arith.constant 1 : index
    %swap3A_13 = arith.constant 0 : index
    %swap3A_14 = arith.constant 0 : index
    %swap3A_15 = vector.load %arg3[%swap3A_12, %swap3A_13, %swap3A_14] : memref<2x400x80xf32, #tpu.memory_space<vmem>>, vector<1x400x80xf32>
    %swap3A_16 = vector.shape_cast %swap3A_15 : vector<1x400x80xf32> to vector<400x80xf32>
    %swap3A_17 = vector.shape_cast %slice3A_11 : vector<400x80xf32> to vector<1x400x80xf32>
    tpu.vector_store %arg3[%swap3A_12, %swap3A_13, %swap3A_14], %swap3A_17 {strides = array<i32>} : memref<2x400x80xf32, #tpu.memory_space<vmem>>, vector<1x400x80xf32>,
    return
  }
  func.func @transform_0(%arg0: i32) -> (i32, i32) {
    %c0_i32 = arith.constant 0 : i32
    %c0_i32_0 = arith.constant 0 : i32
    return %arg0, %c0_i32 : i32, i32
  }
  func.func @transform_1(%arg0: i32) -> (i32, i32) {
    %c0_i32 = arith.constant 0 : i32
    %c0_i32_0 = arith.constant 0 : i32
    %c0_i32_1 = arith.constant 0 : i32
    return %c0_i32, %c0_i32_0 : i32, i32
  }
  func.func @transform_2(%arg0: i32) -> (i32, i32, i32) {
    %c0_i32 = arith.constant 0 : i32
    %c0_i32_0 = arith.constant 0 : i32
    %c0_i32_1 = arith.constant 0 : i32
    return %c0_i32, %arg0, %c0_i32_0 : i32, i32, i32
  }
}

module attributes {stable_mosaic.version = 14 : i64} {
  func.func @_mm_midA_body(%arg0: i32, %arg1: memref<2x640x80xf32, #tpu.memory_space<vmem>>, %arg2: memref<1x320xf32, #tpu.memory_space<vmem>>, %arg3: memref<160x320xf32, #tpu.memory_space<vmem>>, %arg4: memref<640x320xf32, #tpu.memory_space<vmem>>) attributes {dimension_semantics = [#tpu.dimension_semantics<arbitrary>], iteration_bounds = array<i64: 16>, scalar_prefetch = 0 : i64, scratch_operands = 0 : i64, tpu.core_type = #tpu.core_type<tc>, window_params = [{transform_indices = @transform_0, window_bounds = array<i64: 2, 640, 80>}, {pipeline_mode = #tpu.pipeline_mode<synchronous>, transform_indices = @transform_1, window_bounds = array<i64: 1, 320>}, {pipeline_mode = #tpu.pipeline_mode<synchronous>, transform_indices = @transform_2, window_bounds = array<i64: 160, 320>}, {transform_indices = @transform_3, window_bounds = array<i64: 640, 320>}]} {
    %get3A = arith.constant 0 : index
    %get3A_0 = arith.constant 0 : index
    %get3A_1 = arith.constant 0 : index
    %get3A_2 = vector.load %arg1[%get3A, %get3A_0, %get3A_1] : memref<2x640x80xf32, #tpu.memory_space<vmem>>, vector<1x640x80xf32>
    %get3A_3 = vector.shape_cast %get3A_2 : vector<1x640x80xf32> to vector<640x80xf32>
    %get3A_4 = arith.constant 0 : index
    %get3A_5 = arith.constant 0 : index
    %get3A_6 = vector.load %arg2[%get3A_4, %get3A_5] : memref<1x320xf32, #tpu.memory_space<vmem>>, vector<1x80xf32>
    %get3A_7 = vector.shape_cast %get3A_6 : vector<1x80xf32> to vector<80xf32>
    %broadcast_in_dim3A = vector.shape_cast %get3A_7 : vector<80xf32> to vector<1x80xf32>
    %add3A = vector.broadcast %broadcast_in_dim3A : vector<1x80xf32> to vector<640x80xf32>
    %add3A_8 = arith.addf %get3A_3, %add3A : vector<640x80xf32>
    %max3A = arith.constant 0.000000e+00 : f32
    %max3A_9 = vector.broadcast %max3A : f32 to vector<640x80xf32>
    %max3A_10 = arith.maximumf %add3A_8, %max3A_9 : vector<640x80xf32>
    %get3A_11 = arith.constant 1 : index
    %get3A_12 = arith.constant 0 : index
    %get3A_13 = arith.constant 0 : index
    %get3A_14 = vector.load %arg1[%get3A_11, %get3A_12, %get3A_13] : memref<2x640x80xf32, #tpu.memory_space<vmem>>, vector<1x640x80xf32>
    %get3A_15 = vector.shape_cast %get3A_14 : vector<1x640x80xf32> to vector<640x80xf32>
    %get3A_16 = arith.constant 0 : index
    %get3A_17 = arith.constant 160 : index
    %get3A_18 = vector.load %arg2[%get3A_16, %get3A_17] : memref<1x320xf32, #tpu.memory_space<vmem>>, vector<1x80xf32>
    %get3A_19 = vector.shape_cast %get3A_18 : vector<1x80xf32> to vector<80xf32>
    %broadcast_in_dim3A_20 = vector.shape_cast %get3A_19 : vector<80xf32> to vector<1x80xf32>
    %add3A_21 = vector.broadcast %broadcast_in_dim3A_20 : vector<1x80xf32> to vector<640x80xf32>
    %add3A_22 = arith.addf %get3A_15, %add3A_21 : vector<640x80xf32>
    %max3A_23 = arith.constant 0.000000e+00 : f32
    %max3A_24 = vector.broadcast %max3A_23 : f32 to vector<640x80xf32>
    %max3A_25 = arith.maximumf %add3A_22, %max3A_24 : vector<640x80xf32>
    %concatenate3A = tpu.concatenate %max3A_10, %max3A_25 in 1 : vector<640x80xf32>, vector<640x80xf32> -> vector<640x160xf32>
    %get3A_26 = arith.constant 0 : index
    %get3A_27 = arith.constant 0 : index
    %get3A_28 = vector.load %arg3[%get3A_26, %get3A_27] : memref<160x320xf32, #tpu.memory_space<vmem>>, vector<160x320xf32>
    %dot_general3A = arith.constant dense<0.000000e+00> : vector<640x320xf32>
    %dot_general3A_29 = tpu.matmul %concatenate3A, %get3A_28, %dot_general3A {dimension_numbers = #tpu.dot_dimension_numbers<[1], [0], [0], [1], [0, 0, 1, 1], [], []>, transpose_lhs_hint = false} : vector<640x160xf32>, vector<160x320xf32>, vector<640x320xf32> -> vector<640x320xf32>
    %swap3A = arith.constant 0 : index
    %swap3A_30 = arith.constant 0 : index
    %swap3A_31 = vector.load %arg4[%swap3A, %swap3A_30] : memref<640x320xf32, #tpu.memory_space<vmem>>, vector<640x320xf32>
    tpu.vector_store %arg4[%swap3A, %swap3A_30], %dot_general3A_29 {strides = array<i32>} : memref<640x320xf32, #tpu.memory_space<vmem>>, vector<640x320xf32>,
    return
  }
  func.func @transform_0(%arg0: i32) -> (i32, i32, i32) {
    %c0_i32 = arith.constant 0 : i32
    %c0_i32_0 = arith.constant 0 : i32
    %c0_i32_1 = arith.constant 0 : i32
    return %c0_i32, %arg0, %c0_i32_0 : i32, i32, i32
  }
  func.func @transform_1(%arg0: i32) -> (i32, i32) {
    %c0_i32 = arith.constant 0 : i32
    %c0_i32_0 = arith.constant 0 : i32
    %c0_i32_1 = arith.constant 0 : i32
    return %c0_i32, %c0_i32_0 : i32, i32
  }
  func.func @transform_2(%arg0: i32) -> (i32, i32) {
    %c0_i32 = arith.constant 0 : i32
    %c0_i32_0 = arith.constant 0 : i32
    %c0_i32_1 = arith.constant 0 : i32
    return %c0_i32, %c0_i32_0 : i32, i32
  }
  func.func @transform_3(%arg0: i32) -> (i32, i32) {
    %c0_i32 = arith.constant 0 : i32
    %c0_i32_0 = arith.constant 0 : i32
    return %arg0, %c0_i32 : i32, i32
  }
}

module attributes {stable_mosaic.version = 14 : i64} {
  func.func @_mm_midB_body(%arg0: i32, %arg1: memref<2x640x80xf32, #tpu.memory_space<vmem>>, %arg2: memref<640x320xf32, #tpu.memory_space<vmem>>, %arg3: memref<1x320xf32, #tpu.memory_space<vmem>>, %arg4: memref<160x320xf32, #tpu.memory_space<vmem>>, %arg5: memref<2x640x80xf32, #tpu.memory_space<vmem>>, %arg6: memref<2x640x80xf32, #tpu.memory_space<vmem>>) attributes {dimension_semantics = [#tpu.dimension_semantics<arbitrary>], iteration_bounds = array<i64: 16>, scalar_prefetch = 0 : i64, scratch_operands = 0 : i64, tpu.core_type = #tpu.core_type<tc>, window_params = [{transform_indices = @transform_0, window_bounds = array<i64: 2, 640, 80>}, {transform_indices = @transform_1, window_bounds = array<i64: 640, 320>}, {pipeline_mode = #tpu.pipeline_mode<synchronous>, transform_indices = @transform_2, window_bounds = array<i64: 1, 320>}, {pipeline_mode = #tpu.pipeline_mode<synchronous>, transform_indices = @transform_3, window_bounds = array<i64: 160, 320>}, {transform_indices = @transform_4, window_bounds = array<i64: 2, 640, 80>}, {transform_indices = @transform_5, window_bounds = array<i64: 2, 640, 80>}]} {
    %get3A = arith.constant 0 : index
    %get3A_0 = arith.constant 0 : index
    %get3A_1 = arith.constant 0 : index
    %get3A_2 = vector.load %arg1[%get3A, %get3A_0, %get3A_1] : memref<2x640x80xf32, #tpu.memory_space<vmem>>, vector<1x640x80xf32>
    %get3A_3 = vector.shape_cast %get3A_2 : vector<1x640x80xf32> to vector<640x80xf32>
    %get3A_4 = arith.constant 0 : index
    %get3A_5 = arith.constant 80 : index
    %get3A_6 = vector.load %arg3[%get3A_4, %get3A_5] : memref<1x320xf32, #tpu.memory_space<vmem>>, vector<1x80xf32>
    %get3A_7 = vector.shape_cast %get3A_6 : vector<1x80xf32> to vector<80xf32>
    %broadcast_in_dim3A = vector.shape_cast %get3A_7 : vector<80xf32> to vector<1x80xf32>
    %add3A = vector.broadcast %broadcast_in_dim3A : vector<1x80xf32> to vector<640x80xf32>
    %add3A_8 = arith.addf %get3A_3, %add3A : vector<640x80xf32>
    %max3A = arith.constant 0.000000e+00 : f32
    %max3A_9 = vector.broadcast %max3A : f32 to vector<640x80xf32>
    %max3A_10 = arith.maximumf %add3A_8, %max3A_9 : vector<640x80xf32>
    %get3A_11 = arith.constant 1 : index
    %get3A_12 = arith.constant 0 : index
    %get3A_13 = arith.constant 0 : index
    %get3A_14 = vector.load %arg1[%get3A_11, %get3A_12, %get3A_13] : memref<2x640x80xf32, #tpu.memory_space<vmem>>, vector<1x640x80xf32>
    %get3A_15 = vector.shape_cast %get3A_14 : vector<1x640x80xf32> to vector<640x80xf32>
    %get3A_16 = arith.constant 0 : index
    %get3A_17 = arith.constant 240 : index
    %get3A_18 = vector.load %arg3[%get3A_16, %get3A_17] : memref<1x320xf32, #tpu.memory_space<vmem>>, vector<1x80xf32>
    %get3A_19 = vector.shape_cast %get3A_18 : vector<1x80xf32> to vector<80xf32>
    %broadcast_in_dim3A_20 = vector.shape_cast %get3A_19 : vector<80xf32> to vector<1x80xf32>
    %add3A_21 = vector.broadcast %broadcast_in_dim3A_20 : vector<1x80xf32> to vector<640x80xf32>
    %add3A_22 = arith.addf %get3A_15, %add3A_21 : vector<640x80xf32>
    %max3A_23 = arith.constant 0.000000e+00 : f32
    %max3A_24 = vector.broadcast %max3A_23 : f32 to vector<640x80xf32>
    %max3A_25 = arith.maximumf %add3A_22, %max3A_24 : vector<640x80xf32>
    %concatenate3A = tpu.concatenate %max3A_10, %max3A_25 in 1 : vector<640x80xf32>, vector<640x80xf32> -> vector<640x160xf32>
    %get3A_26 = arith.constant 0 : index
    %get3A_27 = arith.constant 0 : index
    %get3A_28 = vector.load %arg2[%get3A_26, %get3A_27] : memref<640x320xf32, #tpu.memory_space<vmem>>, vector<640x320xf32>
    %get3A_29 = arith.constant 0 : index
    %get3A_30 = arith.constant 0 : index
    %get3A_31 = vector.load %arg4[%get3A_29, %get3A_30] : memref<160x320xf32, #tpu.memory_space<vmem>>, vector<160x320xf32>
    %dot_general3A = arith.constant dense<0.000000e+00> : vector<640x320xf32>
    %dot_general3A_32 = tpu.matmul %concatenate3A, %get3A_31, %dot_general3A {dimension_numbers = #tpu.dot_dimension_numbers<[1], [0], [0], [1], [0, 0, 1, 1], [], []>, transpose_lhs_hint = false} : vector<640x160xf32>, vector<160x320xf32>, vector<640x320xf32> -> vector<640x320xf32>
    %add3A_33 = arith.addf %get3A_28, %dot_general3A_32 : vector<640x320xf32>
    %slice3A = vector.extract_strided_slice %add3A_33 {offsets = [0, 0], sizes = [640, 80], strides = [1, 1]} : vector<640x320xf32> to vector<640x80xf32>
    %swap3A = arith.constant 0 : index
    %swap3A_34 = arith.constant 0 : index
    %swap3A_35 = arith.constant 0 : index
    %swap3A_36 = vector.load %arg5[%swap3A, %swap3A_34, %swap3A_35] : memref<2x640x80xf32, #tpu.memory_space<vmem>>, vector<1x640x80xf32>
    %swap3A_37 = vector.shape_cast %swap3A_36 : vector<1x640x80xf32> to vector<640x80xf32>
    %swap3A_38 = vector.shape_cast %slice3A : vector<640x80xf32> to vector<1x640x80xf32>
    tpu.vector_store %arg5[%swap3A, %swap3A_34, %swap3A_35], %swap3A_38 {strides = array<i32>} : memref<2x640x80xf32, #tpu.memory_space<vmem>>, vector<1x640x80xf32>,
    %slice3A_39 = vector.extract_strided_slice %add3A_33 {offsets = [0, 160], sizes = [640, 80], strides = [1, 1]} : vector<640x320xf32> to vector<640x80xf32>
    %swap3A_40 = arith.constant 1 : index
    %swap3A_41 = arith.constant 0 : index
    %swap3A_42 = arith.constant 0 : index
    %swap3A_43 = vector.load %arg5[%swap3A_40, %swap3A_41, %swap3A_42] : memref<2x640x80xf32, #tpu.memory_space<vmem>>, vector<1x640x80xf32>
    %swap3A_44 = vector.shape_cast %swap3A_43 : vector<1x640x80xf32> to vector<640x80xf32>
    %swap3A_45 = vector.shape_cast %slice3A_39 : vector<640x80xf32> to vector<1x640x80xf32>
    tpu.vector_store %arg5[%swap3A_40, %swap3A_41, %swap3A_42], %swap3A_45 {strides = array<i32>} : memref<2x640x80xf32, #tpu.memory_space<vmem>>, vector<1x640x80xf32>,
    %slice3A_46 = vector.extract_strided_slice %add3A_33 {offsets = [0, 80], sizes = [640, 80], strides = [1, 1]} : vector<640x320xf32> to vector<640x80xf32>
    %swap3A_47 = arith.constant 0 : index
    %swap3A_48 = arith.constant 0 : index
    %swap3A_49 = arith.constant 0 : index
    %swap3A_50 = vector.load %arg6[%swap3A_47, %swap3A_48, %swap3A_49] : memref<2x640x80xf32, #tpu.memory_space<vmem>>, vector<1x640x80xf32>
    %swap3A_51 = vector.shape_cast %swap3A_50 : vector<1x640x80xf32> to vector<640x80xf32>
    %swap3A_52 = vector.shape_cast %slice3A_46 : vector<640x80xf32> to vector<1x640x80xf32>
    tpu.vector_store %arg6[%swap3A_47, %swap3A_48, %swap3A_49], %swap3A_52 {strides = array<i32>} : memref<2x640x80xf32, #tpu.memory_space<vmem>>, vector<1x640x80xf32>,
    %slice3A_53 = vector.extract_strided_slice %add3A_33 {offsets = [0, 240], sizes = [640, 80], strides = [1, 1]} : vector<640x320xf32> to vector<640x80xf32>
    %swap3A_54 = arith.constant 1 : index
    %swap3A_55 = arith.constant 0 : index
    %swap3A_56 = arith.constant 0 : index
    %swap3A_57 = vector.load %arg6[%swap3A_54, %swap3A_55, %swap3A_56] : memref<2x640x80xf32, #tpu.memory_space<vmem>>, vector<1x640x80xf32>
    %swap3A_58 = vector.shape_cast %swap3A_57 : vector<1x640x80xf32> to vector<640x80xf32>
    %swap3A_59 = vector.shape_cast %slice3A_53 : vector<640x80xf32> to vector<1x640x80xf32>
    tpu.vector_store %arg6[%swap3A_54, %swap3A_55, %swap3A_56], %swap3A_59 {strides = array<i32>} : memref<2x640x80xf32, #tpu.memory_space<vmem>>, vector<1x640x80xf32>,
    return
  }
  func.func @transform_0(%arg0: i32) -> (i32, i32, i32) {
    %c0_i32 = arith.constant 0 : i32
    %c0_i32_0 = arith.constant 0 : i32
    %c0_i32_1 = arith.constant 0 : i32
    return %c0_i32, %arg0, %c0_i32_0 : i32, i32, i32
  }
  func.func @transform_1(%arg0: i32) -> (i32, i32) {
    %c0_i32 = arith.constant 0 : i32
    %c0_i32_0 = arith.constant 0 : i32
    return %arg0, %c0_i32 : i32, i32
  }
  func.func @transform_2(%arg0: i32) -> (i32, i32) {
    %c0_i32 = arith.constant 0 : i32
    %c0_i32_0 = arith.constant 0 : i32
    %c0_i32_1 = arith.constant 0 : i32
    return %c0_i32, %c0_i32_0 : i32, i32
  }
  func.func @transform_3(%arg0: i32) -> (i32, i32) {
    %c0_i32 = arith.constant 0 : i32
    %c0_i32_0 = arith.constant 0 : i32
    %c0_i32_1 = arith.constant 0 : i32
    return %c0_i32, %c0_i32_0 : i32, i32
  }
  func.func @transform_4(%arg0: i32) -> (i32, i32, i32) {
    %c0_i32 = arith.constant 0 : i32
    %c0_i32_0 = arith.constant 0 : i32
    %c0_i32_1 = arith.constant 0 : i32
    return %c0_i32, %arg0, %c0_i32_0 : i32, i32, i32
  }
  func.func @transform_5(%arg0: i32) -> (i32, i32, i32) {
    %c0_i32 = arith.constant 0 : i32
    %c0_i32_0 = arith.constant 0 : i32
    %c0_i32_1 = arith.constant 0 : i32
    return %c0_i32, %arg0, %c0_i32_0 : i32, i32, i32
  }
}

module attributes {stable_mosaic.version = 14 : i64} {
  func.func @_final_body(%arg0: i32, %arg1: memref<2x400x80xf32, #tpu.memory_space<vmem>>, %arg2: memref<2x400x80xf32, #tpu.memory_space<vmem>>, %arg3: memref<1x320xf32, #tpu.memory_space<vmem>>, %arg4: memref<400x300xf32, #tpu.memory_space<vmem>>) attributes {dimension_semantics = [#tpu.dimension_semantics<arbitrary>], iteration_bounds = array<i64: 25>, scalar_prefetch = 0 : i64, scratch_operands = 0 : i64, tpu.core_type = #tpu.core_type<tc>, window_params = [{transform_indices = @transform_0, window_bounds = array<i64: 2, 400, 80>}, {transform_indices = @transform_1, window_bounds = array<i64: 2, 400, 80>}, {pipeline_mode = #tpu.pipeline_mode<synchronous>, transform_indices = @transform_2, window_bounds = array<i64: 1, 320>}, {transform_indices = @transform_3, window_bounds = array<i64: 400, 300>}]} {
    %get3A = arith.constant 0 : index
    %get3A_0 = arith.constant 0 : index
    %get3A_1 = arith.constant 0 : index
    %get3A_2 = vector.load %arg1[%get3A, %get3A_0, %get3A_1] : memref<2x400x80xf32, #tpu.memory_space<vmem>>, vector<1x400x80xf32>
    %get3A_3 = vector.shape_cast %get3A_2 : vector<1x400x80xf32> to vector<400x80xf32>
    %get3A_4 = arith.constant 0 : index
    %get3A_5 = arith.constant 0 : index
    %get3A_6 = arith.constant 0 : index
    %get3A_7 = vector.load %arg2[%get3A_4, %get3A_5, %get3A_6] : memref<2x400x80xf32, #tpu.memory_space<vmem>>, vector<1x400x80xf32>
    %get3A_8 = vector.shape_cast %get3A_7 : vector<1x400x80xf32> to vector<400x80xf32>
    %get3A_9 = arith.constant 1 : index
    %get3A_10 = arith.constant 0 : index
    %get3A_11 = arith.constant 0 : index
    %get3A_12 = vector.load %arg1[%get3A_9, %get3A_10, %get3A_11] : memref<2x400x80xf32, #tpu.memory_space<vmem>>, vector<1x400x80xf32>
    %get3A_13 = vector.shape_cast %get3A_12 : vector<1x400x80xf32> to vector<400x80xf32>
    %get3A_14 = arith.constant 1 : index
    %get3A_15 = arith.constant 0 : index
    %get3A_16 = arith.constant 0 : index
    %get3A_17 = vector.load %arg2[%get3A_14, %get3A_15, %get3A_16] : memref<2x400x80xf32, #tpu.memory_space<vmem>>, vector<1x400x80xf32>
    %get3A_18 = vector.shape_cast %get3A_17 : vector<1x400x80xf32> to vector<400x80xf32>
    %concatenate3A = tpu.concatenate %get3A_3, %get3A_8, %get3A_13, %get3A_18 in 1 : vector<400x80xf32>, vector<400x80xf32>, vector<400x80xf32>, vector<400x80xf32> -> vector<400x320xf32>
    %get3A_19 = arith.constant 0 : index
    %get3A_20 = arith.constant 0 : index
    %get3A_21 = vector.load %arg3[%get3A_19, %get3A_20] : memref<1x320xf32, #tpu.memory_space<vmem>>, vector<1x320xf32>
    %add3A = vector.broadcast %get3A_21 : vector<1x320xf32> to vector<400x320xf32>
    %add3A_22 = arith.addf %concatenate3A, %add3A : vector<400x320xf32>
    %max3A = arith.constant 0.000000e+00 : f32
    %max3A_23 = vector.broadcast %max3A : f32 to vector<400x320xf32>
    %max3A_24 = arith.maximumf %add3A_22, %max3A_23 : vector<400x320xf32>
    %slice3A = vector.extract_strided_slice %max3A_24 {offsets = [0, 0], sizes = [400, 300], strides = [1, 1]} : vector<400x320xf32> to vector<400x300xf32>
    %swap3A = arith.constant 0 : index
    %swap3A_25 = arith.constant 0 : index
    %swap3A_26 = vector.load %arg4[%swap3A, %swap3A_25] : memref<400x300xf32, #tpu.memory_space<vmem>>, vector<400x300xf32>
    tpu.vector_store %arg4[%swap3A, %swap3A_25], %slice3A {strides = array<i32>} : memref<400x300xf32, #tpu.memory_space<vmem>>, vector<400x300xf32>,
    return
  }
  func.func @transform_0(%arg0: i32) -> (i32, i32, i32) {
    %c0_i32 = arith.constant 0 : i32
    %c0_i32_0 = arith.constant 0 : i32
    %c0_i32_1 = arith.constant 0 : i32
    return %c0_i32, %arg0, %c0_i32_0 : i32, i32, i32
  }
  func.func @transform_1(%arg0: i32) -> (i32, i32, i32) {
    %c0_i32 = arith.constant 0 : i32
    %c0_i32_0 = arith.constant 0 : i32
    %c0_i32_1 = arith.constant 0 : i32
    return %c0_i32, %arg0, %c0_i32_0 : i32, i32, i32
  }
  func.func @transform_2(%arg0: i32) -> (i32, i32) {
    %c0_i32 = arith.constant 0 : i32
    %c0_i32_0 = arith.constant 0 : i32
    %c0_i32_1 = arith.constant 0 : i32
    return %c0_i32, %c0_i32_0 : i32, i32
  }
  func.func @transform_3(%arg0: i32) -> (i32, i32) {
    %c0_i32 = arith.constant 0 : i32
    %c0_i32_0 = arith.constant 0 : i32
    return %arg0, %c0_i32 : i32, i32
  }
}

</mosaic_0001>

<sc_bundles>
// kernel: kernel.11.cloned.1.call-start
scs
__scs_entry_jumppad:
0x0: {  	(pc) =	sbr.rel $0x88, $3  }
0x1: {  	(tag) =	ssettag $0x0;
	lr =	simm.s32 $0x1  }
0x2: {  	[smem:$0x3F9B] =	sst lr;
	_ =	strace $0xD0000000  }
0x3: {  	_ = 	snop  }
0x4: {  	_ = 	snop  }
0x5: {  	_ = 	snop  }
0x6: {  	_ = 	snop  }
0x7: {  	_ = 	snop  }
__scs_overlays_trampoline_lowered:
0x8: {  	[smem:$0x3FAA] =	sst s0  }
0x9: {  	[smem:$0x3FAB] =	sst s1  }
0xa: {  	[smem:$0x3FAC] =	sst s2  }
0xb: {  	[smem:$0x3FAD] =	sst s3  }
0xc: {  	[smem:$0x3FAE] =	sst s4  }
0xd: {  	[smem:$0x3FAF] =	sst s5  }
0xe: {  	[smem:$0x3FB0] =	sst s6  }
0xf: {  	[smem:$0x3FB1] =	sst s7  }
0x10: {  	[smem:$0x3FB2] =	sst s8  }
0x11: {  	[smem:$0x3FB3] =	sst s9;
	s0 =	simm.s32 @!p0 $0x0  }
0x12: {  	s1 =	sld [smem:$0x3F99];
	s0 =	simm.s32 @p0 $0x1  }
0x13: {  	[smem:$0x3FB4] =	sst s0;
	s0 =	simm.s32 @!p1 $0x0  }
0x14: {  	s2 =	sld [smem:$0x3F98];
	s0 =	simm.s32 @p1 $0x1  }
0x15: {  	[smem:$0x3FB5] =	sst s0;
	s0 =	simm.s32 @!p2 $0x0  }
0x16: {  	s3 =	sld [smem:$0x3FDB];
	s0 =	simm.s32 @p2 $0x1  }
0x17: {  	s4 =	simm.s32 $0x1BF5;
	[smem:$0x3FB7] =	sst s0  }
0x18: {  	s0 =	sld [smem:$0x3F9A];
	_ =	swait.ge [sflag:s4], $0x0  }
0x19: {  	s7 =	sld [smem:$0x3F9B]  }
0x1a: {  	s8 =	sadd.s32 $0xFFFFE003, lr  }
0x1b: {  	s9 =	sadd.s32 $0xFFFFFEF7, lr;
	s5 =	simm.s32 $0xFFFFFFFF;
	p2 =	slt.u32 s8, $0xFFFFF086  }
0x1c: {  	p1 =	slt.u32 s9, $0xF7A;
	s5 =	simm.s32 @!p2 $0x0  }
0x1d: {  	s5 =	simm.s32 @p1 $0x1;
	p0 =	seq.s32 s7, s2  }
0x1e: {  	s7 =	smul.u32 @!p0 $0xF7A, s2;
	p2 =	seq.s32 @!p0 s5, $0x0  }
0x1f: {  	s9 =	smul.u32 $0xF7A, s1;
	s8 =	simm.s32 @!p0 $0x1BF5;
	p2 =	por !p2, p0  }
0x20: {  	[sflag:s8] =	ssyncset.s32 @!p0 $0xFFFFF086;
	s6 =	sadd.s32 @!p0 s3, s7;
	s7 =	simm.s32 @!p0 $0x108  }
0x21: {  	s3 =	sadd.s32 s3, s9;
	s6 =	sadd.s32 @!p0 $0x88, s6;
	s7 =	simm.s32 @p2 $0x1082  }
0x22: {  	[simem:s7], [sflag:s8] =	dma.local @!p0 [hbm:s6], $0xF7A  }
0x23: {  	s9 =	sor.u32 $0xD0000000, s2;
	s6 =	simm.s32 $0x108;
	_ =	swait.ge @!p0 [sflag:s8], $0x0  }
0x24: {  	s3 =	sadd.s32 $0x88, s3;
	s6 =	simm.s32 @!p1 $0x1082;
	[sflag:s4] =	ssyncset.s32 $0xFFFFF086  }
0x25: {  	[simem:s6], [sflag:s4] =	dma.local [hbm:s3], $0xF7A  }
0x26: {  	[smem:$0x3F9B] =	sst s1;
	(tag) =	ssettag s2;
	_ =	strace s9  }
0x27: {  	s1 =	sld [smem:$0x3FAB]  }
0x28: {  	s2 =	sld [smem:$0x3FAC]  }
0x29: {  	s4 =	sld [smem:$0x3FAE]  }
0x2a: {  	p0 =	seq.s32 s5, $0x0;
	s5 =	sld [smem:$0x3FAF]  }
0x2b: {  	s6 =	sld [smem:$0x3FB0]  }
0x2c: {  	s7 =	sld [smem:$0x3FB1]  }
0x2d: {  	s3 =	simm.s32 $0x108;
	s8 =	sld [smem:$0x3FB2]  }
0x2e: {  	s3 =	simm.s32 @!p0 $0x1082;
	s9 =	sld [smem:$0x3FB3]  }
0x2f: {  	lr =	sadd.s32 s0, s3;
	s0 =	sld [smem:$0x3FAA]  }
0x30: {  	s3 =	sld [smem:$0x3FAD]  }
0x31: {  	[smem:$0x3FB6] =	sst s10  }
0x32: {  	s10 =	sld [smem:$0x3FB4];
	_ =	sdelay $0x3  }
0x33: {  	p0 =	seq.s32 s10, $0x1;
	s10 =	sld [smem:$0x3FB6];
	_ =	sdelay $0x3  }
0x34: {  	[smem:$0x3FB6] =	sst s10  }
0x35: {  	s10 =	sld [smem:$0x3FB5];
	_ =	sdelay $0x3  }
0x36: {  	p1 =	seq.s32 s10, $0x1;
	s10 =	sld [smem:$0x3FB6];
	_ =	sdelay $0x3  }
0x37: {  	[smem:$0x3FB6] =	sst s10  }
0x38: {  	s10 =	sld [smem:$0x3FB7]  }
0x39: {  	_ = 	snop;
	(pc) =	sbr.ind lr, $3  }
0x3a: {  	_ = 	snop  }
0x3b: {  	_ = 	snop  }
0x3c: {  	p2 =	seq.s32 s10, $0x1;
	s10 =	sld [smem:$0x3FB6]  }
0x3d: {  	_ =	shalt  }
0x3e: {  	_ =	shalt  }
0x3f: {  	_ =	shalt  }
0x40: {  	_ =	shalt  }
0x41: {  	_ =	shalt  }
0x42: {  	_ =	shalt  }
0x43: {  	_ =	shalt  }
0x44: {  	_ =	shalt  }
0x45: {  	_ =	shalt  }
0x46: {  	_ =	shalt  }
0x47: {  	_ =	shalt  }
0x48: {  	_ =	shalt  }
0x49: {  	_ =	shalt  }
0x4a: {  	_ =	shalt  }
0x4b: {  	_ =	shalt  }
0x4c: {  	_ =	shalt  }
0x4d: {  	_ =	shalt  }
0x4e: {  	_ =	shalt  }
0x4f: {  	_ =	shalt  }
0x50: {  	_ =	shalt  }
0x51: {  	_ =	shalt  }
0x52: {  	_ =	shalt  }
0x53: {  	_ =	shalt  }
0x54: {  	_ =	shalt  }
0x55: {  	_ =	shalt  }
0x56: {  	_ =	shalt  }
0x57: {  	_ =	shalt  }
0x58: {  	_ =	shalt  }
0x59: {  	_ =	shalt  }
0x5a: {  	_ =	shalt  }
0x5b: {  	_ =	shalt  }
0x5c: {  	_ =	shalt  }
0x5d: {  	_ =	shalt  }
0x5e: {  	_ =	shalt  }
0x5f: {  	_ =	shalt  }
0x60: {  	_ =	shalt  }
0x61: {  	_ =	shalt  }
0x62: {  	_ =	shalt  }
0x63: {  	_ =	shalt  }
0x64: {  	_ =	shalt  }
0x65: {  	_ =	shalt  }
0x66: {  	_ =	shalt  }
0x67: {  	_ =	shalt  }
0x68: {  	_ =	shalt  }
0x69: {  	_ =	shalt  }
0x6a: {  	_ =	shalt  }
0x6b: {  	_ =	shalt  }
0x6c: {  	_ =	shalt  }
0x6d: {  	_ =	shalt  }
0x6e: {  	_ =	shalt  }
0x6f: {  	_ =	shalt  }
0x70: {  	_ =	shalt  }
0x71: {  	_ =	shalt  }
0x72: {  	_ =	shalt  }
0x73: {  	_ =	shalt  }
0x74: {  	_ =	shalt  }
0x75: {  	_ =	shalt  }
0x76: {  	_ =	shalt  }
0x77: {  	_ =	shalt  }
0x78: {  	_ =	shalt  }
0x79: {  	_ =	shalt  }
0x7a: {  	_ =	shalt  }
0x7b: {  	_ =	shalt  }
0x7c: {  	_ =	shalt  }
0x7d: {  	_ =	shalt  }
0x7e: {  	_ =	shalt  }
0x7f: {  	_ =	shalt  }
0x80: {  	_ =	shalt  }
0x81: {  	_ =	shalt  }
0x82: {  	_ =	shalt  }
0x83: {  	_ =	shalt  }
0x84: {  	_ =	shalt  }
0x85: {  	_ =	shalt  }
0x86: {  	_ =	shalt  }
0x87: {  	_ =	shalt  }
.Lfunc_end0:
.L_simem_size_0:
called_computation_lowered:
.L_overlay_start_0:
0x88: {  	s2 =	sld [smem:$0x3FD9]  }
0x89: {  	s3 =	sld [smem:$0x3FFE];
	_ =	sdelay $0x1  }
0x8a: {  	s1 =	srdreg.scid  }
0x8b: {  	s0 =	sand.u32 $0x1, s1  }
0x8c: {  	s16 =	sshll.u32 s0, $0xA;
	s2 =	sadd.s32 s3, s2  }
0x8d: {  	s2 =	sadd.s32 s2, s16  }
0x8e: {  	[smem:$0x3FC2] =	sst s2  }
0x8f: {  	_ = 	snop  }
0x90: {  	(tm) =	ssettm $0x1  }
0x91: {  	s17 =	sld [smem:$0x3FFB];
	_ =	sdelay $0x3  }
0x92: {  	_ =	strace s17  }
0x93: {  	s2 =	sld [smem:$0x3FFC];
	_ =	sdelay $0x3  }
0x94: {  	_ =	strace s2  }
0x95: {  	s2 =	sld [smem:$0x3FFD];
	_ =	sdelay $0x3  }
0x96: {  	_ =	strace s2  }
0x97: {  	_ =	strace $0x8FFFFFFF  }
0x98: {  	s18 =	sld [smem:$0x3FDB];
	_ =	sdelay $0x1  }
0x99: {  	s19 =	simm.s32 $_scs_section_size  }
0x9a: {  	s4 =	simm.s32 $_size__tile_overlayer_lowered;
	s5 =	simm.s32 $_tile_overlayer_lowered  }
0x9b: {  	s22 =	simm.s32 $0x1BFF;
	s21 =	sshll.u32 s5, $0x1;
	s2 =	sadd.s32 s19, s18  }
0x9c: {  	s6 =	simm.s32 $0x0;
	s20 =	sshll.u32 s4, $0x1;
	s4 =	sadd.s32 s21, s2  }
0x9d: {  	[timem:s6], [sflag:s22] =	dma.local [hbm:s4], s20  }
0x9e: {  	_ =	swait.ge [sflag:s22], s20  }
0x9f: {  	s3 =	ssub.s32 $0x0, s20;
	[sflag:s22] =	ssyncset.done $0x0  }
0xa0: {  	[sflag:s22] =	ssyncadd.s32 s3;
	_ =	sdelay $0x1  }
0xa1: {  	s23 =	simm.s32 $0x1B8B  }
0xa2: {  	_ =	swait.ge [sflag:s23], $0x1  }
0xa3: {  	[sflag:s23] =	ssyncset.done $0x0  }
0xa4: {  	s25 =	simm.s32 $0x1B8E;
	s24 =	sld [smem:$0x3FFE];
	[sflag:s23] =	ssyncadd.s32 $0xFFFFFFFF  }
0xa5: {  	s26 =	simm.s32 $execute0_lowered;
	[smem:$0x3FD2] =	sst s25  }
0xa6: {  	s4 =	sshll.u32 s26, $0x1;
	_ =	strace $0x80000046;
	[dreg:$0x1] =	wrdreg $0xFFFFFFFF  }
0xa7: {  	s28 =	simm.s32 $_size_execute0_lowered;
	s2 =	sadd.s32 s2, s4;
	[dreg:$0x0] =	wrdreg $0x0  }
0xa8: {  	s4 =	sshll.u32 s28, $0x1;
	[dreg:$0x2] =	wrdreg s2  }
0xa9: {  	[dreg:$0x3] =	wrdreg s4  }
0xaa: {  	[dreg:$0x4] =	wrdreg $0xC0  }
0xab: {  	_ =	task [dreg:s6], $0x5FFFF  }
0xac: {  	[dreg:$0x1] =	wrdreg $0xFFFFFFFF  }
0xad: {  	[dreg:$0x0] =	wrdreg $0x60  }
0xae: {  	[dreg:$0x2] =	wrdreg s24  }
0xaf: {  	[dreg:$0x3] =	wrdreg $0xF0000  }
0xb0: {  	[dreg:$0x4] =	wrdreg $0x9  }
0xb1: {  	_ =	task.clear_ibuf [dreg:s6], $0x5FFFF;
	_ =	strace $0x90000046  }
0xb2: {  	s29 =	simm.s32 $0x9;
	_ =	strace $0x80000048  }
0xb3: {  	_ =	swait.ge [sflag:s29], $0x1  }
0xb4: {  	[sflag:s29] =	ssyncadd.s32 $0xFFFFFFFF  }
0xb5: {  	_ =	strace $0x90000048  }
0xb6: {  	_ =	sfence  }
0xb7: {  	s30 =	sld [smem:$0x0];
	_ =	sdelay $0x2  }
0xb8: {  	s31 =	sshll.u32 s1, $0xD;
	s1 =	sshrl.u32 s1, $0x2  }
0xb9: {  	s3 =	sand.u32 $0x4000, s31;
	s1 =	sadd.s32 s1, s30  }
0xba: {  	s0 =	sor.u32 s3, s0;
	s1 =	sshll.u32 s1, $0x11  }
0xbb: {  	s0 =	sor.u32 s1, s0  }
0xbc: {  	s0 =	sadd.s32 $0x8F2B, s0  }
0xbd: {  	[sflag:s0] =	ssyncadd.remote.s32 $0x1  }
0xbe: {  	_ =	sfence.sel $0xFFFF  }
0xbf: {  	[dreg:$0x0] =	wrdreg $0xFFFFFFFF;
	(pc) =	sbr.abs _section_cstart, $3  }
0xc0: {  	[dreg:$0x1] =	wrdreg $0xFFFFFFFF  }
0xc1: {  	_ =	task.clear_ibuf [dreg:s6], $0x2FFFF;
	_ =	strace $0x9FFFFFFF  }
0xc2: {  	(tm) =	ssettm $0x7FFFFFFF  }
0xc3: {  	_ =	shalt  }
tec
execute0_lowered:
.L_overlay_start_1:
0x0: {  	(tag) =	ssettag $0x1  }
0x1: {  	s0 =	rddreg [dreg:$0x0]  }
0x2: {  	s2 =	rddreg [dreg:$0x1];
	s3 =	simm.s32 $0x0  }
0x3: {  	s7 =	stileid.u32;
	s1 =	srdreg.scid;
	s14 =	simm.s32 $0x9  }
0x4: {  	s16 =	simm.s32 $0x5000;
	s18 =	simm.s32 $0x7800;
	s20 =	simm.s32 $0xA000  }
0x5: {  	s28 =	simm.s32 $0x2;
	s29 =	simm.s32 $0x3;
	s30 =	simm.s32 $0x4  }
0x6: {  	s31 =	simm.s32 $0x6;
	[smem:$0x7FF] =	sst s3;
	s4 =	smul.u32 $0x500, s7  }
0x7: {  	s1 =	sand.u32 $0x1, s1;
	s7 =	smul.u32 $0xC800, s7;
	_ =	strace $0x80000047  }
0x8: {  	s5 =	smul.u32 $0x19000, s1;
	s1 =	ssub.s32 $0x2, s1;
	s4 =	sadd.s32 s4, s0  }
0x9: {  	s6 =	sshrl.u32 s1, $0x1;
	s23 =	sadd.s32 $0x2800, s7;
	s9 =	sshrl.u32 s7, $0x3  }
0xa: {  	s10 =	sadd.s32 $0x5000, s7;
	s11 =	sadd.s32 $0x7800, s7;
	s12 =	sadd.s32 $0xA000, s7  }
0xb: {  	s8 =	sadd.s32 s7, s2;
	s0 =	sadd.s32 s5, s0;
	s1 =	ssub.s32 s1, s6  }
0xc: {  	s22 =	sadd.s32 $0xADE00, s4;
	s4 =	sadd.s32 $0xA8E00, s4;
	s24 =	sshrl.u32 s23, $0x3  }
0xd: {  	s15 =	sshrl.u32 s10, $0x3;
	s21 =	sshrl.u32 s11, $0x3;
	s25 =	sshrl.u32 s12, $0x3  }
0xe: {  	s26 =	sadd.s32 s10, s2;
	s11 =	sadd.s32 s11, s2;
	[dreg:$0x3] =	wrdreg s22  }
0xf: {  	s12 =	sadd.s32 s12, s2;
	s10 =	smov.u32 s9;
	[dreg:$0x4] =	wrdreg s4  }
0x10: {  	s6 =	sadd.s32 $0x76E00, s0;
	s4 =	sadd.s32 s23, s2;
	[dreg:$0x6] =	wrdreg s26  }
0x11: {  	s0 =	sadd.s32 $0xB2E00, s0;
	s13 =	smax.u32 s1, $0x1;
	s22 =	simm.s32 $0xC800  }
0x12: {  	s23 =	simm.s32 $0x1;
	s26 =	simm.s32 $0x5;
	s1 =	simm.s32 $0x8  }
0x13: {  	[dreg:$0x5] =	wrdreg s4;
	s17 =	sadd.s32 s24, s6;
	s19 =	sadd.s32 s15, s6  }
0x14: {  	s21 =	sadd.s32 s21, s6;
	s24 =	sadd.s32 s25, s6;
	s25 =	sadd.s32 s9, s0  }
0x15: {  	s0 =	simm.s32 $0x7;
	s15 =	simm.s32 $0x80;
	s4 =	simm.s32 $0x0  }
.LBB2_1:
0x16: {  	s5 =	rddreg [dreg:$0x3]  }
0x17: {  	[tilespmem:s3], [sflag:$0x9] =	stream.linear.gather [hbm4b:s5+s3], $0x2800, $0x38;
	[tilespmem:$0x1B800] =	vst v63  }
0x18: {  	_ =	swait.ge [sflag:s14], $0x2800  }
0x19: {  	[sflag:s14] =	ssyncset.done $0x0  }
0x1a: {  	s7 =	simm.s32 $0x2800;
	s9 =	rddreg [dreg:$0x4];
	[sflag:s14] =	ssyncadd.s32 $0xFFFFD800  }
0x1b: {  	[tilespmem:s7], [sflag:$0x9] =	stream.linear.gather [hbm4b:s9+s3], $0x2800, $0x38;
	[tilespmem:$0x1B800] =	vst v63  }
0x1c: {  	_ =	swait.ge [sflag:s14], $0x2800  }
0x1d: {  	[sflag:s14] =	ssyncset.done $0x0  }
0x1e: {  	s7 =	sadd.s32 s10, s6;
	[sflag:s14] =	ssyncadd.s32 $0xFFFFD800  }
0x1f: {  	[tilespmem:s16], [sflag:$0x1] =	stream.linear.gather [hbm4b:s7+s3], $0x2800, $0x38;
	[tilespmem:$0x1B800] =	vst v63  }
0x20: {  	_ = 	snop  }
0x21: {  	[tilespmem:s18], [sflag:$0x2] =	stream.linear.gather [hbm4b:s17+s3], $0x2800, $0x38;
	[tilespmem:$0x1B800] =	vst v63  }
0x22: {  	_ = 	snop  }
0x23: {  	[tilespmem:s20], [sflag:$0x3] =	stream.linear.gather [hbm4b:s19+s3], $0x2800, $0x38;
	[tilespmem:$0x1B800] =	vst v63  }
0x24: {  	_ = 	snop  }
0x25: {  	[tilespmem:s22], [sflag:$0x4] =	stream.linear.gather [hbm4b:s21+s3], $0x2800, $0x38;
	[tilespmem:$0x1B800] =	vst v63  }
0x26: {  	_ =	swait.ge [sflag:s23], $0x2800  }
0x27: {  	[sflag:s23] =	ssyncset.done $0x0  }
0x28: {  	[sflag:s23] =	ssyncadd.s32 $0xFFFFD800  }
0x29: {  	[spmem:s8] =	stream.linear.scatter [tilespmem:s16], [sflag:$0x5], $0x2800, $0x38;
	[tilespmem:$0x1B800] =	vst v63  }
0x2a: {  	_ =	swait.ge [sflag:s26], $0x2800  }
0x2b: {  	[sflag:s26] =	ssyncset.done $0x0  }
0x2c: {  	[sflag:s26] =	ssyncadd.s32 $0xFFFFD800  }
0x2d: {  	[tilespmem:s16], [sflag:$0x1] =	stream.linear.gather [hbm4b:s24+s3], $0x2800, $0x38;
	[tilespmem:$0x1B800] =	vst v63  }
0x2e: {  	_ =	swait.ge [sflag:s28], $0x2800  }
0x2f: {  	[sflag:s28] =	ssyncset.done $0x0  }
0x30: {  	s9 =	rddreg [dreg:$0x5];
	[sflag:s28] =	ssyncadd.s32 $0xFFFFD800  }
0x31: {  	[spmem:s9] =	stream.linear.scatter [tilespmem:s18], [sflag:$0x6], $0x2800, $0x38;
	[tilespmem:$0x1B800] =	vst v63  }
0x32: {  	_ =	swait.ge [sflag:s29], $0x2800  }
0x33: {  	[sflag:s29] =	ssyncset.done $0x0  }
0x34: {  	s7 =	rddreg [dreg:$0x6];
	[sflag:s29] =	ssyncadd.s32 $0xFFFFD800  }
0x35: {  	[spmem:s7] =	stream.linear.scatter [tilespmem:s20], [sflag:$0x7], $0x2800, $0x38;
	[tilespmem:$0x1B800] =	vst v63  }
0x36: {  	_ =	swait.ge [sflag:s30], $0x2800  }
0x37: {  	[sflag:s30] =	ssyncset.done $0x0  }
0x38: {  	[sflag:s30] =	ssyncadd.s32 $0xFFFFD800  }
0x39: {  	[spmem:s11] =	stream.linear.scatter [tilespmem:s22], [sflag:$0x8], $0x2800, $0x38;
	[tilespmem:$0x1B800] =	vst v63  }
0x3a: {  	_ =	swait.ge [sflag:s23], $0x2800  }
0x3b: {  	[sflag:s23] =	ssyncset.done $0x0  }
0x3c: {  	[sflag:s23] =	ssyncadd.s32 $0xFFFFD800  }
0x3d: {  	[spmem:s12] =	stream.linear.scatter [tilespmem:s16], [sflag:$0x5], $0x2800, $0x38;
	[tilespmem:$0x1B800] =	vst v63  }
0x3e: {  	_ =	swait.ge [sflag:s31], $0x2800  }
0x3f: {  	[sflag:s31] =	ssyncset.done $0x0  }
0x40: {  	[sflag:s31] =	ssyncadd.s32 $0xFFFFD800  }
0x41: {  	_ =	swait.ge [sflag:s0], $0x2800  }
0x42: {  	[sflag:s0] =	ssyncset.done $0x0  }
0x43: {  	[sflag:s0] =	ssyncadd.s32 $0xFFFFD800  }
0x44: {  	_ =	swait.ge [sflag:s1], $0x2800  }
0x45: {  	[sflag:s1] =	ssyncset.done $0x0  }
0x46: {  	[sflag:s1] =	ssyncadd.s32 $0xFFFFD800  }
0x47: {  	_ =	swait.ge [sflag:s26], $0x2800  }
0x48: {  	[sflag:s26] =	ssyncset.done $0x0  }
0x49: {  	[sflag:s26] =	ssyncadd.s32 $0xFFFFD800  }
0x4a: {  	[bflag:$0x0] =	sbarrier.arrive $0xFFFF  }
0x4b: {  	[tilespmem:s16], [sflag:$0x1] =	stream.indirect.gather [hbm4b:s6+s15], $0x50, s3, s15, $0xb8;
	[tilespmem:$0x1B800] =	vst v63  }
0x4c: {  	_ = 	snop  }
0x4d: {  	[tilespmem:s18], [sflag:$0x2] =	stream.indirect.gather [hbm4b:s6+s15], $0x50, s15, s15, $0xb8;
	[tilespmem:$0x1B800] =	vst v63  }
0x4e: {  	s9 =	simm.s32 $0x100  }
0x4f: {  	[tilespmem:s20], [sflag:$0x3] =	stream.indirect.gather [hbm4b:s6+s15], $0x50, s9, s15, $0xb8;
	[tilespmem:$0x1B800] =	vst v63  }
0x50: {  	s7 =	simm.s32 $0x180  }
0x51: {  	[tilespmem:s22], [sflag:$0x4] =	stream.indirect.gather [hbm4b:s6+s15], $0x50, s7, s15, $0xb8;
	[tilespmem:$0x1B800] =	vst v63  }
0x52: {  	_ =	swait.ge [sflag:s23], $0x2800  }
0x53: {  	[sflag:s23] =	ssyncset.done $0x0  }
0x54: {  	s9 =	simm.s32 $0x2800;
	[sflag:s23] =	ssyncadd.s32 $0xFFFFD800  }
0x55: {  	[spmem:s2] =	stream.indirect.scatter.add.f32 [tilespmem:s16], [sflag:$0x5], $0x50, s9, s15, $0xb8;
	[tilespmem:$0x1B800] =	vst v63  }
0x56: {  	_ =	swait.ge [sflag:s28], $0x2800  }
0x57: {  	[sflag:s28] =	ssyncset.done $0x0  }
0x58: {  	s7 =	simm.s32 $0x2880;
	[sflag:s28] =	ssyncadd.s32 $0xFFFFD800  }
0x59: {  	[spmem:s2] =	stream.indirect.scatter.add.f32 [tilespmem:s18], [sflag:$0x6], $0x50, s7, s15, $0xb8;
	[tilespmem:$0x1B800] =	vst v63  }
0x5a: {  	_ =	swait.ge [sflag:s29], $0x2800  }
0x5b: {  	[sflag:s29] =	ssyncset.done $0x0  }
0x5c: {  	s9 =	simm.s32 $0x2900;
	[sflag:s29] =	ssyncadd.s32 $0xFFFFD800  }
0x5d: {  	[spmem:s2] =	stream.indirect.scatter.add.f32 [tilespmem:s20], [sflag:$0x7], $0x50, s9, s15, $0xb8;
	[tilespmem:$0x1B800] =	vst v63  }
0x5e: {  	_ =	swait.ge [sflag:s30], $0x2800  }
0x5f: {  	[sflag:s30] =	ssyncset.done $0x0  }
0x60: {  	s7 =	simm.s32 $0x2980;
	[sflag:s30] =	ssyncadd.s32 $0xFFFFD800  }
0x61: {  	[spmem:s2] =	stream.indirect.scatter.add.f32 [tilespmem:s22], [sflag:$0x8], $0x50, s7, s15, $0xb8;
	[tilespmem:$0x1B800] =	vst v63  }
0x62: {  	_ =	swait.ge [sflag:s26], $0x2800  }
0x63: {  	[sflag:s26] =	ssyncset.done $0x0  }
0x64: {  	s9 =	simm.s32 $0x200;
	[sflag:s26] =	ssyncadd.s32 $0xFFFFD800  }
0x65: {  	[tilespmem:s16], [sflag:$0x1] =	stream.indirect.gather [hbm4b:s6+s15], $0x50, s9, s15, $0xb8;
	[tilespmem:$0x1B800] =	vst v63  }
0x66: {  	_ =	swait.ge [sflag:s31], $0x2800  }
0x67: {  	[sflag:s31] =	ssyncset.done $0x0  }
0x68: {  	s7 =	simm.s32 $0x280;
	[sflag:s31] =	ssyncadd.s32 $0xFFFFD800  }
0x69: {  	[tilespmem:s18], [sflag:$0x2] =	stream.indirect.gather [hbm4b:s6+s15], $0x50, s7, s15, $0xb8;
	[tilespmem:$0x1B800] =	vst v63  }
0x6a: {  	_ =	swait.ge [sflag:s0], $0x2800  }
0x6b: {  	[sflag:s0] =	ssyncset.done $0x0  }
0x6c: {  	s9 =	simm.s32 $0x300;
	[sflag:s0] =	ssyncadd.s32 $0xFFFFD800  }
0x6d: {  	[tilespmem:s20], [sflag:$0x3] =	stream.indirect.gather [hbm4b:s6+s15], $0x50, s9, s15, $0xb8;
	[tilespmem:$0x1B800] =	vst v63  }
0x6e: {  	_ =	swait.ge [sflag:s1], $0x2800  }
0x6f: {  	[sflag:s1] =	ssyncset.done $0x0  }
0x70: {  	s5 =	simm.s32 $0x800;
	s7 =	simm.s32 $0x380;
	[sflag:s1] =	ssyncadd.s32 $0xFFFFD800  }
.LBB2_2:
0x71: {  	[tilespmem:s22], [sflag:$0x4] =	stream.indirect.gather [hbm4b:s6+s15], $0x50, s7, s15, $0xb8;
	[tilespmem:$0x1B800] =	vst v63  }
0x72: {  	s7 =	smov.u32 s5  }
0x73: {  	p0 =	sne.s32 s5, $0x9000;
	s5 =	sadd.s32 $0x800, s5;
	_ =	swait.ge [sflag:s23], $0x2800  }
0x74: {  	s7 =	sshra.s32 s7, $0x2;
	[sflag:s23] =	ssyncset.done $0x0  }
0x75: {  	s9 =	sadd.s32 $0x2800, s7;
	[sflag:s23] =	ssyncadd.s32 $0xFFFFD800  }
0x76: {  	[spmem:s2] =	stream.indirect.scatter.add.f32 [tilespmem:s16], [sflag:$0x5], $0x50, s9, s15, $0xb8;
	[tilespmem:$0x1B800] =	vst v63  }
0x77: {  	_ =	swait.ge [sflag:s28], $0x2800  }
0x78: {  	[sflag:s28] =	ssyncset.done $0x0  }
0x79: {  	s9 =	sadd.s32 $0x2880, s7;
	[sflag:s28] =	ssyncadd.s32 $0xFFFFD800  }
0x7a: {  	[spmem:s2] =	stream.indirect.scatter.add.f32 [tilespmem:s18], [sflag:$0x6], $0x50, s9, s15, $0xb8;
	[tilespmem:$0x1B800] =	vst v63  }
0x7b: {  	_ =	swait.ge [sflag:s29], $0x2800  }
0x7c: {  	[sflag:s29] =	ssyncset.done $0x0  }
0x7d: {  	s9 =	sadd.s32 $0x2900, s7;
	[sflag:s29] =	ssyncadd.s32 $0xFFFFD800  }
0x7e: {  	[spmem:s2] =	stream.indirect.scatter.add.f32 [tilespmem:s20], [sflag:$0x7], $0x50, s9, s15, $0xb8;
	[tilespmem:$0x1B800] =	vst v63  }
0x7f: {  	_ =	swait.ge [sflag:s30], $0x2800  }
0x80: {  	[sflag:s30] =	ssyncset.done $0x0  }
0x81: {  	s9 =	sadd.s32 $0x2980, s7;
	[sflag:s30] =	ssyncadd.s32 $0xFFFFD800  }
0x82: {  	[spmem:s2] =	stream.indirect.scatter.add.f32 [tilespmem:s22], [sflag:$0x8], $0x50, s9, s15, $0xb8;
	[tilespmem:$0x1B800] =	vst v63  }
0x83: {  	_ =	swait.ge [sflag:s26], $0x2800  }
0x84: {  	[sflag:s26] =	ssyncset.done $0x0  }
0x85: {  	s9 =	sadd.s32 $0x200, s7;
	[sflag:s26] =	ssyncadd.s32 $0xFFFFD800  }
0x86: {  	[tilespmem:s16], [sflag:$0x1] =	stream.indirect.gather [hbm4b:s6+s15], $0x50, s9, s15, $0xb8;
	[tilespmem:$0x1B800] =	vst v63  }
0x87: {  	_ =	swait.ge [sflag:s31], $0x2800  }
0x88: {  	[sflag:s31] =	ssyncset.done $0x0  }
0x89: {  	s9 =	sadd.s32 $0x280, s7;
	[sflag:s31] =	ssyncadd.s32 $0xFFFFD800  }
0x8a: {  	[tilespmem:s18], [sflag:$0x2] =	stream.indirect.gather [hbm4b:s6+s15], $0x50, s9, s15, $0xb8;
	[tilespmem:$0x1B800] =	vst v63  }
0x8b: {  	_ =	swait.ge [sflag:s0], $0x2800  }
0x8c: {  	[sflag:s0] =	ssyncset.done $0x0  }
.Ltmp0:
0x8d: {  	s9 =	sadd.s32 $0x300, s7;
	[sflag:s0] =	ssyncadd.s32 $0xFFFFD800;
	(pc) =	sbr.rel @p0 .LBB2_2-.Ltmp0, $4  }
0x8e: {  	[tilespmem:s20], [sflag:$0x3] =	stream.indirect.gather [hbm4b:s6+s15], $0x50, s9, s15, $0xb8;
	[tilespmem:$0x1B800] =	vst v63  }
0x8f: {  	_ =	swait.ge [sflag:s1], $0x2800  }
0x90: {  	[sflag:s1] =	ssyncset.done $0x0  }
0x91: {  	s7 =	sadd.s32 $0x380, s7;
	[sflag:s1] =	ssyncadd.s32 $0xFFFFD800  }
0x92: {  	[tilespmem:s22], [sflag:$0x4] =	stream.indirect.gather [hbm4b:s6+s15], $0x50, s7, s15, $0xb8;
	[tilespmem:$0x1B800] =	vst v63  }
0x93: {  	_ =	swait.ge [sflag:s23], $0x2800  }
0x94: {  	[sflag:s23] =	ssyncset.done $0x0  }
0x95: {  	s5 =	simm.s32 $0x4E00;
	[sflag:s23] =	ssyncadd.s32 $0xFFFFD800  }
0x96: {  	[spmem:s2] =	stream.indirect.scatter.add.f32 [tilespmem:s16], [sflag:$0x5], $0x50, s5, s15, $0xb8;
	[tilespmem:$0x1B800] =	vst v63  }
0x97: {  	_ =	swait.ge [sflag:s28], $0x2800  }
0x98: {  	[sflag:s28] =	ssyncset.done $0x0  }
0x99: {  	s9 =	simm.s32 $0x4E80;
	[sflag:s28] =	ssyncadd.s32 $0xFFFFD800  }
0x9a: {  	[spmem:s2] =	stream.indirect.scatter.add.f32 [tilespmem:s18], [sflag:$0x6], $0x50, s9, s15, $0xb8;
	[tilespmem:$0x1B800] =	vst v63  }
0x9b: {  	_ =	swait.ge [sflag:s29], $0x2800  }
0x9c: {  	[sflag:s29] =	ssyncset.done $0x0  }
0x9d: {  	s7 =	simm.s32 $0x4F00;
	[sflag:s29] =	ssyncadd.s32 $0xFFFFD800  }
0x9e: {  	[spmem:s2] =	stream.indirect.scatter.add.f32 [tilespmem:s20], [sflag:$0x7], $0x50, s7, s15, $0xb8;
	[tilespmem:$0x1B800] =	vst v63  }
0x9f: {  	_ =	swait.ge [sflag:s30], $0x2800  }
0xa0: {  	[sflag:s30] =	ssyncset.done $0x0  }
0xa1: {  	s9 =	simm.s32 $0x4F80;
	[sflag:s30] =	ssyncadd.s32 $0xFFFFD800  }
0xa2: {  	[spmem:s2] =	stream.indirect.scatter.add.f32 [tilespmem:s22], [sflag:$0x8], $0x50, s9, s15, $0xb8;
	[tilespmem:$0x1B800] =	vst v63  }
0xa3: {  	_ =	swait.ge [sflag:s26], $0x2800  }
0xa4: {  	[sflag:s26] =	ssyncset.done $0x0  }
0xa5: {  	[sflag:s26] =	ssyncadd.s32 $0xFFFFD800  }
0xa6: {  	_ =	swait.ge [sflag:s31], $0x2800  }
0xa7: {  	[sflag:s31] =	ssyncset.done $0x0  }
0xa8: {  	[sflag:s31] =	ssyncadd.s32 $0xFFFFD800  }
0xa9: {  	_ =	swait.ge [sflag:s0], $0x2800  }
0xaa: {  	[sflag:s0] =	ssyncset.done $0x0  }
0xab: {  	[sflag:s0] =	ssyncadd.s32 $0xFFFFD800  }
0xac: {  	s7 =	stileid.u32;
	_ =	swait.ge [sflag:s1], $0x2800  }
0xad: {  	s4 =	sadd.s32 $0x1, s4;
	s5 =	sshll.u32 s7, $0x6;
	[sflag:s1] =	ssyncset.done $0x0  }
0xae: {  	p0 =	sne.s32 s4, s13;
	s5 =	sor.u32 $0x1C09, s5;
	[sflag:s1] =	ssyncadd.s32 $0xFFFFD800  }
.Ltmp1:
0xaf: {  	s9 =	sshrl.u32 s8, $0x3;
	[bflag:$0x0] =	sbarrier.arrive $0xFFFF;
	(pc) =	sbr.rel @p0 .LBB2_1-.Ltmp1, $4  }
0xb0: {  	[hbm:s25], [sflag:s5] =	dma.local [spmem:s9], $0x1900  }
0xb1: {  	_ =	swait.ge [sflag:s14], $0x1900  }
0xb2: {  	[sflag:s14] =	ssyncset.done $0x0  }
0xb3: {  	[sflag:s14] =	ssyncadd.s32 $0xFFFFE700  }
0xb4: {  	_ =	sfence.sel $0x180000  }
0xb5: {  	[bflag:$0x0] =	sbarrier.arrive $0xFFFF  }
0xb6: {  	_ =	strace $0x90000047  }
0xb7: {  	s0 =	stileid.u32;
	[bflag:$0x2] =	sbarrier.arrive $0xFFFF  }
0xb8: {  	p0 =	sne.s32 s0, $0x0;
	s0 =	rddreg [dreg:$0x2]  }
0xb9: {  	s0 =	sadd.s32 @!p0 $0x100000, s0  }
0xba: {  	[sflag:s0] =	ssyncadd.tile.s32 @!p0 $0x1;
	_ =	shalt  }
.Lfunc_end2:
_tile_overlayer_lowered:
.L_overlay_start_2:
0xbb: {  	(tag) =	ssettag $0x2  }
0xbc: {  	s0 =	rddreg [dreg:$0x0];
	s2 =	stileid.u32  }
0xbd: {  	s1 =	rddreg [dreg:$0x1];
	p0 =	sne.s32 s2, $0x0  }
0xbe: {  	s3 =	rddreg [dreg:$0x2];
	[bflag:$0x3] =	sbarrier.arrive $0xFFFF;
	s2 =	simm.s32 @!p0 $0x1C09  }
0xbf: {  	[timem:s3], [sflag:s2] =	dma.local @!p0 [hbm:s0], s1  }
0xc0: {  	s0 =	simm.s32 @!p0 $0x9  }
0xc1: {  	_ =	swait.ge @!p0 [sflag:s0], s1  }
0xc2: {  	s1 =	ssub.s32 @!p0 $0x0, s1;
	[sflag:s0] =	ssyncset.done @!p0 $0x0  }
0xc3: {  	[sflag:s0] =	ssyncadd.s32 @!p0 s1  }
0xc4: {  	[bflag:$0x3] =	sbarrier.arrive $0xFFFF  }
0xc5: {  	_ =	shalt  }

// kernel: kernel.14.cloned.1.call-start
scs
__scs_entry_jumppad:
0x0: {  	(pc) =	sbr.rel $0x88, $3  }
0x1: {  	(tag) =	ssettag $0x0;
	lr =	simm.s32 $0x1  }
0x2: {  	[smem:$0x3F9B] =	sst lr;
	_ =	strace $0xD0000000  }
0x3: {  	_ = 	snop  }
0x4: {  	_ = 	snop  }
0x5: {  	_ = 	snop  }
0x6: {  	_ = 	snop  }
0x7: {  	_ = 	snop  }
__scs_overlays_trampoline_lowered:
0x8: {  	[smem:$0x3FAA] =	sst s0  }
0x9: {  	[smem:$0x3FAB] =	sst s1  }
0xa: {  	[smem:$0x3FAC] =	sst s2  }
0xb: {  	[smem:$0x3FAD] =	sst s3  }
0xc: {  	[smem:$0x3FAE] =	sst s4  }
0xd: {  	[smem:$0x3FAF] =	sst s5  }
0xe: {  	[smem:$0x3FB0] =	sst s6  }
0xf: {  	[smem:$0x3FB1] =	sst s7  }
0x10: {  	[smem:$0x3FB2] =	sst s8  }
0x11: {  	[smem:$0x3FB3] =	sst s9;
	s0 =	simm.s32 @!p0 $0x0  }
0x12: {  	s1 =	sld [smem:$0x3F99];
	s0 =	simm.s32 @p0 $0x1  }
0x13: {  	[smem:$0x3FB4] =	sst s0;
	s0 =	simm.s32 @!p1 $0x0  }
0x14: {  	s2 =	sld [smem:$0x3F98];
	s0 =	simm.s32 @p1 $0x1  }
0x15: {  	[smem:$0x3FB5] =	sst s0;
	s0 =	simm.s32 @!p2 $0x0  }
0x16: {  	s3 =	sld [smem:$0x3FDB];
	s0 =	simm.s32 @p2 $0x1  }
0x17: {  	s4 =	simm.s32 $0x1BF5;
	[smem:$0x3FB7] =	sst s0  }
0x18: {  	s0 =	sld [smem:$0x3F9A];
	_ =	swait.ge [sflag:s4], $0x0  }
0x19: {  	s7 =	sld [smem:$0x3F9B]  }
0x1a: {  	s8 =	sadd.s32 $0xFFFFE003, lr  }
0x1b: {  	s9 =	sadd.s32 $0xFFFFFEF7, lr;
	s5 =	simm.s32 $0xFFFFFFFF;
	p2 =	slt.u32 s8, $0xFFFFF086  }
0x1c: {  	p1 =	slt.u32 s9, $0xF7A;
	s5 =	simm.s32 @!p2 $0x0  }
0x1d: {  	s5 =	simm.s32 @p1 $0x1;
	p0 =	seq.s32 s7, s2  }
0x1e: {  	s7 =	smul.u32 @!p0 $0xF7A, s2;
	p2 =	seq.s32 @!p0 s5, $0x0  }
0x1f: {  	s9 =	smul.u32 $0xF7A, s1;
	s8 =	simm.s32 @!p0 $0x1BF5;
	p2 =	por !p2, p0  }
0x20: {  	[sflag:s8] =	ssyncset.s32 @!p0 $0xFFFFF086;
	s6 =	sadd.s32 @!p0 s3, s7;
	s7 =	simm.s32 @!p0 $0x108  }
0x21: {  	s3 =	sadd.s32 s3, s9;
	s6 =	sadd.s32 @!p0 $0x88, s6;
	s7 =	simm.s32 @p2 $0x1082  }
0x22: {  	[simem:s7], [sflag:s8] =	dma.local @!p0 [hbm:s6], $0xF7A  }
0x23: {  	s9 =	sor.u32 $0xD0000000, s2;
	s6 =	simm.s32 $0x108;
	_ =	swait.ge @!p0 [sflag:s8], $0x0  }
0x24: {  	s3 =	sadd.s32 $0x88, s3;
	s6 =	simm.s32 @!p1 $0x1082;
	[sflag:s4] =	ssyncset.s32 $0xFFFFF086  }
0x25: {  	[simem:s6], [sflag:s4] =	dma.local [hbm:s3], $0xF7A  }
0x26: {  	[smem:$0x3F9B] =	sst s1;
	(tag) =	ssettag s2;
	_ =	strace s9  }
0x27: {  	s1 =	sld [smem:$0x3FAB]  }
0x28: {  	s2 =	sld [smem:$0x3FAC]  }
0x29: {  	s4 =	sld [smem:$0x3FAE]  }
0x2a: {  	p0 =	seq.s32 s5, $0x0;
	s5 =	sld [smem:$0x3FAF]  }
0x2b: {  	s6 =	sld [smem:$0x3FB0]  }
0x2c: {  	s7 =	sld [smem:$0x3FB1]  }
0x2d: {  	s3 =	simm.s32 $0x108;
	s8 =	sld [smem:$0x3FB2]  }
0x2e: {  	s3 =	simm.s32 @!p0 $0x1082;
	s9 =	sld [smem:$0x3FB3]  }
0x2f: {  	lr =	sadd.s32 s0, s3;
	s0 =	sld [smem:$0x3FAA]  }
0x30: {  	s3 =	sld [smem:$0x3FAD]  }
0x31: {  	[smem:$0x3FB6] =	sst s10  }
0x32: {  	s10 =	sld [smem:$0x3FB4];
	_ =	sdelay $0x3  }
0x33: {  	p0 =	seq.s32 s10, $0x1;
	s10 =	sld [smem:$0x3FB6];
	_ =	sdelay $0x3  }
0x34: {  	[smem:$0x3FB6] =	sst s10  }
0x35: {  	s10 =	sld [smem:$0x3FB5];
	_ =	sdelay $0x3  }
0x36: {  	p1 =	seq.s32 s10, $0x1;
	s10 =	sld [smem:$0x3FB6];
	_ =	sdelay $0x3  }
0x37: {  	[smem:$0x3FB6] =	sst s10  }
0x38: {  	s10 =	sld [smem:$0x3FB7]  }
0x39: {  	_ = 	snop;
	(pc) =	sbr.ind lr, $3  }
0x3a: {  	_ = 	snop  }
0x3b: {  	_ = 	snop  }
0x3c: {  	p2 =	seq.s32 s10, $0x1;
	s10 =	sld [smem:$0x3FB6]  }
0x3d: {  	_ =	shalt  }
0x3e: {  	_ =	shalt  }
0x3f: {  	_ =	shalt  }
0x40: {  	_ =	shalt  }
0x41: {  	_ =	shalt  }
0x42: {  	_ =	shalt  }
0x43: {  	_ =	shalt  }
0x44: {  	_ =	shalt  }
0x45: {  	_ =	shalt  }
0x46: {  	_ =	shalt  }
0x47: {  	_ =	shalt  }
0x48: {  	_ =	shalt  }
0x49: {  	_ =	shalt  }
0x4a: {  	_ =	shalt  }
0x4b: {  	_ =	shalt  }
0x4c: {  	_ =	shalt  }
0x4d: {  	_ =	shalt  }
0x4e: {  	_ =	shalt  }
0x4f: {  	_ =	shalt  }
0x50: {  	_ =	shalt  }
0x51: {  	_ =	shalt  }
0x52: {  	_ =	shalt  }
0x53: {  	_ =	shalt  }
0x54: {  	_ =	shalt  }
0x55: {  	_ =	shalt  }
0x56: {  	_ =	shalt  }
0x57: {  	_ =	shalt  }
0x58: {  	_ =	shalt  }
0x59: {  	_ =	shalt  }
0x5a: {  	_ =	shalt  }
0x5b: {  	_ =	shalt  }
0x5c: {  	_ =	shalt  }
0x5d: {  	_ =	shalt  }
0x5e: {  	_ =	shalt  }
0x5f: {  	_ =	shalt  }
0x60: {  	_ =	shalt  }
0x61: {  	_ =	shalt  }
0x62: {  	_ =	shalt  }
0x63: {  	_ =	shalt  }
0x64: {  	_ =	shalt  }
0x65: {  	_ =	shalt  }
0x66: {  	_ =	shalt  }
0x67: {  	_ =	shalt  }
0x68: {  	_ =	shalt  }
0x69: {  	_ =	shalt  }
0x6a: {  	_ =	shalt  }
0x6b: {  	_ =	shalt  }
0x6c: {  	_ =	shalt  }
0x6d: {  	_ =	shalt  }
0x6e: {  	_ =	shalt  }
0x6f: {  	_ =	shalt  }
0x70: {  	_ =	shalt  }
0x71: {  	_ =	shalt  }
0x72: {  	_ =	shalt  }
0x73: {  	_ =	shalt  }
0x74: {  	_ =	shalt  }
0x75: {  	_ =	shalt  }
0x76: {  	_ =	shalt  }
0x77: {  	_ =	shalt  }
0x78: {  	_ =	shalt  }
0x79: {  	_ =	shalt  }
0x7a: {  	_ =	shalt  }
0x7b: {  	_ =	shalt  }
0x7c: {  	_ =	shalt  }
0x7d: {  	_ =	shalt  }
0x7e: {  	_ =	shalt  }
0x7f: {  	_ =	shalt  }
0x80: {  	_ =	shalt  }
0x81: {  	_ =	shalt  }
0x82: {  	_ =	shalt  }
0x83: {  	_ =	shalt  }
0x84: {  	_ =	shalt  }
0x85: {  	_ =	shalt  }
0x86: {  	_ =	shalt  }
0x87: {  	_ =	shalt  }
.Lfunc_end0:
.L_simem_size_0:
called_computation.1_lowered:
.L_overlay_start_0:
0x88: {  	s2 =	sld [smem:$0x3FD9]  }
0x89: {  	s3 =	sld [smem:$0x3FFE];
	_ =	sdelay $0x1  }
0x8a: {  	s1 =	srdreg.scid  }
0x8b: {  	s0 =	sand.u32 $0x1, s1  }
0x8c: {  	s17 =	sshll.u32 s0, $0xA;
	s2 =	sadd.s32 s3, s2  }
0x8d: {  	s2 =	sadd.s32 s2, s17  }
0x8e: {  	[smem:$0x3FC2] =	sst s2  }
0x8f: {  	_ = 	snop  }
0x90: {  	s18 =	sld [smem:$0x3FD0];
	(tm) =	ssettm $0x1  }
0x91: {  	s19 =	sld [smem:$0x3FFB];
	_ =	sdelay $0x3  }
0x92: {  	_ =	strace s19  }
0x93: {  	s2 =	sld [smem:$0x3FFC];
	_ =	sdelay $0x3  }
0x94: {  	_ =	strace s2  }
0x95: {  	s2 =	sld [smem:$0x3FFD];
	_ =	sdelay $0x3  }
0x96: {  	_ =	strace s2  }
0x97: {  	_ =	strace $0x8FFFFFFF  }
0x98: {  	s20 =	sld [smem:$0x3FDB];
	_ =	sdelay $0x1  }
0x99: {  	s4 =	simm.s32 $_scs_section_size  }
0x9a: {  	s5 =	simm.s32 $_size__tile_overlayer_lowered;
	s6 =	simm.s32 $_tile_overlayer_lowered  }
0x9b: {  	s7 =	simm.s32 $0x1BFF;
	s21 =	sshll.u32 s6, $0x1;
	s4 =	sadd.s32 s4, s20  }
0x9c: {  	s22 =	simm.s32 $0x0;
	s5 =	sshll.u32 s5, $0x1;
	s6 =	sadd.s32 s21, s4  }
0x9d: {  	[timem:s22], [sflag:s7] =	dma.local [hbm:s6], s5  }
0x9e: {  	_ =	swait.ge [sflag:s7], s5  }
0x9f: {  	s5 =	ssub.s32 $0x0, s5;
	[sflag:s7] =	ssyncset.done $0x0  }
0xa0: {  	[sflag:s7] =	ssyncadd.s32 s5;
	_ =	sdelay $0x1  }
0xa1: {  	s23 =	simm.s32 $0x1B8B  }
0xa2: {  	_ =	swait.ge [sflag:s23], $0x1  }
0xa3: {  	[sflag:s23] =	ssyncset.done $0x0  }
0xa4: {  	[sflag:s23] =	ssyncadd.s32 $0xFFFFFFFF  }
0xa5: {  	s5 =	sld [smem:$0x0]  }
0xa6: {  	s6 =	sand.u32 $0xFFFFFFFE, s1  }
0xa7: {  	p0 =	sne.s32 s1, s6  }
0xa8: {  	s6 =	sshll.u32 @p0 s6, $0xE  }
0xa9: {  	s6 =	sadd.s32 @p0 $0x11B8D, s6;
	s7 =	sshll.u32 @p0 s5, $0x11  }
0xaa: {  	s6 =	sor.u32 @p0 s7, s6  }
0xab: {  	[sflag:s6] =	ssyncadd.remote.s32 @p0 $0x1;
	_ =	sdelay $0x1  }
0xac: {  	s6 =	simm.s32 @p0 $0x1B8D  }
0xad: {  	_ =	swait.eq @p0 [sflag:s6], $0x1  }
0xae: {  	[sflag:s6] =	ssyncadd.s32 @p0 $0xFFFFFFFF  }
0xaf: {  	s7 =	sshll.u32 @!p0 s1, $0xE  }
0xb0: {  	s7 =	sor.u32 @!p0 $0x4000, s7;
	s6 =	simm.s32 @!p0 $0x1B8D  }
0xb1: {  	s5 =	sshll.u32 @!p0 s5, $0x11;
	s7 =	sadd.s32 @!p0 $0x11B8D, s7;
	_ =	swait.eq @!p0 [sflag:s6], $0x1  }
0xb2: {  	s5 =	sor.u32 @!p0 s5, s7;
	[sflag:s6] =	ssyncadd.s32 @!p0 $0xFFFFFFFF  }
0xb3: {  	s25 =	simm.s32 $0x1B8E;
	s24 =	sld [smem:$0x3FFE];
	[sflag:s5] =	ssyncadd.remote.s32 @!p0 $0x1  }
0xb4: {  	s26 =	simm.s32 $execute0_lowered;
	[smem:$0x3FD2] =	sst s25  }
0xb5: {  	s6 =	sshll.u32 s26, $0x1;
	_ =	strace $0x80000049;
	[dreg:$0x1] =	wrdreg $0xFFFFFFFF  }
0xb6: {  	s28 =	simm.s32 $_size_execute0_lowered;
	s4 =	sadd.s32 s4, s6;
	[dreg:$0x0] =	wrdreg $0x0  }
0xb7: {  	s6 =	sshll.u32 s28, $0x1;
	[dreg:$0x2] =	wrdreg s4  }
0xb8: {  	[dreg:$0x3] =	wrdreg s6  }
0xb9: {  	[dreg:$0x4] =	wrdreg $0xC0  }
0xba: {  	_ =	task [dreg:s22], $0x5FFFF  }
0xbb: {  	[dreg:$0x1] =	wrdreg $0xFFFFFFFF  }
0xbc: {  	[dreg:$0x0] =	wrdreg $0x60  }
0xbd: {  	[dreg:$0x2] =	wrdreg s18  }
0xbe: {  	[dreg:$0x3] =	wrdreg s24  }
0xbf: {  	[dreg:$0x4] =	wrdreg $0xF0000  }
0xc0: {  	[dreg:$0x5] =	wrdreg $0xA  }
0xc1: {  	_ =	task.clear_ibuf [dreg:s22], $0x6FFFF;
	_ =	strace $0x90000049  }
0xc2: {  	s29 =	simm.s32 $0xA;
	_ =	strace $0x8000004B  }
0xc3: {  	_ =	swait.ge [sflag:s29], $0x1  }
0xc4: {  	[sflag:s29] =	ssyncadd.s32 $0xFFFFFFFF  }
0xc5: {  	_ =	strace $0x9000004B  }
0xc6: {  	_ =	sfence  }
0xc7: {  	s30 =	sld [smem:$0x0];
	_ =	sdelay $0x2  }
0xc8: {  	s31 =	sshll.u32 s1, $0xD;
	s1 =	sshrl.u32 s1, $0x2  }
0xc9: {  	s4 =	sand.u32 $0x4000, s31;
	s1 =	sadd.s32 s1, s30  }
0xca: {  	s0 =	sor.u32 s4, s0;
	s1 =	sshll.u32 s1, $0x11  }
0xcb: {  	s0 =	sor.u32 s1, s0  }
0xcc: {  	s0 =	sadd.s32 $0x8F2B, s0  }
0xcd: {  	[sflag:s0] =	ssyncadd.remote.s32 $0x1  }
0xce: {  	_ =	sfence.sel $0xFFFF  }
0xcf: {  	[dreg:$0x0] =	wrdreg $0xFFFFFFFF;
	(pc) =	sbr.abs _section_cstart, $3  }
0xd0: {  	[dreg:$0x1] =	wrdreg $0xFFFFFFFF  }
0xd1: {  	_ =	task.clear_ibuf [dreg:s22], $0x2FFFF;
	_ =	strace $0x9FFFFFFF  }
0xd2: {  	(tm) =	ssettm $0x7FFFFFFF  }
0xd3: {  	_ =	shalt  }
tec
execute0_lowered:
.L_overlay_start_1:
0x0: {  	(tag) =	ssettag $0x1  }
0x1: {  	s0 =	rddreg [dreg:$0x0]  }
0x2: {  	s1 =	rddreg [dreg:$0x1]  }
0x3: {  	s2 =	rddreg [dreg:$0x2];
	s3 =	simm.s32 $0x0  }
0x4: {  	s8 =	stileid.u32;
	s4 =	srdreg.scid;
	s14 =	simm.s32 $0x9  }
0x5: {  	s16 =	simm.s32 $0x5000;
	s18 =	simm.s32 $0x7800;
	s28 =	simm.s32 $0x2  }
0x6: {  	s29 =	simm.s32 $0x3;
	s30 =	simm.s32 $0x4;
	s5 =	smul.u32 $0x500, s8  }
0x7: {  	s31 =	simm.s32 $0x6;
	s4 =	sand.u32 $0x1, s4;
	s8 =	smul.u32 $0xC800, s8  }
0x8: {  	[smem:$0x7FF] =	sst s3;
	s6 =	smul.u32 $0x19000, s4;
	s4 =	ssub.s32 $0x2, s4  }
0x9: {  	_ =	strace $0x8000004A;
	s5 =	sadd.s32 s5, s1;
	s7 =	sshrl.u32 s4, $0x1  }
0xa: {  	s20 =	sadd.s32 $0x2800, s8;
	s9 =	sshrl.u32 s8, $0x3;
	s23 =	sadd.s32 $0x5000, s8  }
0xb: {  	s11 =	sadd.s32 $0x7800, s8;
	s12 =	sadd.s32 $0xA000, s8;
	s8 =	sadd.s32 s8, s2  }
0xc: {  	s1 =	sadd.s32 s6, s1;
	s4 =	ssub.s32 s4, s7;
	s19 =	sadd.s32 $0xADE00, s5  }
0xd: {  	s5 =	sadd.s32 $0xA8E00, s5;
	s6 =	sadd.s32 s0, s6;
	s22 =	sshrl.u32 s20, $0x3  }
0xe: {  	s15 =	sshrl.u32 s23, $0x3;
	s21 =	sshrl.u32 s11, $0x3;
	s24 =	sshrl.u32 s12, $0x3  }
0xf: {  	s0 =	sadd.s32 s20, s2;
	s25 =	sadd.s32 s23, s2;
	[dreg:$0x4] =	wrdreg s19  }
0x10: {  	s11 =	sadd.s32 s11, s2;
	s12 =	sadd.s32 s12, s2;
	[dreg:$0x5] =	wrdreg s5  }
0x11: {  	s20 =	simm.s32 $0xA000;
	s23 =	simm.s32 $0x1;
	[dreg:$0x6] =	wrdreg s0  }
0x12: {  	s10 =	smov.u32 s9;
	[dreg:$0x7] =	wrdreg s25;
	s26 =	sadd.s32 $0x1A00, s1  }
0x13: {  	s13 =	smax.u32 s4, $0x1;
	s17 =	sadd.s32 s22, s6;
	s19 =	sadd.s32 s15, s6  }
0x14: {  	s21 =	sadd.s32 s21, s6;
	s22 =	simm.s32 $0xC800;
	s24 =	sadd.s32 s24, s6  }
0x15: {  	s0 =	simm.s32 $0x7;
	s1 =	simm.s32 $0x8;
	s15 =	simm.s32 $0x80  }
0x16: {  	s4 =	simm.s32 $0x0;
	s25 =	sadd.s32 s9, s26;
	s26 =	simm.s32 $0x5  }
.LBB2_1:
0x17: {  	s5 =	rddreg [dreg:$0x4]  }
0x18: {  	[tilespmem:s3], [sflag:$0x9] =	stream.linear.gather [hbm4b:s5+s3], $0x2800, $0x38;
	[tilespmem:$0x1B800] =	vst v63  }
0x19: {  	_ =	swait.ge [sflag:s14], $0x2800  }
0x1a: {  	[sflag:s14] =	ssyncset.done $0x0  }
0x1b: {  	s7 =	simm.s32 $0x2800;
	s9 =	rddreg [dreg:$0x5];
	[sflag:s14] =	ssyncadd.s32 $0xFFFFD800  }
0x1c: {  	[tilespmem:s7], [sflag:$0x9] =	stream.linear.gather [hbm4b:s9+s3], $0x2800, $0x38;
	[tilespmem:$0x1B800] =	vst v63  }
0x1d: {  	_ =	swait.ge [sflag:s14], $0x2800  }
0x1e: {  	[sflag:s14] =	ssyncset.done $0x0  }
0x1f: {  	s7 =	sadd.s32 s10, s6;
	[sflag:s14] =	ssyncadd.s32 $0xFFFFD800  }
0x20: {  	[tilespmem:s16], [sflag:$0x1] =	stream.linear.gather [hbm4b:s7+s3], $0x2800, $0x38;
	[tilespmem:$0x1B800] =	vst v63  }
0x21: {  	_ = 	snop  }
0x22: {  	[tilespmem:s18], [sflag:$0x2] =	stream.linear.gather [hbm4b:s17+s3], $0x2800, $0x38;
	[tilespmem:$0x1B800] =	vst v63  }
0x23: {  	_ = 	snop  }
0x24: {  	[tilespmem:s20], [sflag:$0x3] =	stream.linear.gather [hbm4b:s19+s3], $0x2800, $0x38;
	[tilespmem:$0x1B800] =	vst v63  }
0x25: {  	_ = 	snop  }
0x26: {  	[tilespmem:s22], [sflag:$0x4] =	stream.linear.gather [hbm4b:s21+s3], $0x2800, $0x38;
	[tilespmem:$0x1B800] =	vst v63  }
0x27: {  	_ =	swait.ge [sflag:s23], $0x2800  }
0x28: {  	[sflag:s23] =	ssyncset.done $0x0  }
0x29: {  	[sflag:s23] =	ssyncadd.s32 $0xFFFFD800  }
0x2a: {  	[spmem:s8] =	stream.linear.scatter [tilespmem:s16], [sflag:$0x5], $0x2800, $0x38;
	[tilespmem:$0x1B800] =	vst v63  }
0x2b: {  	_ =	swait.ge [sflag:s26], $0x2800  }
0x2c: {  	[sflag:s26] =	ssyncset.done $0x0  }
0x2d: {  	[sflag:s26] =	ssyncadd.s32 $0xFFFFD800  }
0x2e: {  	[tilespmem:s16], [sflag:$0x1] =	stream.linear.gather [hbm4b:s24+s3], $0x2800, $0x38;
	[tilespmem:$0x1B800] =	vst v63  }
0x2f: {  	_ =	swait.ge [sflag:s28], $0x2800  }
0x30: {  	[sflag:s28] =	ssyncset.done $0x0  }
0x31: {  	s9 =	rddreg [dreg:$0x6];
	[sflag:s28] =	ssyncadd.s32 $0xFFFFD800  }
0x32: {  	[spmem:s9] =	stream.linear.scatter [tilespmem:s18], [sflag:$0x6], $0x2800, $0x38;
	[tilespmem:$0x1B800] =	vst v63  }
0x33: {  	_ =	swait.ge [sflag:s29], $0x2800  }
0x34: {  	[sflag:s29] =	ssyncset.done $0x0  }
0x35: {  	s7 =	rddreg [dreg:$0x7];
	[sflag:s29] =	ssyncadd.s32 $0xFFFFD800  }
0x36: {  	[spmem:s7] =	stream.linear.scatter [tilespmem:s20], [sflag:$0x7], $0x2800, $0x38;
	[tilespmem:$0x1B800] =	vst v63  }
0x37: {  	_ =	swait.ge [sflag:s30], $0x2800  }
0x38: {  	[sflag:s30] =	ssyncset.done $0x0  }
0x39: {  	[sflag:s30] =	ssyncadd.s32 $0xFFFFD800  }
0x3a: {  	[spmem:s11] =	stream.linear.scatter [tilespmem:s22], [sflag:$0x8], $0x2800, $0x38;
	[tilespmem:$0x1B800] =	vst v63  }
0x3b: {  	_ =	swait.ge [sflag:s23], $0x2800  }
0x3c: {  	[sflag:s23] =	ssyncset.done $0x0  }
0x3d: {  	[sflag:s23] =	ssyncadd.s32 $0xFFFFD800  }
0x3e: {  	[spmem:s12] =	stream.linear.scatter [tilespmem:s16], [sflag:$0x5], $0x2800, $0x38;
	[tilespmem:$0x1B800] =	vst v63  }
0x3f: {  	_ =	swait.ge [sflag:s31], $0x2800  }
0x40: {  	[sflag:s31] =	ssyncset.done $0x0  }
0x41: {  	[sflag:s31] =	ssyncadd.s32 $0xFFFFD800  }
0x42: {  	_ =	swait.ge [sflag:s0], $0x2800  }
0x43: {  	[sflag:s0] =	ssyncset.done $0x0  }
0x44: {  	[sflag:s0] =	ssyncadd.s32 $0xFFFFD800  }
0x45: {  	_ =	swait.ge [sflag:s1], $0x2800  }
0x46: {  	[sflag:s1] =	ssyncset.done $0x0  }
0x47: {  	[sflag:s1] =	ssyncadd.s32 $0xFFFFD800  }
0x48: {  	_ =	swait.ge [sflag:s26], $0x2800  }
0x49: {  	[sflag:s26] =	ssyncset.done $0x0  }
0x4a: {  	[sflag:s26] =	ssyncadd.s32 $0xFFFFD800  }
0x4b: {  	[bflag:$0x0] =	sbarrier.arrive $0xFFFF  }
0x4c: {  	[tilespmem:s16], [sflag:$0x1] =	stream.indirect.gather [hbm4b:s6+s15], $0x50, s3, s15, $0xb8;
	[tilespmem:$0x1B800] =	vst v63  }
0x4d: {  	_ = 	snop  }
0x4e: {  	[tilespmem:s18], [sflag:$0x2] =	stream.indirect.gather [hbm4b:s6+s15], $0x50, s15, s15, $0xb8;
	[tilespmem:$0x1B800] =	vst v63  }
0x4f: {  	s9 =	simm.s32 $0x100  }
0x50: {  	[tilespmem:s20], [sflag:$0x3] =	stream.indirect.gather [hbm4b:s6+s15], $0x50, s9, s15, $0xb8;
	[tilespmem:$0x1B800] =	vst v63  }
0x51: {  	s7 =	simm.s32 $0x180  }
0x52: {  	[tilespmem:s22], [sflag:$0x4] =	stream.indirect.gather [hbm4b:s6+s15], $0x50, s7, s15, $0xb8;
	[tilespmem:$0x1B800] =	vst v63  }
0x53: {  	_ =	swait.ge [sflag:s23], $0x2800  }
0x54: {  	[sflag:s23] =	ssyncset.done $0x0  }
0x55: {  	s9 =	simm.s32 $0x2800;
	[sflag:s23] =	ssyncadd.s32 $0xFFFFD800  }
0x56: {  	[spmem:s2] =	stream.indirect.scatter.add.f32 [tilespmem:s16], [sflag:$0x5], $0x50, s9, s15, $0xb8;
	[tilespmem:$0x1B800] =	vst v63  }
0x57: {  	_ =	swait.ge [sflag:s28], $0x2800  }
0x58: {  	[sflag:s28] =	ssyncset.done $0x0  }
0x59: {  	s7 =	simm.s32 $0x2880;
	[sflag:s28] =	ssyncadd.s32 $0xFFFFD800  }
0x5a: {  	[spmem:s2] =	stream.indirect.scatter.add.f32 [tilespmem:s18], [sflag:$0x6], $0x50, s7, s15, $0xb8;
	[tilespmem:$0x1B800] =	vst v63  }
0x5b: {  	_ =	swait.ge [sflag:s29], $0x2800  }
0x5c: {  	[sflag:s29] =	ssyncset.done $0x0  }
0x5d: {  	s9 =	simm.s32 $0x2900;
	[sflag:s29] =	ssyncadd.s32 $0xFFFFD800  }
0x5e: {  	[spmem:s2] =	stream.indirect.scatter.add.f32 [tilespmem:s20], [sflag:$0x7], $0x50, s9, s15, $0xb8;
	[tilespmem:$0x1B800] =	vst v63  }
0x5f: {  	_ =	swait.ge [sflag:s30], $0x2800  }
0x60: {  	[sflag:s30] =	ssyncset.done $0x0  }
0x61: {  	s7 =	simm.s32 $0x2980;
	[sflag:s30] =	ssyncadd.s32 $0xFFFFD800  }
0x62: {  	[spmem:s2] =	stream.indirect.scatter.add.f32 [tilespmem:s22], [sflag:$0x8], $0x50, s7, s15, $0xb8;
	[tilespmem:$0x1B800] =	vst v63  }
0x63: {  	_ =	swait.ge [sflag:s26], $0x2800  }
0x64: {  	[sflag:s26] =	ssyncset.done $0x0  }
0x65: {  	s9 =	simm.s32 $0x200;
	[sflag:s26] =	ssyncadd.s32 $0xFFFFD800  }
0x66: {  	[tilespmem:s16], [sflag:$0x1] =	stream.indirect.gather [hbm4b:s6+s15], $0x50, s9, s15, $0xb8;
	[tilespmem:$0x1B800] =	vst v63  }
0x67: {  	_ =	swait.ge [sflag:s31], $0x2800  }
0x68: {  	[sflag:s31] =	ssyncset.done $0x0  }
0x69: {  	s7 =	simm.s32 $0x280;
	[sflag:s31] =	ssyncadd.s32 $0xFFFFD800  }
0x6a: {  	[tilespmem:s18], [sflag:$0x2] =	stream.indirect.gather [hbm4b:s6+s15], $0x50, s7, s15, $0xb8;
	[tilespmem:$0x1B800] =	vst v63  }
0x6b: {  	_ =	swait.ge [sflag:s0], $0x2800  }
0x6c: {  	[sflag:s0] =	ssyncset.done $0x0  }
0x6d: {  	s9 =	simm.s32 $0x300;
	[sflag:s0] =	ssyncadd.s32 $0xFFFFD800  }
0x6e: {  	[tilespmem:s20], [sflag:$0x3] =	stream.indirect.gather [hbm4b:s6+s15], $0x50, s9, s15, $0xb8;
	[tilespmem:$0x1B800] =	vst v63  }
0x6f: {  	_ =	swait.ge [sflag:s1], $0x2800  }
0x70: {  	[sflag:s1] =	ssyncset.done $0x0  }
0x71: {  	s5 =	simm.s32 $0x800;
	s7 =	simm.s32 $0x380;
	[sflag:s1] =	ssyncadd.s32 $0xFFFFD800  }
.LBB2_2:
0x72: {  	[tilespmem:s22], [sflag:$0x4] =	stream.indirect.gather [hbm4b:s6+s15], $0x50, s7, s15, $0xb8;
	[tilespmem:$0x1B800] =	vst v63  }
0x73: {  	s7 =	smov.u32 s5  }
0x74: {  	p0 =	sne.s32 s5, $0x9000;
	s5 =	sadd.s32 $0x800, s5;
	_ =	swait.ge [sflag:s23], $0x2800  }
0x75: {  	s7 =	sshra.s32 s7, $0x2;
	[sflag:s23] =	ssyncset.done $0x0  }
0x76: {  	s9 =	sadd.s32 $0x2800, s7;
	[sflag:s23] =	ssyncadd.s32 $0xFFFFD800  }
0x77: {  	[spmem:s2] =	stream.indirect.scatter.add.f32 [tilespmem:s16], [sflag:$0x5], $0x50, s9, s15, $0xb8;
	[tilespmem:$0x1B800] =	vst v63  }
0x78: {  	_ =	swait.ge [sflag:s28], $0x2800  }
0x79: {  	[sflag:s28] =	ssyncset.done $0x0  }
0x7a: {  	s9 =	sadd.s32 $0x2880, s7;
	[sflag:s28] =	ssyncadd.s32 $0xFFFFD800  }
0x7b: {  	[spmem:s2] =	stream.indirect.scatter.add.f32 [tilespmem:s18], [sflag:$0x6], $0x50, s9, s15, $0xb8;
	[tilespmem:$0x1B800] =	vst v63  }
0x7c: {  	_ =	swait.ge [sflag:s29], $0x2800  }
0x7d: {  	[sflag:s29] =	ssyncset.done $0x0  }
0x7e: {  	s9 =	sadd.s32 $0x2900, s7;
	[sflag:s29] =	ssyncadd.s32 $0xFFFFD800  }
0x7f: {  	[spmem:s2] =	stream.indirect.scatter.add.f32 [tilespmem:s20], [sflag:$0x7], $0x50, s9, s15, $0xb8;
	[tilespmem:$0x1B800] =	vst v63  }
0x80: {  	_ =	swait.ge [sflag:s30], $0x2800  }
0x81: {  	[sflag:s30] =	ssyncset.done $0x0  }
0x82: {  	s9 =	sadd.s32 $0x2980, s7;
	[sflag:s30] =	ssyncadd.s32 $0xFFFFD800  }
0x83: {  	[spmem:s2] =	stream.indirect.scatter.add.f32 [tilespmem:s22], [sflag:$0x8], $0x50, s9, s15, $0xb8;
	[tilespmem:$0x1B800] =	vst v63  }
0x84: {  	_ =	swait.ge [sflag:s26], $0x2800  }
0x85: {  	[sflag:s26] =	ssyncset.done $0x0  }
0x86: {  	s9 =	sadd.s32 $0x200, s7;
	[sflag:s26] =	ssyncadd.s32 $0xFFFFD800  }
0x87: {  	[tilespmem:s16], [sflag:$0x1] =	stream.indirect.gather [hbm4b:s6+s15], $0x50, s9, s15, $0xb8;
	[tilespmem:$0x1B800] =	vst v63  }
0x88: {  	_ =	swait.ge [sflag:s31], $0x2800  }
0x89: {  	[sflag:s31] =	ssyncset.done $0x0  }
0x8a: {  	s9 =	sadd.s32 $0x280, s7;
	[sflag:s31] =	ssyncadd.s32 $0xFFFFD800  }
0x8b: {  	[tilespmem:s18], [sflag:$0x2] =	stream.indirect.gather [hbm4b:s6+s15], $0x50, s9, s15, $0xb8;
	[tilespmem:$0x1B800] =	vst v63  }
0x8c: {  	_ =	swait.ge [sflag:s0], $0x2800  }
0x8d: {  	[sflag:s0] =	ssyncset.done $0x0  }
.Ltmp0:
0x8e: {  	s9 =	sadd.s32 $0x300, s7;
	[sflag:s0] =	ssyncadd.s32 $0xFFFFD800;
	(pc) =	sbr.rel @p0 .LBB2_2-.Ltmp0, $4  }
0x8f: {  	[tilespmem:s20], [sflag:$0x3] =	stream.indirect.gather [hbm4b:s6+s15], $0x50, s9, s15, $0xb8;
	[tilespmem:$0x1B800] =	vst v63  }
0x90: {  	_ =	swait.ge [sflag:s1], $0x2800  }
0x91: {  	[sflag:s1] =	ssyncset.done $0x0  }
0x92: {  	s7 =	sadd.s32 $0x380, s7;
	[sflag:s1] =	ssyncadd.s32 $0xFFFFD800  }
0x93: {  	[tilespmem:s22], [sflag:$0x4] =	stream.indirect.gather [hbm4b:s6+s15], $0x50, s7, s15, $0xb8;
	[tilespmem:$0x1B800] =	vst v63  }
0x94: {  	_ =	swait.ge [sflag:s23], $0x2800  }
0x95: {  	[sflag:s23] =	ssyncset.done $0x0  }
0x96: {  	s5 =	simm.s32 $0x4E00;
	[sflag:s23] =	ssyncadd.s32 $0xFFFFD800  }
0x97: {  	[spmem:s2] =	stream.indirect.scatter.add.f32 [tilespmem:s16], [sflag:$0x5], $0x50, s5, s15, $0xb8;
	[tilespmem:$0x1B800] =	vst v63  }
0x98: {  	_ =	swait.ge [sflag:s28], $0x2800  }
0x99: {  	[sflag:s28] =	ssyncset.done $0x0  }
0x9a: {  	s9 =	simm.s32 $0x4E80;
	[sflag:s28] =	ssyncadd.s32 $0xFFFFD800  }
0x9b: {  	[spmem:s2] =	stream.indirect.scatter.add.f32 [tilespmem:s18], [sflag:$0x6], $0x50, s9, s15, $0xb8;
	[tilespmem:$0x1B800] =	vst v63  }
0x9c: {  	_ =	swait.ge [sflag:s29], $0x2800  }
0x9d: {  	[sflag:s29] =	ssyncset.done $0x0  }
0x9e: {  	s7 =	simm.s32 $0x4F00;
	[sflag:s29] =	ssyncadd.s32 $0xFFFFD800  }
0x9f: {  	[spmem:s2] =	stream.indirect.scatter.add.f32 [tilespmem:s20], [sflag:$0x7], $0x50, s7, s15, $0xb8;
	[tilespmem:$0x1B800] =	vst v63  }
0xa0: {  	_ =	swait.ge [sflag:s30], $0x2800  }
0xa1: {  	[sflag:s30] =	ssyncset.done $0x0  }
0xa2: {  	s9 =	simm.s32 $0x4F80;
	[sflag:s30] =	ssyncadd.s32 $0xFFFFD800  }
0xa3: {  	[spmem:s2] =	stream.indirect.scatter.add.f32 [tilespmem:s22], [sflag:$0x8], $0x50, s9, s15, $0xb8;
	[tilespmem:$0x1B800] =	vst v63  }
0xa4: {  	_ =	swait.ge [sflag:s26], $0x2800  }
0xa5: {  	[sflag:s26] =	ssyncset.done $0x0  }
0xa6: {  	[sflag:s26] =	ssyncadd.s32 $0xFFFFD800  }
0xa7: {  	_ =	swait.ge [sflag:s31], $0x2800  }
0xa8: {  	[sflag:s31] =	ssyncset.done $0x0  }
0xa9: {  	[sflag:s31] =	ssyncadd.s32 $0xFFFFD800  }
0xaa: {  	_ =	swait.ge [sflag:s0], $0x2800  }
0xab: {  	[sflag:s0] =	ssyncset.done $0x0  }
0xac: {  	[sflag:s0] =	ssyncadd.s32 $0xFFFFD800  }
0xad: {  	s7 =	stileid.u32;
	_ =	swait.ge [sflag:s1], $0x2800  }
0xae: {  	s4 =	sadd.s32 $0x1, s4;
	s5 =	sshll.u32 s7, $0x6;
	[sflag:s1] =	ssyncset.done $0x0  }
0xaf: {  	p0 =	sne.s32 s4, s13;
	s5 =	sor.u32 $0x1C09, s5;
	[sflag:s1] =	ssyncadd.s32 $0xFFFFD800  }
.Ltmp1:
0xb0: {  	s9 =	sshrl.u32 s8, $0x3;
	[bflag:$0x0] =	sbarrier.arrive $0xFFFF;
	(pc) =	sbr.rel @p0 .LBB2_1-.Ltmp1, $4  }
0xb1: {  	[hbm:s25], [sflag:s5] =	dma.local [spmem:s9], $0x1900  }
0xb2: {  	_ =	swait.ge [sflag:s14], $0x1900  }
0xb3: {  	[sflag:s14] =	ssyncset.done $0x0  }
0xb4: {  	[sflag:s14] =	ssyncadd.s32 $0xFFFFE700  }
0xb5: {  	_ =	sfence.sel $0x180000  }
0xb6: {  	[bflag:$0x0] =	sbarrier.arrive $0xFFFF  }
0xb7: {  	_ =	strace $0x9000004A  }
0xb8: {  	s0 =	stileid.u32;
	[bflag:$0x2] =	sbarrier.arrive $0xFFFF  }
0xb9: {  	p0 =	sne.s32 s0, $0x0;
	s0 =	rddreg [dreg:$0x3]  }
0xba: {  	s0 =	sadd.s32 @!p0 $0x100000, s0  }
0xbb: {  	[sflag:s0] =	ssyncadd.tile.s32 @!p0 $0x1;
	_ =	shalt  }
.Lfunc_end2:
_tile_overlayer_lowered:
.L_overlay_start_2:
0xbc: {  	(tag) =	ssettag $0x2  }
0xbd: {  	s0 =	rddreg [dreg:$0x0];
	s2 =	stileid.u32  }
0xbe: {  	s1 =	rddreg [dreg:$0x1];
	p0 =	sne.s32 s2, $0x0  }
0xbf: {  	s3 =	rddreg [dreg:$0x2];
	[bflag:$0x3] =	sbarrier.arrive $0xFFFF;
	s2 =	simm.s32 @!p0 $0x1C09  }
0xc0: {  	[timem:s3], [sflag:s2] =	dma.local @!p0 [hbm:s0], s1  }
0xc1: {  	s0 =	simm.s32 @!p0 $0x9  }
0xc2: {  	_ =	swait.ge @!p0 [sflag:s0], s1  }
0xc3: {  	s1 =	ssub.s32 @!p0 $0x0, s1;
	[sflag:s0] =	ssyncset.done @!p0 $0x0  }
0xc4: {  	[sflag:s0] =	ssyncadd.s32 @!p0 s1  }
0xc5: {  	[bflag:$0x3] =	sbarrier.arrive $0xFFFF  }
0xc6: {  	_ =	shalt  }

// kernel: kernel.17.cloned.1.call-start
scs
__scs_entry_jumppad:
0x0: {  	(pc) =	sbr.rel $0x88, $3  }
0x1: {  	(tag) =	ssettag $0x0;
	lr =	simm.s32 $0x1  }
0x2: {  	[smem:$0x3F9B] =	sst lr;
	_ =	strace $0xD0000000  }
0x3: {  	_ = 	snop  }
0x4: {  	_ = 	snop  }
0x5: {  	_ = 	snop  }
0x6: {  	_ = 	snop  }
0x7: {  	_ = 	snop  }
__scs_overlays_trampoline_lowered:
0x8: {  	[smem:$0x3FAA] =	sst s0  }
0x9: {  	[smem:$0x3FAB] =	sst s1  }
0xa: {  	[smem:$0x3FAC] =	sst s2  }
0xb: {  	[smem:$0x3FAD] =	sst s3  }
0xc: {  	[smem:$0x3FAE] =	sst s4  }
0xd: {  	[smem:$0x3FAF] =	sst s5  }
0xe: {  	[smem:$0x3FB0] =	sst s6  }
0xf: {  	[smem:$0x3FB1] =	sst s7  }
0x10: {  	[smem:$0x3FB2] =	sst s8  }
0x11: {  	[smem:$0x3FB3] =	sst s9;
	s0 =	simm.s32 @!p0 $0x0  }
0x12: {  	s1 =	sld [smem:$0x3F99];
	s0 =	simm.s32 @p0 $0x1  }
0x13: {  	[smem:$0x3FB4] =	sst s0;
	s0 =	simm.s32 @!p1 $0x0  }
0x14: {  	s2 =	sld [smem:$0x3F98];
	s0 =	simm.s32 @p1 $0x1  }
0x15: {  	[smem:$0x3FB5] =	sst s0;
	s0 =	simm.s32 @!p2 $0x0  }
0x16: {  	s3 =	sld [smem:$0x3FDB];
	s0 =	simm.s32 @p2 $0x1  }
0x17: {  	s4 =	simm.s32 $0x1BF5;
	[smem:$0x3FB7] =	sst s0  }
0x18: {  	s0 =	sld [smem:$0x3F9A];
	_ =	swait.ge [sflag:s4], $0x0  }
0x19: {  	s7 =	sld [smem:$0x3F9B]  }
0x1a: {  	s8 =	sadd.s32 $0xFFFFE003, lr  }
0x1b: {  	s9 =	sadd.s32 $0xFFFFFEF7, lr;
	s5 =	simm.s32 $0xFFFFFFFF;
	p2 =	slt.u32 s8, $0xFFFFF086  }
0x1c: {  	p1 =	slt.u32 s9, $0xF7A;
	s5 =	simm.s32 @!p2 $0x0  }
0x1d: {  	s5 =	simm.s32 @p1 $0x1;
	p0 =	seq.s32 s7, s2  }
0x1e: {  	s7 =	smul.u32 @!p0 $0xF7A, s2;
	p2 =	seq.s32 @!p0 s5, $0x0  }
0x1f: {  	s9 =	smul.u32 $0xF7A, s1;
	s8 =	simm.s32 @!p0 $0x1BF5;
	p2 =	por !p2, p0  }
0x20: {  	[sflag:s8] =	ssyncset.s32 @!p0 $0xFFFFF086;
	s6 =	sadd.s32 @!p0 s3, s7;
	s7 =	simm.s32 @!p0 $0x108  }
0x21: {  	s3 =	sadd.s32 s3, s9;
	s6 =	sadd.s32 @!p0 $0x88, s6;
	s7 =	simm.s32 @p2 $0x1082  }
0x22: {  	[simem:s7], [sflag:s8] =	dma.local @!p0 [hbm:s6], $0xF7A  }
0x23: {  	s9 =	sor.u32 $0xD0000000, s2;
	s6 =	simm.s32 $0x108;
	_ =	swait.ge @!p0 [sflag:s8], $0x0  }
0x24: {  	s3 =	sadd.s32 $0x88, s3;
	s6 =	simm.s32 @!p1 $0x1082;
	[sflag:s4] =	ssyncset.s32 $0xFFFFF086  }
0x25: {  	[simem:s6], [sflag:s4] =	dma.local [hbm:s3], $0xF7A  }
0x26: {  	[smem:$0x3F9B] =	sst s1;
	(tag) =	ssettag s2;
	_ =	strace s9  }
0x27: {  	s1 =	sld [smem:$0x3FAB]  }
0x28: {  	s2 =	sld [smem:$0x3FAC]  }
0x29: {  	s4 =	sld [smem:$0x3FAE]  }
0x2a: {  	p0 =	seq.s32 s5, $0x0;
	s5 =	sld [smem:$0x3FAF]  }
0x2b: {  	s6 =	sld [smem:$0x3FB0]  }
0x2c: {  	s7 =	sld [smem:$0x3FB1]  }
0x2d: {  	s3 =	simm.s32 $0x108;
	s8 =	sld [smem:$0x3FB2]  }
0x2e: {  	s3 =	simm.s32 @!p0 $0x1082;
	s9 =	sld [smem:$0x3FB3]  }
0x2f: {  	lr =	sadd.s32 s0, s3;
	s0 =	sld [smem:$0x3FAA]  }
0x30: {  	s3 =	sld [smem:$0x3FAD]  }
0x31: {  	[smem:$0x3FB6] =	sst s10  }
0x32: {  	s10 =	sld [smem:$0x3FB4];
	_ =	sdelay $0x3  }
0x33: {  	p0 =	seq.s32 s10, $0x1;
	s10 =	sld [smem:$0x3FB6];
	_ =	sdelay $0x3  }
0x34: {  	[smem:$0x3FB6] =	sst s10  }
0x35: {  	s10 =	sld [smem:$0x3FB5];
	_ =	sdelay $0x3  }
0x36: {  	p1 =	seq.s32 s10, $0x1;
	s10 =	sld [smem:$0x3FB6];
	_ =	sdelay $0x3  }
0x37: {  	[smem:$0x3FB6] =	sst s10  }
0x38: {  	s10 =	sld [smem:$0x3FB7]  }
0x39: {  	_ = 	snop;
	(pc) =	sbr.ind lr, $3  }
0x3a: {  	_ = 	snop  }
0x3b: {  	_ = 	snop  }
0x3c: {  	p2 =	seq.s32 s10, $0x1;
	s10 =	sld [smem:$0x3FB6]  }
0x3d: {  	_ =	shalt  }
0x3e: {  	_ =	shalt  }
0x3f: {  	_ =	shalt  }
0x40: {  	_ =	shalt  }
0x41: {  	_ =	shalt  }
0x42: {  	_ =	shalt  }
0x43: {  	_ =	shalt  }
0x44: {  	_ =	shalt  }
0x45: {  	_ =	shalt  }
0x46: {  	_ =	shalt  }
0x47: {  	_ =	shalt  }
0x48: {  	_ =	shalt  }
0x49: {  	_ =	shalt  }
0x4a: {  	_ =	shalt  }
0x4b: {  	_ =	shalt  }
0x4c: {  	_ =	shalt  }
0x4d: {  	_ =	shalt  }
0x4e: {  	_ =	shalt  }
0x4f: {  	_ =	shalt  }
0x50: {  	_ =	shalt  }
0x51: {  	_ =	shalt  }
0x52: {  	_ =	shalt  }
0x53: {  	_ =	shalt  }
0x54: {  	_ =	shalt  }
0x55: {  	_ =	shalt  }
0x56: {  	_ =	shalt  }
0x57: {  	_ =	shalt  }
0x58: {  	_ =	shalt  }
0x59: {  	_ =	shalt  }
0x5a: {  	_ =	shalt  }
0x5b: {  	_ =	shalt  }
0x5c: {  	_ =	shalt  }
0x5d: {  	_ =	shalt  }
0x5e: {  	_ =	shalt  }
0x5f: {  	_ =	shalt  }
0x60: {  	_ =	shalt  }
0x61: {  	_ =	shalt  }
0x62: {  	_ =	shalt  }
0x63: {  	_ =	shalt  }
0x64: {  	_ =	shalt  }
0x65: {  	_ =	shalt  }
0x66: {  	_ =	shalt  }
0x67: {  	_ =	shalt  }
0x68: {  	_ =	shalt  }
0x69: {  	_ =	shalt  }
0x6a: {  	_ =	shalt  }
0x6b: {  	_ =	shalt  }
0x6c: {  	_ =	shalt  }
0x6d: {  	_ =	shalt  }
0x6e: {  	_ =	shalt  }
0x6f: {  	_ =	shalt  }
0x70: {  	_ =	shalt  }
0x71: {  	_ =	shalt  }
0x72: {  	_ =	shalt  }
0x73: {  	_ =	shalt  }
0x74: {  	_ =	shalt  }
0x75: {  	_ =	shalt  }
0x76: {  	_ =	shalt  }
0x77: {  	_ =	shalt  }
0x78: {  	_ =	shalt  }
0x79: {  	_ =	shalt  }
0x7a: {  	_ =	shalt  }
0x7b: {  	_ =	shalt  }
0x7c: {  	_ =	shalt  }
0x7d: {  	_ =	shalt  }
0x7e: {  	_ =	shalt  }
0x7f: {  	_ =	shalt  }
0x80: {  	_ =	shalt  }
0x81: {  	_ =	shalt  }
0x82: {  	_ =	shalt  }
0x83: {  	_ =	shalt  }
0x84: {  	_ =	shalt  }
0x85: {  	_ =	shalt  }
0x86: {  	_ =	shalt  }
0x87: {  	_ =	shalt  }
.Lfunc_end0:
.L_simem_size_0:
called_computation.2_lowered:
.L_overlay_start_0:
0x88: {  	s2 =	sld [smem:$0x3FD9]  }
0x89: {  	s3 =	sld [smem:$0x3FFE];
	_ =	sdelay $0x1  }
0x8a: {  	s1 =	srdreg.scid  }
0x8b: {  	s0 =	sand.u32 $0x1, s1  }
0x8c: {  	s17 =	sshll.u32 s0, $0xA;
	s2 =	sadd.s32 s3, s2  }
0x8d: {  	s2 =	sadd.s32 s2, s17  }
0x8e: {  	[smem:$0x3FC2] =	sst s2  }
0x8f: {  	_ = 	snop  }
0x90: {  	s18 =	sld [smem:$0x3FD0];
	(tm) =	ssettm $0x1  }
0x91: {  	s19 =	sld [smem:$0x3FFB];
	_ =	sdelay $0x3  }
0x92: {  	_ =	strace s19  }
0x93: {  	s2 =	sld [smem:$0x3FFC];
	_ =	sdelay $0x3  }
0x94: {  	_ =	strace s2  }
0x95: {  	s2 =	sld [smem:$0x3FFD];
	_ =	sdelay $0x3  }
0x96: {  	_ =	strace s2  }
0x97: {  	_ =	strace $0x8FFFFFFF  }
0x98: {  	s20 =	sld [smem:$0x3FDB];
	_ =	sdelay $0x1  }
0x99: {  	s4 =	simm.s32 $_scs_section_size  }
0x9a: {  	s5 =	simm.s32 $_size__tile_overlayer_lowered;
	s6 =	simm.s32 $_tile_overlayer_lowered  }
0x9b: {  	s7 =	simm.s32 $0x1BFF;
	s21 =	sshll.u32 s6, $0x1;
	s4 =	sadd.s32 s4, s20  }
0x9c: {  	s22 =	simm.s32 $0x0;
	s5 =	sshll.u32 s5, $0x1;
	s6 =	sadd.s32 s21, s4  }
0x9d: {  	[timem:s22], [sflag:s7] =	dma.local [hbm:s6], s5  }
0x9e: {  	_ =	swait.ge [sflag:s7], s5  }
0x9f: {  	s5 =	ssub.s32 $0x0, s5;
	[sflag:s7] =	ssyncset.done $0x0  }
0xa0: {  	[sflag:s7] =	ssyncadd.s32 s5;
	_ =	sdelay $0x1  }
0xa1: {  	s23 =	simm.s32 $0x1B8B  }
0xa2: {  	_ =	swait.ge [sflag:s23], $0x1  }
0xa3: {  	[sflag:s23] =	ssyncset.done $0x0  }
0xa4: {  	[sflag:s23] =	ssyncadd.s32 $0xFFFFFFFF  }
0xa5: {  	s5 =	sld [smem:$0x0]  }
0xa6: {  	s6 =	sand.u32 $0xFFFFFFFE, s1  }
0xa7: {  	p0 =	sne.s32 s1, s6  }
0xa8: {  	s6 =	sshll.u32 @p0 s6, $0xE  }
0xa9: {  	s6 =	sadd.s32 @p0 $0x11B8D, s6;
	s7 =	sshll.u32 @p0 s5, $0x11  }
0xaa: {  	s6 =	sor.u32 @p0 s7, s6  }
0xab: {  	[sflag:s6] =	ssyncadd.remote.s32 @p0 $0x1;
	_ =	sdelay $0x1  }
0xac: {  	s6 =	simm.s32 @p0 $0x1B8D  }
0xad: {  	_ =	swait.eq @p0 [sflag:s6], $0x1  }
0xae: {  	[sflag:s6] =	ssyncadd.s32 @p0 $0xFFFFFFFF  }
0xaf: {  	s7 =	sshll.u32 @!p0 s1, $0xE  }
0xb0: {  	s7 =	sor.u32 @!p0 $0x4000, s7;
	s6 =	simm.s32 @!p0 $0x1B8D  }
0xb1: {  	s5 =	sshll.u32 @!p0 s5, $0x11;
	s7 =	sadd.s32 @!p0 $0x11B8D, s7;
	_ =	swait.eq @!p0 [sflag:s6], $0x1  }
0xb2: {  	s5 =	sor.u32 @!p0 s5, s7;
	[sflag:s6] =	ssyncadd.s32 @!p0 $0xFFFFFFFF  }
0xb3: {  	s25 =	simm.s32 $0x1B8E;
	s24 =	sld [smem:$0x3FFE];
	[sflag:s5] =	ssyncadd.remote.s32 @!p0 $0x1  }
0xb4: {  	s26 =	simm.s32 $execute0_lowered;
	[smem:$0x3FD2] =	sst s25  }
0xb5: {  	s6 =	sshll.u32 s26, $0x1;
	_ =	strace $0x8000004F;
	[dreg:$0x1] =	wrdreg $0xFFFFFFFF  }
0xb6: {  	s28 =	simm.s32 $_size_execute0_lowered;
	s4 =	sadd.s32 s4, s6;
	[dreg:$0x0] =	wrdreg $0x0  }
0xb7: {  	s6 =	sshll.u32 s28, $0x1;
	[dreg:$0x2] =	wrdreg s4  }
0xb8: {  	[dreg:$0x3] =	wrdreg s6  }
0xb9: {  	[dreg:$0x4] =	wrdreg $0xC0  }
0xba: {  	_ =	task [dreg:s22], $0x5FFFF  }
0xbb: {  	[dreg:$0x1] =	wrdreg $0xFFFFFFFF  }
0xbc: {  	[dreg:$0x0] =	wrdreg $0x60  }
0xbd: {  	[dreg:$0x2] =	wrdreg s18  }
0xbe: {  	[dreg:$0x3] =	wrdreg s24  }
0xbf: {  	[dreg:$0x4] =	wrdreg $0xF0000  }
0xc0: {  	[dreg:$0x5] =	wrdreg $0x9  }
0xc1: {  	_ =	task.clear_ibuf [dreg:s22], $0x6FFFF;
	_ =	strace $0x9000004F  }
0xc2: {  	s29 =	simm.s32 $0x9;
	_ =	strace $0x80000051  }
0xc3: {  	_ =	swait.ge [sflag:s29], $0x1  }
0xc4: {  	[sflag:s29] =	ssyncadd.s32 $0xFFFFFFFF  }
0xc5: {  	_ =	strace $0x90000051  }
0xc6: {  	_ =	sfence  }
0xc7: {  	s30 =	sld [smem:$0x0];
	_ =	sdelay $0x2  }
0xc8: {  	s31 =	sshll.u32 s1, $0xD;
	s1 =	sshrl.u32 s1, $0x2  }
0xc9: {  	s4 =	sand.u32 $0x4000, s31;
	s1 =	sadd.s32 s1, s30  }
0xca: {  	s0 =	sor.u32 s4, s0;
	s1 =	sshll.u32 s1, $0x11  }
0xcb: {  	s0 =	sor.u32 s1, s0  }
0xcc: {  	s0 =	sadd.s32 $0x8F2B, s0  }
0xcd: {  	[sflag:s0] =	ssyncadd.remote.s32 $0x1  }
0xce: {  	_ =	sfence.sel $0xFFFF  }
0xcf: {  	[dreg:$0x0] =	wrdreg $0xFFFFFFFF;
	(pc) =	sbr.abs _section_cstart, $3  }
0xd0: {  	[dreg:$0x1] =	wrdreg $0xFFFFFFFF  }
0xd1: {  	_ =	task.clear_ibuf [dreg:s22], $0x2FFFF;
	_ =	strace $0x9FFFFFFF  }
0xd2: {  	(tm) =	ssettm $0x7FFFFFFF  }
0xd3: {  	_ =	shalt  }
tec
execute0_lowered:
.L_overlay_start_1:
0x0: {  	(tag) =	ssettag $0x1  }
0x1: {  	s0 =	rddreg [dreg:$0x0]  }
0x2: {  	s1 =	rddreg [dreg:$0x1]  }
0x3: {  	s2 =	rddreg [dreg:$0x2];
	s3 =	simm.s32 $0x0  }
0x4: {  	s8 =	stileid.u32;
	s4 =	srdreg.scid;
	s14 =	simm.s32 $0x9  }
0x5: {  	s16 =	simm.s32 $0x5000;
	s18 =	simm.s32 $0x7800;
	s28 =	simm.s32 $0x2  }
0x6: {  	s29 =	simm.s32 $0x3;
	s30 =	simm.s32 $0x4;
	s5 =	smul.u32 $0x500, s8  }
0x7: {  	s31 =	simm.s32 $0x6;
	s4 =	sand.u32 $0x1, s4;
	s8 =	smul.u32 $0xC800, s8  }
0x8: {  	[smem:$0x7FF] =	sst s3;
	s6 =	smul.u32 $0x19000, s4;
	s4 =	ssub.s32 $0x2, s4  }
0x9: {  	_ =	strace $0x80000050;
	s5 =	sadd.s32 s5, s1;
	s7 =	sshrl.u32 s4, $0x1  }
0xa: {  	s20 =	sadd.s32 $0x2800, s8;
	s9 =	sshrl.u32 s8, $0x3;
	s23 =	sadd.s32 $0x5000, s8  }
0xb: {  	s11 =	sadd.s32 $0x7800, s8;
	s12 =	sadd.s32 $0xA000, s8;
	s8 =	sadd.s32 s8, s2  }
0xc: {  	s1 =	sadd.s32 s6, s1;
	s4 =	ssub.s32 s4, s7;
	s19 =	sadd.s32 $0xADE00, s5  }
0xd: {  	s5 =	sadd.s32 $0xA8E00, s5;
	s6 =	sadd.s32 s0, s6;
	s22 =	sshrl.u32 s20, $0x3  }
0xe: {  	s15 =	sshrl.u32 s23, $0x3;
	s21 =	sshrl.u32 s11, $0x3;
	s24 =	sshrl.u32 s12, $0x3  }
0xf: {  	s0 =	sadd.s32 s20, s2;
	s25 =	sadd.s32 s23, s2;
	[dreg:$0x4] =	wrdreg s19  }
0x10: {  	s11 =	sadd.s32 s11, s2;
	s12 =	sadd.s32 s12, s2;
	[dreg:$0x5] =	wrdreg s5  }
0x11: {  	s20 =	simm.s32 $0xA000;
	s23 =	simm.s32 $0x1;
	[dreg:$0x6] =	wrdreg s0  }
0x12: {  	s10 =	smov.u32 s9;
	[dreg:$0x7] =	wrdreg s25;
	s26 =	sadd.s32 $0x65A00, s1  }
0x13: {  	s13 =	smax.u32 s4, $0x1;
	s17 =	sadd.s32 s22, s6;
	s19 =	sadd.s32 s15, s6  }
0x14: {  	s21 =	sadd.s32 s21, s6;
	s22 =	simm.s32 $0xC800;
	s24 =	sadd.s32 s24, s6  }
0x15: {  	s0 =	simm.s32 $0x7;
	s1 =	simm.s32 $0x8;
	s15 =	simm.s32 $0x80  }
0x16: {  	s4 =	simm.s32 $0x0;
	s25 =	sadd.s32 s9, s26;
	s26 =	simm.s32 $0x5  }
.LBB2_1:
0x17: {  	s5 =	rddreg [dreg:$0x4]  }
0x18: {  	[tilespmem:s3], [sflag:$0x9] =	stream.linear.gather [hbm4b:s5+s3], $0x2800, $0x38;
	[tilespmem:$0x1B800] =	vst v63  }
0x19: {  	_ =	swait.ge [sflag:s14], $0x2800  }
0x1a: {  	[sflag:s14] =	ssyncset.done $0x0  }
0x1b: {  	s7 =	simm.s32 $0x2800;
	s9 =	rddreg [dreg:$0x5];
	[sflag:s14] =	ssyncadd.s32 $0xFFFFD800  }
0x1c: {  	[tilespmem:s7], [sflag:$0x9] =	stream.linear.gather [hbm4b:s9+s3], $0x2800, $0x38;
	[tilespmem:$0x1B800] =	vst v63  }
0x1d: {  	_ =	swait.ge [sflag:s14], $0x2800  }
0x1e: {  	[sflag:s14] =	ssyncset.done $0x0  }
0x1f: {  	s7 =	sadd.s32 s10, s6;
	[sflag:s14] =	ssyncadd.s32 $0xFFFFD800  }
0x20: {  	[tilespmem:s16], [sflag:$0x1] =	stream.linear.gather [hbm4b:s7+s3], $0x2800, $0x38;
	[tilespmem:$0x1B800] =	vst v63  }
0x21: {  	_ = 	snop  }
0x22: {  	[tilespmem:s18], [sflag:$0x2] =	stream.linear.gather [hbm4b:s17+s3], $0x2800, $0x38;
	[tilespmem:$0x1B800] =	vst v63  }
0x23: {  	_ = 	snop  }
0x24: {  	[tilespmem:s20], [sflag:$0x3] =	stream.linear.gather [hbm4b:s19+s3], $0x2800, $0x38;
	[tilespmem:$0x1B800] =	vst v63  }
0x25: {  	_ = 	snop  }
0x26: {  	[tilespmem:s22], [sflag:$0x4] =	stream.linear.gather [hbm4b:s21+s3], $0x2800, $0x38;
	[tilespmem:$0x1B800] =	vst v63  }
0x27: {  	_ =	swait.ge [sflag:s23], $0x2800  }
0x28: {  	[sflag:s23] =	ssyncset.done $0x0  }
0x29: {  	[sflag:s23] =	ssyncadd.s32 $0xFFFFD800  }
0x2a: {  	[spmem:s8] =	stream.linear.scatter [tilespmem:s16], [sflag:$0x5], $0x2800, $0x38;
	[tilespmem:$0x1B800] =	vst v63  }
0x2b: {  	_ =	swait.ge [sflag:s26], $0x2800  }
0x2c: {  	[sflag:s26] =	ssyncset.done $0x0  }
0x2d: {  	[sflag:s26] =	ssyncadd.s32 $0xFFFFD800  }
0x2e: {  	[tilespmem:s16], [sflag:$0x1] =	stream.linear.gather [hbm4b:s24+s3], $0x2800, $0x38;
	[tilespmem:$0x1B800] =	vst v63  }
0x2f: {  	_ =	swait.ge [sflag:s28], $0x2800  }
0x30: {  	[sflag:s28] =	ssyncset.done $0x0  }
0x31: {  	s9 =	rddreg [dreg:$0x6];
	[sflag:s28] =	ssyncadd.s32 $0xFFFFD800  }
0x32: {  	[spmem:s9] =	stream.linear.scatter [tilespmem:s18], [sflag:$0x6], $0x2800, $0x38;
	[tilespmem:$0x1B800] =	vst v63  }
0x33: {  	_ =	swait.ge [sflag:s29], $0x2800  }
0x34: {  	[sflag:s29] =	ssyncset.done $0x0  }
0x35: {  	s7 =	rddreg [dreg:$0x7];
	[sflag:s29] =	ssyncadd.s32 $0xFFFFD800  }
0x36: {  	[spmem:s7] =	stream.linear.scatter [tilespmem:s20], [sflag:$0x7], $0x2800, $0x38;
	[tilespmem:$0x1B800] =	vst v63  }
0x37: {  	_ =	swait.ge [sflag:s30], $0x2800  }
0x38: {  	[sflag:s30] =	ssyncset.done $0x0  }
0x39: {  	[sflag:s30] =	ssyncadd.s32 $0xFFFFD800  }
0x3a: {  	[spmem:s11] =	stream.linear.scatter [tilespmem:s22], [sflag:$0x8], $0x2800, $0x38;
	[tilespmem:$0x1B800] =	vst v63  }
0x3b: {  	_ =	swait.ge [sflag:s23], $0x2800  }
0x3c: {  	[sflag:s23] =	ssyncset.done $0x0  }
0x3d: {  	[sflag:s23] =	ssyncadd.s32 $0xFFFFD800  }
0x3e: {  	[spmem:s12] =	stream.linear.scatter [tilespmem:s16], [sflag:$0x5], $0x2800, $0x38;
	[tilespmem:$0x1B800] =	vst v63  }
0x3f: {  	_ =	swait.ge [sflag:s31], $0x2800  }
0x40: {  	[sflag:s31] =	ssyncset.done $0x0  }
0x41: {  	[sflag:s31] =	ssyncadd.s32 $0xFFFFD800  }
0x42: {  	_ =	swait.ge [sflag:s0], $0x2800  }
0x43: {  	[sflag:s0] =	ssyncset.done $0x0  }
0x44: {  	[sflag:s0] =	ssyncadd.s32 $0xFFFFD800  }
0x45: {  	_ =	swait.ge [sflag:s1], $0x2800  }
0x46: {  	[sflag:s1] =	ssyncset.done $0x0  }
0x47: {  	[sflag:s1] =	ssyncadd.s32 $0xFFFFD800  }
0x48: {  	_ =	swait.ge [sflag:s26], $0x2800  }
0x49: {  	[sflag:s26] =	ssyncset.done $0x0  }
0x4a: {  	[sflag:s26] =	ssyncadd.s32 $0xFFFFD800  }
0x4b: {  	[bflag:$0x0] =	sbarrier.arrive $0xFFFF  }
0x4c: {  	[tilespmem:s16], [sflag:$0x1] =	stream.indirect.gather [hbm4b:s6+s15], $0x50, s3, s15, $0xb8;
	[tilespmem:$0x1B800] =	vst v63  }
0x4d: {  	_ = 	snop  }
0x4e: {  	[tilespmem:s18], [sflag:$0x2] =	stream.indirect.gather [hbm4b:s6+s15], $0x50, s15, s15, $0xb8;
	[tilespmem:$0x1B800] =	vst v63  }
0x4f: {  	s9 =	simm.s32 $0x100  }
0x50: {  	[tilespmem:s20], [sflag:$0x3] =	stream.indirect.gather [hbm4b:s6+s15], $0x50, s9, s15, $0xb8;
	[tilespmem:$0x1B800] =	vst v63  }
0x51: {  	s7 =	simm.s32 $0x180  }
0x52: {  	[tilespmem:s22], [sflag:$0x4] =	stream.indirect.gather [hbm4b:s6+s15], $0x50, s7, s15, $0xb8;
	[tilespmem:$0x1B800] =	vst v63  }
0x53: {  	_ =	swait.ge [sflag:s23], $0x2800  }
0x54: {  	[sflag:s23] =	ssyncset.done $0x0  }
0x55: {  	s9 =	simm.s32 $0x2800;
	[sflag:s23] =	ssyncadd.s32 $0xFFFFD800  }
0x56: {  	[spmem:s2] =	stream.indirect.scatter.add.f32 [tilespmem:s16], [sflag:$0x5], $0x50, s9, s15, $0xb8;
	[tilespmem:$0x1B800] =	vst v63  }
0x57: {  	_ =	swait.ge [sflag:s28], $0x2800  }
0x58: {  	[sflag:s28] =	ssyncset.done $0x0  }
0x59: {  	s7 =	simm.s32 $0x2880;
	[sflag:s28] =	ssyncadd.s32 $0xFFFFD800  }
0x5a: {  	[spmem:s2] =	stream.indirect.scatter.add.f32 [tilespmem:s18], [sflag:$0x6], $0x50, s7, s15, $0xb8;
	[tilespmem:$0x1B800] =	vst v63  }
0x5b: {  	_ =	swait.ge [sflag:s29], $0x2800  }
0x5c: {  	[sflag:s29] =	ssyncset.done $0x0  }
0x5d: {  	s9 =	simm.s32 $0x2900;
	[sflag:s29] =	ssyncadd.s32 $0xFFFFD800  }
0x5e: {  	[spmem:s2] =	stream.indirect.scatter.add.f32 [tilespmem:s20], [sflag:$0x7], $0x50, s9, s15, $0xb8;
	[tilespmem:$0x1B800] =	vst v63  }
0x5f: {  	_ =	swait.ge [sflag:s30], $0x2800  }
0x60: {  	[sflag:s30] =	ssyncset.done $0x0  }
0x61: {  	s7 =	simm.s32 $0x2980;
	[sflag:s30] =	ssyncadd.s32 $0xFFFFD800  }
0x62: {  	[spmem:s2] =	stream.indirect.scatter.add.f32 [tilespmem:s22], [sflag:$0x8], $0x50, s7, s15, $0xb8;
	[tilespmem:$0x1B800] =	vst v63  }
0x63: {  	_ =	swait.ge [sflag:s26], $0x2800  }
0x64: {  	[sflag:s26] =	ssyncset.done $0x0  }
0x65: {  	s9 =	simm.s32 $0x200;
	[sflag:s26] =	ssyncadd.s32 $0xFFFFD800  }
0x66: {  	[tilespmem:s16], [sflag:$0x1] =	stream.indirect.gather [hbm4b:s6+s15], $0x50, s9, s15, $0xb8;
	[tilespmem:$0x1B800] =	vst v63  }
0x67: {  	_ =	swait.ge [sflag:s31], $0x2800  }
0x68: {  	[sflag:s31] =	ssyncset.done $0x0  }
0x69: {  	s7 =	simm.s32 $0x280;
	[sflag:s31] =	ssyncadd.s32 $0xFFFFD800  }
0x6a: {  	[tilespmem:s18], [sflag:$0x2] =	stream.indirect.gather [hbm4b:s6+s15], $0x50, s7, s15, $0xb8;
	[tilespmem:$0x1B800] =	vst v63  }
0x6b: {  	_ =	swait.ge [sflag:s0], $0x2800  }
0x6c: {  	[sflag:s0] =	ssyncset.done $0x0  }
0x6d: {  	s9 =	simm.s32 $0x300;
	[sflag:s0] =	ssyncadd.s32 $0xFFFFD800  }
0x6e: {  	[tilespmem:s20], [sflag:$0x3] =	stream.indirect.gather [hbm4b:s6+s15], $0x50, s9, s15, $0xb8;
	[tilespmem:$0x1B800] =	vst v63  }
0x6f: {  	_ =	swait.ge [sflag:s1], $0x2800  }
0x70: {  	[sflag:s1] =	ssyncset.done $0x0  }
0x71: {  	s5 =	simm.s32 $0x800;
	s7 =	simm.s32 $0x380;
	[sflag:s1] =	ssyncadd.s32 $0xFFFFD800  }
.LBB2_2:
0x72: {  	[tilespmem:s22], [sflag:$0x4] =	stream.indirect.gather [hbm4b:s6+s15], $0x50, s7, s15, $0xb8;
	[tilespmem:$0x1B800] =	vst v63  }
0x73: {  	s7 =	smov.u32 s5  }
0x74: {  	p0 =	sne.s32 s5, $0x9000;
	s5 =	sadd.s32 $0x800, s5;
	_ =	swait.ge [sflag:s23], $0x2800  }
0x75: {  	s7 =	sshra.s32 s7, $0x2;
	[sflag:s23] =	ssyncset.done $0x0  }
0x76: {  	s9 =	sadd.s32 $0x2800, s7;
	[sflag:s23] =	ssyncadd.s32 $0xFFFFD800  }
0x77: {  	[spmem:s2] =	stream.indirect.scatter.add.f32 [tilespmem:s16], [sflag:$0x5], $0x50, s9, s15, $0xb8;
	[tilespmem:$0x1B800] =	vst v63  }
0x78: {  	_ =	swait.ge [sflag:s28], $0x2800  }
0x79: {  	[sflag:s28] =	ssyncset.done $0x0  }
0x7a: {  	s9 =	sadd.s32 $0x2880, s7;
	[sflag:s28] =	ssyncadd.s32 $0xFFFFD800  }
0x7b: {  	[spmem:s2] =	stream.indirect.scatter.add.f32 [tilespmem:s18], [sflag:$0x6], $0x50, s9, s15, $0xb8;
	[tilespmem:$0x1B800] =	vst v63  }
0x7c: {  	_ =	swait.ge [sflag:s29], $0x2800  }
0x7d: {  	[sflag:s29] =	ssyncset.done $0x0  }
0x7e: {  	s9 =	sadd.s32 $0x2900, s7;
	[sflag:s29] =	ssyncadd.s32 $0xFFFFD800  }
0x7f: {  	[spmem:s2] =	stream.indirect.scatter.add.f32 [tilespmem:s20], [sflag:$0x7], $0x50, s9, s15, $0xb8;
	[tilespmem:$0x1B800] =	vst v63  }
0x80: {  	_ =	swait.ge [sflag:s30], $0x2800  }
0x81: {  	[sflag:s30] =	ssyncset.done $0x0  }
0x82: {  	s9 =	sadd.s32 $0x2980, s7;
	[sflag:s30] =	ssyncadd.s32 $0xFFFFD800  }
0x83: {  	[spmem:s2] =	stream.indirect.scatter.add.f32 [tilespmem:s22], [sflag:$0x8], $0x50, s9, s15, $0xb8;
	[tilespmem:$0x1B800] =	vst v63  }
0x84: {  	_ =	swait.ge [sflag:s26], $0x2800  }
0x85: {  	[sflag:s26] =	ssyncset.done $0x0  }
0x86: {  	s9 =	sadd.s32 $0x200, s7;
	[sflag:s26] =	ssyncadd.s32 $0xFFFFD800  }
0x87: {  	[tilespmem:s16], [sflag:$0x1] =	stream.indirect.gather [hbm4b:s6+s15], $0x50, s9, s15, $0xb8;
	[tilespmem:$0x1B800] =	vst v63  }
0x88: {  	_ =	swait.ge [sflag:s31], $0x2800  }
0x89: {  	[sflag:s31] =	ssyncset.done $0x0  }
0x8a: {  	s9 =	sadd.s32 $0x280, s7;
	[sflag:s31] =	ssyncadd.s32 $0xFFFFD800  }
0x8b: {  	[tilespmem:s18], [sflag:$0x2] =	stream.indirect.gather [hbm4b:s6+s15], $0x50, s9, s15, $0xb8;
	[tilespmem:$0x1B800] =	vst v63  }
0x8c: {  	_ =	swait.ge [sflag:s0], $0x2800  }
0x8d: {  	[sflag:s0] =	ssyncset.done $0x0  }
.Ltmp0:
0x8e: {  	s9 =	sadd.s32 $0x300, s7;
	[sflag:s0] =	ssyncadd.s32 $0xFFFFD800;
	(pc) =	sbr.rel @p0 .LBB2_2-.Ltmp0, $4  }
0x8f: {  	[tilespmem:s20], [sflag:$0x3] =	stream.indirect.gather [hbm4b:s6+s15], $0x50, s9, s15, $0xb8;
	[tilespmem:$0x1B800] =	vst v63  }
0x90: {  	_ =	swait.ge [sflag:s1], $0x2800  }
0x91: {  	[sflag:s1] =	ssyncset.done $0x0  }
0x92: {  	s7 =	sadd.s32 $0x380, s7;
	[sflag:s1] =	ssyncadd.s32 $0xFFFFD800  }
0x93: {  	[tilespmem:s22], [sflag:$0x4] =	stream.indirect.gather [hbm4b:s6+s15], $0x50, s7, s15, $0xb8;
	[tilespmem:$0x1B800] =	vst v63  }
0x94: {  	_ =	swait.ge [sflag:s23], $0x2800  }
0x95: {  	[sflag:s23] =	ssyncset.done $0x0  }
0x96: {  	s5 =	simm.s32 $0x4E00;
	[sflag:s23] =	ssyncadd.s32 $0xFFFFD800  }
0x97: {  	[spmem:s2] =	stream.indirect.scatter.add.f32 [tilespmem:s16], [sflag:$0x5], $0x50, s5, s15, $0xb8;
	[tilespmem:$0x1B800] =	vst v63  }
0x98: {  	_ =	swait.ge [sflag:s28], $0x2800  }
0x99: {  	[sflag:s28] =	ssyncset.done $0x0  }
0x9a: {  	s9 =	simm.s32 $0x4E80;
	[sflag:s28] =	ssyncadd.s32 $0xFFFFD800  }
0x9b: {  	[spmem:s2] =	stream.indirect.scatter.add.f32 [tilespmem:s18], [sflag:$0x6], $0x50, s9, s15, $0xb8;
	[tilespmem:$0x1B800] =	vst v63  }
0x9c: {  	_ =	swait.ge [sflag:s29], $0x2800  }
0x9d: {  	[sflag:s29] =	ssyncset.done $0x0  }
0x9e: {  	s7 =	simm.s32 $0x4F00;
	[sflag:s29] =	ssyncadd.s32 $0xFFFFD800  }
0x9f: {  	[spmem:s2] =	stream.indirect.scatter.add.f32 [tilespmem:s20], [sflag:$0x7], $0x50, s7, s15, $0xb8;
	[tilespmem:$0x1B800] =	vst v63  }
0xa0: {  	_ =	swait.ge [sflag:s30], $0x2800  }
0xa1: {  	[sflag:s30] =	ssyncset.done $0x0  }
0xa2: {  	s9 =	simm.s32 $0x4F80;
	[sflag:s30] =	ssyncadd.s32 $0xFFFFD800  }
0xa3: {  	[spmem:s2] =	stream.indirect.scatter.add.f32 [tilespmem:s22], [sflag:$0x8], $0x50, s9, s15, $0xb8;
	[tilespmem:$0x1B800] =	vst v63  }
0xa4: {  	_ =	swait.ge [sflag:s26], $0x2800  }
0xa5: {  	[sflag:s26] =	ssyncset.done $0x0  }
0xa6: {  	[sflag:s26] =	ssyncadd.s32 $0xFFFFD800  }
0xa7: {  	_ =	swait.ge [sflag:s31], $0x2800  }
0xa8: {  	[sflag:s31] =	ssyncset.done $0x0  }
0xa9: {  	[sflag:s31] =	ssyncadd.s32 $0xFFFFD800  }
0xaa: {  	_ =	swait.ge [sflag:s0], $0x2800  }
0xab: {  	[sflag:s0] =	ssyncset.done $0x0  }
0xac: {  	[sflag:s0] =	ssyncadd.s32 $0xFFFFD800  }
0xad: {  	s7 =	stileid.u32;
	_ =	swait.ge [sflag:s1], $0x2800  }
0xae: {  	s4 =	sadd.s32 $0x1, s4;
	s5 =	sshll.u32 s7, $0x6;
	[sflag:s1] =	ssyncset.done $0x0  }
0xaf: {  	p0 =	sne.s32 s4, s13;
	s5 =	sor.u32 $0x1C09, s5;
	[sflag:s1] =	ssyncadd.s32 $0xFFFFD800  }
.Ltmp1:
0xb0: {  	s9 =	sshrl.u32 s8, $0x3;
	[bflag:$0x0] =	sbarrier.arrive $0xFFFF;
	(pc) =	sbr.rel @p0 .LBB2_1-.Ltmp1, $4  }
0xb1: {  	[hbm:s25], [sflag:s5] =	dma.local [spmem:s9], $0x1900  }
0xb2: {  	_ =	swait.ge [sflag:s14], $0x1900  }
0xb3: {  	[sflag:s14] =	ssyncset.done $0x0  }
0xb4: {  	[sflag:s14] =	ssyncadd.s32 $0xFFFFE700  }
0xb5: {  	_ =	sfence.sel $0x180000  }
0xb6: {  	[bflag:$0x0] =	sbarrier.arrive $0xFFFF  }
0xb7: {  	_ =	strace $0x90000050  }
0xb8: {  	s0 =	stileid.u32;
	[bflag:$0x2] =	sbarrier.arrive $0xFFFF  }
0xb9: {  	p0 =	sne.s32 s0, $0x0;
	s0 =	rddreg [dreg:$0x3]  }
0xba: {  	s0 =	sadd.s32 @!p0 $0x100000, s0  }
0xbb: {  	[sflag:s0] =	ssyncadd.tile.s32 @!p0 $0x1;
	_ =	shalt  }
.Lfunc_end2:
_tile_overlayer_lowered:
.L_overlay_start_2:
0xbc: {  	(tag) =	ssettag $0x2  }
0xbd: {  	s0 =	rddreg [dreg:$0x0];
	s2 =	stileid.u32  }
0xbe: {  	s1 =	rddreg [dreg:$0x1];
	p0 =	sne.s32 s2, $0x0  }
0xbf: {  	s3 =	rddreg [dreg:$0x2];
	[bflag:$0x3] =	sbarrier.arrive $0xFFFF;
	s2 =	simm.s32 @!p0 $0x1C09  }
0xc0: {  	[timem:s3], [sflag:s2] =	dma.local @!p0 [hbm:s0], s1  }
0xc1: {  	s0 =	simm.s32 @!p0 $0x9  }
0xc2: {  	_ =	swait.ge @!p0 [sflag:s0], s1  }
0xc3: {  	s1 =	ssub.s32 @!p0 $0x0, s1;
	[sflag:s0] =	ssyncset.done @!p0 $0x0  }
0xc4: {  	[sflag:s0] =	ssyncadd.s32 @!p0 s1  }
0xc5: {  	[bflag:$0x3] =	sbarrier.arrive $0xFFFF  }
0xc6: {  	_ =	shalt  }

// kernel: kernel.20.cloned.1.call-start
scs
__scs_entry_jumppad:
0x0: {  	(pc) =	sbr.rel $0x88, $3  }
0x1: {  	(tag) =	ssettag $0x0;
	lr =	simm.s32 $0x1  }
0x2: {  	[smem:$0x3F9B] =	sst lr;
	_ =	strace $0xD0000000  }
0x3: {  	_ = 	snop  }
0x4: {  	_ = 	snop  }
0x5: {  	_ = 	snop  }
0x6: {  	_ = 	snop  }
0x7: {  	_ = 	snop  }
__scs_overlays_trampoline_lowered:
0x8: {  	[smem:$0x3FAA] =	sst s0  }
0x9: {  	[smem:$0x3FAB] =	sst s1  }
0xa: {  	[smem:$0x3FAC] =	sst s2  }
0xb: {  	[smem:$0x3FAD] =	sst s3  }
0xc: {  	[smem:$0x3FAE] =	sst s4  }
0xd: {  	[smem:$0x3FAF] =	sst s5  }
0xe: {  	[smem:$0x3FB0] =	sst s6  }
0xf: {  	[smem:$0x3FB1] =	sst s7  }
0x10: {  	[smem:$0x3FB2] =	sst s8  }
0x11: {  	[smem:$0x3FB3] =	sst s9;
	s0 =	simm.s32 @!p0 $0x0  }
0x12: {  	s1 =	sld [smem:$0x3F99];
	s0 =	simm.s32 @p0 $0x1  }
0x13: {  	[smem:$0x3FB4] =	sst s0;
	s0 =	simm.s32 @!p1 $0x0  }
0x14: {  	s2 =	sld [smem:$0x3F98];
	s0 =	simm.s32 @p1 $0x1  }
0x15: {  	[smem:$0x3FB5] =	sst s0;
	s0 =	simm.s32 @!p2 $0x0  }
0x16: {  	s3 =	sld [smem:$0x3FDB];
	s0 =	simm.s32 @p2 $0x1  }
0x17: {  	s4 =	simm.s32 $0x1BF5;
	[smem:$0x3FB7] =	sst s0  }
0x18: {  	s0 =	sld [smem:$0x3F9A];
	_ =	swait.ge [sflag:s4], $0x0  }
0x19: {  	s7 =	sld [smem:$0x3F9B]  }
0x1a: {  	s8 =	sadd.s32 $0xFFFFE003, lr  }
0x1b: {  	s9 =	sadd.s32 $0xFFFFFEF7, lr;
	s5 =	simm.s32 $0xFFFFFFFF;
	p2 =	slt.u32 s8, $0xFFFFF086  }
0x1c: {  	p1 =	slt.u32 s9, $0xF7A;
	s5 =	simm.s32 @!p2 $0x0  }
0x1d: {  	s5 =	simm.s32 @p1 $0x1;
	p0 =	seq.s32 s7, s2  }
0x1e: {  	s7 =	smul.u32 @!p0 $0xF7A, s2;
	p2 =	seq.s32 @!p0 s5, $0x0  }
0x1f: {  	s9 =	smul.u32 $0xF7A, s1;
	s8 =	simm.s32 @!p0 $0x1BF5;
	p2 =	por !p2, p0  }
0x20: {  	[sflag:s8] =	ssyncset.s32 @!p0 $0xFFFFF086;
	s6 =	sadd.s32 @!p0 s3, s7;
	s7 =	simm.s32 @!p0 $0x108  }
0x21: {  	s3 =	sadd.s32 s3, s9;
	s6 =	sadd.s32 @!p0 $0x88, s6;
	s7 =	simm.s32 @p2 $0x1082  }
0x22: {  	[simem:s7], [sflag:s8] =	dma.local @!p0 [hbm:s6], $0xF7A  }
0x23: {  	s9 =	sor.u32 $0xD0000000, s2;
	s6 =	simm.s32 $0x108;
	_ =	swait.ge @!p0 [sflag:s8], $0x0  }
0x24: {  	s3 =	sadd.s32 $0x88, s3;
	s6 =	simm.s32 @!p1 $0x1082;
	[sflag:s4] =	ssyncset.s32 $0xFFFFF086  }
0x25: {  	[simem:s6], [sflag:s4] =	dma.local [hbm:s3], $0xF7A  }
0x26: {  	[smem:$0x3F9B] =	sst s1;
	(tag) =	ssettag s2;
	_ =	strace s9  }
0x27: {  	s1 =	sld [smem:$0x3FAB]  }
0x28: {  	s2 =	sld [smem:$0x3FAC]  }
0x29: {  	s4 =	sld [smem:$0x3FAE]  }
0x2a: {  	p0 =	seq.s32 s5, $0x0;
	s5 =	sld [smem:$0x3FAF]  }
0x2b: {  	s6 =	sld [smem:$0x3FB0]  }
0x2c: {  	s7 =	sld [smem:$0x3FB1]  }
0x2d: {  	s3 =	simm.s32 $0x108;
	s8 =	sld [smem:$0x3FB2]  }
0x2e: {  	s3 =	simm.s32 @!p0 $0x1082;
	s9 =	sld [smem:$0x3FB3]  }
0x2f: {  	lr =	sadd.s32 s0, s3;
	s0 =	sld [smem:$0x3FAA]  }
0x30: {  	s3 =	sld [smem:$0x3FAD]  }
0x31: {  	[smem:$0x3FB6] =	sst s10  }
0x32: {  	s10 =	sld [smem:$0x3FB4];
	_ =	sdelay $0x3  }
0x33: {  	p0 =	seq.s32 s10, $0x1;
	s10 =	sld [smem:$0x3FB6];
	_ =	sdelay $0x3  }
0x34: {  	[smem:$0x3FB6] =	sst s10  }
0x35: {  	s10 =	sld [smem:$0x3FB5];
	_ =	sdelay $0x3  }
0x36: {  	p1 =	seq.s32 s10, $0x1;
	s10 =	sld [smem:$0x3FB6];
	_ =	sdelay $0x3  }
0x37: {  	[smem:$0x3FB6] =	sst s10  }
0x38: {  	s10 =	sld [smem:$0x3FB7]  }
0x39: {  	_ = 	snop;
	(pc) =	sbr.ind lr, $3  }
0x3a: {  	_ = 	snop  }
0x3b: {  	_ = 	snop  }
0x3c: {  	p2 =	seq.s32 s10, $0x1;
	s10 =	sld [smem:$0x3FB6]  }
0x3d: {  	_ =	shalt  }
0x3e: {  	_ =	shalt  }
0x3f: {  	_ =	shalt  }
0x40: {  	_ =	shalt  }
0x41: {  	_ =	shalt  }
0x42: {  	_ =	shalt  }
0x43: {  	_ =	shalt  }
0x44: {  	_ =	shalt  }
0x45: {  	_ =	shalt  }
0x46: {  	_ =	shalt  }
0x47: {  	_ =	shalt  }
0x48: {  	_ =	shalt  }
0x49: {  	_ =	shalt  }
0x4a: {  	_ =	shalt  }
0x4b: {  	_ =	shalt  }
0x4c: {  	_ =	shalt  }
0x4d: {  	_ =	shalt  }
0x4e: {  	_ =	shalt  }
0x4f: {  	_ =	shalt  }
0x50: {  	_ =	shalt  }
0x51: {  	_ =	shalt  }
0x52: {  	_ =	shalt  }
0x53: {  	_ =	shalt  }
0x54: {  	_ =	shalt  }
0x55: {  	_ =	shalt  }
0x56: {  	_ =	shalt  }
0x57: {  	_ =	shalt  }
0x58: {  	_ =	shalt  }
0x59: {  	_ =	shalt  }
0x5a: {  	_ =	shalt  }
0x5b: {  	_ =	shalt  }
0x5c: {  	_ =	shalt  }
0x5d: {  	_ =	shalt  }
0x5e: {  	_ =	shalt  }
0x5f: {  	_ =	shalt  }
0x60: {  	_ =	shalt  }
0x61: {  	_ =	shalt  }
0x62: {  	_ =	shalt  }
0x63: {  	_ =	shalt  }
0x64: {  	_ =	shalt  }
0x65: {  	_ =	shalt  }
0x66: {  	_ =	shalt  }
0x67: {  	_ =	shalt  }
0x68: {  	_ =	shalt  }
0x69: {  	_ =	shalt  }
0x6a: {  	_ =	shalt  }
0x6b: {  	_ =	shalt  }
0x6c: {  	_ =	shalt  }
0x6d: {  	_ =	shalt  }
0x6e: {  	_ =	shalt  }
0x6f: {  	_ =	shalt  }
0x70: {  	_ =	shalt  }
0x71: {  	_ =	shalt  }
0x72: {  	_ =	shalt  }
0x73: {  	_ =	shalt  }
0x74: {  	_ =	shalt  }
0x75: {  	_ =	shalt  }
0x76: {  	_ =	shalt  }
0x77: {  	_ =	shalt  }
0x78: {  	_ =	shalt  }
0x79: {  	_ =	shalt  }
0x7a: {  	_ =	shalt  }
0x7b: {  	_ =	shalt  }
0x7c: {  	_ =	shalt  }
0x7d: {  	_ =	shalt  }
0x7e: {  	_ =	shalt  }
0x7f: {  	_ =	shalt  }
0x80: {  	_ =	shalt  }
0x81: {  	_ =	shalt  }
0x82: {  	_ =	shalt  }
0x83: {  	_ =	shalt  }
0x84: {  	_ =	shalt  }
0x85: {  	_ =	shalt  }
0x86: {  	_ =	shalt  }
0x87: {  	_ =	shalt  }
.Lfunc_end0:
.L_simem_size_0:
called_computation.3_lowered:
.L_overlay_start_0:
0x88: {  	s2 =	sld [smem:$0x3FD9]  }
0x89: {  	s3 =	sld [smem:$0x3FFE];
	_ =	sdelay $0x1  }
0x8a: {  	s1 =	srdreg.scid  }
0x8b: {  	s0 =	sand.u32 $0x1, s1  }
0x8c: {  	s16 =	sshll.u32 s0, $0xA;
	s2 =	sadd.s32 s3, s2  }
0x8d: {  	s2 =	sadd.s32 s2, s16  }
0x8e: {  	[smem:$0x3FC2] =	sst s2  }
0x8f: {  	_ = 	snop  }
0x90: {  	(tm) =	ssettm $0x1  }
0x91: {  	s17 =	sld [smem:$0x3FFB];
	_ =	sdelay $0x3  }
0x92: {  	_ =	strace s17  }
0x93: {  	s2 =	sld [smem:$0x3FFC];
	_ =	sdelay $0x3  }
0x94: {  	_ =	strace s2  }
0x95: {  	s2 =	sld [smem:$0x3FFD];
	_ =	sdelay $0x3  }
0x96: {  	_ =	strace s2  }
0x97: {  	_ =	strace $0x8FFFFFFF  }
0x98: {  	s18 =	sld [smem:$0x3FDB];
	_ =	sdelay $0x1  }
0x99: {  	s19 =	simm.s32 $_scs_section_size  }
0x9a: {  	s4 =	simm.s32 $_size__tile_overlayer_lowered;
	s5 =	simm.s32 $_tile_overlayer_lowered  }
0x9b: {  	s22 =	simm.s32 $0x1BFF;
	s21 =	sshll.u32 s5, $0x1;
	s2 =	sadd.s32 s19, s18  }
0x9c: {  	s6 =	simm.s32 $0x0;
	s20 =	sshll.u32 s4, $0x1;
	s4 =	sadd.s32 s21, s2  }
0x9d: {  	[timem:s6], [sflag:s22] =	dma.local [hbm:s4], s20  }
0x9e: {  	_ =	swait.ge [sflag:s22], s20  }
0x9f: {  	s3 =	ssub.s32 $0x0, s20;
	[sflag:s22] =	ssyncset.done $0x0  }
0xa0: {  	[sflag:s22] =	ssyncadd.s32 s3;
	_ =	sdelay $0x1  }
0xa1: {  	s23 =	simm.s32 $0x1B8B  }
0xa2: {  	_ =	swait.ge [sflag:s23], $0x1  }
0xa3: {  	[sflag:s23] =	ssyncset.done $0x0  }
0xa4: {  	s25 =	simm.s32 $0x1B8E;
	s24 =	sld [smem:$0x3FFE];
	[sflag:s23] =	ssyncadd.s32 $0xFFFFFFFF  }
0xa5: {  	s26 =	simm.s32 $execute0_lowered;
	[smem:$0x3FD2] =	sst s25  }
0xa6: {  	s4 =	sshll.u32 s26, $0x1;
	_ =	strace $0x8000004C;
	[dreg:$0x1] =	wrdreg $0xFFFFFFFF  }
0xa7: {  	s28 =	simm.s32 $_size_execute0_lowered;
	s2 =	sadd.s32 s2, s4;
	[dreg:$0x0] =	wrdreg $0x0  }
0xa8: {  	s4 =	sshll.u32 s28, $0x1;
	[dreg:$0x2] =	wrdreg s2  }
0xa9: {  	[dreg:$0x3] =	wrdreg s4  }
0xaa: {  	[dreg:$0x4] =	wrdreg $0xC0  }
0xab: {  	_ =	task [dreg:s6], $0x5FFFF  }
0xac: {  	[dreg:$0x1] =	wrdreg $0xFFFFFFFF  }
0xad: {  	[dreg:$0x0] =	wrdreg $0x60  }
0xae: {  	[dreg:$0x2] =	wrdreg s24  }
0xaf: {  	[dreg:$0x3] =	wrdreg $0xF0000  }
0xb0: {  	[dreg:$0x4] =	wrdreg $0xA  }
0xb1: {  	_ =	task.clear_ibuf [dreg:s6], $0x5FFFF;
	_ =	strace $0x9000004C  }
0xb2: {  	s29 =	simm.s32 $0xA;
	_ =	strace $0x8000004E  }
0xb3: {  	_ =	swait.ge [sflag:s29], $0x1  }
0xb4: {  	[sflag:s29] =	ssyncadd.s32 $0xFFFFFFFF  }
0xb5: {  	_ =	strace $0x9000004E  }
0xb6: {  	_ =	sfence  }
0xb7: {  	s30 =	sld [smem:$0x0];
	_ =	sdelay $0x2  }
0xb8: {  	s31 =	sshll.u32 s1, $0xD;
	s1 =	sshrl.u32 s1, $0x2  }
0xb9: {  	s3 =	sand.u32 $0x4000, s31;
	s1 =	sadd.s32 s1, s30  }
0xba: {  	s0 =	sor.u32 s3, s0;
	s1 =	sshll.u32 s1, $0x11  }
0xbb: {  	s0 =	sor.u32 s1, s0  }
0xbc: {  	s0 =	sadd.s32 $0x8F2B, s0  }
0xbd: {  	[sflag:s0] =	ssyncadd.remote.s32 $0x1  }
0xbe: {  	_ =	sfence.sel $0xFFFF  }
0xbf: {  	[dreg:$0x0] =	wrdreg $0xFFFFFFFF;
	(pc) =	sbr.abs _section_cstart, $3  }
0xc0: {  	[dreg:$0x1] =	wrdreg $0xFFFFFFFF  }
0xc1: {  	_ =	task.clear_ibuf [dreg:s6], $0x2FFFF;
	_ =	strace $0x9FFFFFFF  }
0xc2: {  	(tm) =	ssettm $0x7FFFFFFF  }
0xc3: {  	_ =	shalt  }
tec
execute0_lowered:
.L_overlay_start_1:
0x0: {  	(tag) =	ssettag $0x1  }
0x1: {  	s0 =	rddreg [dreg:$0x0]  }
0x2: {  	s2 =	rddreg [dreg:$0x1];
	s3 =	simm.s32 $0x0  }
0x3: {  	s7 =	stileid.u32;
	s1 =	srdreg.scid;
	s14 =	simm.s32 $0x9  }
0x4: {  	s16 =	simm.s32 $0x5000;
	s18 =	simm.s32 $0x7800;
	s20 =	simm.s32 $0xA000  }
0x5: {  	s28 =	simm.s32 $0x2;
	s29 =	simm.s32 $0x3;
	s30 =	simm.s32 $0x4  }
0x6: {  	s31 =	simm.s32 $0x6;
	[smem:$0x7FF] =	sst s3;
	s4 =	smul.u32 $0x500, s7  }
0x7: {  	s1 =	sand.u32 $0x1, s1;
	s7 =	smul.u32 $0xC800, s7;
	_ =	strace $0x8000004D  }
0x8: {  	s5 =	smul.u32 $0x19000, s1;
	s1 =	ssub.s32 $0x2, s1;
	s4 =	sadd.s32 s4, s0  }
0x9: {  	s6 =	sshrl.u32 s1, $0x1;
	s23 =	sadd.s32 $0x2800, s7;
	s9 =	sshrl.u32 s7, $0x3  }
0xa: {  	s10 =	sadd.s32 $0x5000, s7;
	s11 =	sadd.s32 $0x7800, s7;
	s12 =	sadd.s32 $0xA000, s7  }
0xb: {  	s8 =	sadd.s32 s7, s2;
	s0 =	sadd.s32 s5, s0;
	s1 =	ssub.s32 s1, s6  }
0xc: {  	s22 =	sadd.s32 $0xADE00, s4;
	s4 =	sadd.s32 $0xA8E00, s4;
	s24 =	sshrl.u32 s23, $0x3  }
0xd: {  	s15 =	sshrl.u32 s10, $0x3;
	s21 =	sshrl.u32 s11, $0x3;
	s25 =	sshrl.u32 s12, $0x3  }
0xe: {  	s26 =	sadd.s32 s10, s2;
	s11 =	sadd.s32 s11, s2;
	[dreg:$0x3] =	wrdreg s22  }
0xf: {  	s12 =	sadd.s32 s12, s2;
	s10 =	smov.u32 s9;
	[dreg:$0x4] =	wrdreg s4  }
0x10: {  	s6 =	sadd.s32 $0x1A00, s0;
	s4 =	sadd.s32 s23, s2;
	[dreg:$0x6] =	wrdreg s26  }
0x11: {  	s0 =	sadd.s32 $0x33A00, s0;
	s13 =	smax.u32 s1, $0x1;
	s22 =	simm.s32 $0xC800  }
0x12: {  	s23 =	simm.s32 $0x1;
	s26 =	simm.s32 $0x5;
	s1 =	simm.s32 $0x8  }
0x13: {  	[dreg:$0x5] =	wrdreg s4;
	s17 =	sadd.s32 s24, s6;
	s19 =	sadd.s32 s15, s6  }
0x14: {  	s21 =	sadd.s32 s21, s6;
	s24 =	sadd.s32 s25, s6;
	s25 =	sadd.s32 s9, s0  }
0x15: {  	s0 =	simm.s32 $0x7;
	s15 =	simm.s32 $0x80;
	s4 =	simm.s32 $0x0  }
.LBB2_1:
0x16: {  	s5 =	rddreg [dreg:$0x3]  }
0x17: {  	[tilespmem:s3], [sflag:$0x9] =	stream.linear.gather [hbm4b:s5+s3], $0x2800, $0x38;
	[tilespmem:$0x1B800] =	vst v63  }
0x18: {  	_ =	swait.ge [sflag:s14], $0x2800  }
0x19: {  	[sflag:s14] =	ssyncset.done $0x0  }
0x1a: {  	s7 =	simm.s32 $0x2800;
	s9 =	rddreg [dreg:$0x4];
	[sflag:s14] =	ssyncadd.s32 $0xFFFFD800  }
0x1b: {  	[tilespmem:s7], [sflag:$0x9] =	stream.linear.gather [hbm4b:s9+s3], $0x2800, $0x38;
	[tilespmem:$0x1B800] =	vst v63  }
0x1c: {  	_ =	swait.ge [sflag:s14], $0x2800  }
0x1d: {  	[sflag:s14] =	ssyncset.done $0x0  }
0x1e: {  	s7 =	sadd.s32 s10, s6;
	[sflag:s14] =	ssyncadd.s32 $0xFFFFD800  }
0x1f: {  	[tilespmem:s16], [sflag:$0x1] =	stream.linear.gather [hbm4b:s7+s3], $0x2800, $0x38;
	[tilespmem:$0x1B800] =	vst v63  }
0x20: {  	_ = 	snop  }
0x21: {  	[tilespmem:s18], [sflag:$0x2] =	stream.linear.gather [hbm4b:s17+s3], $0x2800, $0x38;
	[tilespmem:$0x1B800] =	vst v63  }
0x22: {  	_ = 	snop  }
0x23: {  	[tilespmem:s20], [sflag:$0x3] =	stream.linear.gather [hbm4b:s19+s3], $0x2800, $0x38;
	[tilespmem:$0x1B800] =	vst v63  }
0x24: {  	_ = 	snop  }
0x25: {  	[tilespmem:s22], [sflag:$0x4] =	stream.linear.gather [hbm4b:s21+s3], $0x2800, $0x38;
	[tilespmem:$0x1B800] =	vst v63  }
0x26: {  	_ =	swait.ge [sflag:s23], $0x2800  }
0x27: {  	[sflag:s23] =	ssyncset.done $0x0  }
0x28: {  	[sflag:s23] =	ssyncadd.s32 $0xFFFFD800  }
0x29: {  	[spmem:s8] =	stream.linear.scatter [tilespmem:s16], [sflag:$0x5], $0x2800, $0x38;
	[tilespmem:$0x1B800] =	vst v63  }
0x2a: {  	_ =	swait.ge [sflag:s26], $0x2800  }
0x2b: {  	[sflag:s26] =	ssyncset.done $0x0  }
0x2c: {  	[sflag:s26] =	ssyncadd.s32 $0xFFFFD800  }
0x2d: {  	[tilespmem:s16], [sflag:$0x1] =	stream.linear.gather [hbm4b:s24+s3], $0x2800, $0x38;
	[tilespmem:$0x1B800] =	vst v63  }
0x2e: {  	_ =	swait.ge [sflag:s28], $0x2800  }
0x2f: {  	[sflag:s28] =	ssyncset.done $0x0  }
0x30: {  	s9 =	rddreg [dreg:$0x5];
	[sflag:s28] =	ssyncadd.s32 $0xFFFFD800  }
0x31: {  	[spmem:s9] =	stream.linear.scatter [tilespmem:s18], [sflag:$0x6], $0x2800, $0x38;
	[tilespmem:$0x1B800] =	vst v63  }
0x32: {  	_ =	swait.ge [sflag:s29], $0x2800  }
0x33: {  	[sflag:s29] =	ssyncset.done $0x0  }
0x34: {  	s7 =	rddreg [dreg:$0x6];
	[sflag:s29] =	ssyncadd.s32 $0xFFFFD800  }
0x35: {  	[spmem:s7] =	stream.linear.scatter [tilespmem:s20], [sflag:$0x7], $0x2800, $0x38;
	[tilespmem:$0x1B800] =	vst v63  }
0x36: {  	_ =	swait.ge [sflag:s30], $0x2800  }
0x37: {  	[sflag:s30] =	ssyncset.done $0x0  }
0x38: {  	[sflag:s30] =	ssyncadd.s32 $0xFFFFD800  }
0x39: {  	[spmem:s11] =	stream.linear.scatter [tilespmem:s22], [sflag:$0x8], $0x2800, $0x38;
	[tilespmem:$0x1B800] =	vst v63  }
0x3a: {  	_ =	swait.ge [sflag:s23], $0x2800  }
0x3b: {  	[sflag:s23] =	ssyncset.done $0x0  }
0x3c: {  	[sflag:s23] =	ssyncadd.s32 $0xFFFFD800  }
0x3d: {  	[spmem:s12] =	stream.linear.scatter [tilespmem:s16], [sflag:$0x5], $0x2800, $0x38;
	[tilespmem:$0x1B800] =	vst v63  }
0x3e: {  	_ =	swait.ge [sflag:s31], $0x2800  }
0x3f: {  	[sflag:s31] =	ssyncset.done $0x0  }
0x40: {  	[sflag:s31] =	ssyncadd.s32 $0xFFFFD800  }
0x41: {  	_ =	swait.ge [sflag:s0], $0x2800  }
0x42: {  	[sflag:s0] =	ssyncset.done $0x0  }
0x43: {  	[sflag:s0] =	ssyncadd.s32 $0xFFFFD800  }
0x44: {  	_ =	swait.ge [sflag:s1], $0x2800  }
0x45: {  	[sflag:s1] =	ssyncset.done $0x0  }
0x46: {  	[sflag:s1] =	ssyncadd.s32 $0xFFFFD800  }
0x47: {  	_ =	swait.ge [sflag:s26], $0x2800  }
0x48: {  	[sflag:s26] =	ssyncset.done $0x0  }
0x49: {  	[sflag:s26] =	ssyncadd.s32 $0xFFFFD800  }
0x4a: {  	[bflag:$0x0] =	sbarrier.arrive $0xFFFF  }
0x4b: {  	[tilespmem:s16], [sflag:$0x1] =	stream.indirect.gather [hbm4b:s6+s15], $0x50, s3, s15, $0xb8;
	[tilespmem:$0x1B800] =	vst v63  }
0x4c: {  	_ = 	snop  }
0x4d: {  	[tilespmem:s18], [sflag:$0x2] =	stream.indirect.gather [hbm4b:s6+s15], $0x50, s15, s15, $0xb8;
	[tilespmem:$0x1B800] =	vst v63  }
0x4e: {  	s9 =	simm.s32 $0x100  }
0x4f: {  	[tilespmem:s20], [sflag:$0x3] =	stream.indirect.gather [hbm4b:s6+s15], $0x50, s9, s15, $0xb8;
	[tilespmem:$0x1B800] =	vst v63  }
0x50: {  	s7 =	simm.s32 $0x180  }
0x51: {  	[tilespmem:s22], [sflag:$0x4] =	stream.indirect.gather [hbm4b:s6+s15], $0x50, s7, s15, $0xb8;
	[tilespmem:$0x1B800] =	vst v63  }
0x52: {  	_ =	swait.ge [sflag:s23], $0x2800  }
0x53: {  	[sflag:s23] =	ssyncset.done $0x0  }
0x54: {  	s9 =	simm.s32 $0x2800;
	[sflag:s23] =	ssyncadd.s32 $0xFFFFD800  }
0x55: {  	[spmem:s2] =	stream.indirect.scatter.add.f32 [tilespmem:s16], [sflag:$0x5], $0x50, s9, s15, $0xb8;
	[tilespmem:$0x1B800] =	vst v63  }
0x56: {  	_ =	swait.ge [sflag:s28], $0x2800  }
0x57: {  	[sflag:s28] =	ssyncset.done $0x0  }
0x58: {  	s7 =	simm.s32 $0x2880;
	[sflag:s28] =	ssyncadd.s32 $0xFFFFD800  }
0x59: {  	[spmem:s2] =	stream.indirect.scatter.add.f32 [tilespmem:s18], [sflag:$0x6], $0x50, s7, s15, $0xb8;
	[tilespmem:$0x1B800] =	vst v63  }
0x5a: {  	_ =	swait.ge [sflag:s29], $0x2800  }
0x5b: {  	[sflag:s29] =	ssyncset.done $0x0  }
0x5c: {  	s9 =	simm.s32 $0x2900;
	[sflag:s29] =	ssyncadd.s32 $0xFFFFD800  }
0x5d: {  	[spmem:s2] =	stream.indirect.scatter.add.f32 [tilespmem:s20], [sflag:$0x7], $0x50, s9, s15, $0xb8;
	[tilespmem:$0x1B800] =	vst v63  }
0x5e: {  	_ =	swait.ge [sflag:s30], $0x2800  }
0x5f: {  	[sflag:s30] =	ssyncset.done $0x0  }
0x60: {  	s7 =	simm.s32 $0x2980;
	[sflag:s30] =	ssyncadd.s32 $0xFFFFD800  }
0x61: {  	[spmem:s2] =	stream.indirect.scatter.add.f32 [tilespmem:s22], [sflag:$0x8], $0x50, s7, s15, $0xb8;
	[tilespmem:$0x1B800] =	vst v63  }
0x62: {  	_ =	swait.ge [sflag:s26], $0x2800  }
0x63: {  	[sflag:s26] =	ssyncset.done $0x0  }
0x64: {  	s9 =	simm.s32 $0x200;
	[sflag:s26] =	ssyncadd.s32 $0xFFFFD800  }
0x65: {  	[tilespmem:s16], [sflag:$0x1] =	stream.indirect.gather [hbm4b:s6+s15], $0x50, s9, s15, $0xb8;
	[tilespmem:$0x1B800] =	vst v63  }
0x66: {  	_ =	swait.ge [sflag:s31], $0x2800  }
0x67: {  	[sflag:s31] =	ssyncset.done $0x0  }
0x68: {  	s7 =	simm.s32 $0x280;
	[sflag:s31] =	ssyncadd.s32 $0xFFFFD800  }
0x69: {  	[tilespmem:s18], [sflag:$0x2] =	stream.indirect.gather [hbm4b:s6+s15], $0x50, s7, s15, $0xb8;
	[tilespmem:$0x1B800] =	vst v63  }
0x6a: {  	_ =	swait.ge [sflag:s0], $0x2800  }
0x6b: {  	[sflag:s0] =	ssyncset.done $0x0  }
0x6c: {  	s9 =	simm.s32 $0x300;
	[sflag:s0] =	ssyncadd.s32 $0xFFFFD800  }
0x6d: {  	[tilespmem:s20], [sflag:$0x3] =	stream.indirect.gather [hbm4b:s6+s15], $0x50, s9, s15, $0xb8;
	[tilespmem:$0x1B800] =	vst v63  }
0x6e: {  	_ =	swait.ge [sflag:s1], $0x2800  }
0x6f: {  	[sflag:s1] =	ssyncset.done $0x0  }
0x70: {  	s5 =	simm.s32 $0x800;
	s7 =	simm.s32 $0x380;
	[sflag:s1] =	ssyncadd.s32 $0xFFFFD800  }
.LBB2_2:
0x71: {  	[tilespmem:s22], [sflag:$0x4] =	stream.indirect.gather [hbm4b:s6+s15], $0x50, s7, s15, $0xb8;
	[tilespmem:$0x1B800] =	vst v63  }
0x72: {  	s7 =	smov.u32 s5  }
0x73: {  	p0 =	sne.s32 s5, $0x9000;
	s5 =	sadd.s32 $0x800, s5;
	_ =	swait.ge [sflag:s23], $0x2800  }
0x74: {  	s7 =	sshra.s32 s7, $0x2;
	[sflag:s23] =	ssyncset.done $0x0  }
0x75: {  	s9 =	sadd.s32 $0x2800, s7;
	[sflag:s23] =	ssyncadd.s32 $0xFFFFD800  }
0x76: {  	[spmem:s2] =	stream.indirect.scatter.add.f32 [tilespmem:s16], [sflag:$0x5], $0x50, s9, s15, $0xb8;
	[tilespmem:$0x1B800] =	vst v63  }
0x77: {  	_ =	swait.ge [sflag:s28], $0x2800  }
0x78: {  	[sflag:s28] =	ssyncset.done $0x0  }
0x79: {  	s9 =	sadd.s32 $0x2880, s7;
	[sflag:s28] =	ssyncadd.s32 $0xFFFFD800  }
0x7a: {  	[spmem:s2] =	stream.indirect.scatter.add.f32 [tilespmem:s18], [sflag:$0x6], $0x50, s9, s15, $0xb8;
	[tilespmem:$0x1B800] =	vst v63  }
0x7b: {  	_ =	swait.ge [sflag:s29], $0x2800  }
0x7c: {  	[sflag:s29] =	ssyncset.done $0x0  }
0x7d: {  	s9 =	sadd.s32 $0x2900, s7;
	[sflag:s29] =	ssyncadd.s32 $0xFFFFD800  }
0x7e: {  	[spmem:s2] =	stream.indirect.scatter.add.f32 [tilespmem:s20], [sflag:$0x7], $0x50, s9, s15, $0xb8;
	[tilespmem:$0x1B800] =	vst v63  }
0x7f: {  	_ =	swait.ge [sflag:s30], $0x2800  }
0x80: {  	[sflag:s30] =	ssyncset.done $0x0  }
0x81: {  	s9 =	sadd.s32 $0x2980, s7;
	[sflag:s30] =	ssyncadd.s32 $0xFFFFD800  }
0x82: {  	[spmem:s2] =	stream.indirect.scatter.add.f32 [tilespmem:s22], [sflag:$0x8], $0x50, s9, s15, $0xb8;
	[tilespmem:$0x1B800] =	vst v63  }
0x83: {  	_ =	swait.ge [sflag:s26], $0x2800  }
0x84: {  	[sflag:s26] =	ssyncset.done $0x0  }
0x85: {  	s9 =	sadd.s32 $0x200, s7;
	[sflag:s26] =	ssyncadd.s32 $0xFFFFD800  }
0x86: {  	[tilespmem:s16], [sflag:$0x1] =	stream.indirect.gather [hbm4b:s6+s15], $0x50, s9, s15, $0xb8;
	[tilespmem:$0x1B800] =	vst v63  }
0x87: {  	_ =	swait.ge [sflag:s31], $0x2800  }
0x88: {  	[sflag:s31] =	ssyncset.done $0x0  }
0x89: {  	s9 =	sadd.s32 $0x280, s7;
	[sflag:s31] =	ssyncadd.s32 $0xFFFFD800  }
0x8a: {  	[tilespmem:s18], [sflag:$0x2] =	stream.indirect.gather [hbm4b:s6+s15], $0x50, s9, s15, $0xb8;
	[tilespmem:$0x1B800] =	vst v63  }
0x8b: {  	_ =	swait.ge [sflag:s0], $0x2800  }
0x8c: {  	[sflag:s0] =	ssyncset.done $0x0  }
.Ltmp0:
0x8d: {  	s9 =	sadd.s32 $0x300, s7;
	[sflag:s0] =	ssyncadd.s32 $0xFFFFD800;
	(pc) =	sbr.rel @p0 .LBB2_2-.Ltmp0, $4  }
0x8e: {  	[tilespmem:s20], [sflag:$0x3] =	stream.indirect.gather [hbm4b:s6+s15], $0x50, s9, s15, $0xb8;
	[tilespmem:$0x1B800] =	vst v63  }
0x8f: {  	_ =	swait.ge [sflag:s1], $0x2800  }
0x90: {  	[sflag:s1] =	ssyncset.done $0x0  }
0x91: {  	s7 =	sadd.s32 $0x380, s7;
	[sflag:s1] =	ssyncadd.s32 $0xFFFFD800  }
0x92: {  	[tilespmem:s22], [sflag:$0x4] =	stream.indirect.gather [hbm4b:s6+s15], $0x50, s7, s15, $0xb8;
	[tilespmem:$0x1B800] =	vst v63  }
0x93: {  	_ =	swait.ge [sflag:s23], $0x2800  }
0x94: {  	[sflag:s23] =	ssyncset.done $0x0  }
0x95: {  	s5 =	simm.s32 $0x4E00;
	[sflag:s23] =	ssyncadd.s32 $0xFFFFD800  }
0x96: {  	[spmem:s2] =	stream.indirect.scatter.add.f32 [tilespmem:s16], [sflag:$0x5], $0x50, s5, s15, $0xb8;
	[tilespmem:$0x1B800] =	vst v63  }
0x97: {  	_ =	swait.ge [sflag:s28], $0x2800  }
0x98: {  	[sflag:s28] =	ssyncset.done $0x0  }
0x99: {  	s9 =	simm.s32 $0x4E80;
	[sflag:s28] =	ssyncadd.s32 $0xFFFFD800  }
0x9a: {  	[spmem:s2] =	stream.indirect.scatter.add.f32 [tilespmem:s18], [sflag:$0x6], $0x50, s9, s15, $0xb8;
	[tilespmem:$0x1B800] =	vst v63  }
0x9b: {  	_ =	swait.ge [sflag:s29], $0x2800  }
0x9c: {  	[sflag:s29] =	ssyncset.done $0x0  }
0x9d: {  	s7 =	simm.s32 $0x4F00;
	[sflag:s29] =	ssyncadd.s32 $0xFFFFD800  }
0x9e: {  	[spmem:s2] =	stream.indirect.scatter.add.f32 [tilespmem:s20], [sflag:$0x7], $0x50, s7, s15, $0xb8;
	[tilespmem:$0x1B800] =	vst v63  }
0x9f: {  	_ =	swait.ge [sflag:s30], $0x2800  }
0xa0: {  	[sflag:s30] =	ssyncset.done $0x0  }
0xa1: {  	s9 =	simm.s32 $0x4F80;
	[sflag:s30] =	ssyncadd.s32 $0xFFFFD800  }
0xa2: {  	[spmem:s2] =	stream.indirect.scatter.add.f32 [tilespmem:s22], [sflag:$0x8], $0x50, s9, s15, $0xb8;
	[tilespmem:$0x1B800] =	vst v63  }
0xa3: {  	_ =	swait.ge [sflag:s26], $0x2800  }
0xa4: {  	[sflag:s26] =	ssyncset.done $0x0  }
0xa5: {  	[sflag:s26] =	ssyncadd.s32 $0xFFFFD800  }
0xa6: {  	_ =	swait.ge [sflag:s31], $0x2800  }
0xa7: {  	[sflag:s31] =	ssyncset.done $0x0  }
0xa8: {  	[sflag:s31] =	ssyncadd.s32 $0xFFFFD800  }
0xa9: {  	_ =	swait.ge [sflag:s0], $0x2800  }
0xaa: {  	[sflag:s0] =	ssyncset.done $0x0  }
0xab: {  	[sflag:s0] =	ssyncadd.s32 $0xFFFFD800  }
0xac: {  	s7 =	stileid.u32;
	_ =	swait.ge [sflag:s1], $0x2800  }
0xad: {  	s4 =	sadd.s32 $0x1, s4;
	s5 =	sshll.u32 s7, $0x6;
	[sflag:s1] =	ssyncset.done $0x0  }
0xae: {  	p0 =	sne.s32 s4, s13;
	s5 =	sor.u32 $0x1C09, s5;
	[sflag:s1] =	ssyncadd.s32 $0xFFFFD800  }
.Ltmp1:
0xaf: {  	s9 =	sshrl.u32 s8, $0x3;
	[bflag:$0x0] =	sbarrier.arrive $0xFFFF;
	(pc) =	sbr.rel @p0 .LBB2_1-.Ltmp1, $4  }
0xb0: {  	[hbm:s25], [sflag:s5] =	dma.local [spmem:s9], $0x1900  }
0xb1: {  	_ =	swait.ge [sflag:s14], $0x1900  }
0xb2: {  	[sflag:s14] =	ssyncset.done $0x0  }
0xb3: {  	[sflag:s14] =	ssyncadd.s32 $0xFFFFE700  }
0xb4: {  	_ =	sfence.sel $0x180000  }
0xb5: {  	[bflag:$0x0] =	sbarrier.arrive $0xFFFF  }
0xb6: {  	_ =	strace $0x9000004D  }
0xb7: {  	s0 =	stileid.u32;
	[bflag:$0x2] =	sbarrier.arrive $0xFFFF  }
0xb8: {  	p0 =	sne.s32 s0, $0x0;
	s0 =	rddreg [dreg:$0x2]  }
0xb9: {  	s0 =	sadd.s32 @!p0 $0x100000, s0  }
0xba: {  	[sflag:s0] =	ssyncadd.tile.s32 @!p0 $0x1;
	_ =	shalt  }
.Lfunc_end2:
_tile_overlayer_lowered:
.L_overlay_start_2:
0xbb: {  	(tag) =	ssettag $0x2  }
0xbc: {  	s0 =	rddreg [dreg:$0x0];
	s2 =	stileid.u32  }
0xbd: {  	s1 =	rddreg [dreg:$0x1];
	p0 =	sne.s32 s2, $0x0  }
0xbe: {  	s3 =	rddreg [dreg:$0x2];
	[bflag:$0x3] =	sbarrier.arrive $0xFFFF;
	s2 =	simm.s32 @!p0 $0x1C09  }
0xbf: {  	[timem:s3], [sflag:s2] =	dma.local @!p0 [hbm:s0], s1  }
0xc0: {  	s0 =	simm.s32 @!p0 $0x9  }
0xc1: {  	_ =	swait.ge @!p0 [sflag:s0], s1  }
0xc2: {  	s1 =	ssub.s32 @!p0 $0x0, s1;
	[sflag:s0] =	ssyncset.done @!p0 $0x0  }
0xc3: {  	[sflag:s0] =	ssyncadd.s32 @!p0 s1  }
0xc4: {  	[bflag:$0x3] =	sbarrier.arrive $0xFFFF  }
0xc5: {  	_ =	shalt  }

</sc_bundles>
